<compile_context>
chip_gen: v7x
topology: tpu7x:2x2x1
jax: 0.10.2.dev20260603
libtpu: 0.0.44.dev20260713+nightly
codegen_flags: <defaults>
</compile_context>

<pallas_src>
import jax
import jax.numpy as jnp
from jax import lax
from jax.experimental import pallas as pl
from jax.experimental.pallas import tpu as pltpu
from jax.experimental.pallas import tpu_sc as plsc

NBINS = 256
H = 512
W = 512
C = 3
NPIX = H * W
NTOT = H * W * C
NC = 2
NS = 16
NW = NC * NS
LANES = 16
HSL = NPIX // NS
MSL = NPIX // NW
NHIST = 2 * C * NBINS
TCOLS = C * NBINS
SENTINEL = -3.0e38
G511 = 0.99609375
VB = NBINS // LANES
MU = 4


def _fwd(s):
    t = s.transpose(2, 0, 1).reshape(C, 64, 8, 4, 128)
    return t.transpose(0, 1, 3, 2, 4).reshape(-1)


def _bwd(f):
    t = f.reshape(C, 64, 4, 8, 128).transpose(0, 1, 3, 2, 4)
    return t.reshape(C, H, W).transpose(1, 2, 0)


def _lane_iota():
    return lax.broadcasted_iota(jnp.int32, (LANES,), 0)


def _bin_index(v):
    vc = jnp.minimum(jnp.maximum(v, -1.0), 1.0)
    t = (vc + 1.0) * 128.0
    return jnp.minimum(t.astype(jnp.int32), NBINS - 1)


def _cdf_into(hbuf, off, cdfb, csbuf):
    lane = _lane_iota()
    zeros16 = lane * 0

    def cbody(k, carry):
        v = hbuf[pl.ds(off + k * LANES, LANES)]
        s = plsc.cumsum(v) + carry
        cdfb[pl.ds(k * LANES, LANES)] = s
        return zeros16 + jnp.max(s)

    lax.fori_loop(0, VB, cbody, zeros16)
    cdfmin = jnp.min(cdfb[pl.ds(0, LANES)])

    def sbody(k, _):
        d = cdfb[pl.ds(k * LANES, LANES)] - cdfmin
        csbuf[pl.ds(k * LANES, LANES)] = (
            d.astype(jnp.float32) * 2.0 / float(NPIX - 1) - 1.0)
        return _

    lax.fori_loop(0, VB, sbody, None)


def _mid_first(tab, mbuf, moff, fbuf):
    lane = _lane_iota()
    zeros16 = lane * 0

    def body(k, fcarry):
        jvec = lane + k * LANES
        cur = plsc.load_gather(tab, [jvec])
        prev = plsc.load_gather(tab, [jnp.maximum(jvec - 1, 0)])
        m = (prev + cur) * 0.5
        m = jnp.where(jvec == 0, SENTINEL, m)
        mbuf[pl.ds(moff + k * LANES, LANES)] = m
        cand = jnp.where(cur != prev, jvec, 0)
        f = jnp.maximum(plsc.cummax(cand), fcarry)
        fbuf[pl.ds(k * LANES, LANES)] = f
        return zeros16 + jnp.max(f)

    lax.fori_loop(0, VB, body, zeros16)


def _search(mbuf, base, x):
    r = base
    for step in (128, 64, 32, 16, 8, 4, 2, 1):
        probe = r + step
        mv = plsc.load_gather(mbuf, [probe])
        r = jnp.where(mv < x, probe, r)
    return r


def _hist_body(src_hbm, tgt_hbm, out_hbm, xbuf, priv, red, sh0, sh1):
    sid = lax.axis_index("s")
    cid = lax.axis_index("c")
    wid = sid * NC + cid

    lane = _lane_iota()
    zeros16 = lane * 0
    ones16 = zeros16 + 1

    hsems = (sh0, sh1)
    imgs = (src_hbm, tgt_hbm)

    def hslice(i):
        return imgs[i // C].at[pl.ds((i % C) * NPIX + wid * MSL, MSL)]

    handles = [None] * 6
    handles[0] = pltpu.make_async_copy(
        hslice(0), xbuf.at[pl.ds(0, MSL)], hsems[0])
    handles[0].start()

    def zero_body(i, _):
        priv[pl.ds(i * LANES, LANES)] = zeros16
        return _

    lax.fori_loop(0, (LANES * NHIST) // LANES, zero_body, None)

    HU = 4
    for i in range(6):
        half = (i % 2) * MSL
        if i < 5:
            nhalf = ((i + 1) % 2) * MSL
            handles[i + 1] = pltpu.make_async_copy(
                hslice(i + 1), xbuf.at[pl.ds(nhalf, MSL)],
                hsems[(i + 1) % 2])
            handles[i + 1].start()
        handles[i].wait()
        off = lane * NHIST + i * NBINS

        def hbody(g, _, off=off, half=half):
            for u in range(HU):
                v = xbuf[pl.ds(half + (g * HU + u) * LANES, LANES)]
                idx = _bin_index(v) + off
                plsc.addupdate_scatter(priv, [idx], ones16)
            return _

        lax.fori_loop(0, MSL // (HU * LANES), hbody, None)

    def rbody(k, _):
        acc = priv[pl.ds(k * LANES, LANES)]
        for l in range(1, LANES):
            acc = acc + priv[pl.ds(l * NHIST + k * LANES, LANES)]
        red[pl.ds(k * LANES, LANES)] = acc
        return _

    lax.fori_loop(0, NHIST // LANES, rbody, None)
    pltpu.sync_copy(red, out_hbm.at[pl.ds(wid * NHIST, NHIST)])


def _map_body(src_hbm, hparts_hbm, out_hbm, xbuf, priv, tbuf,
              cdfb, csbuf, ctbuf, mtbuf, pmbuf, fbuf,
              sp, si0, si1, si2, so0, so1, so2):
    sid = lax.axis_index("s")
    cid = lax.axis_index("c")
    wid = sid * NC + cid

    lane = _lane_iota()
    zeros16 = lane * 0

    msems_in = (si0, si1, si2)
    min_handles = []
    for c in range(C):
        hdl = pltpu.make_async_copy(
            src_hbm.at[pl.ds(c * NPIX + wid * MSL, MSL)],
            xbuf.at[pl.ds(c * MSL, MSL)], msems_in[c])
        hdl.start()
        min_handles.append(hdl)

    ph = pltpu.make_async_copy(hparts_hbm, priv, sp)
    ph.start()
    ph.wait()

    def r2body(k, _):
        acc = priv[pl.ds(k * LANES, LANES)]
        for t in range(1, NW):
            acc = acc + priv[pl.ds(t * NHIST + k * LANES, LANES)]
        priv[pl.ds(k * LANES, LANES)] = acc
        return _

    lax.fori_loop(0, NHIST // LANES, r2body, None)

    inv256 = 1.0 / 256.0
    for c in range(C):
        _cdf_into(priv, c * NBINS, cdfb, csbuf)
        _cdf_into(priv, C * NBINS + c * NBINS, cdfb, ctbuf)

        _mid_first(ctbuf, mtbuf, 0, fbuf)

        def ibody(q, _):
            xs = csbuf[pl.ds(q * LANES, LANES)]
            ct255 = plsc.load_gather(ctbuf, [lane * 0 + (NBINS - 1)])
            r = _search(mtbuf, lane * 0, xs)
            ind1 = plsc.load_gather(fbuf, [r])
            ind0 = ind1 - 1
            neg = ind0 < 0
            i0_256 = jnp.where(neg, ind0 + NBINS, ind0)
            dx0 = plsc.load_gather(ctbuf, [i0_256])
            dx1 = plsc.load_gather(ctbuf, [ind1])
            dy0 = jnp.where(neg, ind0 + 2 * NBINS,
                            ind0).astype(jnp.float32) * inv256 - 1.0
            dy1 = ind1.astype(jnp.float32) * inv256 - 1.0
            interp = dy0 + (dy1 - dy0) * (xs - dx0) / (dx1 - dx0)
            pm = jnp.where(xs <= -1.0, -1.0,
                           jnp.where(xs >= ct255, G511, interp))
            pmbuf[pl.ds(q * LANES, LANES)] = pm
            return _

        lax.fori_loop(0, VB, ibody, None)

        _mid_first(csbuf, tbuf, c * NBINS, fbuf)

        def abody(k, _):
            rvec = lane + k * LANES
            i1 = plsc.load_gather(fbuf, [rvec])
            i0 = i1 - 1
            i0w = jnp.where(i0 < 0, i0 + NBINS, i0)
            dx0 = plsc.load_gather(csbuf, [i0w])
            dx1 = plsc.load_gather(csbuf, [i1])
            dy0 = plsc.load_gather(pmbuf, [i0w])
            dy1 = plsc.load_gather(pmbuf, [i1])
            b = (dy1 - dy0) / (dx1 - dx0)
            a = dy0 - b * dx0
            tbuf[pl.ds(TCOLS + c * NBINS + k * LANES, LANES)] = a
            tbuf[pl.ds(2 * TCOLS + c * NBINS + k * LANES, LANES)] = b
            return _

        lax.fori_loop(0, VB, abody, None)

        def clbody(k, _):
            cs255 = plsc.load_gather(csbuf, [lane * 0 + (NBINS - 1)])
            pm255 = plsc.load_gather(pmbuf, [lane * 0 + (NBINS - 1)])
            tbuf[pl.ds(3 * TCOLS + c * NBINS + k * LANES, LANES)] = cs255
            tbuf[pl.ds(4 * TCOLS + c * NBINS + k * LANES, LANES)] = pm255
            return _

        lax.fori_loop(0, VB, clbody, None)

    msems_out = (so0, so1, so2)
    mout_handles = []
    for c in range(C):
        cb = c * NBINS
        min_handles[c].wait()

        def mbody(g, _, c=c, cb=cb):
            s0 = c * MSL + g * (MU * LANES)
            xs = [xbuf[pl.ds(s0 + u * LANES, LANES)] for u in range(MU)]
            rs = [zeros16 + cb for _u in range(MU)]
            for step in (128, 64, 32, 16, 8, 4, 2, 1):
                for u in range(MU):
                    probe = rs[u] + step
                    mv = plsc.load_gather(tbuf, [probe])
                    rs[u] = jnp.where(mv < xs[u], probe, rs[u])
            ys = []
            for u in range(MU):
                a = plsc.load_gather(tbuf, [rs[u] + TCOLS])
                b = plsc.load_gather(tbuf, [rs[u] + 2 * TCOLS])
                thi = plsc.load_gather(tbuf, [rs[u] + 3 * TCOLS])
                vhi = plsc.load_gather(tbuf, [rs[u] + 4 * TCOLS])
                y = a + b * xs[u]
                y = jnp.where(xs[u] >= thi, vhi, y)
                ys.append(jnp.where(xs[u] <= -1.0, -1.0, y))
            for u in range(MU):
                xbuf[pl.ds(s0 + u * LANES, LANES)] = ys[u]
            return _

        lax.fori_loop(0, MSL // (MU * LANES), mbody, None)
        hdl = pltpu.make_async_copy(
            xbuf.at[pl.ds(c * MSL, MSL)],
            out_hbm.at[pl.ds(c * NPIX + wid * MSL, MSL)], msems_out[c])
        hdl.start()
        mout_handles.append(hdl)

    for hdl in mout_handles:
        hdl.wait()


def _mesh():
    return plsc.VectorSubcoreMesh(
        core_axis_name="c", subcore_axis_name="s", num_cores=NC,
        num_subcores=NS)


def _sc_hist(src_f, tgt_f):
    return pl.kernel(
        _hist_body,
        out_type=jax.ShapeDtypeStruct((NW * NHIST,), jnp.int32),
        mesh=_mesh(),
        compiler_params=pltpu.CompilerParams(needs_layout_passes=False),
        scratch_types=[
            pltpu.VMEM((2 * MSL,), jnp.float32),
            pltpu.VMEM((LANES * NHIST,), jnp.int32),
            pltpu.VMEM((NHIST,), jnp.int32),
            pltpu.SemaphoreType.DMA,
            pltpu.SemaphoreType.DMA,
        ],
    )(src_f, tgt_f)


def _sc_map(src_f, hparts):
    return pl.kernel(
        _map_body,
        out_type=jax.ShapeDtypeStruct((NTOT,), jnp.float32),
        mesh=_mesh(),
        compiler_params=pltpu.CompilerParams(needs_layout_passes=False),
        scratch_types=[
            pltpu.VMEM((C * MSL,), jnp.float32),
            pltpu.VMEM((NW * NHIST,), jnp.int32),
            pltpu.VMEM((5 * TCOLS,), jnp.float32),
            pltpu.VMEM((NBINS,), jnp.int32),
            pltpu.VMEM((NBINS,), jnp.float32),
            pltpu.VMEM((NBINS,), jnp.float32),
            pltpu.VMEM((NBINS,), jnp.float32),
            pltpu.VMEM((NBINS,), jnp.float32),
            pltpu.VMEM((NBINS,), jnp.int32),
            pltpu.SemaphoreType.DMA,
            pltpu.SemaphoreType.DMA,
            pltpu.SemaphoreType.DMA,
            pltpu.SemaphoreType.DMA,
            pltpu.SemaphoreType.DMA,
            pltpu.SemaphoreType.DMA,
            pltpu.SemaphoreType.DMA,
        ],
    )(src_f, hparts)


def kernel(src, tgt):
    src_f = _fwd(src)
    hparts = _sc_hist(src_f, _fwd(tgt))
    return _bwd(_sc_map(src_f, hparts))

# --- scband reference (transcript-rebuilt; emitter-appended) ---
"""Pipeline reference for scband-histogram-matcher-22703197126822 (READ-ONLY COPY).

The authoritative reference and input builder live on the scoring server;
editing this copy changes nothing except your own understanding.
"""

import jax, jax.numpy as jnp
import numpy as np

NBINS = 256


def _hist_fixed_width(values, vmin=-1.0, vmax=1.0, nbins=NBINS):
    # replicates tf.histogram_fixed_width: out-of-range values clamp to edge bins
    v = jnp.clip(values, vmin, vmax)
    idx = jnp.floor((v - vmin) / (vmax - vmin) * nbins).astype(jnp.int32)
    idx = jnp.clip(idx, 0, nbins - 1)
    return jnp.bincount(idx.reshape(-1), length=nbins)


def _equalize_histogram(image):
    # image: [h, w] single channel
    hist = _hist_fixed_width(image)
    cdf = jnp.cumsum(hist)
    cdf_min = jnp.min(cdf)
    pix_cnt = image.shape[0] * image.shape[1]
    cdfimg = (cdf - cdf_min).astype(jnp.float32) * 2.0 / jnp.float32(pix_cnt - 1) - 1.0
    return cdfimg


def _interpolate_vec(dx, dy, xs):
    # vectorized version of HistogramMatcher.interpolate over xs
    # dx: [256] (monotone cdf), dy: [>=256], xs: [N]
    delVals = dx[None, :] - xs[:, None]           # [N, 256]
    ind_1 = jnp.argmin(jnp.abs(delVals), axis=1)  # [N]
    ind_0 = ind_1 - 1
    dx0 = jnp.take(dx, ind_0, mode='wrap')
    dx1 = jnp.take(dx, ind_1, mode='wrap')
    dy0 = jnp.take(dy, ind_0, mode='wrap')
    dy1 = jnp.take(dy, ind_1, mode='wrap')
    interp = dy0 + (dy1 - dy0) * (xs - dx0) / (dx1 - dx0)
    return jnp.where(xs <= dx[0], dy[0], jnp.where(xs >= dx[-1], dy[-1], interp))


def setup_inputs(seed: int = 0) -> dict:
    key = jax.random.key(seed)
    k1, k2 = jax.random.split(key)
    src = jax.random.normal(k1, (512, 512, 3), dtype=jnp.float32)
    tgt = jax.random.normal(k2, (512, 512, 3), dtype=jnp.float32)
    return {"src": src, "tgt": tgt}


def reference(src, tgt):
    h, w, _ = src.shape
    grid = jnp.arange(-1.0, 1.0, 1.0 / 256.0, dtype=jnp.float32)  # length 512
    res = []
    for i in range(3):
        source = src[:, :, i]
        target = tgt[:, :, i]
        cdfsrc = _equalize_histogram(source)
        cdftgt = _equalize_histogram(target)
        # map each cdfsrc level through inverse target cdf
        pxmap = _interpolate_vec(cdftgt, grid, cdfsrc)          # [256]
        # map each source pixel through (cdfsrc -> pxmap)
        pxmap2 = _interpolate_vec(cdfsrc, pxmap, source.reshape(h * w))  # [h*w]
        res.append(pxmap2.reshape(h, w))
    return jnp.stack(res, axis=2)

if __name__ == "__main__":
    import jax
    _d = setup_inputs()
    print(jax.jit(kernel)(*tuple(_d.values())))

</pallas_src>

<mosaic_0001>
#map = affine_map<(d0, d1) -> (0)>
module attributes {stable_mosaic.version = 14 : i64} {
  func.func @_map_body(%arg0: i32, %arg1: i32, %arg2: memref<786432xf32, #tpu.memory_space<hbm>>, %arg3: memref<49152xi32, #tpu.memory_space<hbm>>, %arg4: memref<786432xf32, #tpu.memory_space<hbm>>, %arg5: memref<24576xf32, #tpu.memory_space<vmem>>, %arg6: memref<49152xi32, #tpu.memory_space<vmem>>, %arg7: memref<3840xf32, #tpu.memory_space<vmem>>, %arg8: memref<256xi32, #tpu.memory_space<vmem>>, %arg9: memref<256xf32, #tpu.memory_space<vmem>>, %arg10: memref<256xf32, #tpu.memory_space<vmem>>, %arg11: memref<256xf32, #tpu.memory_space<vmem>>, %arg12: memref<256xf32, #tpu.memory_space<vmem>>, %arg13: memref<256xi32, #tpu.memory_space<vmem>>, %arg14: memref<!tpu.dma_semaphore, #tpu.memory_space<semaphore_mem>>, %arg15: memref<!tpu.dma_semaphore, #tpu.memory_space<semaphore_mem>>, %arg16: memref<!tpu.dma_semaphore, #tpu.memory_space<semaphore_mem>>, %arg17: memref<!tpu.dma_semaphore, #tpu.memory_space<semaphore_mem>>, %arg18: memref<!tpu.dma_semaphore, #tpu.memory_space<semaphore_mem>>, %arg19: memref<!tpu.dma_semaphore, #tpu.memory_space<semaphore_mem>>, %arg20: memref<!tpu.dma_semaphore, #tpu.memory_space<semaphore_mem>>) attributes {dimension_semantics = [#tpu.dimension_semantics<core_parallel>, #tpu.dimension_semantics<subcore_parallel>], iteration_bounds = array<i64: 2, 16>, scalar_prefetch = 0 : i64, scratch_operands = 16 : i64, tpu.core_type = #tpu.core_type<sc_vector_subcore>, window_params = [{transform_indices = #map}, {transform_indices = #map}, {transform_indices = #map}]} {
    %mul3A = arith.constant 2 : i32
    %mul3A_0 = arith.muli %arg1, %mul3A : i32
    %add3A = arith.addi %mul3A_0, %arg0 : i32
    %iota3A = tpu.iota {dimensions = array<i32: 0>} : vector<16xi32>
    %mul3A_1 = arith.constant 0 : i32
    %mul3A_2 = vector.broadcast %mul3A_1 : i32 to vector<16xi32>
    %mul3A_3 = arith.muli %iota3A, %mul3A_2 : vector<16xi32>
    %mul3A_4 = arith.constant 8192 : i32
    %mul3A_5 = arith.muli %add3A, %mul3A_4 : i32
    %add3A_6 = arith.constant 0 : i32
    %add3A_7 = arith.addi %add3A_6, %mul3A_5 : i32
    %dma_start3A = arith.constant 0 : i32
    %dma_start3A_8 = tpu.memref_slice %arg5[%dma_start3A] : memref<24576xf32, #tpu.memory_space<vmem>> -> memref<8192xf32, #tpu.memory_space<vmem>>
    %dma_start3A_9 = tpu.memref_slice %arg2[%add3A_7] : memref<786432xf32, #tpu.memory_space<hbm>> -> memref<8192xf32, #tpu.memory_space<hbm>>
    %dma_start3A_10 = arith.constant 0 : i32
    %dma_start3A_11 = tpu.memref_slice %arg5[%dma_start3A_10] : memref<24576xf32, #tpu.memory_space<vmem>> -> memref<8192xf32, #tpu.memory_space<vmem>>
    %dma_start3A_12 = tpu.memref_slice %arg2[%add3A_7] : memref<786432xf32, #tpu.memory_space<hbm>> -> memref<8192xf32, #tpu.memory_space<hbm>>
    tpu.enqueue_dma source(%dma_start3A_12 : memref<8192xf32, #tpu.memory_space<hbm>>) target(%dma_start3A_11 : memref<8192xf32, #tpu.memory_space<vmem>>) target_semaphore(%arg15 : memref<!tpu.dma_semaphore, #tpu.memory_space<semaphore_mem>>)
    %mul3A_13 = arith.constant 8192 : i32
    %mul3A_14 = arith.muli %add3A, %mul3A_13 : i32
    %add3A_15 = arith.constant 262144 : i32
    %add3A_16 = arith.addi %add3A_15, %mul3A_14 : i32
    %dma_start3A_17 = arith.constant 8192 : i32
    %dma_start3A_18 = tpu.memref_slice %arg5[%dma_start3A_17] : memref<24576xf32, #tpu.memory_space<vmem>> -> memref<8192xf32, #tpu.memory_space<vmem>>
    %dma_start3A_19 = tpu.memref_slice %arg2[%add3A_16] : memref<786432xf32, #tpu.memory_space<hbm>> -> memref<8192xf32, #tpu.memory_space<hbm>>
    %dma_start3A_20 = arith.constant 8192 : i32
    %dma_start3A_21 = tpu.memref_slice %arg5[%dma_start3A_20] : memref<24576xf32, #tpu.memory_space<vmem>> -> memref<8192xf32, #tpu.memory_space<vmem>>
    %dma_start3A_22 = tpu.memref_slice %arg2[%add3A_16] : memref<786432xf32, #tpu.memory_space<hbm>> -> memref<8192xf32, #tpu.memory_space<hbm>>
    tpu.enqueue_dma source(%dma_start3A_22 : memref<8192xf32, #tpu.memory_space<hbm>>) target(%dma_start3A_21 : memref<8192xf32, #tpu.memory_space<vmem>>) target_semaphore(%arg16 : memref<!tpu.dma_semaphore, #tpu.memory_space<semaphore_mem>>)
    %mul3A_23 = arith.constant 8192 : i32
    %mul3A_24 = arith.muli %add3A, %mul3A_23 : i32
    %add3A_25 = arith.constant 524288 : i32
    %add3A_26 = arith.addi %add3A_25, %mul3A_24 : i32
    %dma_start3A_27 = arith.constant 16384 : i32
    %dma_start3A_28 = tpu.memref_slice %arg5[%dma_start3A_27] : memref<24576xf32, #tpu.memory_space<vmem>> -> memref<8192xf32, #tpu.memory_space<vmem>>
    %dma_start3A_29 = tpu.memref_slice %arg2[%add3A_26] : memref<786432xf32, #tpu.memory_space<hbm>> -> memref<8192xf32, #tpu.memory_space<hbm>>
    %dma_start3A_30 = arith.constant 16384 : i32
    %dma_start3A_31 = tpu.memref_slice %arg5[%dma_start3A_30] : memref<24576xf32, #tpu.memory_space<vmem>> -> memref<8192xf32, #tpu.memory_space<vmem>>
    %dma_start3A_32 = tpu.memref_slice %arg2[%add3A_26] : memref<786432xf32, #tpu.memory_space<hbm>> -> memref<8192xf32, #tpu.memory_space<hbm>>
    tpu.enqueue_dma source(%dma_start3A_32 : memref<8192xf32, #tpu.memory_space<hbm>>) target(%dma_start3A_31 : memref<8192xf32, #tpu.memory_space<vmem>>) target_semaphore(%arg17 : memref<!tpu.dma_semaphore, #tpu.memory_space<semaphore_mem>>)
    tpu.enqueue_dma source(%arg3 : memref<49152xi32, #tpu.memory_space<hbm>>) target(%arg6 : memref<49152xi32, #tpu.memory_space<vmem>>) target_semaphore(%arg14 : memref<!tpu.dma_semaphore, #tpu.memory_space<semaphore_mem>>)
    tpu.wait_dma2 semaphore(%arg14 : memref<!tpu.dma_semaphore, #tpu.memory_space<semaphore_mem>>) src(%arg3 : memref<49152xi32, #tpu.memory_space<hbm>>) dst(%arg6 : memref<49152xi32, #tpu.memory_space<vmem>>)
    %scan3A = arith.constant 0 : i32
    %scan3A_33 = arith.constant 96 : i32
    %scan3A_34 = arith.addi %scan3A, %scan3A_33 : i32
    %scan3A_35 = arith.constant 1 : i32
    scf.for %scan3A_370 = %scan3A to %scan3A_34 step %scan3A_35  : i32 {
      %mul3A_371 = arith.constant 16 : i32
      %mul3A_372 = arith.muli %scan3A_370, %mul3A_371 : i32
      %get3A_373 = arith.index_cast %mul3A_372 : i32 to index
      %get3A_374 = tpu.vector_load %arg6[%get3A_373] {strides = array<i32>} : memref<49152xi32, #tpu.memory_space<vmem>>, vector<16xi32>,
      %mul3A_375 = arith.constant 16 : i32
      %mul3A_376 = arith.muli %scan3A_370, %mul3A_375 : i32
      %add3A_377 = arith.constant 1536 : i32
      %add3A_378 = arith.addi %add3A_377, %mul3A_376 : i32
      %get3A_379 = arith.index_cast %add3A_378 : i32 to index
      %get3A_380 = tpu.vector_load %arg6[%get3A_379] {strides = array<i32>} : memref<49152xi32, #tpu.memory_space<vmem>>, vector<16xi32>,
      %add3A_381 = arith.addi %get3A_374, %get3A_380 : vector<16xi32>
      %mul3A_382 = arith.constant 16 : i32
      %mul3A_383 = arith.muli %scan3A_370, %mul3A_382 : i32
      %add3A_384 = arith.constant 3072 : i32
      %add3A_385 = arith.addi %add3A_384, %mul3A_383 : i32
      %get3A_386 = arith.index_cast %add3A_385 : i32 to index
      %get3A_387 = tpu.vector_load %arg6[%get3A_386] {strides = array<i32>} : memref<49152xi32, #tpu.memory_space<vmem>>, vector<16xi32>,
      %add3A_388 = arith.addi %add3A_381, %get3A_387 : vector<16xi32>
      %mul3A_389 = arith.constant 16 : i32
      %mul3A_390 = arith.muli %scan3A_370, %mul3A_389 : i32
      %add3A_391 = arith.constant 4608 : i32
      %add3A_392 = arith.addi %add3A_391, %mul3A_390 : i32
      %get3A_393 = arith.index_cast %add3A_392 : i32 to index
      %get3A_394 = tpu.vector_load %arg6[%get3A_393] {strides = array<i32>} : memref<49152xi32, #tpu.memory_space<vmem>>, vector<16xi32>,
      %add3A_395 = arith.addi %add3A_388, %get3A_394 : vector<16xi32>
      %mul3A_396 = arith.constant 16 : i32
      %mul3A_397 = arith.muli %scan3A_370, %mul3A_396 : i32
      %add3A_398 = arith.constant 6144 : i32
      %add3A_399 = arith.addi %add3A_398, %mul3A_397 : i32
      %get3A_400 = arith.index_cast %add3A_399 : i32 to index
      %get3A_401 = tpu.vector_load %arg6[%get3A_400] {strides = array<i32>} : memref<49152xi32, #tpu.memory_space<vmem>>, vector<16xi32>,
      %add3A_402 = arith.addi %add3A_395, %get3A_401 : vector<16xi32>
      %mul3A_403 = arith.constant 16 : i32
      %mul3A_404 = arith.muli %scan3A_370, %mul3A_403 : i32
      %add3A_405 = arith.constant 7680 : i32
      %add3A_406 = arith.addi %add3A_405, %mul3A_404 : i32
      %get3A_407 = arith.index_cast %add3A_406 : i32 to index
      %get3A_408 = tpu.vector_load %arg6[%get3A_407] {strides = array<i32>} : memref<49152xi32, #tpu.memory_space<vmem>>, vector<16xi32>,
      %add3A_409 = arith.addi %add3A_402, %get3A_408 : vector<16xi32>
      %mul3A_410 = arith.constant 16 : i32
      %mul3A_411 = arith.muli %scan3A_370, %mul3A_410 : i32
      %add3A_412 = arith.constant 9216 : i32
      %add3A_413 = arith.addi %add3A_412, %mul3A_411 : i32
      %get3A_414 = arith.index_cast %add3A_413 : i32 to index
      %get3A_415 = tpu.vector_load %arg6[%get3A_414] {strides = array<i32>} : memref<49152xi32, #tpu.memory_space<vmem>>, vector<16xi32>,
      %add3A_416 = arith.addi %add3A_409, %get3A_415 : vector<16xi32>
      %mul3A_417 = arith.constant 16 : i32
      %mul3A_418 = arith.muli %scan3A_370, %mul3A_417 : i32
      %add3A_419 = arith.constant 10752 : i32
      %add3A_420 = arith.addi %add3A_419, %mul3A_418 : i32
      %get3A_421 = arith.index_cast %add3A_420 : i32 to index
      %get3A_422 = tpu.vector_load %arg6[%get3A_421] {strides = array<i32>} : memref<49152xi32, #tpu.memory_space<vmem>>, vector<16xi32>,
      %add3A_423 = arith.addi %add3A_416, %get3A_422 : vector<16xi32>
      %mul3A_424 = arith.constant 16 : i32
      %mul3A_425 = arith.muli %scan3A_370, %mul3A_424 : i32
      %add3A_426 = arith.constant 12288 : i32
      %add3A_427 = arith.addi %add3A_426, %mul3A_425 : i32
      %get3A_428 = arith.index_cast %add3A_427 : i32 to index
      %get3A_429 = tpu.vector_load %arg6[%get3A_428] {strides = array<i32>} : memref<49152xi32, #tpu.memory_space<vmem>>, vector<16xi32>,
      %add3A_430 = arith.addi %add3A_423, %get3A_429 : vector<16xi32>
      %mul3A_431 = arith.constant 16 : i32
      %mul3A_432 = arith.muli %scan3A_370, %mul3A_431 : i32
      %add3A_433 = arith.constant 13824 : i32
      %add3A_434 = arith.addi %add3A_433, %mul3A_432 : i32
      %get3A_435 = arith.index_cast %add3A_434 : i32 to index
      %get3A_436 = tpu.vector_load %arg6[%get3A_435] {strides = array<i32>} : memref<49152xi32, #tpu.memory_space<vmem>>, vector<16xi32>,
      %add3A_437 = arith.addi %add3A_430, %get3A_436 : vector<16xi32>
      %mul3A_438 = arith.constant 16 : i32
      %mul3A_439 = arith.muli %scan3A_370, %mul3A_438 : i32
      %add3A_440 = arith.constant 15360 : i32
      %add3A_441 = arith.addi %add3A_440, %mul3A_439 : i32
      %get3A_442 = arith.index_cast %add3A_441 : i32 to index
      %get3A_443 = tpu.vector_load %arg6[%get3A_442] {strides = array<i32>} : memref<49152xi32, #tpu.memory_space<vmem>>, vector<16xi32>,
      %add3A_444 = arith.addi %add3A_437, %get3A_443 : vector<16xi32>
      %mul3A_445 = arith.constant 16 : i32
      %mul3A_446 = arith.muli %scan3A_370, %mul3A_445 : i32
      %add3A_447 = arith.constant 16896 : i32
      %add3A_448 = arith.addi %add3A_447, %mul3A_446 : i32
      %get3A_449 = arith.index_cast %add3A_448 : i32 to index
      %get3A_450 = tpu.vector_load %arg6[%get3A_449] {strides = array<i32>} : memref<49152xi32, #tpu.memory_space<vmem>>, vector<16xi32>,
      %add3A_451 = arith.addi %add3A_444, %get3A_450 : vector<16xi32>
      %mul3A_452 = arith.constant 16 : i32
      %mul3A_453 = arith.muli %scan3A_370, %mul3A_452 : i32
      %add3A_454 = arith.constant 18432 : i32
      %add3A_455 = arith.addi %add3A_454, %mul3A_453 : i32
      %get3A_456 = arith.index_cast %add3A_455 : i32 to index
      %get3A_457 = tpu.vector_load %arg6[%get3A_456] {strides = array<i32>} : memref<49152xi32, #tpu.memory_space<vmem>>, vector<16xi32>,
      %add3A_458 = arith.addi %add3A_451, %get3A_457 : vector<16xi32>
      %mul3A_459 = arith.constant 16 : i32
      %mul3A_460 = arith.muli %scan3A_370, %mul3A_459 : i32
      %add3A_461 = arith.constant 19968 : i32
      %add3A_462 = arith.addi %add3A_461, %mul3A_460 : i32
      %get3A_463 = arith.index_cast %add3A_462 : i32 to index
      %get3A_464 = tpu.vector_load %arg6[%get3A_463] {strides = array<i32>} : memref<49152xi32, #tpu.memory_space<vmem>>, vector<16xi32>,
      %add3A_465 = arith.addi %add3A_458, %get3A_464 : vector<16xi32>
      %mul3A_466 = arith.constant 16 : i32
      %mul3A_467 = arith.muli %scan3A_370, %mul3A_466 : i32
      %add3A_468 = arith.constant 21504 : i32
      %add3A_469 = arith.addi %add3A_468, %mul3A_467 : i32
      %get3A_470 = arith.index_cast %add3A_469 : i32 to index
      %get3A_471 = tpu.vector_load %arg6[%get3A_470] {strides = array<i32>} : memref<49152xi32, #tpu.memory_space<vmem>>, vector<16xi32>,
      %add3A_472 = arith.addi %add3A_465, %get3A_471 : vector<16xi32>
      %mul3A_473 = arith.constant 16 : i32
      %mul3A_474 = arith.muli %scan3A_370, %mul3A_473 : i32
      %add3A_475 = arith.constant 23040 : i32
      %add3A_476 = arith.addi %add3A_475, %mul3A_474 : i32
      %get3A_477 = arith.index_cast %add3A_476 : i32 to index
      %get3A_478 = tpu.vector_load %arg6[%get3A_477] {strides = array<i32>} : memref<49152xi32, #tpu.memory_space<vmem>>, vector<16xi32>,
      %add3A_479 = arith.addi %add3A_472, %get3A_478 : vector<16xi32>
      %mul3A_480 = arith.constant 16 : i32
      %mul3A_481 = arith.muli %scan3A_370, %mul3A_480 : i32
      %add3A_482 = arith.constant 24576 : i32
      %add3A_483 = arith.addi %add3A_482, %mul3A_481 : i32
      %get3A_484 = arith.index_cast %add3A_483 : i32 to index
      %get3A_485 = tpu.vector_load %arg6[%get3A_484] {strides = array<i32>} : memref<49152xi32, #tpu.memory_space<vmem>>, vector<16xi32>,
      %add3A_486 = arith.addi %add3A_479, %get3A_485 : vector<16xi32>
      %mul3A_487 = arith.constant 16 : i32
      %mul3A_488 = arith.muli %scan3A_370, %mul3A_487 : i32
      %add3A_489 = arith.constant 26112 : i32
      %add3A_490 = arith.addi %add3A_489, %mul3A_488 : i32
      %get3A_491 = arith.index_cast %add3A_490 : i32 to index
      %get3A_492 = tpu.vector_load %arg6[%get3A_491] {strides = array<i32>} : memref<49152xi32, #tpu.memory_space<vmem>>, vector<16xi32>,
      %add3A_493 = arith.addi %add3A_486, %get3A_492 : vector<16xi32>
      %mul3A_494 = arith.constant 16 : i32
      %mul3A_495 = arith.muli %scan3A_370, %mul3A_494 : i32
      %add3A_496 = arith.constant 27648 : i32
      %add3A_497 = arith.addi %add3A_496, %mul3A_495 : i32
      %get3A_498 = arith.index_cast %add3A_497 : i32 to index
      %get3A_499 = tpu.vector_load %arg6[%get3A_498] {strides = array<i32>} : memref<49152xi32, #tpu.memory_space<vmem>>, vector<16xi32>,
      %add3A_500 = arith.addi %add3A_493, %get3A_499 : vector<16xi32>
      %mul3A_501 = arith.constant 16 : i32
      %mul3A_502 = arith.muli %scan3A_370, %mul3A_501 : i32
      %add3A_503 = arith.constant 29184 : i32
      %add3A_504 = arith.addi %add3A_503, %mul3A_502 : i32
      %get3A_505 = arith.index_cast %add3A_504 : i32 to index
      %get3A_506 = tpu.vector_load %arg6[%get3A_505] {strides = array<i32>} : memref<49152xi32, #tpu.memory_space<vmem>>, vector<16xi32>,
      %add3A_507 = arith.addi %add3A_500, %get3A_506 : vector<16xi32>
      %mul3A_508 = arith.constant 16 : i32
      %mul3A_509 = arith.muli %scan3A_370, %mul3A_508 : i32
      %add3A_510 = arith.constant 30720 : i32
      %add3A_511 = arith.addi %add3A_510, %mul3A_509 : i32
      %get3A_512 = arith.index_cast %add3A_511 : i32 to index
      %get3A_513 = tpu.vector_load %arg6[%get3A_512] {strides = array<i32>} : memref<49152xi32, #tpu.memory_space<vmem>>, vector<16xi32>,
      %add3A_514 = arith.addi %add3A_507, %get3A_513 : vector<16xi32>
      %mul3A_515 = arith.constant 16 : i32
      %mul3A_516 = arith.muli %scan3A_370, %mul3A_515 : i32
      %add3A_517 = arith.constant 32256 : i32
      %add3A_518 = arith.addi %add3A_517, %mul3A_516 : i32
      %get3A_519 = arith.index_cast %add3A_518 : i32 to index
      %get3A_520 = tpu.vector_load %arg6[%get3A_519] {strides = array<i32>} : memref<49152xi32, #tpu.memory_space<vmem>>, vector<16xi32>,
      %add3A_521 = arith.addi %add3A_514, %get3A_520 : vector<16xi32>
      %mul3A_522 = arith.constant 16 : i32
      %mul3A_523 = arith.muli %scan3A_370, %mul3A_522 : i32
      %add3A_524 = arith.constant 33792 : i32
      %add3A_525 = arith.addi %add3A_524, %mul3A_523 : i32
      %get3A_526 = arith.index_cast %add3A_525 : i32 to index
      %get3A_527 = tpu.vector_load %arg6[%get3A_526] {strides = array<i32>} : memref<49152xi32, #tpu.memory_space<vmem>>, vector<16xi32>,
      %add3A_528 = arith.addi %add3A_521, %get3A_527 : vector<16xi32>
      %mul3A_529 = arith.constant 16 : i32
      %mul3A_530 = arith.muli %scan3A_370, %mul3A_529 : i32
      %add3A_531 = arith.constant 35328 : i32
      %add3A_532 = arith.addi %add3A_531, %mul3A_530 : i32
      %get3A_533 = arith.index_cast %add3A_532 : i32 to index
      %get3A_534 = tpu.vector_load %arg6[%get3A_533] {strides = array<i32>} : memref<49152xi32, #tpu.memory_space<vmem>>, vector<16xi32>,
      %add3A_535 = arith.addi %add3A_528, %get3A_534 : vector<16xi32>
      %mul3A_536 = arith.constant 16 : i32
      %mul3A_537 = arith.muli %scan3A_370, %mul3A_536 : i32
      %add3A_538 = arith.constant 36864 : i32
      %add3A_539 = arith.addi %add3A_538, %mul3A_537 : i32
      %get3A_540 = arith.index_cast %add3A_539 : i32 to index
      %get3A_541 = tpu.vector_load %arg6[%get3A_540] {strides = array<i32>} : memref<49152xi32, #tpu.memory_space<vmem>>, vector<16xi32>,
      %add3A_542 = arith.addi %add3A_535, %get3A_541 : vector<16xi32>
      %mul3A_543 = arith.constant 16 : i32
      %mul3A_544 = arith.muli %scan3A_370, %mul3A_543 : i32
      %add3A_545 = arith.constant 38400 : i32
      %add3A_546 = arith.addi %add3A_545, %mul3A_544 : i32
      %get3A_547 = arith.index_cast %add3A_546 : i32 to index
      %get3A_548 = tpu.vector_load %arg6[%get3A_547] {strides = array<i32>} : memref<49152xi32, #tpu.memory_space<vmem>>, vector<16xi32>,
      %add3A_549 = arith.addi %add3A_542, %get3A_548 : vector<16xi32>
      %mul3A_550 = arith.constant 16 : i32
      %mul3A_551 = arith.muli %scan3A_370, %mul3A_550 : i32
      %add3A_552 = arith.constant 39936 : i32
      %add3A_553 = arith.addi %add3A_552, %mul3A_551 : i32
      %get3A_554 = arith.index_cast %add3A_553 : i32 to index
      %get3A_555 = tpu.vector_load %arg6[%get3A_554] {strides = array<i32>} : memref<49152xi32, #tpu.memory_space<vmem>>, vector<16xi32>,
      %add3A_556 = arith.addi %add3A_549, %get3A_555 : vector<16xi32>
      %mul3A_557 = arith.constant 16 : i32
      %mul3A_558 = arith.muli %scan3A_370, %mul3A_557 : i32
      %add3A_559 = arith.constant 41472 : i32
      %add3A_560 = arith.addi %add3A_559, %mul3A_558 : i32
      %get3A_561 = arith.index_cast %add3A_560 : i32 to index
      %get3A_562 = tpu.vector_load %arg6[%get3A_561] {strides = array<i32>} : memref<49152xi32, #tpu.memory_space<vmem>>, vector<16xi32>,
      %add3A_563 = arith.addi %add3A_556, %get3A_562 : vector<16xi32>
      %mul3A_564 = arith.constant 16 : i32
      %mul3A_565 = arith.muli %scan3A_370, %mul3A_564 : i32
      %add3A_566 = arith.constant 43008 : i32
      %add3A_567 = arith.addi %add3A_566, %mul3A_565 : i32
      %get3A_568 = arith.index_cast %add3A_567 : i32 to index
      %get3A_569 = tpu.vector_load %arg6[%get3A_568] {strides = array<i32>} : memref<49152xi32, #tpu.memory_space<vmem>>, vector<16xi32>,
      %add3A_570 = arith.addi %add3A_563, %get3A_569 : vector<16xi32>
      %mul3A_571 = arith.constant 16 : i32
      %mul3A_572 = arith.muli %scan3A_370, %mul3A_571 : i32
      %add3A_573 = arith.constant 44544 : i32
      %add3A_574 = arith.addi %add3A_573, %mul3A_572 : i32
      %get3A_575 = arith.index_cast %add3A_574 : i32 to index
      %get3A_576 = tpu.vector_load %arg6[%get3A_575] {strides = array<i32>} : memref<49152xi32, #tpu.memory_space<vmem>>, vector<16xi32>,
      %add3A_577 = arith.addi %add3A_570, %get3A_576 : vector<16xi32>
      %mul3A_578 = arith.constant 16 : i32
      %mul3A_579 = arith.muli %scan3A_370, %mul3A_578 : i32
      %add3A_580 = arith.constant 46080 : i32
      %add3A_581 = arith.addi %add3A_580, %mul3A_579 : i32
      %get3A_582 = arith.index_cast %add3A_581 : i32 to index
      %get3A_583 = tpu.vector_load %arg6[%get3A_582] {strides = array<i32>} : memref<49152xi32, #tpu.memory_space<vmem>>, vector<16xi32>,
      %add3A_584 = arith.addi %add3A_577, %get3A_583 : vector<16xi32>
      %mul3A_585 = arith.constant 16 : i32
      %mul3A_586 = arith.muli %scan3A_370, %mul3A_585 : i32
      %add3A_587 = arith.constant 47616 : i32
      %add3A_588 = arith.addi %add3A_587, %mul3A_586 : i32
      %get3A_589 = arith.index_cast %add3A_588 : i32 to index
      %get3A_590 = tpu.vector_load %arg6[%get3A_589] {strides = array<i32>} : memref<49152xi32, #tpu.memory_space<vmem>>, vector<16xi32>,
      %add3A_591 = arith.addi %add3A_584, %get3A_590 : vector<16xi32>
      %mul3A_592 = arith.constant 16 : i32
      %mul3A_593 = arith.muli %scan3A_370, %mul3A_592 : i32
      %swap3A = arith.index_cast %mul3A_593 : i32 to index
      %swap3A_594 = tpu.vector_load %arg6[%swap3A] {strides = array<i32>} : memref<49152xi32, #tpu.memory_space<vmem>>, vector<16xi32>,
      tpu.vector_store %arg6[%swap3A], %add3A_591 {strides = array<i32>} : memref<49152xi32, #tpu.memory_space<vmem>>, vector<16xi32>,
    }
    %scan3A_36 = arith.constant 96 : i32
    %iota3A_37 = tpu.iota {dimensions = array<i32: 0>} : vector<16xi32>
    %mul3A_38 = arith.constant 0 : i32
    %mul3A_39 = vector.broadcast %mul3A_38 : i32 to vector<16xi32>
    %mul3A_40 = arith.muli %iota3A_37, %mul3A_39 : vector<16xi32>
    %scan3A_41 = arith.constant 0 : i32
    %scan3A_42 = arith.constant 16 : i32
    %scan3A_43 = arith.addi %scan3A_41, %scan3A_42 : i32
    %scan3A_44 = arith.constant 1 : i32
    %scan3A_45 = scf.for %scan3A_370 = %scan3A_41 to %scan3A_43 step %scan3A_44 iter_args(%scan3A_371 = %mul3A_40) -> (vector<16xi32>)  : i32 {
      %mul3A_372 = arith.constant 16 : i32
      %mul3A_373 = arith.muli %scan3A_370, %mul3A_372 : i32
      %add3A_374 = arith.constant 0 : i32
      %add3A_375 = arith.addi %add3A_374, %mul3A_373 : i32
      %get3A_376 = arith.index_cast %add3A_375 : i32 to index
      %get3A_377 = tpu.vector_load %arg6[%get3A_376] {strides = array<i32>} : memref<49152xi32, #tpu.memory_space<vmem>>, vector<16xi32>,
      %broadcast_in_dim3A = arith.constant true
      %broadcast_in_dim3A_378 = vector.broadcast %broadcast_in_dim3A : i1 to vector<16xi1>
      %masked_cumsum3A = tpu.scan <sum>, %get3A_377 masked %broadcast_in_dim3A_378 : vector<16xi32>, vector<16xi1> -> vector<16xi32>
      %add3A_379 = arith.addi %masked_cumsum3A, %scan3A_371 : vector<16xi32>
      %mul3A_380 = arith.constant 16 : i32
      %mul3A_381 = arith.muli %scan3A_370, %mul3A_380 : i32
      %swap3A = arith.index_cast %mul3A_381 : i32 to index
      %swap3A_382 = tpu.vector_load %arg8[%swap3A] {strides = array<i32>} : memref<256xi32, #tpu.memory_space<vmem>>, vector<16xi32>,
      tpu.vector_store %arg8[%swap3A], %add3A_379 {strides = array<i32>} : memref<256xi32, #tpu.memory_space<vmem>>, vector<16xi32>,
      %reduce_max3A = arith.constant true
      %reduce_max3A_383 = vector.broadcast %reduce_max3A : i1 to vector<16xi1>
      %reduce_max3A_384 = arith.constant -2147483648 : i32
      %reduce_max3A_385 = vector.broadcast %reduce_max3A_384 : i32 to vector<16xi32>
      %reduce_max3A_386 = arith.xori %add3A_379, %reduce_max3A_385 : vector<16xi32>
      %reduce_max3A_387 = tpu.scan <max>, %reduce_max3A_386 masked %reduce_max3A_383 : vector<16xi32>, vector<16xi1> -> vector<16xi32>
      %reduce_max3A_388 = arith.xori %reduce_max3A_387, %reduce_max3A_385 : vector<16xi32>
      %reduce_max3A_389 = vector.extract %reduce_max3A_388[15] : i32 from vector<16xi32>
      %add3A_390 = vector.broadcast %reduce_max3A_389 : i32 to vector<16xi32>
      %add3A_391 = arith.addi %mul3A_40, %add3A_390 : vector<16xi32>
      scf.yield %add3A_391 : vector<16xi32>
    }
    %scan3A_46 = arith.constant 16 : i32
    %get3A = arith.constant 0 : index
    %get3A_47 = tpu.vector_load %arg8[%get3A] {strides = array<i32>} : memref<256xi32, #tpu.memory_space<vmem>>, vector<16xi32>,
    %reduce_min3A = arith.constant true
    %reduce_min3A_48 = vector.broadcast %reduce_min3A : i1 to vector<16xi1>
    %reduce_min3A_49 = arith.constant -2147483648 : i32
    %reduce_min3A_50 = vector.broadcast %reduce_min3A_49 : i32 to vector<16xi32>
    %reduce_min3A_51 = arith.xori %get3A_47, %reduce_min3A_50 : vector<16xi32>
    %reduce_min3A_52 = tpu.scan <min>, %reduce_min3A_51 masked %reduce_min3A_48 : vector<16xi32>, vector<16xi1> -> vector<16xi32>
    %reduce_min3A_53 = arith.xori %reduce_min3A_52, %reduce_min3A_50 : vector<16xi32>
    %reduce_min3A_54 = vector.extract %reduce_min3A_53[15] : i32 from vector<16xi32>
    %scan3A_55 = arith.constant 0 : i32
    %scan3A_56 = arith.constant 16 : i32
    %scan3A_57 = arith.addi %scan3A_55, %scan3A_56 : i32
    %scan3A_58 = arith.constant 1 : i32
    scf.for %scan3A_370 = %scan3A_55 to %scan3A_57 step %scan3A_58  : i32 {
      %mul3A_371 = arith.constant 16 : i32
      %mul3A_372 = arith.muli %scan3A_370, %mul3A_371 : i32
      %get3A_373 = arith.index_cast %mul3A_372 : i32 to index
      %get3A_374 = tpu.vector_load %arg8[%get3A_373] {strides = array<i32>} : memref<256xi32, #tpu.memory_space<vmem>>, vector<16xi32>,
      %sub3A = vector.broadcast %reduce_min3A_54 : i32 to vector<16xi32>
      %sub3A_375 = arith.subi %get3A_374, %sub3A : vector<16xi32>
      %convert_element_type3A = arith.sitofp %sub3A_375 : vector<16xi32> to vector<16xf32>
      %mul3A_376 = arith.constant 2.000000e+00 : f32
      %mul3A_377 = vector.broadcast %mul3A_376 : f32 to vector<16xf32>
      %mul3A_378 = arith.mulf %convert_element_type3A, %mul3A_377 : vector<16xf32>
      %div3A = arith.constant 2.621430e+05 : f32
      %div3A_379 = vector.broadcast %div3A : f32 to vector<16xf32>
      %div3A_380 = arith.divf %mul3A_378, %div3A_379 : vector<16xf32>
      %sub3A_381 = arith.constant 1.000000e+00 : f32
      %sub3A_382 = vector.broadcast %sub3A_381 : f32 to vector<16xf32>
      %sub3A_383 = arith.subf %div3A_380, %sub3A_382 : vector<16xf32>
      %mul3A_384 = arith.constant 16 : i32
      %mul3A_385 = arith.muli %scan3A_370, %mul3A_384 : i32
      %swap3A = arith.index_cast %mul3A_385 : i32 to index
      %swap3A_386 = tpu.vector_load %arg9[%swap3A] {strides = array<i32>} : memref<256xf32, #tpu.memory_space<vmem>>, vector<16xf32>,
      tpu.vector_store %arg9[%swap3A], %sub3A_383 {strides = array<i32>} : memref<256xf32, #tpu.memory_space<vmem>>, vector<16xf32>,
    }
    %scan3A_59 = arith.constant 16 : i32
    %iota3A_60 = tpu.iota {dimensions = array<i32: 0>} : vector<16xi32>
    %mul3A_61 = arith.constant 0 : i32
    %mul3A_62 = vector.broadcast %mul3A_61 : i32 to vector<16xi32>
    %mul3A_63 = arith.muli %iota3A_60, %mul3A_62 : vector<16xi32>
    %scan3A_64 = arith.constant 0 : i32
    %scan3A_65 = arith.constant 16 : i32
    %scan3A_66 = arith.addi %scan3A_64, %scan3A_65 : i32
    %scan3A_67 = arith.constant 1 : i32
    %scan3A_68 = scf.for %scan3A_370 = %scan3A_64 to %scan3A_66 step %scan3A_67 iter_args(%scan3A_371 = %mul3A_63) -> (vector<16xi32>)  : i32 {
      %mul3A_372 = arith.constant 16 : i32
      %mul3A_373 = arith.muli %scan3A_370, %mul3A_372 : i32
      %add3A_374 = arith.constant 768 : i32
      %add3A_375 = arith.addi %add3A_374, %mul3A_373 : i32
      %get3A_376 = arith.index_cast %add3A_375 : i32 to index
      %get3A_377 = tpu.vector_load %arg6[%get3A_376] {strides = array<i32>} : memref<49152xi32, #tpu.memory_space<vmem>>, vector<16xi32>,
      %broadcast_in_dim3A = arith.constant true
      %broadcast_in_dim3A_378 = vector.broadcast %broadcast_in_dim3A : i1 to vector<16xi1>
      %masked_cumsum3A = tpu.scan <sum>, %get3A_377 masked %broadcast_in_dim3A_378 : vector<16xi32>, vector<16xi1> -> vector<16xi32>
      %add3A_379 = arith.addi %masked_cumsum3A, %scan3A_371 : vector<16xi32>
      %mul3A_380 = arith.constant 16 : i32
      %mul3A_381 = arith.muli %scan3A_370, %mul3A_380 : i32
      %swap3A = arith.index_cast %mul3A_381 : i32 to index
      %swap3A_382 = tpu.vector_load %arg8[%swap3A] {strides = array<i32>} : memref<256xi32, #tpu.memory_space<vmem>>, vector<16xi32>,
      tpu.vector_store %arg8[%swap3A], %add3A_379 {strides = array<i32>} : memref<256xi32, #tpu.memory_space<vmem>>, vector<16xi32>,
      %reduce_max3A = arith.constant true
      %reduce_max3A_383 = vector.broadcast %reduce_max3A : i1 to vector<16xi1>
      %reduce_max3A_384 = arith.constant -2147483648 : i32
      %reduce_max3A_385 = vector.broadcast %reduce_max3A_384 : i32 to vector<16xi32>
      %reduce_max3A_386 = arith.xori %add3A_379, %reduce_max3A_385 : vector<16xi32>
      %reduce_max3A_387 = tpu.scan <max>, %reduce_max3A_386 masked %reduce_max3A_383 : vector<16xi32>, vector<16xi1> -> vector<16xi32>
      %reduce_max3A_388 = arith.xori %reduce_max3A_387, %reduce_max3A_385 : vector<16xi32>
      %reduce_max3A_389 = vector.extract %reduce_max3A_388[15] : i32 from vector<16xi32>
      %add3A_390 = vector.broadcast %reduce_max3A_389 : i32 to vector<16xi32>
      %add3A_391 = arith.addi %mul3A_63, %add3A_390 : vector<16xi32>
      scf.yield %add3A_391 : vector<16xi32>
    }
    %scan3A_69 = arith.constant 16 : i32
    %get3A_70 = arith.constant 0 : index
    %get3A_71 = tpu.vector_load %arg8[%get3A_70] {strides = array<i32>} : memref<256xi32, #tpu.memory_space<vmem>>, vector<16xi32>,
    %reduce_min3A_72 = arith.constant true
    %reduce_min3A_73 = vector.broadcast %reduce_min3A_72 : i1 to vector<16xi1>
    %reduce_min3A_74 = arith.constant -2147483648 : i32
    %reduce_min3A_75 = vector.broadcast %reduce_min3A_74 : i32 to vector<16xi32>
    %reduce_min3A_76 = arith.xori %get3A_71, %reduce_min3A_75 : vector<16xi32>
    %reduce_min3A_77 = tpu.scan <min>, %reduce_min3A_76 masked %reduce_min3A_73 : vector<16xi32>, vector<16xi1> -> vector<16xi32>
    %reduce_min3A_78 = arith.xori %reduce_min3A_77, %reduce_min3A_75 : vector<16xi32>
    %reduce_min3A_79 = vector.extract %reduce_min3A_78[15] : i32 from vector<16xi32>
    %scan3A_80 = arith.constant 0 : i32
    %scan3A_81 = arith.constant 16 : i32
    %scan3A_82 = arith.addi %scan3A_80, %scan3A_81 : i32
    %scan3A_83 = arith.constant 1 : i32
    scf.for %scan3A_370 = %scan3A_80 to %scan3A_82 step %scan3A_83  : i32 {
      %mul3A_371 = arith.constant 16 : i32
      %mul3A_372 = arith.muli %scan3A_370, %mul3A_371 : i32
      %get3A_373 = arith.index_cast %mul3A_372 : i32 to index
      %get3A_374 = tpu.vector_load %arg8[%get3A_373] {strides = array<i32>} : memref<256xi32, #tpu.memory_space<vmem>>, vector<16xi32>,
      %sub3A = vector.broadcast %reduce_min3A_79 : i32 to vector<16xi32>
      %sub3A_375 = arith.subi %get3A_374, %sub3A : vector<16xi32>
      %convert_element_type3A = arith.sitofp %sub3A_375 : vector<16xi32> to vector<16xf32>
      %mul3A_376 = arith.constant 2.000000e+00 : f32
      %mul3A_377 = vector.broadcast %mul3A_376 : f32 to vector<16xf32>
      %mul3A_378 = arith.mulf %convert_element_type3A, %mul3A_377 : vector<16xf32>
      %div3A = arith.constant 2.621430e+05 : f32
      %div3A_379 = vector.broadcast %div3A : f32 to vector<16xf32>
      %div3A_380 = arith.divf %mul3A_378, %div3A_379 : vector<16xf32>
      %sub3A_381 = arith.constant 1.000000e+00 : f32
      %sub3A_382 = vector.broadcast %sub3A_381 : f32 to vector<16xf32>
      %sub3A_383 = arith.subf %div3A_380, %sub3A_382 : vector<16xf32>
      %mul3A_384 = arith.constant 16 : i32
      %mul3A_385 = arith.muli %scan3A_370, %mul3A_384 : i32
      %swap3A = arith.index_cast %mul3A_385 : i32 to index
      %swap3A_386 = tpu.vector_load %arg10[%swap3A] {strides = array<i32>} : memref<256xf32, #tpu.memory_space<vmem>>, vector<16xf32>,
      tpu.vector_store %arg10[%swap3A], %sub3A_383 {strides = array<i32>} : memref<256xf32, #tpu.memory_space<vmem>>, vector<16xf32>,
    }
    %scan3A_84 = arith.constant 16 : i32
    %iota3A_85 = tpu.iota {dimensions = array<i32: 0>} : vector<16xi32>
    %mul3A_86 = arith.constant 0 : i32
    %mul3A_87 = vector.broadcast %mul3A_86 : i32 to vector<16xi32>
    %mul3A_88 = arith.muli %iota3A_85, %mul3A_87 : vector<16xi32>
    %scan3A_89 = arith.constant 0 : i32
    %scan3A_90 = arith.constant 16 : i32
    %scan3A_91 = arith.addi %scan3A_89, %scan3A_90 : i32
    %scan3A_92 = arith.constant 1 : i32
    %scan3A_93 = scf.for %scan3A_370 = %scan3A_89 to %scan3A_91 step %scan3A_92 iter_args(%scan3A_371 = %mul3A_88) -> (vector<16xi32>)  : i32 {
      %mul3A_372 = arith.constant 16 : i32
      %mul3A_373 = arith.muli %scan3A_370, %mul3A_372 : i32
      %add3A_374 = vector.broadcast %mul3A_373 : i32 to vector<16xi32>
      %add3A_375 = arith.addi %iota3A_85, %add3A_374 : vector<16xi32>
      %gather3A = tpu.vector_load_idx %arg10[%add3A_375] : memref<256xf32, #tpu.memory_space<vmem>>[vector<16xi32>], vector<16xf32>,
      %sub3A = arith.constant 1 : i32
      %sub3A_376 = vector.broadcast %sub3A : i32 to vector<16xi32>
      %sub3A_377 = arith.subi %add3A_375, %sub3A_376 : vector<16xi32>
      %max3A = arith.constant 0 : i32
      %max3A_378 = vector.broadcast %max3A : i32 to vector<16xi32>
      %max3A_379 = arith.maxsi %sub3A_377, %max3A_378 : vector<16xi32>
      %gather3A_380 = tpu.vector_load_idx %arg10[%max3A_379] : memref<256xf32, #tpu.memory_space<vmem>>[vector<16xi32>], vector<16xf32>,
      %add3A_381 = arith.addf %gather3A_380, %gather3A : vector<16xf32>
      %mul3A_382 = arith.constant 5.000000e-01 : f32
      %mul3A_383 = vector.broadcast %mul3A_382 : f32 to vector<16xf32>
      %mul3A_384 = arith.mulf %add3A_381, %mul3A_383 : vector<16xf32>
      %eq3A = arith.constant 0 : i32
      %eq3A_385 = vector.broadcast %eq3A : i32 to vector<16xi32>
      %eq3A_386 = arith.cmpi eq, %add3A_375, %eq3A_385 : vector<16xi32>
      %jit3A = arith.constant -3.000000e+38 : f32
      %broadcast_in_dim3A = vector.broadcast %jit3A : f32 to vector<16xf32>
      %select_n3A = arith.select %eq3A_386, %broadcast_in_dim3A, %mul3A_384 : vector<16xi1>, vector<16xf32>
      %mul3A_387 = arith.constant 16 : i32
      %mul3A_388 = arith.muli %scan3A_370, %mul3A_387 : i32
      %add3A_389 = arith.constant 0 : i32
      %add3A_390 = arith.addi %add3A_389, %mul3A_388 : i32
      %swap3A = arith.index_cast %add3A_390 : i32 to index
      %swap3A_391 = tpu.vector_load %arg11[%swap3A] {strides = array<i32>} : memref<256xf32, #tpu.memory_space<vmem>>, vector<16xf32>,
      tpu.vector_store %arg11[%swap3A], %select_n3A {strides = array<i32>} : memref<256xf32, #tpu.memory_space<vmem>>, vector<16xf32>,
      %ne3A = arith.cmpf one, %gather3A, %gather3A_380 : vector<16xf32>
      %jit3A_392 = arith.constant 0 : i32
      %broadcast_in_dim3A_393 = vector.broadcast %jit3A_392 : i32 to vector<16xi32>
      %select_n3A_394 = arith.select %ne3A, %add3A_375, %broadcast_in_dim3A_393 : vector<16xi1>, vector<16xi32>
      %broadcast_in_dim3A_395 = arith.constant true
      %broadcast_in_dim3A_396 = vector.broadcast %broadcast_in_dim3A_395 : i1 to vector<16xi1>
      %masked_cummax3A = arith.constant -2147483648 : i32
      %masked_cummax3A_397 = vector.broadcast %masked_cummax3A : i32 to vector<16xi32>
      %masked_cummax3A_398 = arith.xori %select_n3A_394, %masked_cummax3A_397 : vector<16xi32>
      %masked_cummax3A_399 = tpu.scan <max>, %masked_cummax3A_398 masked %broadcast_in_dim3A_396 : vector<16xi32>, vector<16xi1> -> vector<16xi32>
      %masked_cummax3A_400 = arith.xori %masked_cummax3A_399, %masked_cummax3A_397 : vector<16xi32>
      %max3A_401 = arith.maxsi %masked_cummax3A_400, %scan3A_371 : vector<16xi32>
      %mul3A_402 = arith.constant 16 : i32
      %mul3A_403 = arith.muli %scan3A_370, %mul3A_402 : i32
      %swap3A_404 = arith.index_cast %mul3A_403 : i32 to index
      %swap3A_405 = tpu.vector_load %arg13[%swap3A_404] {strides = array<i32>} : memref<256xi32, #tpu.memory_space<vmem>>, vector<16xi32>,
      tpu.vector_store %arg13[%swap3A_404], %max3A_401 {strides = array<i32>} : memref<256xi32, #tpu.memory_space<vmem>>, vector<16xi32>,
      %reduce_max3A = arith.constant true
      %reduce_max3A_406 = vector.broadcast %reduce_max3A : i1 to vector<16xi1>
      %reduce_max3A_407 = arith.constant -2147483648 : i32
      %reduce_max3A_408 = vector.broadcast %reduce_max3A_407 : i32 to vector<16xi32>
      %reduce_max3A_409 = arith.xori %max3A_401, %reduce_max3A_408 : vector<16xi32>
      %reduce_max3A_410 = tpu.scan <max>, %reduce_max3A_409 masked %reduce_max3A_406 : vector<16xi32>, vector<16xi1> -> vector<16xi32>
      %reduce_max3A_411 = arith.xori %reduce_max3A_410, %reduce_max3A_408 : vector<16xi32>
      %reduce_max3A_412 = vector.extract %reduce_max3A_411[15] : i32 from vector<16xi32>
      %add3A_413 = vector.broadcast %reduce_max3A_412 : i32 to vector<16xi32>
      %add3A_414 = arith.addi %mul3A_88, %add3A_413 : vector<16xi32>
      scf.yield %add3A_414 : vector<16xi32>
    }
    %scan3A_94 = arith.constant 16 : i32
    %scan3A_95 = arith.constant 0 : i32
    %scan3A_96 = arith.constant 16 : i32
    %scan3A_97 = arith.addi %scan3A_95, %scan3A_96 : i32
    %scan3A_98 = arith.constant 1 : i32
    scf.for %scan3A_370 = %scan3A_95 to %scan3A_97 step %scan3A_98  : i32 {
      %mul3A_371 = arith.constant 16 : i32
      %mul3A_372 = arith.muli %scan3A_370, %mul3A_371 : i32
      %get3A_373 = arith.index_cast %mul3A_372 : i32 to index
      %get3A_374 = tpu.vector_load %arg9[%get3A_373] {strides = array<i32>} : memref<256xf32, #tpu.memory_space<vmem>>, vector<16xf32>,
      %mul3A_375 = arith.constant 0 : i32
      %mul3A_376 = vector.broadcast %mul3A_375 : i32 to vector<16xi32>
      %mul3A_377 = arith.muli %iota3A, %mul3A_376 : vector<16xi32>
      %add3A_378 = arith.constant 255 : i32
      %add3A_379 = vector.broadcast %add3A_378 : i32 to vector<16xi32>
      %add3A_380 = arith.addi %mul3A_377, %add3A_379 : vector<16xi32>
      %gather3A = tpu.vector_load_idx %arg10[%add3A_380] : memref<256xf32, #tpu.memory_space<vmem>>[vector<16xi32>], vector<16xf32>,
      %mul3A_381 = arith.constant 0 : i32
      %mul3A_382 = vector.broadcast %mul3A_381 : i32 to vector<16xi32>
      %mul3A_383 = arith.muli %iota3A, %mul3A_382 : vector<16xi32>
      %add3A_384 = arith.constant 128 : i32
      %add3A_385 = vector.broadcast %add3A_384 : i32 to vector<16xi32>
      %add3A_386 = arith.addi %mul3A_383, %add3A_385 : vector<16xi32>
      %gather3A_387 = tpu.vector_load_idx %arg11[%add3A_386] : memref<256xf32, #tpu.memory_space<vmem>>[vector<16xi32>], vector<16xf32>,
      %lt3A = arith.cmpf olt, %gather3A_387, %get3A_374 : vector<16xf32>
      %select_n3A = arith.select %lt3A, %add3A_386, %mul3A_383 : vector<16xi1>, vector<16xi32>
      %add3A_388 = arith.constant 64 : i32
      %add3A_389 = vector.broadcast %add3A_388 : i32 to vector<16xi32>
      %add3A_390 = arith.addi %select_n3A, %add3A_389 : vector<16xi32>
      %gather3A_391 = tpu.vector_load_idx %arg11[%add3A_390] : memref<256xf32, #tpu.memory_space<vmem>>[vector<16xi32>], vector<16xf32>,
      %lt3A_392 = arith.cmpf olt, %gather3A_391, %get3A_374 : vector<16xf32>
      %select_n3A_393 = arith.select %lt3A_392, %add3A_390, %select_n3A : vector<16xi1>, vector<16xi32>
      %add3A_394 = arith.constant 32 : i32
      %add3A_395 = vector.broadcast %add3A_394 : i32 to vector<16xi32>
      %add3A_396 = arith.addi %select_n3A_393, %add3A_395 : vector<16xi32>
      %gather3A_397 = tpu.vector_load_idx %arg11[%add3A_396] : memref<256xf32, #tpu.memory_space<vmem>>[vector<16xi32>], vector<16xf32>,
      %lt3A_398 = arith.cmpf olt, %gather3A_397, %get3A_374 : vector<16xf32>
      %select_n3A_399 = arith.select %lt3A_398, %add3A_396, %select_n3A_393 : vector<16xi1>, vector<16xi32>
      %add3A_400 = arith.constant 16 : i32
      %add3A_401 = vector.broadcast %add3A_400 : i32 to vector<16xi32>
      %add3A_402 = arith.addi %select_n3A_399, %add3A_401 : vector<16xi32>
      %gather3A_403 = tpu.vector_load_idx %arg11[%add3A_402] : memref<256xf32, #tpu.memory_space<vmem>>[vector<16xi32>], vector<16xf32>,
      %lt3A_404 = arith.cmpf olt, %gather3A_403, %get3A_374 : vector<16xf32>
      %select_n3A_405 = arith.select %lt3A_404, %add3A_402, %select_n3A_399 : vector<16xi1>, vector<16xi32>
      %add3A_406 = arith.constant 8 : i32
      %add3A_407 = vector.broadcast %add3A_406 : i32 to vector<16xi32>
      %add3A_408 = arith.addi %select_n3A_405, %add3A_407 : vector<16xi32>
      %gather3A_409 = tpu.vector_load_idx %arg11[%add3A_408] : memref<256xf32, #tpu.memory_space<vmem>>[vector<16xi32>], vector<16xf32>,
      %lt3A_410 = arith.cmpf olt, %gather3A_409, %get3A_374 : vector<16xf32>
      %select_n3A_411 = arith.select %lt3A_410, %add3A_408, %select_n3A_405 : vector<16xi1>, vector<16xi32>
      %add3A_412 = arith.constant 4 : i32
      %add3A_413 = vector.broadcast %add3A_412 : i32 to vector<16xi32>
      %add3A_414 = arith.addi %select_n3A_411, %add3A_413 : vector<16xi32>
      %gather3A_415 = tpu.vector_load_idx %arg11[%add3A_414] : memref<256xf32, #tpu.memory_space<vmem>>[vector<16xi32>], vector<16xf32>,
      %lt3A_416 = arith.cmpf olt, %gather3A_415, %get3A_374 : vector<16xf32>
      %select_n3A_417 = arith.select %lt3A_416, %add3A_414, %select_n3A_411 : vector<16xi1>, vector<16xi32>
      %add3A_418 = arith.constant 2 : i32
      %add3A_419 = vector.broadcast %add3A_418 : i32 to vector<16xi32>
      %add3A_420 = arith.addi %select_n3A_417, %add3A_419 : vector<16xi32>
      %gather3A_421 = tpu.vector_load_idx %arg11[%add3A_420] : memref<256xf32, #tpu.memory_space<vmem>>[vector<16xi32>], vector<16xf32>,
      %lt3A_422 = arith.cmpf olt, %gather3A_421, %get3A_374 : vector<16xf32>
      %select_n3A_423 = arith.select %lt3A_422, %add3A_420, %select_n3A_417 : vector<16xi1>, vector<16xi32>
      %add3A_424 = arith.constant 1 : i32
      %add3A_425 = vector.broadcast %add3A_424 : i32 to vector<16xi32>
      %add3A_426 = arith.addi %select_n3A_423, %add3A_425 : vector<16xi32>
      %gather3A_427 = tpu.vector_load_idx %arg11[%add3A_426] : memref<256xf32, #tpu.memory_space<vmem>>[vector<16xi32>], vector<16xf32>,
      %lt3A_428 = arith.cmpf olt, %gather3A_427, %get3A_374 : vector<16xf32>
      %select_n3A_429 = arith.select %lt3A_428, %add3A_426, %select_n3A_423 : vector<16xi1>, vector<16xi32>
      %gather3A_430 = tpu.vector_load_idx %arg13[%select_n3A_429] : memref<256xi32, #tpu.memory_space<vmem>>[vector<16xi32>], vector<16xi32>,
      %sub3A = arith.constant 1 : i32
      %sub3A_431 = vector.broadcast %sub3A : i32 to vector<16xi32>
      %sub3A_432 = arith.subi %gather3A_430, %sub3A_431 : vector<16xi32>
      %lt3A_433 = arith.constant 0 : i32
      %lt3A_434 = vector.broadcast %lt3A_433 : i32 to vector<16xi32>
      %lt3A_435 = arith.cmpi slt, %sub3A_432, %lt3A_434 : vector<16xi32>
      %add3A_436 = arith.constant 256 : i32
      %add3A_437 = vector.broadcast %add3A_436 : i32 to vector<16xi32>
      %add3A_438 = arith.addi %sub3A_432, %add3A_437 : vector<16xi32>
      %select_n3A_439 = arith.select %lt3A_435, %add3A_438, %sub3A_432 : vector<16xi1>, vector<16xi32>
      %gather3A_440 = tpu.vector_load_idx %arg10[%select_n3A_439] : memref<256xf32, #tpu.memory_space<vmem>>[vector<16xi32>], vector<16xf32>,
      %gather3A_441 = tpu.vector_load_idx %arg10[%gather3A_430] : memref<256xf32, #tpu.memory_space<vmem>>[vector<16xi32>], vector<16xf32>,
      %add3A_442 = arith.constant 512 : i32
      %add3A_443 = vector.broadcast %add3A_442 : i32 to vector<16xi32>
      %add3A_444 = arith.addi %sub3A_432, %add3A_443 : vector<16xi32>
      %select_n3A_445 = arith.select %lt3A_435, %add3A_444, %sub3A_432 : vector<16xi1>, vector<16xi32>
      %convert_element_type3A = arith.sitofp %select_n3A_445 : vector<16xi32> to vector<16xf32>
      %mul3A_446 = arith.constant 3.906250e-03 : f32
      %mul3A_447 = vector.broadcast %mul3A_446 : f32 to vector<16xf32>
      %mul3A_448 = arith.mulf %convert_element_type3A, %mul3A_447 : vector<16xf32>
      %sub3A_449 = arith.constant 1.000000e+00 : f32
      %sub3A_450 = vector.broadcast %sub3A_449 : f32 to vector<16xf32>
      %sub3A_451 = arith.subf %mul3A_448, %sub3A_450 : vector<16xf32>
      %convert_element_type3A_452 = arith.sitofp %gather3A_430 : vector<16xi32> to vector<16xf32>
      %mul3A_453 = arith.constant 3.906250e-03 : f32
      %mul3A_454 = vector.broadcast %mul3A_453 : f32 to vector<16xf32>
      %mul3A_455 = arith.mulf %convert_element_type3A_452, %mul3A_454 : vector<16xf32>
      %sub3A_456 = arith.constant 1.000000e+00 : f32
      %sub3A_457 = vector.broadcast %sub3A_456 : f32 to vector<16xf32>
      %sub3A_458 = arith.subf %mul3A_455, %sub3A_457 : vector<16xf32>
      %sub3A_459 = arith.subf %sub3A_458, %sub3A_451 : vector<16xf32>
      %sub3A_460 = arith.subf %get3A_374, %gather3A_440 : vector<16xf32>
      %mul3A_461 = arith.mulf %sub3A_459, %sub3A_460 : vector<16xf32>
      %sub3A_462 = arith.subf %gather3A_441, %gather3A_440 : vector<16xf32>
      %div3A = arith.divf %mul3A_461, %sub3A_462 : vector<16xf32>
      %add3A_463 = arith.addf %sub3A_451, %div3A : vector<16xf32>
      %le3A = arith.constant -1.000000e+00 : f32
      %le3A_464 = vector.broadcast %le3A : f32 to vector<16xf32>
      %le3A_465 = arith.cmpf ole, %get3A_374, %le3A_464 : vector<16xf32>
      %ge3A = arith.cmpf oge, %get3A_374, %gather3A : vector<16xf32>
      %jit3A = arith.constant 0.99609375 : f32
      %broadcast_in_dim3A = vector.broadcast %jit3A : f32 to vector<16xf32>
      %select_n3A_466 = arith.select %ge3A, %broadcast_in_dim3A, %add3A_463 : vector<16xi1>, vector<16xf32>
      %jit3A_467 = arith.constant -1.000000e+00 : f32
      %broadcast_in_dim3A_468 = vector.broadcast %jit3A_467 : f32 to vector<16xf32>
      %select_n3A_469 = arith.select %le3A_465, %broadcast_in_dim3A_468, %select_n3A_466 : vector<16xi1>, vector<16xf32>
      %mul3A_470 = arith.constant 16 : i32
      %mul3A_471 = arith.muli %scan3A_370, %mul3A_470 : i32
      %swap3A = arith.index_cast %mul3A_471 : i32 to index
      %swap3A_472 = tpu.vector_load %arg12[%swap3A] {strides = array<i32>} : memref<256xf32, #tpu.memory_space<vmem>>, vector<16xf32>,
      tpu.vector_store %arg12[%swap3A], %select_n3A_469 {strides = array<i32>} : memref<256xf32, #tpu.memory_space<vmem>>, vector<16xf32>,
    }
    %scan3A_99 = arith.constant 16 : i32
    %iota3A_100 = tpu.iota {dimensions = array<i32: 0>} : vector<16xi32>
    %mul3A_101 = arith.constant 0 : i32
    %mul3A_102 = vector.broadcast %mul3A_101 : i32 to vector<16xi32>
    %mul3A_103 = arith.muli %iota3A_100, %mul3A_102 : vector<16xi32>
    %scan3A_104 = arith.constant 0 : i32
    %scan3A_105 = arith.constant 16 : i32
    %scan3A_106 = arith.addi %scan3A_104, %scan3A_105 : i32
    %scan3A_107 = arith.constant 1 : i32
    %scan3A_108 = scf.for %scan3A_370 = %scan3A_104 to %scan3A_106 step %scan3A_107 iter_args(%scan3A_371 = %mul3A_103) -> (vector<16xi32>)  : i32 {
      %mul3A_372 = arith.constant 16 : i32
      %mul3A_373 = arith.muli %scan3A_370, %mul3A_372 : i32
      %add3A_374 = vector.broadcast %mul3A_373 : i32 to vector<16xi32>
      %add3A_375 = arith.addi %iota3A_100, %add3A_374 : vector<16xi32>
      %gather3A = tpu.vector_load_idx %arg9[%add3A_375] : memref<256xf32, #tpu.memory_space<vmem>>[vector<16xi32>], vector<16xf32>,
      %sub3A = arith.constant 1 : i32
      %sub3A_376 = vector.broadcast %sub3A : i32 to vector<16xi32>
      %sub3A_377 = arith.subi %add3A_375, %sub3A_376 : vector<16xi32>
      %max3A = arith.constant 0 : i32
      %max3A_378 = vector.broadcast %max3A : i32 to vector<16xi32>
      %max3A_379 = arith.maxsi %sub3A_377, %max3A_378 : vector<16xi32>
      %gather3A_380 = tpu.vector_load_idx %arg9[%max3A_379] : memref<256xf32, #tpu.memory_space<vmem>>[vector<16xi32>], vector<16xf32>,
      %add3A_381 = arith.addf %gather3A_380, %gather3A : vector<16xf32>
      %mul3A_382 = arith.constant 5.000000e-01 : f32
      %mul3A_383 = vector.broadcast %mul3A_382 : f32 to vector<16xf32>
      %mul3A_384 = arith.mulf %add3A_381, %mul3A_383 : vector<16xf32>
      %eq3A = arith.constant 0 : i32
      %eq3A_385 = vector.broadcast %eq3A : i32 to vector<16xi32>
      %eq3A_386 = arith.cmpi eq, %add3A_375, %eq3A_385 : vector<16xi32>
      %jit3A = arith.constant -3.000000e+38 : f32
      %broadcast_in_dim3A = vector.broadcast %jit3A : f32 to vector<16xf32>
      %select_n3A = arith.select %eq3A_386, %broadcast_in_dim3A, %mul3A_384 : vector<16xi1>, vector<16xf32>
      %mul3A_387 = arith.constant 16 : i32
      %mul3A_388 = arith.muli %scan3A_370, %mul3A_387 : i32
      %add3A_389 = arith.constant 0 : i32
      %add3A_390 = arith.addi %add3A_389, %mul3A_388 : i32
      %swap3A = arith.index_cast %add3A_390 : i32 to index
      %swap3A_391 = tpu.vector_load %arg7[%swap3A] {strides = array<i32>} : memref<3840xf32, #tpu.memory_space<vmem>>, vector<16xf32>,
      tpu.vector_store %arg7[%swap3A], %select_n3A {strides = array<i32>} : memref<3840xf32, #tpu.memory_space<vmem>>, vector<16xf32>,
      %ne3A = arith.cmpf one, %gather3A, %gather3A_380 : vector<16xf32>
      %jit3A_392 = arith.constant 0 : i32
      %broadcast_in_dim3A_393 = vector.broadcast %jit3A_392 : i32 to vector<16xi32>
      %select_n3A_394 = arith.select %ne3A, %add3A_375, %broadcast_in_dim3A_393 : vector<16xi1>, vector<16xi32>
      %broadcast_in_dim3A_395 = arith.constant true
      %broadcast_in_dim3A_396 = vector.broadcast %broadcast_in_dim3A_395 : i1 to vector<16xi1>
      %masked_cummax3A = arith.constant -2147483648 : i32
      %masked_cummax3A_397 = vector.broadcast %masked_cummax3A : i32 to vector<16xi32>
      %masked_cummax3A_398 = arith.xori %select_n3A_394, %masked_cummax3A_397 : vector<16xi32>
      %masked_cummax3A_399 = tpu.scan <max>, %masked_cummax3A_398 masked %broadcast_in_dim3A_396 : vector<16xi32>, vector<16xi1> -> vector<16xi32>
      %masked_cummax3A_400 = arith.xori %masked_cummax3A_399, %masked_cummax3A_397 : vector<16xi32>
      %max3A_401 = arith.maxsi %masked_cummax3A_400, %scan3A_371 : vector<16xi32>
      %mul3A_402 = arith.constant 16 : i32
      %mul3A_403 = arith.muli %scan3A_370, %mul3A_402 : i32
      %swap3A_404 = arith.index_cast %mul3A_403 : i32 to index
      %swap3A_405 = tpu.vector_load %arg13[%swap3A_404] {strides = array<i32>} : memref<256xi32, #tpu.memory_space<vmem>>, vector<16xi32>,
      tpu.vector_store %arg13[%swap3A_404], %max3A_401 {strides = array<i32>} : memref<256xi32, #tpu.memory_space<vmem>>, vector<16xi32>,
      %reduce_max3A = arith.constant true
      %reduce_max3A_406 = vector.broadcast %reduce_max3A : i1 to vector<16xi1>
      %reduce_max3A_407 = arith.constant -2147483648 : i32
      %reduce_max3A_408 = vector.broadcast %reduce_max3A_407 : i32 to vector<16xi32>
      %reduce_max3A_409 = arith.xori %max3A_401, %reduce_max3A_408 : vector<16xi32>
      %reduce_max3A_410 = tpu.scan <max>, %reduce_max3A_409 masked %reduce_max3A_406 : vector<16xi32>, vector<16xi1> -> vector<16xi32>
      %reduce_max3A_411 = arith.xori %reduce_max3A_410, %reduce_max3A_408 : vector<16xi32>
      %reduce_max3A_412 = vector.extract %reduce_max3A_411[15] : i32 from vector<16xi32>
      %add3A_413 = vector.broadcast %reduce_max3A_412 : i32 to vector<16xi32>
      %add3A_414 = arith.addi %mul3A_103, %add3A_413 : vector<16xi32>
      scf.yield %add3A_414 : vector<16xi32>
    }
    %scan3A_109 = arith.constant 16 : i32
    %scan3A_110 = arith.constant 0 : i32
    %scan3A_111 = arith.constant 16 : i32
    %scan3A_112 = arith.addi %scan3A_110, %scan3A_111 : i32
    %scan3A_113 = arith.constant 1 : i32
    scf.for %scan3A_370 = %scan3A_110 to %scan3A_112 step %scan3A_113  : i32 {
      %mul3A_371 = arith.constant 16 : i32
      %mul3A_372 = arith.muli %scan3A_370, %mul3A_371 : i32
      %add3A_373 = vector.broadcast %mul3A_372 : i32 to vector<16xi32>
      %add3A_374 = arith.addi %iota3A, %add3A_373 : vector<16xi32>
      %gather3A = tpu.vector_load_idx %arg13[%add3A_374] : memref<256xi32, #tpu.memory_space<vmem>>[vector<16xi32>], vector<16xi32>,
      %sub3A = arith.constant 1 : i32
      %sub3A_375 = vector.broadcast %sub3A : i32 to vector<16xi32>
      %sub3A_376 = arith.subi %gather3A, %sub3A_375 : vector<16xi32>
      %lt3A = arith.constant 0 : i32
      %lt3A_377 = vector.broadcast %lt3A : i32 to vector<16xi32>
      %lt3A_378 = arith.cmpi slt, %sub3A_376, %lt3A_377 : vector<16xi32>
      %add3A_379 = arith.constant 256 : i32
      %add3A_380 = vector.broadcast %add3A_379 : i32 to vector<16xi32>
      %add3A_381 = arith.addi %sub3A_376, %add3A_380 : vector<16xi32>
      %select_n3A = arith.select %lt3A_378, %add3A_381, %sub3A_376 : vector<16xi1>, vector<16xi32>
      %gather3A_382 = tpu.vector_load_idx %arg9[%select_n3A] : memref<256xf32, #tpu.memory_space<vmem>>[vector<16xi32>], vector<16xf32>,
      %gather3A_383 = tpu.vector_load_idx %arg9[%gather3A] : memref<256xf32, #tpu.memory_space<vmem>>[vector<16xi32>], vector<16xf32>,
      %gather3A_384 = tpu.vector_load_idx %arg12[%select_n3A] : memref<256xf32, #tpu.memory_space<vmem>>[vector<16xi32>], vector<16xf32>,
      %gather3A_385 = tpu.vector_load_idx %arg12[%gather3A] : memref<256xf32, #tpu.memory_space<vmem>>[vector<16xi32>], vector<16xf32>,
      %sub3A_386 = arith.subf %gather3A_385, %gather3A_384 : vector<16xf32>
      %sub3A_387 = arith.subf %gather3A_383, %gather3A_382 : vector<16xf32>
      %div3A = arith.divf %sub3A_386, %sub3A_387 : vector<16xf32>
      %mul3A_388 = arith.mulf %div3A, %gather3A_382 : vector<16xf32>
      %sub3A_389 = arith.subf %gather3A_384, %mul3A_388 : vector<16xf32>
      %mul3A_390 = arith.constant 16 : i32
      %mul3A_391 = arith.muli %scan3A_370, %mul3A_390 : i32
      %add3A_392 = arith.constant 768 : i32
      %add3A_393 = arith.addi %add3A_392, %mul3A_391 : i32
      %swap3A = arith.index_cast %add3A_393 : i32 to index
      %swap3A_394 = tpu.vector_load %arg7[%swap3A] {strides = array<i32>} : memref<3840xf32, #tpu.memory_space<vmem>>, vector<16xf32>,
      tpu.vector_store %arg7[%swap3A], %sub3A_389 {strides = array<i32>} : memref<3840xf32, #tpu.memory_space<vmem>>, vector<16xf32>,
      %mul3A_395 = arith.constant 16 : i32
      %mul3A_396 = arith.muli %scan3A_370, %mul3A_395 : i32
      %add3A_397 = arith.constant 1536 : i32
      %add3A_398 = arith.addi %add3A_397, %mul3A_396 : i32
      %swap3A_399 = arith.index_cast %add3A_398 : i32 to index
      %swap3A_400 = tpu.vector_load %arg7[%swap3A_399] {strides = array<i32>} : memref<3840xf32, #tpu.memory_space<vmem>>, vector<16xf32>,
      tpu.vector_store %arg7[%swap3A_399], %div3A {strides = array<i32>} : memref<3840xf32, #tpu.memory_space<vmem>>, vector<16xf32>,
    }
    %scan3A_114 = arith.constant 16 : i32
    %scan3A_115 = arith.constant 0 : i32
    %scan3A_116 = arith.constant 16 : i32
    %scan3A_117 = arith.addi %scan3A_115, %scan3A_116 : i32
    %scan3A_118 = arith.constant 1 : i32
    scf.for %scan3A_370 = %scan3A_115 to %scan3A_117 step %scan3A_118  : i32 {
      %mul3A_371 = arith.constant 0 : i32
      %mul3A_372 = vector.broadcast %mul3A_371 : i32 to vector<16xi32>
      %mul3A_373 = arith.muli %iota3A, %mul3A_372 : vector<16xi32>
      %add3A_374 = arith.constant 255 : i32
      %add3A_375 = vector.broadcast %add3A_374 : i32 to vector<16xi32>
      %add3A_376 = arith.addi %mul3A_373, %add3A_375 : vector<16xi32>
      %gather3A = tpu.vector_load_idx %arg9[%add3A_376] : memref<256xf32, #tpu.memory_space<vmem>>[vector<16xi32>], vector<16xf32>,
      %mul3A_377 = arith.constant 0 : i32
      %mul3A_378 = vector.broadcast %mul3A_377 : i32 to vector<16xi32>
      %mul3A_379 = arith.muli %iota3A, %mul3A_378 : vector<16xi32>
      %add3A_380 = arith.constant 255 : i32
      %add3A_381 = vector.broadcast %add3A_380 : i32 to vector<16xi32>
      %add3A_382 = arith.addi %mul3A_379, %add3A_381 : vector<16xi32>
      %gather3A_383 = tpu.vector_load_idx %arg12[%add3A_382] : memref<256xf32, #tpu.memory_space<vmem>>[vector<16xi32>], vector<16xf32>,
      %mul3A_384 = arith.constant 16 : i32
      %mul3A_385 = arith.muli %scan3A_370, %mul3A_384 : i32
      %add3A_386 = arith.constant 2304 : i32
      %add3A_387 = arith.addi %add3A_386, %mul3A_385 : i32
      %swap3A = arith.index_cast %add3A_387 : i32 to index
      %swap3A_388 = tpu.vector_load %arg7[%swap3A] {strides = array<i32>} : memref<3840xf32, #tpu.memory_space<vmem>>, vector<16xf32>,
      tpu.vector_store %arg7[%swap3A], %gather3A {strides = array<i32>} : memref<3840xf32, #tpu.memory_space<vmem>>, vector<16xf32>,
      %mul3A_389 = arith.constant 16 : i32
      %mul3A_390 = arith.muli %scan3A_370, %mul3A_389 : i32
      %add3A_391 = arith.constant 3072 : i32
      %add3A_392 = arith.addi %add3A_391, %mul3A_390 : i32
      %swap3A_393 = arith.index_cast %add3A_392 : i32 to index
      %swap3A_394 = tpu.vector_load %arg7[%swap3A_393] {strides = array<i32>} : memref<3840xf32, #tpu.memory_space<vmem>>, vector<16xf32>,
      tpu.vector_store %arg7[%swap3A_393], %gather3A_383 {strides = array<i32>} : memref<3840xf32, #tpu.memory_space<vmem>>, vector<16xf32>,
    }
    %scan3A_119 = arith.constant 16 : i32
    %iota3A_120 = tpu.iota {dimensions = array<i32: 0>} : vector<16xi32>
    %mul3A_121 = arith.constant 0 : i32
    %mul3A_122 = vector.broadcast %mul3A_121 : i32 to vector<16xi32>
    %mul3A_123 = arith.muli %iota3A_120, %mul3A_122 : vector<16xi32>
    %scan3A_124 = arith.constant 0 : i32
    %scan3A_125 = arith.constant 16 : i32
    %scan3A_126 = arith.addi %scan3A_124, %scan3A_125 : i32
    %scan3A_127 = arith.constant 1 : i32
    %scan3A_128 = scf.for %scan3A_370 = %scan3A_124 to %scan3A_126 step %scan3A_127 iter_args(%scan3A_371 = %mul3A_123) -> (vector<16xi32>)  : i32 {
      %mul3A_372 = arith.constant 16 : i32
      %mul3A_373 = arith.muli %scan3A_370, %mul3A_372 : i32
      %add3A_374 = arith.constant 256 : i32
      %add3A_375 = arith.addi %add3A_374, %mul3A_373 : i32
      %get3A_376 = arith.index_cast %add3A_375 : i32 to index
      %get3A_377 = tpu.vector_load %arg6[%get3A_376] {strides = array<i32>} : memref<49152xi32, #tpu.memory_space<vmem>>, vector<16xi32>,
      %broadcast_in_dim3A = arith.constant true
      %broadcast_in_dim3A_378 = vector.broadcast %broadcast_in_dim3A : i1 to vector<16xi1>
      %masked_cumsum3A = tpu.scan <sum>, %get3A_377 masked %broadcast_in_dim3A_378 : vector<16xi32>, vector<16xi1> -> vector<16xi32>
      %add3A_379 = arith.addi %masked_cumsum3A, %scan3A_371 : vector<16xi32>
      %mul3A_380 = arith.constant 16 : i32
      %mul3A_381 = arith.muli %scan3A_370, %mul3A_380 : i32
      %swap3A = arith.index_cast %mul3A_381 : i32 to index
      %swap3A_382 = tpu.vector_load %arg8[%swap3A] {strides = array<i32>} : memref<256xi32, #tpu.memory_space<vmem>>, vector<16xi32>,
      tpu.vector_store %arg8[%swap3A], %add3A_379 {strides = array<i32>} : memref<256xi32, #tpu.memory_space<vmem>>, vector<16xi32>,
      %reduce_max3A = arith.constant true
      %reduce_max3A_383 = vector.broadcast %reduce_max3A : i1 to vector<16xi1>
      %reduce_max3A_384 = arith.constant -2147483648 : i32
      %reduce_max3A_385 = vector.broadcast %reduce_max3A_384 : i32 to vector<16xi32>
      %reduce_max3A_386 = arith.xori %add3A_379, %reduce_max3A_385 : vector<16xi32>
      %reduce_max3A_387 = tpu.scan <max>, %reduce_max3A_386 masked %reduce_max3A_383 : vector<16xi32>, vector<16xi1> -> vector<16xi32>
      %reduce_max3A_388 = arith.xori %reduce_max3A_387, %reduce_max3A_385 : vector<16xi32>
      %reduce_max3A_389 = vector.extract %reduce_max3A_388[15] : i32 from vector<16xi32>
      %add3A_390 = vector.broadcast %reduce_max3A_389 : i32 to vector<16xi32>
      %add3A_391 = arith.addi %mul3A_123, %add3A_390 : vector<16xi32>
      scf.yield %add3A_391 : vector<16xi32>
    }
    %scan3A_129 = arith.constant 16 : i32
    %get3A_130 = arith.constant 0 : index
    %get3A_131 = tpu.vector_load %arg8[%get3A_130] {strides = array<i32>} : memref<256xi32, #tpu.memory_space<vmem>>, vector<16xi32>,
    %reduce_min3A_132 = arith.constant true
    %reduce_min3A_133 = vector.broadcast %reduce_min3A_132 : i1 to vector<16xi1>
    %reduce_min3A_134 = arith.constant -2147483648 : i32
    %reduce_min3A_135 = vector.broadcast %reduce_min3A_134 : i32 to vector<16xi32>
    %reduce_min3A_136 = arith.xori %get3A_131, %reduce_min3A_135 : vector<16xi32>
    %reduce_min3A_137 = tpu.scan <min>, %reduce_min3A_136 masked %reduce_min3A_133 : vector<16xi32>, vector<16xi1> -> vector<16xi32>
    %reduce_min3A_138 = arith.xori %reduce_min3A_137, %reduce_min3A_135 : vector<16xi32>
    %reduce_min3A_139 = vector.extract %reduce_min3A_138[15] : i32 from vector<16xi32>
    %scan3A_140 = arith.constant 0 : i32
    %scan3A_141 = arith.constant 16 : i32
    %scan3A_142 = arith.addi %scan3A_140, %scan3A_141 : i32
    %scan3A_143 = arith.constant 1 : i32
    scf.for %scan3A_370 = %scan3A_140 to %scan3A_142 step %scan3A_143  : i32 {
      %mul3A_371 = arith.constant 16 : i32
      %mul3A_372 = arith.muli %scan3A_370, %mul3A_371 : i32
      %get3A_373 = arith.index_cast %mul3A_372 : i32 to index
      %get3A_374 = tpu.vector_load %arg8[%get3A_373] {strides = array<i32>} : memref<256xi32, #tpu.memory_space<vmem>>, vector<16xi32>,
      %sub3A = vector.broadcast %reduce_min3A_139 : i32 to vector<16xi32>
      %sub3A_375 = arith.subi %get3A_374, %sub3A : vector<16xi32>
      %convert_element_type3A = arith.sitofp %sub3A_375 : vector<16xi32> to vector<16xf32>
      %mul3A_376 = arith.constant 2.000000e+00 : f32
      %mul3A_377 = vector.broadcast %mul3A_376 : f32 to vector<16xf32>
      %mul3A_378 = arith.mulf %convert_element_type3A, %mul3A_377 : vector<16xf32>
      %div3A = arith.constant 2.621430e+05 : f32
      %div3A_379 = vector.broadcast %div3A : f32 to vector<16xf32>
      %div3A_380 = arith.divf %mul3A_378, %div3A_379 : vector<16xf32>
      %sub3A_381 = arith.constant 1.000000e+00 : f32
      %sub3A_382 = vector.broadcast %sub3A_381 : f32 to vector<16xf32>
      %sub3A_383 = arith.subf %div3A_380, %sub3A_382 : vector<16xf32>
      %mul3A_384 = arith.constant 16 : i32
      %mul3A_385 = arith.muli %scan3A_370, %mul3A_384 : i32
      %swap3A = arith.index_cast %mul3A_385 : i32 to index
      %swap3A_386 = tpu.vector_load %arg9[%swap3A] {strides = array<i32>} : memref<256xf32, #tpu.memory_space<vmem>>, vector<16xf32>,
      tpu.vector_store %arg9[%swap3A], %sub3A_383 {strides = array<i32>} : memref<256xf32, #tpu.memory_space<vmem>>, vector<16xf32>,
    }
    %scan3A_144 = arith.constant 16 : i32
    %iota3A_145 = tpu.iota {dimensions = array<i32: 0>} : vector<16xi32>
    %mul3A_146 = arith.constant 0 : i32
    %mul3A_147 = vector.broadcast %mul3A_146 : i32 to vector<16xi32>
    %mul3A_148 = arith.muli %iota3A_145, %mul3A_147 : vector<16xi32>
    %scan3A_149 = arith.constant 0 : i32
    %scan3A_150 = arith.constant 16 : i32
    %scan3A_151 = arith.addi %scan3A_149, %scan3A_150 : i32
    %scan3A_152 = arith.constant 1 : i32
    %scan3A_153 = scf.for %scan3A_370 = %scan3A_149 to %scan3A_151 step %scan3A_152 iter_args(%scan3A_371 = %mul3A_148) -> (vector<16xi32>)  : i32 {
      %mul3A_372 = arith.constant 16 : i32
      %mul3A_373 = arith.muli %scan3A_370, %mul3A_372 : i32
      %add3A_374 = arith.constant 1024 : i32
      %add3A_375 = arith.addi %add3A_374, %mul3A_373 : i32
      %get3A_376 = arith.index_cast %add3A_375 : i32 to index
      %get3A_377 = tpu.vector_load %arg6[%get3A_376] {strides = array<i32>} : memref<49152xi32, #tpu.memory_space<vmem>>, vector<16xi32>,
      %broadcast_in_dim3A = arith.constant true
      %broadcast_in_dim3A_378 = vector.broadcast %broadcast_in_dim3A : i1 to vector<16xi1>
      %masked_cumsum3A = tpu.scan <sum>, %get3A_377 masked %broadcast_in_dim3A_378 : vector<16xi32>, vector<16xi1> -> vector<16xi32>
      %add3A_379 = arith.addi %masked_cumsum3A, %scan3A_371 : vector<16xi32>
      %mul3A_380 = arith.constant 16 : i32
      %mul3A_381 = arith.muli %scan3A_370, %mul3A_380 : i32
      %swap3A = arith.index_cast %mul3A_381 : i32 to index
      %swap3A_382 = tpu.vector_load %arg8[%swap3A] {strides = array<i32>} : memref<256xi32, #tpu.memory_space<vmem>>, vector<16xi32>,
      tpu.vector_store %arg8[%swap3A], %add3A_379 {strides = array<i32>} : memref<256xi32, #tpu.memory_space<vmem>>, vector<16xi32>,
      %reduce_max3A = arith.constant true
      %reduce_max3A_383 = vector.broadcast %reduce_max3A : i1 to vector<16xi1>
      %reduce_max3A_384 = arith.constant -2147483648 : i32
      %reduce_max3A_385 = vector.broadcast %reduce_max3A_384 : i32 to vector<16xi32>
      %reduce_max3A_386 = arith.xori %add3A_379, %reduce_max3A_385 : vector<16xi32>
      %reduce_max3A_387 = tpu.scan <max>, %reduce_max3A_386 masked %reduce_max3A_383 : vector<16xi32>, vector<16xi1> -> vector<16xi32>
      %reduce_max3A_388 = arith.xori %reduce_max3A_387, %reduce_max3A_385 : vector<16xi32>
      %reduce_max3A_389 = vector.extract %reduce_max3A_388[15] : i32 from vector<16xi32>
      %add3A_390 = vector.broadcast %reduce_max3A_389 : i32 to vector<16xi32>
      %add3A_391 = arith.addi %mul3A_148, %add3A_390 : vector<16xi32>
      scf.yield %add3A_391 : vector<16xi32>
    }
    %scan3A_154 = arith.constant 16 : i32
    %get3A_155 = arith.constant 0 : index
    %get3A_156 = tpu.vector_load %arg8[%get3A_155] {strides = array<i32>} : memref<256xi32, #tpu.memory_space<vmem>>, vector<16xi32>,
    %reduce_min3A_157 = arith.constant true
    %reduce_min3A_158 = vector.broadcast %reduce_min3A_157 : i1 to vector<16xi1>
    %reduce_min3A_159 = arith.constant -2147483648 : i32
    %reduce_min3A_160 = vector.broadcast %reduce_min3A_159 : i32 to vector<16xi32>
    %reduce_min3A_161 = arith.xori %get3A_156, %reduce_min3A_160 : vector<16xi32>
    %reduce_min3A_162 = tpu.scan <min>, %reduce_min3A_161 masked %reduce_min3A_158 : vector<16xi32>, vector<16xi1> -> vector<16xi32>
    %reduce_min3A_163 = arith.xori %reduce_min3A_162, %reduce_min3A_160 : vector<16xi32>
    %reduce_min3A_164 = vector.extract %reduce_min3A_163[15] : i32 from vector<16xi32>
    %scan3A_165 = arith.constant 0 : i32
    %scan3A_166 = arith.constant 16 : i32
    %scan3A_167 = arith.addi %scan3A_165, %scan3A_166 : i32
    %scan3A_168 = arith.constant 1 : i32
    scf.for %scan3A_370 = %scan3A_165 to %scan3A_167 step %scan3A_168  : i32 {
      %mul3A_371 = arith.constant 16 : i32
      %mul3A_372 = arith.muli %scan3A_370, %mul3A_371 : i32
      %get3A_373 = arith.index_cast %mul3A_372 : i32 to index
      %get3A_374 = tpu.vector_load %arg8[%get3A_373] {strides = array<i32>} : memref<256xi32, #tpu.memory_space<vmem>>, vector<16xi32>,
      %sub3A = vector.broadcast %reduce_min3A_164 : i32 to vector<16xi32>
      %sub3A_375 = arith.subi %get3A_374, %sub3A : vector<16xi32>
      %convert_element_type3A = arith.sitofp %sub3A_375 : vector<16xi32> to vector<16xf32>
      %mul3A_376 = arith.constant 2.000000e+00 : f32
      %mul3A_377 = vector.broadcast %mul3A_376 : f32 to vector<16xf32>
      %mul3A_378 = arith.mulf %convert_element_type3A, %mul3A_377 : vector<16xf32>
      %div3A = arith.constant 2.621430e+05 : f32
      %div3A_379 = vector.broadcast %div3A : f32 to vector<16xf32>
      %div3A_380 = arith.divf %mul3A_378, %div3A_379 : vector<16xf32>
      %sub3A_381 = arith.constant 1.000000e+00 : f32
      %sub3A_382 = vector.broadcast %sub3A_381 : f32 to vector<16xf32>
      %sub3A_383 = arith.subf %div3A_380, %sub3A_382 : vector<16xf32>
      %mul3A_384 = arith.constant 16 : i32
      %mul3A_385 = arith.muli %scan3A_370, %mul3A_384 : i32
      %swap3A = arith.index_cast %mul3A_385 : i32 to index
      %swap3A_386 = tpu.vector_load %arg10[%swap3A] {strides = array<i32>} : memref<256xf32, #tpu.memory_space<vmem>>, vector<16xf32>,
      tpu.vector_store %arg10[%swap3A], %sub3A_383 {strides = array<i32>} : memref<256xf32, #tpu.memory_space<vmem>>, vector<16xf32>,
    }
    %scan3A_169 = arith.constant 16 : i32
    %iota3A_170 = tpu.iota {dimensions = array<i32: 0>} : vector<16xi32>
    %mul3A_171 = arith.constant 0 : i32
    %mul3A_172 = vector.broadcast %mul3A_171 : i32 to vector<16xi32>
    %mul3A_173 = arith.muli %iota3A_170, %mul3A_172 : vector<16xi32>
    %scan3A_174 = arith.constant 0 : i32
    %scan3A_175 = arith.constant 16 : i32
    %scan3A_176 = arith.addi %scan3A_174, %scan3A_175 : i32
    %scan3A_177 = arith.constant 1 : i32
    %scan3A_178 = scf.for %scan3A_370 = %scan3A_174 to %scan3A_176 step %scan3A_177 iter_args(%scan3A_371 = %mul3A_173) -> (vector<16xi32>)  : i32 {
      %mul3A_372 = arith.constant 16 : i32
      %mul3A_373 = arith.muli %scan3A_370, %mul3A_372 : i32
      %add3A_374 = vector.broadcast %mul3A_373 : i32 to vector<16xi32>
      %add3A_375 = arith.addi %iota3A_170, %add3A_374 : vector<16xi32>
      %gather3A = tpu.vector_load_idx %arg10[%add3A_375] : memref<256xf32, #tpu.memory_space<vmem>>[vector<16xi32>], vector<16xf32>,
      %sub3A = arith.constant 1 : i32
      %sub3A_376 = vector.broadcast %sub3A : i32 to vector<16xi32>
      %sub3A_377 = arith.subi %add3A_375, %sub3A_376 : vector<16xi32>
      %max3A = arith.constant 0 : i32
      %max3A_378 = vector.broadcast %max3A : i32 to vector<16xi32>
      %max3A_379 = arith.maxsi %sub3A_377, %max3A_378 : vector<16xi32>
      %gather3A_380 = tpu.vector_load_idx %arg10[%max3A_379] : memref<256xf32, #tpu.memory_space<vmem>>[vector<16xi32>], vector<16xf32>,
      %add3A_381 = arith.addf %gather3A_380, %gather3A : vector<16xf32>
      %mul3A_382 = arith.constant 5.000000e-01 : f32
      %mul3A_383 = vector.broadcast %mul3A_382 : f32 to vector<16xf32>
      %mul3A_384 = arith.mulf %add3A_381, %mul3A_383 : vector<16xf32>
      %eq3A = arith.constant 0 : i32
      %eq3A_385 = vector.broadcast %eq3A : i32 to vector<16xi32>
      %eq3A_386 = arith.cmpi eq, %add3A_375, %eq3A_385 : vector<16xi32>
      %jit3A = arith.constant -3.000000e+38 : f32
      %broadcast_in_dim3A = vector.broadcast %jit3A : f32 to vector<16xf32>
      %select_n3A = arith.select %eq3A_386, %broadcast_in_dim3A, %mul3A_384 : vector<16xi1>, vector<16xf32>
      %mul3A_387 = arith.constant 16 : i32
      %mul3A_388 = arith.muli %scan3A_370, %mul3A_387 : i32
      %add3A_389 = arith.constant 0 : i32
      %add3A_390 = arith.addi %add3A_389, %mul3A_388 : i32
      %swap3A = arith.index_cast %add3A_390 : i32 to index
      %swap3A_391 = tpu.vector_load %arg11[%swap3A] {strides = array<i32>} : memref<256xf32, #tpu.memory_space<vmem>>, vector<16xf32>,
      tpu.vector_store %arg11[%swap3A], %select_n3A {strides = array<i32>} : memref<256xf32, #tpu.memory_space<vmem>>, vector<16xf32>,
      %ne3A = arith.cmpf one, %gather3A, %gather3A_380 : vector<16xf32>
      %jit3A_392 = arith.constant 0 : i32
      %broadcast_in_dim3A_393 = vector.broadcast %jit3A_392 : i32 to vector<16xi32>
      %select_n3A_394 = arith.select %ne3A, %add3A_375, %broadcast_in_dim3A_393 : vector<16xi1>, vector<16xi32>
      %broadcast_in_dim3A_395 = arith.constant true
      %broadcast_in_dim3A_396 = vector.broadcast %broadcast_in_dim3A_395 : i1 to vector<16xi1>
      %masked_cummax3A = arith.constant -2147483648 : i32
      %masked_cummax3A_397 = vector.broadcast %masked_cummax3A : i32 to vector<16xi32>
      %masked_cummax3A_398 = arith.xori %select_n3A_394, %masked_cummax3A_397 : vector<16xi32>
      %masked_cummax3A_399 = tpu.scan <max>, %masked_cummax3A_398 masked %broadcast_in_dim3A_396 : vector<16xi32>, vector<16xi1> -> vector<16xi32>
      %masked_cummax3A_400 = arith.xori %masked_cummax3A_399, %masked_cummax3A_397 : vector<16xi32>
      %max3A_401 = arith.maxsi %masked_cummax3A_400, %scan3A_371 : vector<16xi32>
      %mul3A_402 = arith.constant 16 : i32
      %mul3A_403 = arith.muli %scan3A_370, %mul3A_402 : i32
      %swap3A_404 = arith.index_cast %mul3A_403 : i32 to index
      %swap3A_405 = tpu.vector_load %arg13[%swap3A_404] {strides = array<i32>} : memref<256xi32, #tpu.memory_space<vmem>>, vector<16xi32>,
      tpu.vector_store %arg13[%swap3A_404], %max3A_401 {strides = array<i32>} : memref<256xi32, #tpu.memory_space<vmem>>, vector<16xi32>,
      %reduce_max3A = arith.constant true
      %reduce_max3A_406 = vector.broadcast %reduce_max3A : i1 to vector<16xi1>
      %reduce_max3A_407 = arith.constant -2147483648 : i32
      %reduce_max3A_408 = vector.broadcast %reduce_max3A_407 : i32 to vector<16xi32>
      %reduce_max3A_409 = arith.xori %max3A_401, %reduce_max3A_408 : vector<16xi32>
      %reduce_max3A_410 = tpu.scan <max>, %reduce_max3A_409 masked %reduce_max3A_406 : vector<16xi32>, vector<16xi1> -> vector<16xi32>
      %reduce_max3A_411 = arith.xori %reduce_max3A_410, %reduce_max3A_408 : vector<16xi32>
      %reduce_max3A_412 = vector.extract %reduce_max3A_411[15] : i32 from vector<16xi32>
      %add3A_413 = vector.broadcast %reduce_max3A_412 : i32 to vector<16xi32>
      %add3A_414 = arith.addi %mul3A_173, %add3A_413 : vector<16xi32>
      scf.yield %add3A_414 : vector<16xi32>
    }
    %scan3A_179 = arith.constant 16 : i32
    %scan3A_180 = arith.constant 0 : i32
    %scan3A_181 = arith.constant 16 : i32
    %scan3A_182 = arith.addi %scan3A_180, %scan3A_181 : i32
    %scan3A_183 = arith.constant 1 : i32
    scf.for %scan3A_370 = %scan3A_180 to %scan3A_182 step %scan3A_183  : i32 {
      %mul3A_371 = arith.constant 16 : i32
      %mul3A_372 = arith.muli %scan3A_370, %mul3A_371 : i32
      %get3A_373 = arith.index_cast %mul3A_372 : i32 to index
      %get3A_374 = tpu.vector_load %arg9[%get3A_373] {strides = array<i32>} : memref<256xf32, #tpu.memory_space<vmem>>, vector<16xf32>,
      %mul3A_375 = arith.constant 0 : i32
      %mul3A_376 = vector.broadcast %mul3A_375 : i32 to vector<16xi32>
      %mul3A_377 = arith.muli %iota3A, %mul3A_376 : vector<16xi32>
      %add3A_378 = arith.constant 255 : i32
      %add3A_379 = vector.broadcast %add3A_378 : i32 to vector<16xi32>
      %add3A_380 = arith.addi %mul3A_377, %add3A_379 : vector<16xi32>
      %gather3A = tpu.vector_load_idx %arg10[%add3A_380] : memref<256xf32, #tpu.memory_space<vmem>>[vector<16xi32>], vector<16xf32>,
      %mul3A_381 = arith.constant 0 : i32
      %mul3A_382 = vector.broadcast %mul3A_381 : i32 to vector<16xi32>
      %mul3A_383 = arith.muli %iota3A, %mul3A_382 : vector<16xi32>
      %add3A_384 = arith.constant 128 : i32
      %add3A_385 = vector.broadcast %add3A_384 : i32 to vector<16xi32>
      %add3A_386 = arith.addi %mul3A_383, %add3A_385 : vector<16xi32>
      %gather3A_387 = tpu.vector_load_idx %arg11[%add3A_386] : memref<256xf32, #tpu.memory_space<vmem>>[vector<16xi32>], vector<16xf32>,
      %lt3A = arith.cmpf olt, %gather3A_387, %get3A_374 : vector<16xf32>
      %select_n3A = arith.select %lt3A, %add3A_386, %mul3A_383 : vector<16xi1>, vector<16xi32>
      %add3A_388 = arith.constant 64 : i32
      %add3A_389 = vector.broadcast %add3A_388 : i32 to vector<16xi32>
      %add3A_390 = arith.addi %select_n3A, %add3A_389 : vector<16xi32>
      %gather3A_391 = tpu.vector_load_idx %arg11[%add3A_390] : memref<256xf32, #tpu.memory_space<vmem>>[vector<16xi32>], vector<16xf32>,
      %lt3A_392 = arith.cmpf olt, %gather3A_391, %get3A_374 : vector<16xf32>
      %select_n3A_393 = arith.select %lt3A_392, %add3A_390, %select_n3A : vector<16xi1>, vector<16xi32>
      %add3A_394 = arith.constant 32 : i32
      %add3A_395 = vector.broadcast %add3A_394 : i32 to vector<16xi32>
      %add3A_396 = arith.addi %select_n3A_393, %add3A_395 : vector<16xi32>
      %gather3A_397 = tpu.vector_load_idx %arg11[%add3A_396] : memref<256xf32, #tpu.memory_space<vmem>>[vector<16xi32>], vector<16xf32>,
      %lt3A_398 = arith.cmpf olt, %gather3A_397, %get3A_374 : vector<16xf32>
      %select_n3A_399 = arith.select %lt3A_398, %add3A_396, %select_n3A_393 : vector<16xi1>, vector<16xi32>
      %add3A_400 = arith.constant 16 : i32
      %add3A_401 = vector.broadcast %add3A_400 : i32 to vector<16xi32>
      %add3A_402 = arith.addi %select_n3A_399, %add3A_401 : vector<16xi32>
      %gather3A_403 = tpu.vector_load_idx %arg11[%add3A_402] : memref<256xf32, #tpu.memory_space<vmem>>[vector<16xi32>], vector<16xf32>,
      %lt3A_404 = arith.cmpf olt, %gather3A_403, %get3A_374 : vector<16xf32>
      %select_n3A_405 = arith.select %lt3A_404, %add3A_402, %select_n3A_399 : vector<16xi1>, vector<16xi32>
      %add3A_406 = arith.constant 8 : i32
      %add3A_407 = vector.broadcast %add3A_406 : i32 to vector<16xi32>
      %add3A_408 = arith.addi %select_n3A_405, %add3A_407 : vector<16xi32>
      %gather3A_409 = tpu.vector_load_idx %arg11[%add3A_408] : memref<256xf32, #tpu.memory_space<vmem>>[vector<16xi32>], vector<16xf32>,
      %lt3A_410 = arith.cmpf olt, %gather3A_409, %get3A_374 : vector<16xf32>
      %select_n3A_411 = arith.select %lt3A_410, %add3A_408, %select_n3A_405 : vector<16xi1>, vector<16xi32>
      %add3A_412 = arith.constant 4 : i32
      %add3A_413 = vector.broadcast %add3A_412 : i32 to vector<16xi32>
      %add3A_414 = arith.addi %select_n3A_411, %add3A_413 : vector<16xi32>
      %gather3A_415 = tpu.vector_load_idx %arg11[%add3A_414] : memref<256xf32, #tpu.memory_space<vmem>>[vector<16xi32>], vector<16xf32>,
      %lt3A_416 = arith.cmpf olt, %gather3A_415, %get3A_374 : vector<16xf32>
      %select_n3A_417 = arith.select %lt3A_416, %add3A_414, %select_n3A_411 : vector<16xi1>, vector<16xi32>
      %add3A_418 = arith.constant 2 : i32
      %add3A_419 = vector.broadcast %add3A_418 : i32 to vector<16xi32>
      %add3A_420 = arith.addi %select_n3A_417, %add3A_419 : vector<16xi32>
      %gather3A_421 = tpu.vector_load_idx %arg11[%add3A_420] : memref<256xf32, #tpu.memory_space<vmem>>[vector<16xi32>], vector<16xf32>,
      %lt3A_422 = arith.cmpf olt, %gather3A_421, %get3A_374 : vector<16xf32>
      %select_n3A_423 = arith.select %lt3A_422, %add3A_420, %select_n3A_417 : vector<16xi1>, vector<16xi32>
      %add3A_424 = arith.constant 1 : i32
      %add3A_425 = vector.broadcast %add3A_424 : i32 to vector<16xi32>
      %add3A_426 = arith.addi %select_n3A_423, %add3A_425 : vector<16xi32>
      %gather3A_427 = tpu.vector_load_idx %arg11[%add3A_426] : memref<256xf32, #tpu.memory_space<vmem>>[vector<16xi32>], vector<16xf32>,
      %lt3A_428 = arith.cmpf olt, %gather3A_427, %get3A_374 : vector<16xf32>
      %select_n3A_429 = arith.select %lt3A_428, %add3A_426, %select_n3A_423 : vector<16xi1>, vector<16xi32>
      %gather3A_430 = tpu.vector_load_idx %arg13[%select_n3A_429] : memref<256xi32, #tpu.memory_space<vmem>>[vector<16xi32>], vector<16xi32>,
      %sub3A = arith.constant 1 : i32
      %sub3A_431 = vector.broadcast %sub3A : i32 to vector<16xi32>
      %sub3A_432 = arith.subi %gather3A_430, %sub3A_431 : vector<16xi32>
      %lt3A_433 = arith.constant 0 : i32
      %lt3A_434 = vector.broadcast %lt3A_433 : i32 to vector<16xi32>
      %lt3A_435 = arith.cmpi slt, %sub3A_432, %lt3A_434 : vector<16xi32>
      %add3A_436 = arith.constant 256 : i32
      %add3A_437 = vector.broadcast %add3A_436 : i32 to vector<16xi32>
      %add3A_438 = arith.addi %sub3A_432, %add3A_437 : vector<16xi32>
      %select_n3A_439 = arith.select %lt3A_435, %add3A_438, %sub3A_432 : vector<16xi1>, vector<16xi32>
      %gather3A_440 = tpu.vector_load_idx %arg10[%select_n3A_439] : memref<256xf32, #tpu.memory_space<vmem>>[vector<16xi32>], vector<16xf32>,
      %gather3A_441 = tpu.vector_load_idx %arg10[%gather3A_430] : memref<256xf32, #tpu.memory_space<vmem>>[vector<16xi32>], vector<16xf32>,
      %add3A_442 = arith.constant 512 : i32
      %add3A_443 = vector.broadcast %add3A_442 : i32 to vector<16xi32>
      %add3A_444 = arith.addi %sub3A_432, %add3A_443 : vector<16xi32>
      %select_n3A_445 = arith.select %lt3A_435, %add3A_444, %sub3A_432 : vector<16xi1>, vector<16xi32>
      %convert_element_type3A = arith.sitofp %select_n3A_445 : vector<16xi32> to vector<16xf32>
      %mul3A_446 = arith.constant 3.906250e-03 : f32
      %mul3A_447 = vector.broadcast %mul3A_446 : f32 to vector<16xf32>
      %mul3A_448 = arith.mulf %convert_element_type3A, %mul3A_447 : vector<16xf32>
      %sub3A_449 = arith.constant 1.000000e+00 : f32
      %sub3A_450 = vector.broadcast %sub3A_449 : f32 to vector<16xf32>
      %sub3A_451 = arith.subf %mul3A_448, %sub3A_450 : vector<16xf32>
      %convert_element_type3A_452 = arith.sitofp %gather3A_430 : vector<16xi32> to vector<16xf32>
      %mul3A_453 = arith.constant 3.906250e-03 : f32
      %mul3A_454 = vector.broadcast %mul3A_453 : f32 to vector<16xf32>
      %mul3A_455 = arith.mulf %convert_element_type3A_452, %mul3A_454 : vector<16xf32>
      %sub3A_456 = arith.constant 1.000000e+00 : f32
      %sub3A_457 = vector.broadcast %sub3A_456 : f32 to vector<16xf32>
      %sub3A_458 = arith.subf %mul3A_455, %sub3A_457 : vector<16xf32>
      %sub3A_459 = arith.subf %sub3A_458, %sub3A_451 : vector<16xf32>
      %sub3A_460 = arith.subf %get3A_374, %gather3A_440 : vector<16xf32>
      %mul3A_461 = arith.mulf %sub3A_459, %sub3A_460 : vector<16xf32>
      %sub3A_462 = arith.subf %gather3A_441, %gather3A_440 : vector<16xf32>
      %div3A = arith.divf %mul3A_461, %sub3A_462 : vector<16xf32>
      %add3A_463 = arith.addf %sub3A_451, %div3A : vector<16xf32>
      %le3A = arith.constant -1.000000e+00 : f32
      %le3A_464 = vector.broadcast %le3A : f32 to vector<16xf32>
      %le3A_465 = arith.cmpf ole, %get3A_374, %le3A_464 : vector<16xf32>
      %ge3A = arith.cmpf oge, %get3A_374, %gather3A : vector<16xf32>
      %jit3A = arith.constant 0.99609375 : f32
      %broadcast_in_dim3A = vector.broadcast %jit3A : f32 to vector<16xf32>
      %select_n3A_466 = arith.select %ge3A, %broadcast_in_dim3A, %add3A_463 : vector<16xi1>, vector<16xf32>
      %jit3A_467 = arith.constant -1.000000e+00 : f32
      %broadcast_in_dim3A_468 = vector.broadcast %jit3A_467 : f32 to vector<16xf32>
      %select_n3A_469 = arith.select %le3A_465, %broadcast_in_dim3A_468, %select_n3A_466 : vector<16xi1>, vector<16xf32>
      %mul3A_470 = arith.constant 16 : i32
      %mul3A_471 = arith.muli %scan3A_370, %mul3A_470 : i32
      %swap3A = arith.index_cast %mul3A_471 : i32 to index
      %swap3A_472 = tpu.vector_load %arg12[%swap3A] {strides = array<i32>} : memref<256xf32, #tpu.memory_space<vmem>>, vector<16xf32>,
      tpu.vector_store %arg12[%swap3A], %select_n3A_469 {strides = array<i32>} : memref<256xf32, #tpu.memory_space<vmem>>, vector<16xf32>,
    }
    %scan3A_184 = arith.constant 16 : i32
    %iota3A_185 = tpu.iota {dimensions = array<i32: 0>} : vector<16xi32>
    %mul3A_186 = arith.constant 0 : i32
    %mul3A_187 = vector.broadcast %mul3A_186 : i32 to vector<16xi32>
    %mul3A_188 = arith.muli %iota3A_185, %mul3A_187 : vector<16xi32>
    %scan3A_189 = arith.constant 0 : i32
    %scan3A_190 = arith.constant 16 : i32
    %scan3A_191 = arith.addi %scan3A_189, %scan3A_190 : i32
    %scan3A_192 = arith.constant 1 : i32
    %scan3A_193 = scf.for %scan3A_370 = %scan3A_189 to %scan3A_191 step %scan3A_192 iter_args(%scan3A_371 = %mul3A_188) -> (vector<16xi32>)  : i32 {
      %mul3A_372 = arith.constant 16 : i32
      %mul3A_373 = arith.muli %scan3A_370, %mul3A_372 : i32
      %add3A_374 = vector.broadcast %mul3A_373 : i32 to vector<16xi32>
      %add3A_375 = arith.addi %iota3A_185, %add3A_374 : vector<16xi32>
      %gather3A = tpu.vector_load_idx %arg9[%add3A_375] : memref<256xf32, #tpu.memory_space<vmem>>[vector<16xi32>], vector<16xf32>,
      %sub3A = arith.constant 1 : i32
      %sub3A_376 = vector.broadcast %sub3A : i32 to vector<16xi32>
      %sub3A_377 = arith.subi %add3A_375, %sub3A_376 : vector<16xi32>
      %max3A = arith.constant 0 : i32
      %max3A_378 = vector.broadcast %max3A : i32 to vector<16xi32>
      %max3A_379 = arith.maxsi %sub3A_377, %max3A_378 : vector<16xi32>
      %gather3A_380 = tpu.vector_load_idx %arg9[%max3A_379] : memref<256xf32, #tpu.memory_space<vmem>>[vector<16xi32>], vector<16xf32>,
      %add3A_381 = arith.addf %gather3A_380, %gather3A : vector<16xf32>
      %mul3A_382 = arith.constant 5.000000e-01 : f32
      %mul3A_383 = vector.broadcast %mul3A_382 : f32 to vector<16xf32>
      %mul3A_384 = arith.mulf %add3A_381, %mul3A_383 : vector<16xf32>
      %eq3A = arith.constant 0 : i32
      %eq3A_385 = vector.broadcast %eq3A : i32 to vector<16xi32>
      %eq3A_386 = arith.cmpi eq, %add3A_375, %eq3A_385 : vector<16xi32>
      %jit3A = arith.constant -3.000000e+38 : f32
      %broadcast_in_dim3A = vector.broadcast %jit3A : f32 to vector<16xf32>
      %select_n3A = arith.select %eq3A_386, %broadcast_in_dim3A, %mul3A_384 : vector<16xi1>, vector<16xf32>
      %mul3A_387 = arith.constant 16 : i32
      %mul3A_388 = arith.muli %scan3A_370, %mul3A_387 : i32
      %add3A_389 = arith.constant 256 : i32
      %add3A_390 = arith.addi %add3A_389, %mul3A_388 : i32
      %swap3A = arith.index_cast %add3A_390 : i32 to index
      %swap3A_391 = tpu.vector_load %arg7[%swap3A] {strides = array<i32>} : memref<3840xf32, #tpu.memory_space<vmem>>, vector<16xf32>,
      tpu.vector_store %arg7[%swap3A], %select_n3A {strides = array<i32>} : memref<3840xf32, #tpu.memory_space<vmem>>, vector<16xf32>,
      %ne3A = arith.cmpf one, %gather3A, %gather3A_380 : vector<16xf32>
      %jit3A_392 = arith.constant 0 : i32
      %broadcast_in_dim3A_393 = vector.broadcast %jit3A_392 : i32 to vector<16xi32>
      %select_n3A_394 = arith.select %ne3A, %add3A_375, %broadcast_in_dim3A_393 : vector<16xi1>, vector<16xi32>
      %broadcast_in_dim3A_395 = arith.constant true
      %broadcast_in_dim3A_396 = vector.broadcast %broadcast_in_dim3A_395 : i1 to vector<16xi1>
      %masked_cummax3A = arith.constant -2147483648 : i32
      %masked_cummax3A_397 = vector.broadcast %masked_cummax3A : i32 to vector<16xi32>
      %masked_cummax3A_398 = arith.xori %select_n3A_394, %masked_cummax3A_397 : vector<16xi32>
      %masked_cummax3A_399 = tpu.scan <max>, %masked_cummax3A_398 masked %broadcast_in_dim3A_396 : vector<16xi32>, vector<16xi1> -> vector<16xi32>
      %masked_cummax3A_400 = arith.xori %masked_cummax3A_399, %masked_cummax3A_397 : vector<16xi32>
      %max3A_401 = arith.maxsi %masked_cummax3A_400, %scan3A_371 : vector<16xi32>
      %mul3A_402 = arith.constant 16 : i32
      %mul3A_403 = arith.muli %scan3A_370, %mul3A_402 : i32
      %swap3A_404 = arith.index_cast %mul3A_403 : i32 to index
      %swap3A_405 = tpu.vector_load %arg13[%swap3A_404] {strides = array<i32>} : memref<256xi32, #tpu.memory_space<vmem>>, vector<16xi32>,
      tpu.vector_store %arg13[%swap3A_404], %max3A_401 {strides = array<i32>} : memref<256xi32, #tpu.memory_space<vmem>>, vector<16xi32>,
      %reduce_max3A = arith.constant true
      %reduce_max3A_406 = vector.broadcast %reduce_max3A : i1 to vector<16xi1>
      %reduce_max3A_407 = arith.constant -2147483648 : i32
      %reduce_max3A_408 = vector.broadcast %reduce_max3A_407 : i32 to vector<16xi32>
      %reduce_max3A_409 = arith.xori %max3A_401, %reduce_max3A_408 : vector<16xi32>
      %reduce_max3A_410 = tpu.scan <max>, %reduce_max3A_409 masked %reduce_max3A_406 : vector<16xi32>, vector<16xi1> -> vector<16xi32>
      %reduce_max3A_411 = arith.xori %reduce_max3A_410, %reduce_max3A_408 : vector<16xi32>
      %reduce_max3A_412 = vector.extract %reduce_max3A_411[15] : i32 from vector<16xi32>
      %add3A_413 = vector.broadcast %reduce_max3A_412 : i32 to vector<16xi32>
      %add3A_414 = arith.addi %mul3A_188, %add3A_413 : vector<16xi32>
      scf.yield %add3A_414 : vector<16xi32>
    }
    %scan3A_194 = arith.constant 16 : i32
    %scan3A_195 = arith.constant 0 : i32
    %scan3A_196 = arith.constant 16 : i32
    %scan3A_197 = arith.addi %scan3A_195, %scan3A_196 : i32
    %scan3A_198 = arith.constant 1 : i32
    scf.for %scan3A_370 = %scan3A_195 to %scan3A_197 step %scan3A_198  : i32 {
      %mul3A_371 = arith.constant 16 : i32
      %mul3A_372 = arith.muli %scan3A_370, %mul3A_371 : i32
      %add3A_373 = vector.broadcast %mul3A_372 : i32 to vector<16xi32>
      %add3A_374 = arith.addi %iota3A, %add3A_373 : vector<16xi32>
      %gather3A = tpu.vector_load_idx %arg13[%add3A_374] : memref<256xi32, #tpu.memory_space<vmem>>[vector<16xi32>], vector<16xi32>,
      %sub3A = arith.constant 1 : i32
      %sub3A_375 = vector.broadcast %sub3A : i32 to vector<16xi32>
      %sub3A_376 = arith.subi %gather3A, %sub3A_375 : vector<16xi32>
      %lt3A = arith.constant 0 : i32
      %lt3A_377 = vector.broadcast %lt3A : i32 to vector<16xi32>
      %lt3A_378 = arith.cmpi slt, %sub3A_376, %lt3A_377 : vector<16xi32>
      %add3A_379 = arith.constant 256 : i32
      %add3A_380 = vector.broadcast %add3A_379 : i32 to vector<16xi32>
      %add3A_381 = arith.addi %sub3A_376, %add3A_380 : vector<16xi32>
      %select_n3A = arith.select %lt3A_378, %add3A_381, %sub3A_376 : vector<16xi1>, vector<16xi32>
      %gather3A_382 = tpu.vector_load_idx %arg9[%select_n3A] : memref<256xf32, #tpu.memory_space<vmem>>[vector<16xi32>], vector<16xf32>,
      %gather3A_383 = tpu.vector_load_idx %arg9[%gather3A] : memref<256xf32, #tpu.memory_space<vmem>>[vector<16xi32>], vector<16xf32>,
      %gather3A_384 = tpu.vector_load_idx %arg12[%select_n3A] : memref<256xf32, #tpu.memory_space<vmem>>[vector<16xi32>], vector<16xf32>,
      %gather3A_385 = tpu.vector_load_idx %arg12[%gather3A] : memref<256xf32, #tpu.memory_space<vmem>>[vector<16xi32>], vector<16xf32>,
      %sub3A_386 = arith.subf %gather3A_385, %gather3A_384 : vector<16xf32>
      %sub3A_387 = arith.subf %gather3A_383, %gather3A_382 : vector<16xf32>
      %div3A = arith.divf %sub3A_386, %sub3A_387 : vector<16xf32>
      %mul3A_388 = arith.mulf %div3A, %gather3A_382 : vector<16xf32>
      %sub3A_389 = arith.subf %gather3A_384, %mul3A_388 : vector<16xf32>
      %mul3A_390 = arith.constant 16 : i32
      %mul3A_391 = arith.muli %scan3A_370, %mul3A_390 : i32
      %add3A_392 = arith.constant 1024 : i32
      %add3A_393 = arith.addi %add3A_392, %mul3A_391 : i32
      %swap3A = arith.index_cast %add3A_393 : i32 to index
      %swap3A_394 = tpu.vector_load %arg7[%swap3A] {strides = array<i32>} : memref<3840xf32, #tpu.memory_space<vmem>>, vector<16xf32>,
      tpu.vector_store %arg7[%swap3A], %sub3A_389 {strides = array<i32>} : memref<3840xf32, #tpu.memory_space<vmem>>, vector<16xf32>,
      %mul3A_395 = arith.constant 16 : i32
      %mul3A_396 = arith.muli %scan3A_370, %mul3A_395 : i32
      %add3A_397 = arith.constant 1792 : i32
      %add3A_398 = arith.addi %add3A_397, %mul3A_396 : i32
      %swap3A_399 = arith.index_cast %add3A_398 : i32 to index
      %swap3A_400 = tpu.vector_load %arg7[%swap3A_399] {strides = array<i32>} : memref<3840xf32, #tpu.memory_space<vmem>>, vector<16xf32>,
      tpu.vector_store %arg7[%swap3A_399], %div3A {strides = array<i32>} : memref<3840xf32, #tpu.memory_space<vmem>>, vector<16xf32>,
    }
    %scan3A_199 = arith.constant 16 : i32
    %scan3A_200 = arith.constant 0 : i32
    %scan3A_201 = arith.constant 16 : i32
    %scan3A_202 = arith.addi %scan3A_200, %scan3A_201 : i32
    %scan3A_203 = arith.constant 1 : i32
    scf.for %scan3A_370 = %scan3A_200 to %scan3A_202 step %scan3A_203  : i32 {
      %mul3A_371 = arith.constant 0 : i32
      %mul3A_372 = vector.broadcast %mul3A_371 : i32 to vector<16xi32>
      %mul3A_373 = arith.muli %iota3A, %mul3A_372 : vector<16xi32>
      %add3A_374 = arith.constant 255 : i32
      %add3A_375 = vector.broadcast %add3A_374 : i32 to vector<16xi32>
      %add3A_376 = arith.addi %mul3A_373, %add3A_375 : vector<16xi32>
      %gather3A = tpu.vector_load_idx %arg9[%add3A_376] : memref<256xf32, #tpu.memory_space<vmem>>[vector<16xi32>], vector<16xf32>,
      %mul3A_377 = arith.constant 0 : i32
      %mul3A_378 = vector.broadcast %mul3A_377 : i32 to vector<16xi32>
      %mul3A_379 = arith.muli %iota3A, %mul3A_378 : vector<16xi32>
      %add3A_380 = arith.constant 255 : i32
      %add3A_381 = vector.broadcast %add3A_380 : i32 to vector<16xi32>
      %add3A_382 = arith.addi %mul3A_379, %add3A_381 : vector<16xi32>
      %gather3A_383 = tpu.vector_load_idx %arg12[%add3A_382] : memref<256xf32, #tpu.memory_space<vmem>>[vector<16xi32>], vector<16xf32>,
      %mul3A_384 = arith.constant 16 : i32
      %mul3A_385 = arith.muli %scan3A_370, %mul3A_384 : i32
      %add3A_386 = arith.constant 2560 : i32
      %add3A_387 = arith.addi %add3A_386, %mul3A_385 : i32
      %swap3A = arith.index_cast %add3A_387 : i32 to index
      %swap3A_388 = tpu.vector_load %arg7[%swap3A] {strides = array<i32>} : memref<3840xf32, #tpu.memory_space<vmem>>, vector<16xf32>,
      tpu.vector_store %arg7[%swap3A], %gather3A {strides = array<i32>} : memref<3840xf32, #tpu.memory_space<vmem>>, vector<16xf32>,
      %mul3A_389 = arith.constant 16 : i32
      %mul3A_390 = arith.muli %scan3A_370, %mul3A_389 : i32
      %add3A_391 = arith.constant 3328 : i32
      %add3A_392 = arith.addi %add3A_391, %mul3A_390 : i32
      %swap3A_393 = arith.index_cast %add3A_392 : i32 to index
      %swap3A_394 = tpu.vector_load %arg7[%swap3A_393] {strides = array<i32>} : memref<3840xf32, #tpu.memory_space<vmem>>, vector<16xf32>,
      tpu.vector_store %arg7[%swap3A_393], %gather3A_383 {strides = array<i32>} : memref<3840xf32, #tpu.memory_space<vmem>>, vector<16xf32>,
    }
    %scan3A_204 = arith.constant 16 : i32
    %iota3A_205 = tpu.iota {dimensions = array<i32: 0>} : vector<16xi32>
    %mul3A_206 = arith.constant 0 : i32
    %mul3A_207 = vector.broadcast %mul3A_206 : i32 to vector<16xi32>
    %mul3A_208 = arith.muli %iota3A_205, %mul3A_207 : vector<16xi32>
    %scan3A_209 = arith.constant 0 : i32
    %scan3A_210 = arith.constant 16 : i32
    %scan3A_211 = arith.addi %scan3A_209, %scan3A_210 : i32
    %scan3A_212 = arith.constant 1 : i32
    %scan3A_213 = scf.for %scan3A_370 = %scan3A_209 to %scan3A_211 step %scan3A_212 iter_args(%scan3A_371 = %mul3A_208) -> (vector<16xi32>)  : i32 {
      %mul3A_372 = arith.constant 16 : i32
      %mul3A_373 = arith.muli %scan3A_370, %mul3A_372 : i32
      %add3A_374 = arith.constant 512 : i32
      %add3A_375 = arith.addi %add3A_374, %mul3A_373 : i32
      %get3A_376 = arith.index_cast %add3A_375 : i32 to index
      %get3A_377 = tpu.vector_load %arg6[%get3A_376] {strides = array<i32>} : memref<49152xi32, #tpu.memory_space<vmem>>, vector<16xi32>,
      %broadcast_in_dim3A = arith.constant true
      %broadcast_in_dim3A_378 = vector.broadcast %broadcast_in_dim3A : i1 to vector<16xi1>
      %masked_cumsum3A = tpu.scan <sum>, %get3A_377 masked %broadcast_in_dim3A_378 : vector<16xi32>, vector<16xi1> -> vector<16xi32>
      %add3A_379 = arith.addi %masked_cumsum3A, %scan3A_371 : vector<16xi32>
      %mul3A_380 = arith.constant 16 : i32
      %mul3A_381 = arith.muli %scan3A_370, %mul3A_380 : i32
      %swap3A = arith.index_cast %mul3A_381 : i32 to index
      %swap3A_382 = tpu.vector_load %arg8[%swap3A] {strides = array<i32>} : memref<256xi32, #tpu.memory_space<vmem>>, vector<16xi32>,
      tpu.vector_store %arg8[%swap3A], %add3A_379 {strides = array<i32>} : memref<256xi32, #tpu.memory_space<vmem>>, vector<16xi32>,
      %reduce_max3A = arith.constant true
      %reduce_max3A_383 = vector.broadcast %reduce_max3A : i1 to vector<16xi1>
      %reduce_max3A_384 = arith.constant -2147483648 : i32
      %reduce_max3A_385 = vector.broadcast %reduce_max3A_384 : i32 to vector<16xi32>
      %reduce_max3A_386 = arith.xori %add3A_379, %reduce_max3A_385 : vector<16xi32>
      %reduce_max3A_387 = tpu.scan <max>, %reduce_max3A_386 masked %reduce_max3A_383 : vector<16xi32>, vector<16xi1> -> vector<16xi32>
      %reduce_max3A_388 = arith.xori %reduce_max3A_387, %reduce_max3A_385 : vector<16xi32>
      %reduce_max3A_389 = vector.extract %reduce_max3A_388[15] : i32 from vector<16xi32>
      %add3A_390 = vector.broadcast %reduce_max3A_389 : i32 to vector<16xi32>
      %add3A_391 = arith.addi %mul3A_208, %add3A_390 : vector<16xi32>
      scf.yield %add3A_391 : vector<16xi32>
    }
    %scan3A_214 = arith.constant 16 : i32
    %get3A_215 = arith.constant 0 : index
    %get3A_216 = tpu.vector_load %arg8[%get3A_215] {strides = array<i32>} : memref<256xi32, #tpu.memory_space<vmem>>, vector<16xi32>,
    %reduce_min3A_217 = arith.constant true
    %reduce_min3A_218 = vector.broadcast %reduce_min3A_217 : i1 to vector<16xi1>
    %reduce_min3A_219 = arith.constant -2147483648 : i32
    %reduce_min3A_220 = vector.broadcast %reduce_min3A_219 : i32 to vector<16xi32>
    %reduce_min3A_221 = arith.xori %get3A_216, %reduce_min3A_220 : vector<16xi32>
    %reduce_min3A_222 = tpu.scan <min>, %reduce_min3A_221 masked %reduce_min3A_218 : vector<16xi32>, vector<16xi1> -> vector<16xi32>
    %reduce_min3A_223 = arith.xori %reduce_min3A_222, %reduce_min3A_220 : vector<16xi32>
    %reduce_min3A_224 = vector.extract %reduce_min3A_223[15] : i32 from vector<16xi32>
    %scan3A_225 = arith.constant 0 : i32
    %scan3A_226 = arith.constant 16 : i32
    %scan3A_227 = arith.addi %scan3A_225, %scan3A_226 : i32
    %scan3A_228 = arith.constant 1 : i32
    scf.for %scan3A_370 = %scan3A_225 to %scan3A_227 step %scan3A_228  : i32 {
      %mul3A_371 = arith.constant 16 : i32
      %mul3A_372 = arith.muli %scan3A_370, %mul3A_371 : i32
      %get3A_373 = arith.index_cast %mul3A_372 : i32 to index
      %get3A_374 = tpu.vector_load %arg8[%get3A_373] {strides = array<i32>} : memref<256xi32, #tpu.memory_space<vmem>>, vector<16xi32>,
      %sub3A = vector.broadcast %reduce_min3A_224 : i32 to vector<16xi32>
      %sub3A_375 = arith.subi %get3A_374, %sub3A : vector<16xi32>
      %convert_element_type3A = arith.sitofp %sub3A_375 : vector<16xi32> to vector<16xf32>
      %mul3A_376 = arith.constant 2.000000e+00 : f32
      %mul3A_377 = vector.broadcast %mul3A_376 : f32 to vector<16xf32>
      %mul3A_378 = arith.mulf %convert_element_type3A, %mul3A_377 : vector<16xf32>
      %div3A = arith.constant 2.621430e+05 : f32
      %div3A_379 = vector.broadcast %div3A : f32 to vector<16xf32>
      %div3A_380 = arith.divf %mul3A_378, %div3A_379 : vector<16xf32>
      %sub3A_381 = arith.constant 1.000000e+00 : f32
      %sub3A_382 = vector.broadcast %sub3A_381 : f32 to vector<16xf32>
      %sub3A_383 = arith.subf %div3A_380, %sub3A_382 : vector<16xf32>
      %mul3A_384 = arith.constant 16 : i32
      %mul3A_385 = arith.muli %scan3A_370, %mul3A_384 : i32
      %swap3A = arith.index_cast %mul3A_385 : i32 to index
      %swap3A_386 = tpu.vector_load %arg9[%swap3A] {strides = array<i32>} : memref<256xf32, #tpu.memory_space<vmem>>, vector<16xf32>,
      tpu.vector_store %arg9[%swap3A], %sub3A_383 {strides = array<i32>} : memref<256xf32, #tpu.memory_space<vmem>>, vector<16xf32>,
    }
    %scan3A_229 = arith.constant 16 : i32
    %iota3A_230 = tpu.iota {dimensions = array<i32: 0>} : vector<16xi32>
    %mul3A_231 = arith.constant 0 : i32
    %mul3A_232 = vector.broadcast %mul3A_231 : i32 to vector<16xi32>
    %mul3A_233 = arith.muli %iota3A_230, %mul3A_232 : vector<16xi32>
    %scan3A_234 = arith.constant 0 : i32
    %scan3A_235 = arith.constant 16 : i32
    %scan3A_236 = arith.addi %scan3A_234, %scan3A_235 : i32
    %scan3A_237 = arith.constant 1 : i32
    %scan3A_238 = scf.for %scan3A_370 = %scan3A_234 to %scan3A_236 step %scan3A_237 iter_args(%scan3A_371 = %mul3A_233) -> (vector<16xi32>)  : i32 {
      %mul3A_372 = arith.constant 16 : i32
      %mul3A_373 = arith.muli %scan3A_370, %mul3A_372 : i32
      %add3A_374 = arith.constant 1280 : i32
      %add3A_375 = arith.addi %add3A_374, %mul3A_373 : i32
      %get3A_376 = arith.index_cast %add3A_375 : i32 to index
      %get3A_377 = tpu.vector_load %arg6[%get3A_376] {strides = array<i32>} : memref<49152xi32, #tpu.memory_space<vmem>>, vector<16xi32>,
      %broadcast_in_dim3A = arith.constant true
      %broadcast_in_dim3A_378 = vector.broadcast %broadcast_in_dim3A : i1 to vector<16xi1>
      %masked_cumsum3A = tpu.scan <sum>, %get3A_377 masked %broadcast_in_dim3A_378 : vector<16xi32>, vector<16xi1> -> vector<16xi32>
      %add3A_379 = arith.addi %masked_cumsum3A, %scan3A_371 : vector<16xi32>
      %mul3A_380 = arith.constant 16 : i32
      %mul3A_381 = arith.muli %scan3A_370, %mul3A_380 : i32
      %swap3A = arith.index_cast %mul3A_381 : i32 to index
      %swap3A_382 = tpu.vector_load %arg8[%swap3A] {strides = array<i32>} : memref<256xi32, #tpu.memory_space<vmem>>, vector<16xi32>,
      tpu.vector_store %arg8[%swap3A], %add3A_379 {strides = array<i32>} : memref<256xi32, #tpu.memory_space<vmem>>, vector<16xi32>,
      %reduce_max3A = arith.constant true
      %reduce_max3A_383 = vector.broadcast %reduce_max3A : i1 to vector<16xi1>
      %reduce_max3A_384 = arith.constant -2147483648 : i32
      %reduce_max3A_385 = vector.broadcast %reduce_max3A_384 : i32 to vector<16xi32>
      %reduce_max3A_386 = arith.xori %add3A_379, %reduce_max3A_385 : vector<16xi32>
      %reduce_max3A_387 = tpu.scan <max>, %reduce_max3A_386 masked %reduce_max3A_383 : vector<16xi32>, vector<16xi1> -> vector<16xi32>
      %reduce_max3A_388 = arith.xori %reduce_max3A_387, %reduce_max3A_385 : vector<16xi32>
      %reduce_max3A_389 = vector.extract %reduce_max3A_388[15] : i32 from vector<16xi32>
      %add3A_390 = vector.broadcast %reduce_max3A_389 : i32 to vector<16xi32>
      %add3A_391 = arith.addi %mul3A_233, %add3A_390 : vector<16xi32>
      scf.yield %add3A_391 : vector<16xi32>
    }
    %scan3A_239 = arith.constant 16 : i32
    %get3A_240 = arith.constant 0 : index
    %get3A_241 = tpu.vector_load %arg8[%get3A_240] {strides = array<i32>} : memref<256xi32, #tpu.memory_space<vmem>>, vector<16xi32>,
    %reduce_min3A_242 = arith.constant true
    %reduce_min3A_243 = vector.broadcast %reduce_min3A_242 : i1 to vector<16xi1>
    %reduce_min3A_244 = arith.constant -2147483648 : i32
    %reduce_min3A_245 = vector.broadcast %reduce_min3A_244 : i32 to vector<16xi32>
    %reduce_min3A_246 = arith.xori %get3A_241, %reduce_min3A_245 : vector<16xi32>
    %reduce_min3A_247 = tpu.scan <min>, %reduce_min3A_246 masked %reduce_min3A_243 : vector<16xi32>, vector<16xi1> -> vector<16xi32>
    %reduce_min3A_248 = arith.xori %reduce_min3A_247, %reduce_min3A_245 : vector<16xi32>
    %reduce_min3A_249 = vector.extract %reduce_min3A_248[15] : i32 from vector<16xi32>
    %scan3A_250 = arith.constant 0 : i32
    %scan3A_251 = arith.constant 16 : i32
    %scan3A_252 = arith.addi %scan3A_250, %scan3A_251 : i32
    %scan3A_253 = arith.constant 1 : i32
    scf.for %scan3A_370 = %scan3A_250 to %scan3A_252 step %scan3A_253  : i32 {
      %mul3A_371 = arith.constant 16 : i32
      %mul3A_372 = arith.muli %scan3A_370, %mul3A_371 : i32
      %get3A_373 = arith.index_cast %mul3A_372 : i32 to index
      %get3A_374 = tpu.vector_load %arg8[%get3A_373] {strides = array<i32>} : memref<256xi32, #tpu.memory_space<vmem>>, vector<16xi32>,
      %sub3A = vector.broadcast %reduce_min3A_249 : i32 to vector<16xi32>
      %sub3A_375 = arith.subi %get3A_374, %sub3A : vector<16xi32>
      %convert_element_type3A = arith.sitofp %sub3A_375 : vector<16xi32> to vector<16xf32>
      %mul3A_376 = arith.constant 2.000000e+00 : f32
      %mul3A_377 = vector.broadcast %mul3A_376 : f32 to vector<16xf32>
      %mul3A_378 = arith.mulf %convert_element_type3A, %mul3A_377 : vector<16xf32>
      %div3A = arith.constant 2.621430e+05 : f32
      %div3A_379 = vector.broadcast %div3A : f32 to vector<16xf32>
      %div3A_380 = arith.divf %mul3A_378, %div3A_379 : vector<16xf32>
      %sub3A_381 = arith.constant 1.000000e+00 : f32
      %sub3A_382 = vector.broadcast %sub3A_381 : f32 to vector<16xf32>
      %sub3A_383 = arith.subf %div3A_380, %sub3A_382 : vector<16xf32>
      %mul3A_384 = arith.constant 16 : i32
      %mul3A_385 = arith.muli %scan3A_370, %mul3A_384 : i32
      %swap3A = arith.index_cast %mul3A_385 : i32 to index
      %swap3A_386 = tpu.vector_load %arg10[%swap3A] {strides = array<i32>} : memref<256xf32, #tpu.memory_space<vmem>>, vector<16xf32>,
      tpu.vector_store %arg10[%swap3A], %sub3A_383 {strides = array<i32>} : memref<256xf32, #tpu.memory_space<vmem>>, vector<16xf32>,
    }
    %scan3A_254 = arith.constant 16 : i32
    %iota3A_255 = tpu.iota {dimensions = array<i32: 0>} : vector<16xi32>
    %mul3A_256 = arith.constant 0 : i32
    %mul3A_257 = vector.broadcast %mul3A_256 : i32 to vector<16xi32>
    %mul3A_258 = arith.muli %iota3A_255, %mul3A_257 : vector<16xi32>
    %scan3A_259 = arith.constant 0 : i32
    %scan3A_260 = arith.constant 16 : i32
    %scan3A_261 = arith.addi %scan3A_259, %scan3A_260 : i32
    %scan3A_262 = arith.constant 1 : i32
    %scan3A_263 = scf.for %scan3A_370 = %scan3A_259 to %scan3A_261 step %scan3A_262 iter_args(%scan3A_371 = %mul3A_258) -> (vector<16xi32>)  : i32 {
      %mul3A_372 = arith.constant 16 : i32
      %mul3A_373 = arith.muli %scan3A_370, %mul3A_372 : i32
      %add3A_374 = vector.broadcast %mul3A_373 : i32 to vector<16xi32>
      %add3A_375 = arith.addi %iota3A_255, %add3A_374 : vector<16xi32>
      %gather3A = tpu.vector_load_idx %arg10[%add3A_375] : memref<256xf32, #tpu.memory_space<vmem>>[vector<16xi32>], vector<16xf32>,
      %sub3A = arith.constant 1 : i32
      %sub3A_376 = vector.broadcast %sub3A : i32 to vector<16xi32>
      %sub3A_377 = arith.subi %add3A_375, %sub3A_376 : vector<16xi32>
      %max3A = arith.constant 0 : i32
      %max3A_378 = vector.broadcast %max3A : i32 to vector<16xi32>
      %max3A_379 = arith.maxsi %sub3A_377, %max3A_378 : vector<16xi32>
      %gather3A_380 = tpu.vector_load_idx %arg10[%max3A_379] : memref<256xf32, #tpu.memory_space<vmem>>[vector<16xi32>], vector<16xf32>,
      %add3A_381 = arith.addf %gather3A_380, %gather3A : vector<16xf32>
      %mul3A_382 = arith.constant 5.000000e-01 : f32
      %mul3A_383 = vector.broadcast %mul3A_382 : f32 to vector<16xf32>
      %mul3A_384 = arith.mulf %add3A_381, %mul3A_383 : vector<16xf32>
      %eq3A = arith.constant 0 : i32
      %eq3A_385 = vector.broadcast %eq3A : i32 to vector<16xi32>
      %eq3A_386 = arith.cmpi eq, %add3A_375, %eq3A_385 : vector<16xi32>
      %jit3A = arith.constant -3.000000e+38 : f32
      %broadcast_in_dim3A = vector.broadcast %jit3A : f32 to vector<16xf32>
      %select_n3A = arith.select %eq3A_386, %broadcast_in_dim3A, %mul3A_384 : vector<16xi1>, vector<16xf32>
      %mul3A_387 = arith.constant 16 : i32
      %mul3A_388 = arith.muli %scan3A_370, %mul3A_387 : i32
      %add3A_389 = arith.constant 0 : i32
      %add3A_390 = arith.addi %add3A_389, %mul3A_388 : i32
      %swap3A = arith.index_cast %add3A_390 : i32 to index
      %swap3A_391 = tpu.vector_load %arg11[%swap3A] {strides = array<i32>} : memref<256xf32, #tpu.memory_space<vmem>>, vector<16xf32>,
      tpu.vector_store %arg11[%swap3A], %select_n3A {strides = array<i32>} : memref<256xf32, #tpu.memory_space<vmem>>, vector<16xf32>,
      %ne3A = arith.cmpf one, %gather3A, %gather3A_380 : vector<16xf32>
      %jit3A_392 = arith.constant 0 : i32
      %broadcast_in_dim3A_393 = vector.broadcast %jit3A_392 : i32 to vector<16xi32>
      %select_n3A_394 = arith.select %ne3A, %add3A_375, %broadcast_in_dim3A_393 : vector<16xi1>, vector<16xi32>
      %broadcast_in_dim3A_395 = arith.constant true
      %broadcast_in_dim3A_396 = vector.broadcast %broadcast_in_dim3A_395 : i1 to vector<16xi1>
      %masked_cummax3A = arith.constant -2147483648 : i32
      %masked_cummax3A_397 = vector.broadcast %masked_cummax3A : i32 to vector<16xi32>
      %masked_cummax3A_398 = arith.xori %select_n3A_394, %masked_cummax3A_397 : vector<16xi32>
      %masked_cummax3A_399 = tpu.scan <max>, %masked_cummax3A_398 masked %broadcast_in_dim3A_396 : vector<16xi32>, vector<16xi1> -> vector<16xi32>
      %masked_cummax3A_400 = arith.xori %masked_cummax3A_399, %masked_cummax3A_397 : vector<16xi32>
      %max3A_401 = arith.maxsi %masked_cummax3A_400, %scan3A_371 : vector<16xi32>
      %mul3A_402 = arith.constant 16 : i32
      %mul3A_403 = arith.muli %scan3A_370, %mul3A_402 : i32
      %swap3A_404 = arith.index_cast %mul3A_403 : i32 to index
      %swap3A_405 = tpu.vector_load %arg13[%swap3A_404] {strides = array<i32>} : memref<256xi32, #tpu.memory_space<vmem>>, vector<16xi32>,
      tpu.vector_store %arg13[%swap3A_404], %max3A_401 {strides = array<i32>} : memref<256xi32, #tpu.memory_space<vmem>>, vector<16xi32>,
      %reduce_max3A = arith.constant true
      %reduce_max3A_406 = vector.broadcast %reduce_max3A : i1 to vector<16xi1>
      %reduce_max3A_407 = arith.constant -2147483648 : i32
      %reduce_max3A_408 = vector.broadcast %reduce_max3A_407 : i32 to vector<16xi32>
      %reduce_max3A_409 = arith.xori %max3A_401, %reduce_max3A_408 : vector<16xi32>
      %reduce_max3A_410 = tpu.scan <max>, %reduce_max3A_409 masked %reduce_max3A_406 : vector<16xi32>, vector<16xi1> -> vector<16xi32>
      %reduce_max3A_411 = arith.xori %reduce_max3A_410, %reduce_max3A_408 : vector<16xi32>
      %reduce_max3A_412 = vector.extract %reduce_max3A_411[15] : i32 from vector<16xi32>
      %add3A_413 = vector.broadcast %reduce_max3A_412 : i32 to vector<16xi32>
      %add3A_414 = arith.addi %mul3A_258, %add3A_413 : vector<16xi32>
      scf.yield %add3A_414 : vector<16xi32>
    }
    %scan3A_264 = arith.constant 16 : i32
    %scan3A_265 = arith.constant 0 : i32
    %scan3A_266 = arith.constant 16 : i32
    %scan3A_267 = arith.addi %scan3A_265, %scan3A_266 : i32
    %scan3A_268 = arith.constant 1 : i32
    scf.for %scan3A_370 = %scan3A_265 to %scan3A_267 step %scan3A_268  : i32 {
      %mul3A_371 = arith.constant 16 : i32
      %mul3A_372 = arith.muli %scan3A_370, %mul3A_371 : i32
      %get3A_373 = arith.index_cast %mul3A_372 : i32 to index
      %get3A_374 = tpu.vector_load %arg9[%get3A_373] {strides = array<i32>} : memref<256xf32, #tpu.memory_space<vmem>>, vector<16xf32>,
      %mul3A_375 = arith.constant 0 : i32
      %mul3A_376 = vector.broadcast %mul3A_375 : i32 to vector<16xi32>
      %mul3A_377 = arith.muli %iota3A, %mul3A_376 : vector<16xi32>
      %add3A_378 = arith.constant 255 : i32
      %add3A_379 = vector.broadcast %add3A_378 : i32 to vector<16xi32>
      %add3A_380 = arith.addi %mul3A_377, %add3A_379 : vector<16xi32>
      %gather3A = tpu.vector_load_idx %arg10[%add3A_380] : memref<256xf32, #tpu.memory_space<vmem>>[vector<16xi32>], vector<16xf32>,
      %mul3A_381 = arith.constant 0 : i32
      %mul3A_382 = vector.broadcast %mul3A_381 : i32 to vector<16xi32>
      %mul3A_383 = arith.muli %iota3A, %mul3A_382 : vector<16xi32>
      %add3A_384 = arith.constant 128 : i32
      %add3A_385 = vector.broadcast %add3A_384 : i32 to vector<16xi32>
      %add3A_386 = arith.addi %mul3A_383, %add3A_385 : vector<16xi32>
      %gather3A_387 = tpu.vector_load_idx %arg11[%add3A_386] : memref<256xf32, #tpu.memory_space<vmem>>[vector<16xi32>], vector<16xf32>,
      %lt3A = arith.cmpf olt, %gather3A_387, %get3A_374 : vector<16xf32>
      %select_n3A = arith.select %lt3A, %add3A_386, %mul3A_383 : vector<16xi1>, vector<16xi32>
      %add3A_388 = arith.constant 64 : i32
      %add3A_389 = vector.broadcast %add3A_388 : i32 to vector<16xi32>
      %add3A_390 = arith.addi %select_n3A, %add3A_389 : vector<16xi32>
      %gather3A_391 = tpu.vector_load_idx %arg11[%add3A_390] : memref<256xf32, #tpu.memory_space<vmem>>[vector<16xi32>], vector<16xf32>,
      %lt3A_392 = arith.cmpf olt, %gather3A_391, %get3A_374 : vector<16xf32>
      %select_n3A_393 = arith.select %lt3A_392, %add3A_390, %select_n3A : vector<16xi1>, vector<16xi32>
      %add3A_394 = arith.constant 32 : i32
      %add3A_395 = vector.broadcast %add3A_394 : i32 to vector<16xi32>
      %add3A_396 = arith.addi %select_n3A_393, %add3A_395 : vector<16xi32>
      %gather3A_397 = tpu.vector_load_idx %arg11[%add3A_396] : memref<256xf32, #tpu.memory_space<vmem>>[vector<16xi32>], vector<16xf32>,
      %lt3A_398 = arith.cmpf olt, %gather3A_397, %get3A_374 : vector<16xf32>
      %select_n3A_399 = arith.select %lt3A_398, %add3A_396, %select_n3A_393 : vector<16xi1>, vector<16xi32>
      %add3A_400 = arith.constant 16 : i32
      %add3A_401 = vector.broadcast %add3A_400 : i32 to vector<16xi32>
      %add3A_402 = arith.addi %select_n3A_399, %add3A_401 : vector<16xi32>
      %gather3A_403 = tpu.vector_load_idx %arg11[%add3A_402] : memref<256xf32, #tpu.memory_space<vmem>>[vector<16xi32>], vector<16xf32>,
      %lt3A_404 = arith.cmpf olt, %gather3A_403, %get3A_374 : vector<16xf32>
      %select_n3A_405 = arith.select %lt3A_404, %add3A_402, %select_n3A_399 : vector<16xi1>, vector<16xi32>
      %add3A_406 = arith.constant 8 : i32
      %add3A_407 = vector.broadcast %add3A_406 : i32 to vector<16xi32>
      %add3A_408 = arith.addi %select_n3A_405, %add3A_407 : vector<16xi32>
      %gather3A_409 = tpu.vector_load_idx %arg11[%add3A_408] : memref<256xf32, #tpu.memory_space<vmem>>[vector<16xi32>], vector<16xf32>,
      %lt3A_410 = arith.cmpf olt, %gather3A_409, %get3A_374 : vector<16xf32>
      %select_n3A_411 = arith.select %lt3A_410, %add3A_408, %select_n3A_405 : vector<16xi1>, vector<16xi32>
      %add3A_412 = arith.constant 4 : i32
      %add3A_413 = vector.broadcast %add3A_412 : i32 to vector<16xi32>
      %add3A_414 = arith.addi %select_n3A_411, %add3A_413 : vector<16xi32>
      %gather3A_415 = tpu.vector_load_idx %arg11[%add3A_414] : memref<256xf32, #tpu.memory_space<vmem>>[vector<16xi32>], vector<16xf32>,
      %lt3A_416 = arith.cmpf olt, %gather3A_415, %get3A_374 : vector<16xf32>
      %select_n3A_417 = arith.select %lt3A_416, %add3A_414, %select_n3A_411 : vector<16xi1>, vector<16xi32>
      %add3A_418 = arith.constant 2 : i32
      %add3A_419 = vector.broadcast %add3A_418 : i32 to vector<16xi32>
      %add3A_420 = arith.addi %select_n3A_417, %add3A_419 : vector<16xi32>
      %gather3A_421 = tpu.vector_load_idx %arg11[%add3A_420] : memref<256xf32, #tpu.memory_space<vmem>>[vector<16xi32>], vector<16xf32>,
      %lt3A_422 = arith.cmpf olt, %gather3A_421, %get3A_374 : vector<16xf32>
      %select_n3A_423 = arith.select %lt3A_422, %add3A_420, %select_n3A_417 : vector<16xi1>, vector<16xi32>
      %add3A_424 = arith.constant 1 : i32
      %add3A_425 = vector.broadcast %add3A_424 : i32 to vector<16xi32>
      %add3A_426 = arith.addi %select_n3A_423, %add3A_425 : vector<16xi32>
      %gather3A_427 = tpu.vector_load_idx %arg11[%add3A_426] : memref<256xf32, #tpu.memory_space<vmem>>[vector<16xi32>], vector<16xf32>,
      %lt3A_428 = arith.cmpf olt, %gather3A_427, %get3A_374 : vector<16xf32>
      %select_n3A_429 = arith.select %lt3A_428, %add3A_426, %select_n3A_423 : vector<16xi1>, vector<16xi32>
      %gather3A_430 = tpu.vector_load_idx %arg13[%select_n3A_429] : memref<256xi32, #tpu.memory_space<vmem>>[vector<16xi32>], vector<16xi32>,
      %sub3A = arith.constant 1 : i32
      %sub3A_431 = vector.broadcast %sub3A : i32 to vector<16xi32>
      %sub3A_432 = arith.subi %gather3A_430, %sub3A_431 : vector<16xi32>
      %lt3A_433 = arith.constant 0 : i32
      %lt3A_434 = vector.broadcast %lt3A_433 : i32 to vector<16xi32>
      %lt3A_435 = arith.cmpi slt, %sub3A_432, %lt3A_434 : vector<16xi32>
      %add3A_436 = arith.constant 256 : i32
      %add3A_437 = vector.broadcast %add3A_436 : i32 to vector<16xi32>
      %add3A_438 = arith.addi %sub3A_432, %add3A_437 : vector<16xi32>
      %select_n3A_439 = arith.select %lt3A_435, %add3A_438, %sub3A_432 : vector<16xi1>, vector<16xi32>
      %gather3A_440 = tpu.vector_load_idx %arg10[%select_n3A_439] : memref<256xf32, #tpu.memory_space<vmem>>[vector<16xi32>], vector<16xf32>,
      %gather3A_441 = tpu.vector_load_idx %arg10[%gather3A_430] : memref<256xf32, #tpu.memory_space<vmem>>[vector<16xi32>], vector<16xf32>,
      %add3A_442 = arith.constant 512 : i32
      %add3A_443 = vector.broadcast %add3A_442 : i32 to vector<16xi32>
      %add3A_444 = arith.addi %sub3A_432, %add3A_443 : vector<16xi32>
      %select_n3A_445 = arith.select %lt3A_435, %add3A_444, %sub3A_432 : vector<16xi1>, vector<16xi32>
      %convert_element_type3A = arith.sitofp %select_n3A_445 : vector<16xi32> to vector<16xf32>
      %mul3A_446 = arith.constant 3.906250e-03 : f32
      %mul3A_447 = vector.broadcast %mul3A_446 : f32 to vector<16xf32>
      %mul3A_448 = arith.mulf %convert_element_type3A, %mul3A_447 : vector<16xf32>
      %sub3A_449 = arith.constant 1.000000e+00 : f32
      %sub3A_450 = vector.broadcast %sub3A_449 : f32 to vector<16xf32>
      %sub3A_451 = arith.subf %mul3A_448, %sub3A_450 : vector<16xf32>
      %convert_element_type3A_452 = arith.sitofp %gather3A_430 : vector<16xi32> to vector<16xf32>
      %mul3A_453 = arith.constant 3.906250e-03 : f32
      %mul3A_454 = vector.broadcast %mul3A_453 : f32 to vector<16xf32>
      %mul3A_455 = arith.mulf %convert_element_type3A_452, %mul3A_454 : vector<16xf32>
      %sub3A_456 = arith.constant 1.000000e+00 : f32
      %sub3A_457 = vector.broadcast %sub3A_456 : f32 to vector<16xf32>
      %sub3A_458 = arith.subf %mul3A_455, %sub3A_457 : vector<16xf32>
      %sub3A_459 = arith.subf %sub3A_458, %sub3A_451 : vector<16xf32>
      %sub3A_460 = arith.subf %get3A_374, %gather3A_440 : vector<16xf32>
      %mul3A_461 = arith.mulf %sub3A_459, %sub3A_460 : vector<16xf32>
      %sub3A_462 = arith.subf %gather3A_441, %gather3A_440 : vector<16xf32>
      %div3A = arith.divf %mul3A_461, %sub3A_462 : vector<16xf32>
      %add3A_463 = arith.addf %sub3A_451, %div3A : vector<16xf32>
      %le3A = arith.constant -1.000000e+00 : f32
      %le3A_464 = vector.broadcast %le3A : f32 to vector<16xf32>
      %le3A_465 = arith.cmpf ole, %get3A_374, %le3A_464 : vector<16xf32>
      %ge3A = arith.cmpf oge, %get3A_374, %gather3A : vector<16xf32>
      %jit3A = arith.constant 0.99609375 : f32
      %broadcast_in_dim3A = vector.broadcast %jit3A : f32 to vector<16xf32>
      %select_n3A_466 = arith.select %ge3A, %broadcast_in_dim3A, %add3A_463 : vector<16xi1>, vector<16xf32>
      %jit3A_467 = arith.constant -1.000000e+00 : f32
      %broadcast_in_dim3A_468 = vector.broadcast %jit3A_467 : f32 to vector<16xf32>
      %select_n3A_469 = arith.select %le3A_465, %broadcast_in_dim3A_468, %select_n3A_466 : vector<16xi1>, vector<16xf32>
      %mul3A_470 = arith.constant 16 : i32
      %mul3A_471 = arith.muli %scan3A_370, %mul3A_470 : i32
      %swap3A = arith.index_cast %mul3A_471 : i32 to index
      %swap3A_472 = tpu.vector_load %arg12[%swap3A] {strides = array<i32>} : memref<256xf32, #tpu.memory_space<vmem>>, vector<16xf32>,
      tpu.vector_store %arg12[%swap3A], %select_n3A_469 {strides = array<i32>} : memref<256xf32, #tpu.memory_space<vmem>>, vector<16xf32>,
    }
    %scan3A_269 = arith.constant 16 : i32
    %iota3A_270 = tpu.iota {dimensions = array<i32: 0>} : vector<16xi32>
    %mul3A_271 = arith.constant 0 : i32
    %mul3A_272 = vector.broadcast %mul3A_271 : i32 to vector<16xi32>
    %mul3A_273 = arith.muli %iota3A_270, %mul3A_272 : vector<16xi32>
    %scan3A_274 = arith.constant 0 : i32
    %scan3A_275 = arith.constant 16 : i32
    %scan3A_276 = arith.addi %scan3A_274, %scan3A_275 : i32
    %scan3A_277 = arith.constant 1 : i32
    %scan3A_278 = scf.for %scan3A_370 = %scan3A_274 to %scan3A_276 step %scan3A_277 iter_args(%scan3A_371 = %mul3A_273) -> (vector<16xi32>)  : i32 {
      %mul3A_372 = arith.constant 16 : i32
      %mul3A_373 = arith.muli %scan3A_370, %mul3A_372 : i32
      %add3A_374 = vector.broadcast %mul3A_373 : i32 to vector<16xi32>
      %add3A_375 = arith.addi %iota3A_270, %add3A_374 : vector<16xi32>
      %gather3A = tpu.vector_load_idx %arg9[%add3A_375] : memref<256xf32, #tpu.memory_space<vmem>>[vector<16xi32>], vector<16xf32>,
      %sub3A = arith.constant 1 : i32
      %sub3A_376 = vector.broadcast %sub3A : i32 to vector<16xi32>
      %sub3A_377 = arith.subi %add3A_375, %sub3A_376 : vector<16xi32>
      %max3A = arith.constant 0 : i32
      %max3A_378 = vector.broadcast %max3A : i32 to vector<16xi32>
      %max3A_379 = arith.maxsi %sub3A_377, %max3A_378 : vector<16xi32>
      %gather3A_380 = tpu.vector_load_idx %arg9[%max3A_379] : memref<256xf32, #tpu.memory_space<vmem>>[vector<16xi32>], vector<16xf32>,
      %add3A_381 = arith.addf %gather3A_380, %gather3A : vector<16xf32>
      %mul3A_382 = arith.constant 5.000000e-01 : f32
      %mul3A_383 = vector.broadcast %mul3A_382 : f32 to vector<16xf32>
      %mul3A_384 = arith.mulf %add3A_381, %mul3A_383 : vector<16xf32>
      %eq3A = arith.constant 0 : i32
      %eq3A_385 = vector.broadcast %eq3A : i32 to vector<16xi32>
      %eq3A_386 = arith.cmpi eq, %add3A_375, %eq3A_385 : vector<16xi32>
      %jit3A = arith.constant -3.000000e+38 : f32
      %broadcast_in_dim3A = vector.broadcast %jit3A : f32 to vector<16xf32>
      %select_n3A = arith.select %eq3A_386, %broadcast_in_dim3A, %mul3A_384 : vector<16xi1>, vector<16xf32>
      %mul3A_387 = arith.constant 16 : i32
      %mul3A_388 = arith.muli %scan3A_370, %mul3A_387 : i32
      %add3A_389 = arith.constant 512 : i32
      %add3A_390 = arith.addi %add3A_389, %mul3A_388 : i32
      %swap3A = arith.index_cast %add3A_390 : i32 to index
      %swap3A_391 = tpu.vector_load %arg7[%swap3A] {strides = array<i32>} : memref<3840xf32, #tpu.memory_space<vmem>>, vector<16xf32>,
      tpu.vector_store %arg7[%swap3A], %select_n3A {strides = array<i32>} : memref<3840xf32, #tpu.memory_space<vmem>>, vector<16xf32>,
      %ne3A = arith.cmpf one, %gather3A, %gather3A_380 : vector<16xf32>
      %jit3A_392 = arith.constant 0 : i32
      %broadcast_in_dim3A_393 = vector.broadcast %jit3A_392 : i32 to vector<16xi32>
      %select_n3A_394 = arith.select %ne3A, %add3A_375, %broadcast_in_dim3A_393 : vector<16xi1>, vector<16xi32>
      %broadcast_in_dim3A_395 = arith.constant true
      %broadcast_in_dim3A_396 = vector.broadcast %broadcast_in_dim3A_395 : i1 to vector<16xi1>
      %masked_cummax3A = arith.constant -2147483648 : i32
      %masked_cummax3A_397 = vector.broadcast %masked_cummax3A : i32 to vector<16xi32>
      %masked_cummax3A_398 = arith.xori %select_n3A_394, %masked_cummax3A_397 : vector<16xi32>
      %masked_cummax3A_399 = tpu.scan <max>, %masked_cummax3A_398 masked %broadcast_in_dim3A_396 : vector<16xi32>, vector<16xi1> -> vector<16xi32>
      %masked_cummax3A_400 = arith.xori %masked_cummax3A_399, %masked_cummax3A_397 : vector<16xi32>
      %max3A_401 = arith.maxsi %masked_cummax3A_400, %scan3A_371 : vector<16xi32>
      %mul3A_402 = arith.constant 16 : i32
      %mul3A_403 = arith.muli %scan3A_370, %mul3A_402 : i32
      %swap3A_404 = arith.index_cast %mul3A_403 : i32 to index
      %swap3A_405 = tpu.vector_load %arg13[%swap3A_404] {strides = array<i32>} : memref<256xi32, #tpu.memory_space<vmem>>, vector<16xi32>,
      tpu.vector_store %arg13[%swap3A_404], %max3A_401 {strides = array<i32>} : memref<256xi32, #tpu.memory_space<vmem>>, vector<16xi32>,
      %reduce_max3A = arith.constant true
      %reduce_max3A_406 = vector.broadcast %reduce_max3A : i1 to vector<16xi1>
      %reduce_max3A_407 = arith.constant -2147483648 : i32
      %reduce_max3A_408 = vector.broadcast %reduce_max3A_407 : i32 to vector<16xi32>
      %reduce_max3A_409 = arith.xori %max3A_401, %reduce_max3A_408 : vector<16xi32>
      %reduce_max3A_410 = tpu.scan <max>, %reduce_max3A_409 masked %reduce_max3A_406 : vector<16xi32>, vector<16xi1> -> vector<16xi32>
      %reduce_max3A_411 = arith.xori %reduce_max3A_410, %reduce_max3A_408 : vector<16xi32>
      %reduce_max3A_412 = vector.extract %reduce_max3A_411[15] : i32 from vector<16xi32>
      %add3A_413 = vector.broadcast %reduce_max3A_412 : i32 to vector<16xi32>
      %add3A_414 = arith.addi %mul3A_273, %add3A_413 : vector<16xi32>
      scf.yield %add3A_414 : vector<16xi32>
    }
    %scan3A_279 = arith.constant 16 : i32
    %scan3A_280 = arith.constant 0 : i32
    %scan3A_281 = arith.constant 16 : i32
    %scan3A_282 = arith.addi %scan3A_280, %scan3A_281 : i32
    %scan3A_283 = arith.constant 1 : i32
    scf.for %scan3A_370 = %scan3A_280 to %scan3A_282 step %scan3A_283  : i32 {
      %mul3A_371 = arith.constant 16 : i32
      %mul3A_372 = arith.muli %scan3A_370, %mul3A_371 : i32
      %add3A_373 = vector.broadcast %mul3A_372 : i32 to vector<16xi32>
      %add3A_374 = arith.addi %iota3A, %add3A_373 : vector<16xi32>
      %gather3A = tpu.vector_load_idx %arg13[%add3A_374] : memref<256xi32, #tpu.memory_space<vmem>>[vector<16xi32>], vector<16xi32>,
      %sub3A = arith.constant 1 : i32
      %sub3A_375 = vector.broadcast %sub3A : i32 to vector<16xi32>
      %sub3A_376 = arith.subi %gather3A, %sub3A_375 : vector<16xi32>
      %lt3A = arith.constant 0 : i32
      %lt3A_377 = vector.broadcast %lt3A : i32 to vector<16xi32>
      %lt3A_378 = arith.cmpi slt, %sub3A_376, %lt3A_377 : vector<16xi32>
      %add3A_379 = arith.constant 256 : i32
      %add3A_380 = vector.broadcast %add3A_379 : i32 to vector<16xi32>
      %add3A_381 = arith.addi %sub3A_376, %add3A_380 : vector<16xi32>
      %select_n3A = arith.select %lt3A_378, %add3A_381, %sub3A_376 : vector<16xi1>, vector<16xi32>
      %gather3A_382 = tpu.vector_load_idx %arg9[%select_n3A] : memref<256xf32, #tpu.memory_space<vmem>>[vector<16xi32>], vector<16xf32>,
      %gather3A_383 = tpu.vector_load_idx %arg9[%gather3A] : memref<256xf32, #tpu.memory_space<vmem>>[vector<16xi32>], vector<16xf32>,
      %gather3A_384 = tpu.vector_load_idx %arg12[%select_n3A] : memref<256xf32, #tpu.memory_space<vmem>>[vector<16xi32>], vector<16xf32>,
      %gather3A_385 = tpu.vector_load_idx %arg12[%gather3A] : memref<256xf32, #tpu.memory_space<vmem>>[vector<16xi32>], vector<16xf32>,
      %sub3A_386 = arith.subf %gather3A_385, %gather3A_384 : vector<16xf32>
      %sub3A_387 = arith.subf %gather3A_383, %gather3A_382 : vector<16xf32>
      %div3A = arith.divf %sub3A_386, %sub3A_387 : vector<16xf32>
      %mul3A_388 = arith.mulf %div3A, %gather3A_382 : vector<16xf32>
      %sub3A_389 = arith.subf %gather3A_384, %mul3A_388 : vector<16xf32>
      %mul3A_390 = arith.constant 16 : i32
      %mul3A_391 = arith.muli %scan3A_370, %mul3A_390 : i32
      %add3A_392 = arith.constant 1280 : i32
      %add3A_393 = arith.addi %add3A_392, %mul3A_391 : i32
      %swap3A = arith.index_cast %add3A_393 : i32 to index
      %swap3A_394 = tpu.vector_load %arg7[%swap3A] {strides = array<i32>} : memref<3840xf32, #tpu.memory_space<vmem>>, vector<16xf32>,
      tpu.vector_store %arg7[%swap3A], %sub3A_389 {strides = array<i32>} : memref<3840xf32, #tpu.memory_space<vmem>>, vector<16xf32>,
      %mul3A_395 = arith.constant 16 : i32
      %mul3A_396 = arith.muli %scan3A_370, %mul3A_395 : i32
      %add3A_397 = arith.constant 2048 : i32
      %add3A_398 = arith.addi %add3A_397, %mul3A_396 : i32
      %swap3A_399 = arith.index_cast %add3A_398 : i32 to index
      %swap3A_400 = tpu.vector_load %arg7[%swap3A_399] {strides = array<i32>} : memref<3840xf32, #tpu.memory_space<vmem>>, vector<16xf32>,
      tpu.vector_store %arg7[%swap3A_399], %div3A {strides = array<i32>} : memref<3840xf32, #tpu.memory_space<vmem>>, vector<16xf32>,
    }
    %scan3A_284 = arith.constant 16 : i32
    %scan3A_285 = arith.constant 0 : i32
    %scan3A_286 = arith.constant 16 : i32
    %scan3A_287 = arith.addi %scan3A_285, %scan3A_286 : i32
    %scan3A_288 = arith.constant 1 : i32
    scf.for %scan3A_370 = %scan3A_285 to %scan3A_287 step %scan3A_288  : i32 {
      %mul3A_371 = arith.constant 0 : i32
      %mul3A_372 = vector.broadcast %mul3A_371 : i32 to vector<16xi32>
      %mul3A_373 = arith.muli %iota3A, %mul3A_372 : vector<16xi32>
      %add3A_374 = arith.constant 255 : i32
      %add3A_375 = vector.broadcast %add3A_374 : i32 to vector<16xi32>
      %add3A_376 = arith.addi %mul3A_373, %add3A_375 : vector<16xi32>
      %gather3A = tpu.vector_load_idx %arg9[%add3A_376] : memref<256xf32, #tpu.memory_space<vmem>>[vector<16xi32>], vector<16xf32>,
      %mul3A_377 = arith.constant 0 : i32
      %mul3A_378 = vector.broadcast %mul3A_377 : i32 to vector<16xi32>
      %mul3A_379 = arith.muli %iota3A, %mul3A_378 : vector<16xi32>
      %add3A_380 = arith.constant 255 : i32
      %add3A_381 = vector.broadcast %add3A_380 : i32 to vector<16xi32>
      %add3A_382 = arith.addi %mul3A_379, %add3A_381 : vector<16xi32>
      %gather3A_383 = tpu.vector_load_idx %arg12[%add3A_382] : memref<256xf32, #tpu.memory_space<vmem>>[vector<16xi32>], vector<16xf32>,
      %mul3A_384 = arith.constant 16 : i32
      %mul3A_385 = arith.muli %scan3A_370, %mul3A_384 : i32
      %add3A_386 = arith.constant 2816 : i32
      %add3A_387 = arith.addi %add3A_386, %mul3A_385 : i32
      %swap3A = arith.index_cast %add3A_387 : i32 to index
      %swap3A_388 = tpu.vector_load %arg7[%swap3A] {strides = array<i32>} : memref<3840xf32, #tpu.memory_space<vmem>>, vector<16xf32>,
      tpu.vector_store %arg7[%swap3A], %gather3A {strides = array<i32>} : memref<3840xf32, #tpu.memory_space<vmem>>, vector<16xf32>,
      %mul3A_389 = arith.constant 16 : i32
      %mul3A_390 = arith.muli %scan3A_370, %mul3A_389 : i32
      %add3A_391 = arith.constant 3584 : i32
      %add3A_392 = arith.addi %add3A_391, %mul3A_390 : i32
      %swap3A_393 = arith.index_cast %add3A_392 : i32 to index
      %swap3A_394 = tpu.vector_load %arg7[%swap3A_393] {strides = array<i32>} : memref<3840xf32, #tpu.memory_space<vmem>>, vector<16xf32>,
      tpu.vector_store %arg7[%swap3A_393], %gather3A_383 {strides = array<i32>} : memref<3840xf32, #tpu.memory_space<vmem>>, vector<16xf32>,
    }
    %scan3A_289 = arith.constant 16 : i32
    %dma_wait3A = arith.constant 0 : i32
    %dma_wait3A_290 = tpu.memref_slice %arg5[%dma_wait3A] : memref<24576xf32, #tpu.memory_space<vmem>> -> memref<8192xf32, #tpu.memory_space<vmem>>
    %dma_wait3A_291 = tpu.memref_slice %arg2[%add3A_7] : memref<786432xf32, #tpu.memory_space<hbm>> -> memref<8192xf32, #tpu.memory_space<hbm>>
    %dma_wait3A_292 = arith.constant 0 : i32
    %dma_wait3A_293 = tpu.memref_slice %arg5[%dma_wait3A_292] : memref<24576xf32, #tpu.memory_space<vmem>> -> memref<8192xf32, #tpu.memory_space<vmem>>
    %dma_wait3A_294 = tpu.memref_slice %arg2[%add3A_7] : memref<786432xf32, #tpu.memory_space<hbm>> -> memref<8192xf32, #tpu.memory_space<hbm>>
    tpu.wait_dma2 semaphore(%arg15 : memref<!tpu.dma_semaphore, #tpu.memory_space<semaphore_mem>>) src(%dma_wait3A_294 : memref<8192xf32, #tpu.memory_space<hbm>>) dst(%dma_wait3A_293 : memref<8192xf32, #tpu.memory_space<vmem>>)
    %scan3A_295 = arith.constant 0 : i32
    %scan3A_296 = arith.constant 128 : i32
    %scan3A_297 = arith.addi %scan3A_295, %scan3A_296 : i32
    %scan3A_298 = arith.constant 1 : i32
    scf.for %scan3A_370 = %scan3A_295 to %scan3A_297 step %scan3A_298  : i32 {
      %mul3A_371 = arith.constant 64 : i32
      %mul3A_372 = arith.muli %scan3A_370, %mul3A_371 : i32
      %add3A_373 = arith.constant 0 : i32
      %add3A_374 = arith.addi %add3A_373, %mul3A_372 : i32
      %add3A_375 = arith.constant 0 : i32
      %add3A_376 = arith.addi %add3A_374, %add3A_375 : i32
      %get3A_377 = arith.index_cast %add3A_376 : i32 to index
      %get3A_378 = tpu.vector_load %arg5[%get3A_377] {strides = array<i32>} : memref<24576xf32, #tpu.memory_space<vmem>>, vector<16xf32>,
      %add3A_379 = arith.constant 16 : i32
      %add3A_380 = arith.addi %add3A_374, %add3A_379 : i32
      %get3A_381 = arith.index_cast %add3A_380 : i32 to index
      %get3A_382 = tpu.vector_load %arg5[%get3A_381] {strides = array<i32>} : memref<24576xf32, #tpu.memory_space<vmem>>, vector<16xf32>,
      %add3A_383 = arith.constant 32 : i32
      %add3A_384 = arith.addi %add3A_374, %add3A_383 : i32
      %get3A_385 = arith.index_cast %add3A_384 : i32 to index
      %get3A_386 = tpu.vector_load %arg5[%get3A_385] {strides = array<i32>} : memref<24576xf32, #tpu.memory_space<vmem>>, vector<16xf32>,
      %add3A_387 = arith.constant 48 : i32
      %add3A_388 = arith.addi %add3A_374, %add3A_387 : i32
      %get3A_389 = arith.index_cast %add3A_388 : i32 to index
      %get3A_390 = tpu.vector_load %arg5[%get3A_389] {strides = array<i32>} : memref<24576xf32, #tpu.memory_space<vmem>>, vector<16xf32>,
      %add3A_391 = arith.constant 0 : i32
      %add3A_392 = vector.broadcast %add3A_391 : i32 to vector<16xi32>
      %add3A_393 = arith.addi %mul3A_3, %add3A_392 : vector<16xi32>
      %add3A_394 = arith.constant 0 : i32
      %add3A_395 = vector.broadcast %add3A_394 : i32 to vector<16xi32>
      %add3A_396 = arith.addi %mul3A_3, %add3A_395 : vector<16xi32>
      %add3A_397 = arith.constant 0 : i32
      %add3A_398 = vector.broadcast %add3A_397 : i32 to vector<16xi32>
      %add3A_399 = arith.addi %mul3A_3, %add3A_398 : vector<16xi32>
      %add3A_400 = arith.constant 0 : i32
      %add3A_401 = vector.broadcast %add3A_400 : i32 to vector<16xi32>
      %add3A_402 = arith.addi %mul3A_3, %add3A_401 : vector<16xi32>
      %add3A_403 = arith.constant 128 : i32
      %add3A_404 = vector.broadcast %add3A_403 : i32 to vector<16xi32>
      %add3A_405 = arith.addi %add3A_393, %add3A_404 : vector<16xi32>
      %gather3A = tpu.vector_load_idx %arg7[%add3A_405] : memref<3840xf32, #tpu.memory_space<vmem>>[vector<16xi32>], vector<16xf32>,
      %lt3A = arith.cmpf olt, %gather3A, %get3A_378 : vector<16xf32>
      %select_n3A = arith.select %lt3A, %add3A_405, %add3A_393 : vector<16xi1>, vector<16xi32>
      %add3A_406 = arith.constant 128 : i32
      %add3A_407 = vector.broadcast %add3A_406 : i32 to vector<16xi32>
      %add3A_408 = arith.addi %add3A_396, %add3A_407 : vector<16xi32>
      %gather3A_409 = tpu.vector_load_idx %arg7[%add3A_408] : memref<3840xf32, #tpu.memory_space<vmem>>[vector<16xi32>], vector<16xf32>,
      %lt3A_410 = arith.cmpf olt, %gather3A_409, %get3A_382 : vector<16xf32>
      %select_n3A_411 = arith.select %lt3A_410, %add3A_408, %add3A_396 : vector<16xi1>, vector<16xi32>
      %add3A_412 = arith.constant 128 : i32
      %add3A_413 = vector.broadcast %add3A_412 : i32 to vector<16xi32>
      %add3A_414 = arith.addi %add3A_399, %add3A_413 : vector<16xi32>
      %gather3A_415 = tpu.vector_load_idx %arg7[%add3A_414] : memref<3840xf32, #tpu.memory_space<vmem>>[vector<16xi32>], vector<16xf32>,
      %lt3A_416 = arith.cmpf olt, %gather3A_415, %get3A_386 : vector<16xf32>
      %select_n3A_417 = arith.select %lt3A_416, %add3A_414, %add3A_399 : vector<16xi1>, vector<16xi32>
      %add3A_418 = arith.constant 128 : i32
      %add3A_419 = vector.broadcast %add3A_418 : i32 to vector<16xi32>
      %add3A_420 = arith.addi %add3A_402, %add3A_419 : vector<16xi32>
      %gather3A_421 = tpu.vector_load_idx %arg7[%add3A_420] : memref<3840xf32, #tpu.memory_space<vmem>>[vector<16xi32>], vector<16xf32>,
      %lt3A_422 = arith.cmpf olt, %gather3A_421, %get3A_390 : vector<16xf32>
      %select_n3A_423 = arith.select %lt3A_422, %add3A_420, %add3A_402 : vector<16xi1>, vector<16xi32>
      %add3A_424 = arith.constant 64 : i32
      %add3A_425 = vector.broadcast %add3A_424 : i32 to vector<16xi32>
      %add3A_426 = arith.addi %select_n3A, %add3A_425 : vector<16xi32>
      %gather3A_427 = tpu.vector_load_idx %arg7[%add3A_426] : memref<3840xf32, #tpu.memory_space<vmem>>[vector<16xi32>], vector<16xf32>,
      %lt3A_428 = arith.cmpf olt, %gather3A_427, %get3A_378 : vector<16xf32>
      %select_n3A_429 = arith.select %lt3A_428, %add3A_426, %select_n3A : vector<16xi1>, vector<16xi32>
      %add3A_430 = arith.constant 64 : i32
      %add3A_431 = vector.broadcast %add3A_430 : i32 to vector<16xi32>
      %add3A_432 = arith.addi %select_n3A_411, %add3A_431 : vector<16xi32>
      %gather3A_433 = tpu.vector_load_idx %arg7[%add3A_432] : memref<3840xf32, #tpu.memory_space<vmem>>[vector<16xi32>], vector<16xf32>,
      %lt3A_434 = arith.cmpf olt, %gather3A_433, %get3A_382 : vector<16xf32>
      %select_n3A_435 = arith.select %lt3A_434, %add3A_432, %select_n3A_411 : vector<16xi1>, vector<16xi32>
      %add3A_436 = arith.constant 64 : i32
      %add3A_437 = vector.broadcast %add3A_436 : i32 to vector<16xi32>
      %add3A_438 = arith.addi %select_n3A_417, %add3A_437 : vector<16xi32>
      %gather3A_439 = tpu.vector_load_idx %arg7[%add3A_438] : memref<3840xf32, #tpu.memory_space<vmem>>[vector<16xi32>], vector<16xf32>,
      %lt3A_440 = arith.cmpf olt, %gather3A_439, %get3A_386 : vector<16xf32>
      %select_n3A_441 = arith.select %lt3A_440, %add3A_438, %select_n3A_417 : vector<16xi1>, vector<16xi32>
      %add3A_442 = arith.constant 64 : i32
      %add3A_443 = vector.broadcast %add3A_442 : i32 to vector<16xi32>
      %add3A_444 = arith.addi %select_n3A_423, %add3A_443 : vector<16xi32>
      %gather3A_445 = tpu.vector_load_idx %arg7[%add3A_444] : memref<3840xf32, #tpu.memory_space<vmem>>[vector<16xi32>], vector<16xf32>,
      %lt3A_446 = arith.cmpf olt, %gather3A_445, %get3A_390 : vector<16xf32>
      %select_n3A_447 = arith.select %lt3A_446, %add3A_444, %select_n3A_423 : vector<16xi1>, vector<16xi32>
      %add3A_448 = arith.constant 32 : i32
      %add3A_449 = vector.broadcast %add3A_448 : i32 to vector<16xi32>
      %add3A_450 = arith.addi %select_n3A_429, %add3A_449 : vector<16xi32>
      %gather3A_451 = tpu.vector_load_idx %arg7[%add3A_450] : memref<3840xf32, #tpu.memory_space<vmem>>[vector<16xi32>], vector<16xf32>,
      %lt3A_452 = arith.cmpf olt, %gather3A_451, %get3A_378 : vector<16xf32>
      %select_n3A_453 = arith.select %lt3A_452, %add3A_450, %select_n3A_429 : vector<16xi1>, vector<16xi32>
      %add3A_454 = arith.constant 32 : i32
      %add3A_455 = vector.broadcast %add3A_454 : i32 to vector<16xi32>
      %add3A_456 = arith.addi %select_n3A_435, %add3A_455 : vector<16xi32>
      %gather3A_457 = tpu.vector_load_idx %arg7[%add3A_456] : memref<3840xf32, #tpu.memory_space<vmem>>[vector<16xi32>], vector<16xf32>,
      %lt3A_458 = arith.cmpf olt, %gather3A_457, %get3A_382 : vector<16xf32>
      %select_n3A_459 = arith.select %lt3A_458, %add3A_456, %select_n3A_435 : vector<16xi1>, vector<16xi32>
      %add3A_460 = arith.constant 32 : i32
      %add3A_461 = vector.broadcast %add3A_460 : i32 to vector<16xi32>
      %add3A_462 = arith.addi %select_n3A_441, %add3A_461 : vector<16xi32>
      %gather3A_463 = tpu.vector_load_idx %arg7[%add3A_462] : memref<3840xf32, #tpu.memory_space<vmem>>[vector<16xi32>], vector<16xf32>,
      %lt3A_464 = arith.cmpf olt, %gather3A_463, %get3A_386 : vector<16xf32>
      %select_n3A_465 = arith.select %lt3A_464, %add3A_462, %select_n3A_441 : vector<16xi1>, vector<16xi32>
      %add3A_466 = arith.constant 32 : i32
      %add3A_467 = vector.broadcast %add3A_466 : i32 to vector<16xi32>
      %add3A_468 = arith.addi %select_n3A_447, %add3A_467 : vector<16xi32>
      %gather3A_469 = tpu.vector_load_idx %arg7[%add3A_468] : memref<3840xf32, #tpu.memory_space<vmem>>[vector<16xi32>], vector<16xf32>,
      %lt3A_470 = arith.cmpf olt, %gather3A_469, %get3A_390 : vector<16xf32>
      %select_n3A_471 = arith.select %lt3A_470, %add3A_468, %select_n3A_447 : vector<16xi1>, vector<16xi32>
      %add3A_472 = arith.constant 16 : i32
      %add3A_473 = vector.broadcast %add3A_472 : i32 to vector<16xi32>
      %add3A_474 = arith.addi %select_n3A_453, %add3A_473 : vector<16xi32>
      %gather3A_475 = tpu.vector_load_idx %arg7[%add3A_474] : memref<3840xf32, #tpu.memory_space<vmem>>[vector<16xi32>], vector<16xf32>,
      %lt3A_476 = arith.cmpf olt, %gather3A_475, %get3A_378 : vector<16xf32>
      %select_n3A_477 = arith.select %lt3A_476, %add3A_474, %select_n3A_453 : vector<16xi1>, vector<16xi32>
      %add3A_478 = arith.constant 16 : i32
      %add3A_479 = vector.broadcast %add3A_478 : i32 to vector<16xi32>
      %add3A_480 = arith.addi %select_n3A_459, %add3A_479 : vector<16xi32>
      %gather3A_481 = tpu.vector_load_idx %arg7[%add3A_480] : memref<3840xf32, #tpu.memory_space<vmem>>[vector<16xi32>], vector<16xf32>,
      %lt3A_482 = arith.cmpf olt, %gather3A_481, %get3A_382 : vector<16xf32>
      %select_n3A_483 = arith.select %lt3A_482, %add3A_480, %select_n3A_459 : vector<16xi1>, vector<16xi32>
      %add3A_484 = arith.constant 16 : i32
      %add3A_485 = vector.broadcast %add3A_484 : i32 to vector<16xi32>
      %add3A_486 = arith.addi %select_n3A_465, %add3A_485 : vector<16xi32>
      %gather3A_487 = tpu.vector_load_idx %arg7[%add3A_486] : memref<3840xf32, #tpu.memory_space<vmem>>[vector<16xi32>], vector<16xf32>,
      %lt3A_488 = arith.cmpf olt, %gather3A_487, %get3A_386 : vector<16xf32>
      %select_n3A_489 = arith.select %lt3A_488, %add3A_486, %select_n3A_465 : vector<16xi1>, vector<16xi32>
      %add3A_490 = arith.constant 16 : i32
      %add3A_491 = vector.broadcast %add3A_490 : i32 to vector<16xi32>
      %add3A_492 = arith.addi %select_n3A_471, %add3A_491 : vector<16xi32>
      %gather3A_493 = tpu.vector_load_idx %arg7[%add3A_492] : memref<3840xf32, #tpu.memory_space<vmem>>[vector<16xi32>], vector<16xf32>,
      %lt3A_494 = arith.cmpf olt, %gather3A_493, %get3A_390 : vector<16xf32>
      %select_n3A_495 = arith.select %lt3A_494, %add3A_492, %select_n3A_471 : vector<16xi1>, vector<16xi32>
      %add3A_496 = arith.constant 8 : i32
      %add3A_497 = vector.broadcast %add3A_496 : i32 to vector<16xi32>
      %add3A_498 = arith.addi %select_n3A_477, %add3A_497 : vector<16xi32>
      %gather3A_499 = tpu.vector_load_idx %arg7[%add3A_498] : memref<3840xf32, #tpu.memory_space<vmem>>[vector<16xi32>], vector<16xf32>,
      %lt3A_500 = arith.cmpf olt, %gather3A_499, %get3A_378 : vector<16xf32>
      %select_n3A_501 = arith.select %lt3A_500, %add3A_498, %select_n3A_477 : vector<16xi1>, vector<16xi32>
      %add3A_502 = arith.constant 8 : i32
      %add3A_503 = vector.broadcast %add3A_502 : i32 to vector<16xi32>
      %add3A_504 = arith.addi %select_n3A_483, %add3A_503 : vector<16xi32>
      %gather3A_505 = tpu.vector_load_idx %arg7[%add3A_504] : memref<3840xf32, #tpu.memory_space<vmem>>[vector<16xi32>], vector<16xf32>,
      %lt3A_506 = arith.cmpf olt, %gather3A_505, %get3A_382 : vector<16xf32>
      %select_n3A_507 = arith.select %lt3A_506, %add3A_504, %select_n3A_483 : vector<16xi1>, vector<16xi32>
      %add3A_508 = arith.constant 8 : i32
      %add3A_509 = vector.broadcast %add3A_508 : i32 to vector<16xi32>
      %add3A_510 = arith.addi %select_n3A_489, %add3A_509 : vector<16xi32>
      %gather3A_511 = tpu.vector_load_idx %arg7[%add3A_510] : memref<3840xf32, #tpu.memory_space<vmem>>[vector<16xi32>], vector<16xf32>,
      %lt3A_512 = arith.cmpf olt, %gather3A_511, %get3A_386 : vector<16xf32>
      %select_n3A_513 = arith.select %lt3A_512, %add3A_510, %select_n3A_489 : vector<16xi1>, vector<16xi32>
      %add3A_514 = arith.constant 8 : i32
      %add3A_515 = vector.broadcast %add3A_514 : i32 to vector<16xi32>
      %add3A_516 = arith.addi %select_n3A_495, %add3A_515 : vector<16xi32>
      %gather3A_517 = tpu.vector_load_idx %arg7[%add3A_516] : memref<3840xf32, #tpu.memory_space<vmem>>[vector<16xi32>], vector<16xf32>,
      %lt3A_518 = arith.cmpf olt, %gather3A_517, %get3A_390 : vector<16xf32>
      %select_n3A_519 = arith.select %lt3A_518, %add3A_516, %select_n3A_495 : vector<16xi1>, vector<16xi32>
      %add3A_520 = arith.constant 4 : i32
      %add3A_521 = vector.broadcast %add3A_520 : i32 to vector<16xi32>
      %add3A_522 = arith.addi %select_n3A_501, %add3A_521 : vector<16xi32>
      %gather3A_523 = tpu.vector_load_idx %arg7[%add3A_522] : memref<3840xf32, #tpu.memory_space<vmem>>[vector<16xi32>], vector<16xf32>,
      %lt3A_524 = arith.cmpf olt, %gather3A_523, %get3A_378 : vector<16xf32>
      %select_n3A_525 = arith.select %lt3A_524, %add3A_522, %select_n3A_501 : vector<16xi1>, vector<16xi32>
      %add3A_526 = arith.constant 4 : i32
      %add3A_527 = vector.broadcast %add3A_526 : i32 to vector<16xi32>
      %add3A_528 = arith.addi %select_n3A_507, %add3A_527 : vector<16xi32>
      %gather3A_529 = tpu.vector_load_idx %arg7[%add3A_528] : memref<3840xf32, #tpu.memory_space<vmem>>[vector<16xi32>], vector<16xf32>,
      %lt3A_530 = arith.cmpf olt, %gather3A_529, %get3A_382 : vector<16xf32>
      %select_n3A_531 = arith.select %lt3A_530, %add3A_528, %select_n3A_507 : vector<16xi1>, vector<16xi32>
      %add3A_532 = arith.constant 4 : i32
      %add3A_533 = vector.broadcast %add3A_532 : i32 to vector<16xi32>
      %add3A_534 = arith.addi %select_n3A_513, %add3A_533 : vector<16xi32>
      %gather3A_535 = tpu.vector_load_idx %arg7[%add3A_534] : memref<3840xf32, #tpu.memory_space<vmem>>[vector<16xi32>], vector<16xf32>,
      %lt3A_536 = arith.cmpf olt, %gather3A_535, %get3A_386 : vector<16xf32>
      %select_n3A_537 = arith.select %lt3A_536, %add3A_534, %select_n3A_513 : vector<16xi1>, vector<16xi32>
      %add3A_538 = arith.constant 4 : i32
      %add3A_539 = vector.broadcast %add3A_538 : i32 to vector<16xi32>
      %add3A_540 = arith.addi %select_n3A_519, %add3A_539 : vector<16xi32>
      %gather3A_541 = tpu.vector_load_idx %arg7[%add3A_540] : memref<3840xf32, #tpu.memory_space<vmem>>[vector<16xi32>], vector<16xf32>,
      %lt3A_542 = arith.cmpf olt, %gather3A_541, %get3A_390 : vector<16xf32>
      %select_n3A_543 = arith.select %lt3A_542, %add3A_540, %select_n3A_519 : vector<16xi1>, vector<16xi32>
      %add3A_544 = arith.constant 2 : i32
      %add3A_545 = vector.broadcast %add3A_544 : i32 to vector<16xi32>
      %add3A_546 = arith.addi %select_n3A_525, %add3A_545 : vector<16xi32>
      %gather3A_547 = tpu.vector_load_idx %arg7[%add3A_546] : memref<3840xf32, #tpu.memory_space<vmem>>[vector<16xi32>], vector<16xf32>,
      %lt3A_548 = arith.cmpf olt, %gather3A_547, %get3A_378 : vector<16xf32>
      %select_n3A_549 = arith.select %lt3A_548, %add3A_546, %select_n3A_525 : vector<16xi1>, vector<16xi32>
      %add3A_550 = arith.constant 2 : i32
      %add3A_551 = vector.broadcast %add3A_550 : i32 to vector<16xi32>
      %add3A_552 = arith.addi %select_n3A_531, %add3A_551 : vector<16xi32>
      %gather3A_553 = tpu.vector_load_idx %arg7[%add3A_552] : memref<3840xf32, #tpu.memory_space<vmem>>[vector<16xi32>], vector<16xf32>,
      %lt3A_554 = arith.cmpf olt, %gather3A_553, %get3A_382 : vector<16xf32>
      %select_n3A_555 = arith.select %lt3A_554, %add3A_552, %select_n3A_531 : vector<16xi1>, vector<16xi32>
      %add3A_556 = arith.constant 2 : i32
      %add3A_557 = vector.broadcast %add3A_556 : i32 to vector<16xi32>
      %add3A_558 = arith.addi %select_n3A_537, %add3A_557 : vector<16xi32>
      %gather3A_559 = tpu.vector_load_idx %arg7[%add3A_558] : memref<3840xf32, #tpu.memory_space<vmem>>[vector<16xi32>], vector<16xf32>,
      %lt3A_560 = arith.cmpf olt, %gather3A_559, %get3A_386 : vector<16xf32>
      %select_n3A_561 = arith.select %lt3A_560, %add3A_558, %select_n3A_537 : vector<16xi1>, vector<16xi32>
      %add3A_562 = arith.constant 2 : i32
      %add3A_563 = vector.broadcast %add3A_562 : i32 to vector<16xi32>
      %add3A_564 = arith.addi %select_n3A_543, %add3A_563 : vector<16xi32>
      %gather3A_565 = tpu.vector_load_idx %arg7[%add3A_564] : memref<3840xf32, #tpu.memory_space<vmem>>[vector<16xi32>], vector<16xf32>,
      %lt3A_566 = arith.cmpf olt, %gather3A_565, %get3A_390 : vector<16xf32>
      %select_n3A_567 = arith.select %lt3A_566, %add3A_564, %select_n3A_543 : vector<16xi1>, vector<16xi32>
      %add3A_568 = arith.constant 1 : i32
      %add3A_569 = vector.broadcast %add3A_568 : i32 to vector<16xi32>
      %add3A_570 = arith.addi %select_n3A_549, %add3A_569 : vector<16xi32>
      %gather3A_571 = tpu.vector_load_idx %arg7[%add3A_570] : memref<3840xf32, #tpu.memory_space<vmem>>[vector<16xi32>], vector<16xf32>,
      %lt3A_572 = arith.cmpf olt, %gather3A_571, %get3A_378 : vector<16xf32>
      %select_n3A_573 = arith.select %lt3A_572, %add3A_570, %select_n3A_549 : vector<16xi1>, vector<16xi32>
      %add3A_574 = arith.constant 1 : i32
      %add3A_575 = vector.broadcast %add3A_574 : i32 to vector<16xi32>
      %add3A_576 = arith.addi %select_n3A_555, %add3A_575 : vector<16xi32>
      %gather3A_577 = tpu.vector_load_idx %arg7[%add3A_576] : memref<3840xf32, #tpu.memory_space<vmem>>[vector<16xi32>], vector<16xf32>,
      %lt3A_578 = arith.cmpf olt, %gather3A_577, %get3A_382 : vector<16xf32>
      %select_n3A_579 = arith.select %lt3A_578, %add3A_576, %select_n3A_555 : vector<16xi1>, vector<16xi32>
      %add3A_580 = arith.constant 1 : i32
      %add3A_581 = vector.broadcast %add3A_580 : i32 to vector<16xi32>
      %add3A_582 = arith.addi %select_n3A_561, %add3A_581 : vector<16xi32>
      %gather3A_583 = tpu.vector_load_idx %arg7[%add3A_582] : memref<3840xf32, #tpu.memory_space<vmem>>[vector<16xi32>], vector<16xf32>,
      %lt3A_584 = arith.cmpf olt, %gather3A_583, %get3A_386 : vector<16xf32>
      %select_n3A_585 = arith.select %lt3A_584, %add3A_582, %select_n3A_561 : vector<16xi1>, vector<16xi32>
      %add3A_586 = arith.constant 1 : i32
      %add3A_587 = vector.broadcast %add3A_586 : i32 to vector<16xi32>
      %add3A_588 = arith.addi %select_n3A_567, %add3A_587 : vector<16xi32>
      %gather3A_589 = tpu.vector_load_idx %arg7[%add3A_588] : memref<3840xf32, #tpu.memory_space<vmem>>[vector<16xi32>], vector<16xf32>,
      %lt3A_590 = arith.cmpf olt, %gather3A_589, %get3A_390 : vector<16xf32>
      %select_n3A_591 = arith.select %lt3A_590, %add3A_588, %select_n3A_567 : vector<16xi1>, vector<16xi32>
      %add3A_592 = arith.constant 768 : i32
      %add3A_593 = vector.broadcast %add3A_592 : i32 to vector<16xi32>
      %add3A_594 = arith.addi %select_n3A_573, %add3A_593 : vector<16xi32>
      %gather3A_595 = tpu.vector_load_idx %arg7[%add3A_594] : memref<3840xf32, #tpu.memory_space<vmem>>[vector<16xi32>], vector<16xf32>,
      %add3A_596 = arith.constant 1536 : i32
      %add3A_597 = vector.broadcast %add3A_596 : i32 to vector<16xi32>
      %add3A_598 = arith.addi %select_n3A_573, %add3A_597 : vector<16xi32>
      %gather3A_599 = tpu.vector_load_idx %arg7[%add3A_598] : memref<3840xf32, #tpu.memory_space<vmem>>[vector<16xi32>], vector<16xf32>,
      %add3A_600 = arith.constant 2304 : i32
      %add3A_601 = vector.broadcast %add3A_600 : i32 to vector<16xi32>
      %add3A_602 = arith.addi %select_n3A_573, %add3A_601 : vector<16xi32>
      %gather3A_603 = tpu.vector_load_idx %arg7[%add3A_602] : memref<3840xf32, #tpu.memory_space<vmem>>[vector<16xi32>], vector<16xf32>,
      %add3A_604 = arith.constant 3072 : i32
      %add3A_605 = vector.broadcast %add3A_604 : i32 to vector<16xi32>
      %add3A_606 = arith.addi %select_n3A_573, %add3A_605 : vector<16xi32>
      %gather3A_607 = tpu.vector_load_idx %arg7[%add3A_606] : memref<3840xf32, #tpu.memory_space<vmem>>[vector<16xi32>], vector<16xf32>,
      %mul3A_608 = arith.mulf %gather3A_599, %get3A_378 : vector<16xf32>
      %add3A_609 = arith.addf %gather3A_595, %mul3A_608 : vector<16xf32>
      %ge3A = arith.cmpf oge, %get3A_378, %gather3A_603 : vector<16xf32>
      %select_n3A_610 = arith.select %ge3A, %gather3A_607, %add3A_609 : vector<16xi1>, vector<16xf32>
      %le3A = arith.constant -1.000000e+00 : f32
      %le3A_611 = vector.broadcast %le3A : f32 to vector<16xf32>
      %le3A_612 = arith.cmpf ole, %get3A_378, %le3A_611 : vector<16xf32>
      %jit3A = arith.constant -1.000000e+00 : f32
      %broadcast_in_dim3A = vector.broadcast %jit3A : f32 to vector<16xf32>
      %select_n3A_613 = arith.select %le3A_612, %broadcast_in_dim3A, %select_n3A_610 : vector<16xi1>, vector<16xf32>
      %add3A_614 = arith.constant 768 : i32
      %add3A_615 = vector.broadcast %add3A_614 : i32 to vector<16xi32>
      %add3A_616 = arith.addi %select_n3A_579, %add3A_615 : vector<16xi32>
      %gather3A_617 = tpu.vector_load_idx %arg7[%add3A_616] : memref<3840xf32, #tpu.memory_space<vmem>>[vector<16xi32>], vector<16xf32>,
      %add3A_618 = arith.constant 1536 : i32
      %add3A_619 = vector.broadcast %add3A_618 : i32 to vector<16xi32>
      %add3A_620 = arith.addi %select_n3A_579, %add3A_619 : vector<16xi32>
      %gather3A_621 = tpu.vector_load_idx %arg7[%add3A_620] : memref<3840xf32, #tpu.memory_space<vmem>>[vector<16xi32>], vector<16xf32>,
      %add3A_622 = arith.constant 2304 : i32
      %add3A_623 = vector.broadcast %add3A_622 : i32 to vector<16xi32>
      %add3A_624 = arith.addi %select_n3A_579, %add3A_623 : vector<16xi32>
      %gather3A_625 = tpu.vector_load_idx %arg7[%add3A_624] : memref<3840xf32, #tpu.memory_space<vmem>>[vector<16xi32>], vector<16xf32>,
      %add3A_626 = arith.constant 3072 : i32
      %add3A_627 = vector.broadcast %add3A_626 : i32 to vector<16xi32>
      %add3A_628 = arith.addi %select_n3A_579, %add3A_627 : vector<16xi32>
      %gather3A_629 = tpu.vector_load_idx %arg7[%add3A_628] : memref<3840xf32, #tpu.memory_space<vmem>>[vector<16xi32>], vector<16xf32>,
      %mul3A_630 = arith.mulf %gather3A_621, %get3A_382 : vector<16xf32>
      %add3A_631 = arith.addf %gather3A_617, %mul3A_630 : vector<16xf32>
      %ge3A_632 = arith.cmpf oge, %get3A_382, %gather3A_625 : vector<16xf32>
      %select_n3A_633 = arith.select %ge3A_632, %gather3A_629, %add3A_631 : vector<16xi1>, vector<16xf32>
      %le3A_634 = arith.constant -1.000000e+00 : f32
      %le3A_635 = vector.broadcast %le3A_634 : f32 to vector<16xf32>
      %le3A_636 = arith.cmpf ole, %get3A_382, %le3A_635 : vector<16xf32>
      %jit3A_637 = arith.constant -1.000000e+00 : f32
      %broadcast_in_dim3A_638 = vector.broadcast %jit3A_637 : f32 to vector<16xf32>
      %select_n3A_639 = arith.select %le3A_636, %broadcast_in_dim3A_638, %select_n3A_633 : vector<16xi1>, vector<16xf32>
      %add3A_640 = arith.constant 768 : i32
      %add3A_641 = vector.broadcast %add3A_640 : i32 to vector<16xi32>
      %add3A_642 = arith.addi %select_n3A_585, %add3A_641 : vector<16xi32>
      %gather3A_643 = tpu.vector_load_idx %arg7[%add3A_642] : memref<3840xf32, #tpu.memory_space<vmem>>[vector<16xi32>], vector<16xf32>,
      %add3A_644 = arith.constant 1536 : i32
      %add3A_645 = vector.broadcast %add3A_644 : i32 to vector<16xi32>
      %add3A_646 = arith.addi %select_n3A_585, %add3A_645 : vector<16xi32>
      %gather3A_647 = tpu.vector_load_idx %arg7[%add3A_646] : memref<3840xf32, #tpu.memory_space<vmem>>[vector<16xi32>], vector<16xf32>,
      %add3A_648 = arith.constant 2304 : i32
      %add3A_649 = vector.broadcast %add3A_648 : i32 to vector<16xi32>
      %add3A_650 = arith.addi %select_n3A_585, %add3A_649 : vector<16xi32>
      %gather3A_651 = tpu.vector_load_idx %arg7[%add3A_650] : memref<3840xf32, #tpu.memory_space<vmem>>[vector<16xi32>], vector<16xf32>,
      %add3A_652 = arith.constant 3072 : i32
      %add3A_653 = vector.broadcast %add3A_652 : i32 to vector<16xi32>
      %add3A_654 = arith.addi %select_n3A_585, %add3A_653 : vector<16xi32>
      %gather3A_655 = tpu.vector_load_idx %arg7[%add3A_654] : memref<3840xf32, #tpu.memory_space<vmem>>[vector<16xi32>], vector<16xf32>,
      %mul3A_656 = arith.mulf %gather3A_647, %get3A_386 : vector<16xf32>
      %add3A_657 = arith.addf %gather3A_643, %mul3A_656 : vector<16xf32>
      %ge3A_658 = arith.cmpf oge, %get3A_386, %gather3A_651 : vector<16xf32>
      %select_n3A_659 = arith.select %ge3A_658, %gather3A_655, %add3A_657 : vector<16xi1>, vector<16xf32>
      %le3A_660 = arith.constant -1.000000e+00 : f32
      %le3A_661 = vector.broadcast %le3A_660 : f32 to vector<16xf32>
      %le3A_662 = arith.cmpf ole, %get3A_386, %le3A_661 : vector<16xf32>
      %jit3A_663 = arith.constant -1.000000e+00 : f32
      %broadcast_in_dim3A_664 = vector.broadcast %jit3A_663 : f32 to vector<16xf32>
      %select_n3A_665 = arith.select %le3A_662, %broadcast_in_dim3A_664, %select_n3A_659 : vector<16xi1>, vector<16xf32>
      %add3A_666 = arith.constant 768 : i32
      %add3A_667 = vector.broadcast %add3A_666 : i32 to vector<16xi32>
      %add3A_668 = arith.addi %select_n3A_591, %add3A_667 : vector<16xi32>
      %gather3A_669 = tpu.vector_load_idx %arg7[%add3A_668] : memref<3840xf32, #tpu.memory_space<vmem>>[vector<16xi32>], vector<16xf32>,
      %add3A_670 = arith.constant 1536 : i32
      %add3A_671 = vector.broadcast %add3A_670 : i32 to vector<16xi32>
      %add3A_672 = arith.addi %select_n3A_591, %add3A_671 : vector<16xi32>
      %gather3A_673 = tpu.vector_load_idx %arg7[%add3A_672] : memref<3840xf32, #tpu.memory_space<vmem>>[vector<16xi32>], vector<16xf32>,
      %add3A_674 = arith.constant 2304 : i32
      %add3A_675 = vector.broadcast %add3A_674 : i32 to vector<16xi32>
      %add3A_676 = arith.addi %select_n3A_591, %add3A_675 : vector<16xi32>
      %gather3A_677 = tpu.vector_load_idx %arg7[%add3A_676] : memref<3840xf32, #tpu.memory_space<vmem>>[vector<16xi32>], vector<16xf32>,
      %add3A_678 = arith.constant 3072 : i32
      %add3A_679 = vector.broadcast %add3A_678 : i32 to vector<16xi32>
      %add3A_680 = arith.addi %select_n3A_591, %add3A_679 : vector<16xi32>
      %gather3A_681 = tpu.vector_load_idx %arg7[%add3A_680] : memref<3840xf32, #tpu.memory_space<vmem>>[vector<16xi32>], vector<16xf32>,
      %mul3A_682 = arith.mulf %gather3A_673, %get3A_390 : vector<16xf32>
      %add3A_683 = arith.addf %gather3A_669, %mul3A_682 : vector<16xf32>
      %ge3A_684 = arith.cmpf oge, %get3A_390, %gather3A_677 : vector<16xf32>
      %select_n3A_685 = arith.select %ge3A_684, %gather3A_681, %add3A_683 : vector<16xi1>, vector<16xf32>
      %le3A_686 = arith.constant -1.000000e+00 : f32
      %le3A_687 = vector.broadcast %le3A_686 : f32 to vector<16xf32>
      %le3A_688 = arith.cmpf ole, %get3A_390, %le3A_687 : vector<16xf32>
      %jit3A_689 = arith.constant -1.000000e+00 : f32
      %broadcast_in_dim3A_690 = vector.broadcast %jit3A_689 : f32 to vector<16xf32>
      %select_n3A_691 = arith.select %le3A_688, %broadcast_in_dim3A_690, %select_n3A_685 : vector<16xi1>, vector<16xf32>
      %add3A_692 = arith.constant 0 : i32
      %add3A_693 = arith.addi %add3A_374, %add3A_692 : i32
      %swap3A = arith.index_cast %add3A_693 : i32 to index
      %swap3A_694 = tpu.vector_load %arg5[%swap3A] {strides = array<i32>} : memref<24576xf32, #tpu.memory_space<vmem>>, vector<16xf32>,
      tpu.vector_store %arg5[%swap3A], %select_n3A_613 {strides = array<i32>} : memref<24576xf32, #tpu.memory_space<vmem>>, vector<16xf32>,
      %add3A_695 = arith.constant 16 : i32
      %add3A_696 = arith.addi %add3A_374, %add3A_695 : i32
      %swap3A_697 = arith.index_cast %add3A_696 : i32 to index
      %swap3A_698 = tpu.vector_load %arg5[%swap3A_697] {strides = array<i32>} : memref<24576xf32, #tpu.memory_space<vmem>>, vector<16xf32>,
      tpu.vector_store %arg5[%swap3A_697], %select_n3A_639 {strides = array<i32>} : memref<24576xf32, #tpu.memory_space<vmem>>, vector<16xf32>,
      %add3A_699 = arith.constant 32 : i32
      %add3A_700 = arith.addi %add3A_374, %add3A_699 : i32
      %swap3A_701 = arith.index_cast %add3A_700 : i32 to index
      %swap3A_702 = tpu.vector_load %arg5[%swap3A_701] {strides = array<i32>} : memref<24576xf32, #tpu.memory_space<vmem>>, vector<16xf32>,
      tpu.vector_store %arg5[%swap3A_701], %select_n3A_665 {strides = array<i32>} : memref<24576xf32, #tpu.memory_space<vmem>>, vector<16xf32>,
      %add3A_703 = arith.constant 48 : i32
      %add3A_704 = arith.addi %add3A_374, %add3A_703 : i32
      %swap3A_705 = arith.index_cast %add3A_704 : i32 to index
      %swap3A_706 = tpu.vector_load %arg5[%swap3A_705] {strides = array<i32>} : memref<24576xf32, #tpu.memory_space<vmem>>, vector<16xf32>,
      tpu.vector_store %arg5[%swap3A_705], %select_n3A_691 {strides = array<i32>} : memref<24576xf32, #tpu.memory_space<vmem>>, vector<16xf32>,
    }
    %scan3A_299 = arith.constant 128 : i32
    %mul3A_300 = arith.constant 8192 : i32
    %mul3A_301 = arith.muli %add3A, %mul3A_300 : i32
    %add3A_302 = arith.constant 0 : i32
    %add3A_303 = arith.addi %add3A_302, %mul3A_301 : i32
    %dma_start3A_304 = arith.constant 0 : i32
    %dma_start3A_305 = tpu.memref_slice %arg5[%dma_start3A_304] : memref<24576xf32, #tpu.memory_space<vmem>> -> memref<8192xf32, #tpu.memory_space<vmem>>
    %dma_start3A_306 = tpu.memref_slice %arg4[%add3A_303] : memref<786432xf32, #tpu.memory_space<hbm>> -> memref<8192xf32, #tpu.memory_space<hbm>>
    %dma_start3A_307 = tpu.memref_slice %arg4[%add3A_303] : memref<786432xf32, #tpu.memory_space<hbm>> -> memref<8192xf32, #tpu.memory_space<hbm>>
    %dma_start3A_308 = arith.constant 0 : i32
    %dma_start3A_309 = tpu.memref_slice %arg5[%dma_start3A_308] : memref<24576xf32, #tpu.memory_space<vmem>> -> memref<8192xf32, #tpu.memory_space<vmem>>
    tpu.enqueue_dma source(%dma_start3A_309 : memref<8192xf32, #tpu.memory_space<vmem>>) target(%dma_start3A_307 : memref<8192xf32, #tpu.memory_space<hbm>>) target_semaphore(%arg18 : memref<!tpu.dma_semaphore, #tpu.memory_space<semaphore_mem>>)
    %dma_wait3A_310 = arith.constant 8192 : i32
    %dma_wait3A_311 = tpu.memref_slice %arg5[%dma_wait3A_310] : memref<24576xf32, #tpu.memory_space<vmem>> -> memref<8192xf32, #tpu.memory_space<vmem>>
    %dma_wait3A_312 = tpu.memref_slice %arg2[%add3A_16] : memref<786432xf32, #tpu.memory_space<hbm>> -> memref<8192xf32, #tpu.memory_space<hbm>>
    %dma_wait3A_313 = arith.constant 8192 : i32
    %dma_wait3A_314 = tpu.memref_slice %arg5[%dma_wait3A_313] : memref<24576xf32, #tpu.memory_space<vmem>> -> memref<8192xf32, #tpu.memory_space<vmem>>
    %dma_wait3A_315 = tpu.memref_slice %arg2[%add3A_16] : memref<786432xf32, #tpu.memory_space<hbm>> -> memref<8192xf32, #tpu.memory_space<hbm>>
    tpu.wait_dma2 semaphore(%arg16 : memref<!tpu.dma_semaphore, #tpu.memory_space<semaphore_mem>>) src(%dma_wait3A_315 : memref<8192xf32, #tpu.memory_space<hbm>>) dst(%dma_wait3A_314 : memref<8192xf32, #tpu.memory_space<vmem>>)
    %scan3A_316 = arith.constant 0 : i32
    %scan3A_317 = arith.constant 128 : i32
    %scan3A_318 = arith.addi %scan3A_316, %scan3A_317 : i32
    %scan3A_319 = arith.constant 1 : i32
    scf.for %scan3A_370 = %scan3A_316 to %scan3A_318 step %scan3A_319  : i32 {
      %mul3A_371 = arith.constant 64 : i32
      %mul3A_372 = arith.muli %scan3A_370, %mul3A_371 : i32
      %add3A_373 = arith.constant 8192 : i32
      %add3A_374 = arith.addi %add3A_373, %mul3A_372 : i32
      %add3A_375 = arith.constant 0 : i32
      %add3A_376 = arith.addi %add3A_374, %add3A_375 : i32
      %get3A_377 = arith.index_cast %add3A_376 : i32 to index
      %get3A_378 = tpu.vector_load %arg5[%get3A_377] {strides = array<i32>} : memref<24576xf32, #tpu.memory_space<vmem>>, vector<16xf32>,
      %add3A_379 = arith.constant 16 : i32
      %add3A_380 = arith.addi %add3A_374, %add3A_379 : i32
      %get3A_381 = arith.index_cast %add3A_380 : i32 to index
      %get3A_382 = tpu.vector_load %arg5[%get3A_381] {strides = array<i32>} : memref<24576xf32, #tpu.memory_space<vmem>>, vector<16xf32>,
      %add3A_383 = arith.constant 32 : i32
      %add3A_384 = arith.addi %add3A_374, %add3A_383 : i32
      %get3A_385 = arith.index_cast %add3A_384 : i32 to index
      %get3A_386 = tpu.vector_load %arg5[%get3A_385] {strides = array<i32>} : memref<24576xf32, #tpu.memory_space<vmem>>, vector<16xf32>,
      %add3A_387 = arith.constant 48 : i32
      %add3A_388 = arith.addi %add3A_374, %add3A_387 : i32
      %get3A_389 = arith.index_cast %add3A_388 : i32 to index
      %get3A_390 = tpu.vector_load %arg5[%get3A_389] {strides = array<i32>} : memref<24576xf32, #tpu.memory_space<vmem>>, vector<16xf32>,
      %add3A_391 = arith.constant 256 : i32
      %add3A_392 = vector.broadcast %add3A_391 : i32 to vector<16xi32>
      %add3A_393 = arith.addi %mul3A_3, %add3A_392 : vector<16xi32>
      %add3A_394 = arith.constant 256 : i32
      %add3A_395 = vector.broadcast %add3A_394 : i32 to vector<16xi32>
      %add3A_396 = arith.addi %mul3A_3, %add3A_395 : vector<16xi32>
      %add3A_397 = arith.constant 256 : i32
      %add3A_398 = vector.broadcast %add3A_397 : i32 to vector<16xi32>
      %add3A_399 = arith.addi %mul3A_3, %add3A_398 : vector<16xi32>
      %add3A_400 = arith.constant 256 : i32
      %add3A_401 = vector.broadcast %add3A_400 : i32 to vector<16xi32>
      %add3A_402 = arith.addi %mul3A_3, %add3A_401 : vector<16xi32>
      %add3A_403 = arith.constant 128 : i32
      %add3A_404 = vector.broadcast %add3A_403 : i32 to vector<16xi32>
      %add3A_405 = arith.addi %add3A_393, %add3A_404 : vector<16xi32>
      %gather3A = tpu.vector_load_idx %arg7[%add3A_405] : memref<3840xf32, #tpu.memory_space<vmem>>[vector<16xi32>], vector<16xf32>,
      %lt3A = arith.cmpf olt, %gather3A, %get3A_378 : vector<16xf32>
      %select_n3A = arith.select %lt3A, %add3A_405, %add3A_393 : vector<16xi1>, vector<16xi32>
      %add3A_406 = arith.constant 128 : i32
      %add3A_407 = vector.broadcast %add3A_406 : i32 to vector<16xi32>
      %add3A_408 = arith.addi %add3A_396, %add3A_407 : vector<16xi32>
      %gather3A_409 = tpu.vector_load_idx %arg7[%add3A_408] : memref<3840xf32, #tpu.memory_space<vmem>>[vector<16xi32>], vector<16xf32>,
      %lt3A_410 = arith.cmpf olt, %gather3A_409, %get3A_382 : vector<16xf32>
      %select_n3A_411 = arith.select %lt3A_410, %add3A_408, %add3A_396 : vector<16xi1>, vector<16xi32>
      %add3A_412 = arith.constant 128 : i32
      %add3A_413 = vector.broadcast %add3A_412 : i32 to vector<16xi32>
      %add3A_414 = arith.addi %add3A_399, %add3A_413 : vector<16xi32>
      %gather3A_415 = tpu.vector_load_idx %arg7[%add3A_414] : memref<3840xf32, #tpu.memory_space<vmem>>[vector<16xi32>], vector<16xf32>,
      %lt3A_416 = arith.cmpf olt, %gather3A_415, %get3A_386 : vector<16xf32>
      %select_n3A_417 = arith.select %lt3A_416, %add3A_414, %add3A_399 : vector<16xi1>, vector<16xi32>
      %add3A_418 = arith.constant 128 : i32
      %add3A_419 = vector.broadcast %add3A_418 : i32 to vector<16xi32>
      %add3A_420 = arith.addi %add3A_402, %add3A_419 : vector<16xi32>
      %gather3A_421 = tpu.vector_load_idx %arg7[%add3A_420] : memref<3840xf32, #tpu.memory_space<vmem>>[vector<16xi32>], vector<16xf32>,
      %lt3A_422 = arith.cmpf olt, %gather3A_421, %get3A_390 : vector<16xf32>
      %select_n3A_423 = arith.select %lt3A_422, %add3A_420, %add3A_402 : vector<16xi1>, vector<16xi32>
      %add3A_424 = arith.constant 64 : i32
      %add3A_425 = vector.broadcast %add3A_424 : i32 to vector<16xi32>
      %add3A_426 = arith.addi %select_n3A, %add3A_425 : vector<16xi32>
      %gather3A_427 = tpu.vector_load_idx %arg7[%add3A_426] : memref<3840xf32, #tpu.memory_space<vmem>>[vector<16xi32>], vector<16xf32>,
      %lt3A_428 = arith.cmpf olt, %gather3A_427, %get3A_378 : vector<16xf32>
      %select_n3A_429 = arith.select %lt3A_428, %add3A_426, %select_n3A : vector<16xi1>, vector<16xi32>
      %add3A_430 = arith.constant 64 : i32
      %add3A_431 = vector.broadcast %add3A_430 : i32 to vector<16xi32>
      %add3A_432 = arith.addi %select_n3A_411, %add3A_431 : vector<16xi32>
      %gather3A_433 = tpu.vector_load_idx %arg7[%add3A_432] : memref<3840xf32, #tpu.memory_space<vmem>>[vector<16xi32>], vector<16xf32>,
      %lt3A_434 = arith.cmpf olt, %gather3A_433, %get3A_382 : vector<16xf32>
      %select_n3A_435 = arith.select %lt3A_434, %add3A_432, %select_n3A_411 : vector<16xi1>, vector<16xi32>
      %add3A_436 = arith.constant 64 : i32
      %add3A_437 = vector.broadcast %add3A_436 : i32 to vector<16xi32>
      %add3A_438 = arith.addi %select_n3A_417, %add3A_437 : vector<16xi32>
      %gather3A_439 = tpu.vector_load_idx %arg7[%add3A_438] : memref<3840xf32, #tpu.memory_space<vmem>>[vector<16xi32>], vector<16xf32>,
      %lt3A_440 = arith.cmpf olt, %gather3A_439, %get3A_386 : vector<16xf32>
      %select_n3A_441 = arith.select %lt3A_440, %add3A_438, %select_n3A_417 : vector<16xi1>, vector<16xi32>
      %add3A_442 = arith.constant 64 : i32
      %add3A_443 = vector.broadcast %add3A_442 : i32 to vector<16xi32>
      %add3A_444 = arith.addi %select_n3A_423, %add3A_443 : vector<16xi32>
      %gather3A_445 = tpu.vector_load_idx %arg7[%add3A_444] : memref<3840xf32, #tpu.memory_space<vmem>>[vector<16xi32>], vector<16xf32>,
      %lt3A_446 = arith.cmpf olt, %gather3A_445, %get3A_390 : vector<16xf32>
      %select_n3A_447 = arith.select %lt3A_446, %add3A_444, %select_n3A_423 : vector<16xi1>, vector<16xi32>
      %add3A_448 = arith.constant 32 : i32
      %add3A_449 = vector.broadcast %add3A_448 : i32 to vector<16xi32>
      %add3A_450 = arith.addi %select_n3A_429, %add3A_449 : vector<16xi32>
      %gather3A_451 = tpu.vector_load_idx %arg7[%add3A_450] : memref<3840xf32, #tpu.memory_space<vmem>>[vector<16xi32>], vector<16xf32>,
      %lt3A_452 = arith.cmpf olt, %gather3A_451, %get3A_378 : vector<16xf32>
      %select_n3A_453 = arith.select %lt3A_452, %add3A_450, %select_n3A_429 : vector<16xi1>, vector<16xi32>
      %add3A_454 = arith.constant 32 : i32
      %add3A_455 = vector.broadcast %add3A_454 : i32 to vector<16xi32>
      %add3A_456 = arith.addi %select_n3A_435, %add3A_455 : vector<16xi32>
      %gather3A_457 = tpu.vector_load_idx %arg7[%add3A_456] : memref<3840xf32, #tpu.memory_space<vmem>>[vector<16xi32>], vector<16xf32>,
      %lt3A_458 = arith.cmpf olt, %gather3A_457, %get3A_382 : vector<16xf32>
      %select_n3A_459 = arith.select %lt3A_458, %add3A_456, %select_n3A_435 : vector<16xi1>, vector<16xi32>
      %add3A_460 = arith.constant 32 : i32
      %add3A_461 = vector.broadcast %add3A_460 : i32 to vector<16xi32>
      %add3A_462 = arith.addi %select_n3A_441, %add3A_461 : vector<16xi32>
      %gather3A_463 = tpu.vector_load_idx %arg7[%add3A_462] : memref<3840xf32, #tpu.memory_space<vmem>>[vector<16xi32>], vector<16xf32>,
      %lt3A_464 = arith.cmpf olt, %gather3A_463, %get3A_386 : vector<16xf32>
      %select_n3A_465 = arith.select %lt3A_464, %add3A_462, %select_n3A_441 : vector<16xi1>, vector<16xi32>
      %add3A_466 = arith.constant 32 : i32
      %add3A_467 = vector.broadcast %add3A_466 : i32 to vector<16xi32>
      %add3A_468 = arith.addi %select_n3A_447, %add3A_467 : vector<16xi32>
      %gather3A_469 = tpu.vector_load_idx %arg7[%add3A_468] : memref<3840xf32, #tpu.memory_space<vmem>>[vector<16xi32>], vector<16xf32>,
      %lt3A_470 = arith.cmpf olt, %gather3A_469, %get3A_390 : vector<16xf32>
      %select_n3A_471 = arith.select %lt3A_470, %add3A_468, %select_n3A_447 : vector<16xi1>, vector<16xi32>
      %add3A_472 = arith.constant 16 : i32
      %add3A_473 = vector.broadcast %add3A_472 : i32 to vector<16xi32>
      %add3A_474 = arith.addi %select_n3A_453, %add3A_473 : vector<16xi32>
      %gather3A_475 = tpu.vector_load_idx %arg7[%add3A_474] : memref<3840xf32, #tpu.memory_space<vmem>>[vector<16xi32>], vector<16xf32>,
      %lt3A_476 = arith.cmpf olt, %gather3A_475, %get3A_378 : vector<16xf32>
      %select_n3A_477 = arith.select %lt3A_476, %add3A_474, %select_n3A_453 : vector<16xi1>, vector<16xi32>
      %add3A_478 = arith.constant 16 : i32
      %add3A_479 = vector.broadcast %add3A_478 : i32 to vector<16xi32>
      %add3A_480 = arith.addi %select_n3A_459, %add3A_479 : vector<16xi32>
      %gather3A_481 = tpu.vector_load_idx %arg7[%add3A_480] : memref<3840xf32, #tpu.memory_space<vmem>>[vector<16xi32>], vector<16xf32>,
      %lt3A_482 = arith.cmpf olt, %gather3A_481, %get3A_382 : vector<16xf32>
      %select_n3A_483 = arith.select %lt3A_482, %add3A_480, %select_n3A_459 : vector<16xi1>, vector<16xi32>
      %add3A_484 = arith.constant 16 : i32
      %add3A_485 = vector.broadcast %add3A_484 : i32 to vector<16xi32>
      %add3A_486 = arith.addi %select_n3A_465, %add3A_485 : vector<16xi32>
      %gather3A_487 = tpu.vector_load_idx %arg7[%add3A_486] : memref<3840xf32, #tpu.memory_space<vmem>>[vector<16xi32>], vector<16xf32>,
      %lt3A_488 = arith.cmpf olt, %gather3A_487, %get3A_386 : vector<16xf32>
      %select_n3A_489 = arith.select %lt3A_488, %add3A_486, %select_n3A_465 : vector<16xi1>, vector<16xi32>
      %add3A_490 = arith.constant 16 : i32
      %add3A_491 = vector.broadcast %add3A_490 : i32 to vector<16xi32>
      %add3A_492 = arith.addi %select_n3A_471, %add3A_491 : vector<16xi32>
      %gather3A_493 = tpu.vector_load_idx %arg7[%add3A_492] : memref<3840xf32, #tpu.memory_space<vmem>>[vector<16xi32>], vector<16xf32>,
      %lt3A_494 = arith.cmpf olt, %gather3A_493, %get3A_390 : vector<16xf32>
      %select_n3A_495 = arith.select %lt3A_494, %add3A_492, %select_n3A_471 : vector<16xi1>, vector<16xi32>
      %add3A_496 = arith.constant 8 : i32
      %add3A_497 = vector.broadcast %add3A_496 : i32 to vector<16xi32>
      %add3A_498 = arith.addi %select_n3A_477, %add3A_497 : vector<16xi32>
      %gather3A_499 = tpu.vector_load_idx %arg7[%add3A_498] : memref<3840xf32, #tpu.memory_space<vmem>>[vector<16xi32>], vector<16xf32>,
      %lt3A_500 = arith.cmpf olt, %gather3A_499, %get3A_378 : vector<16xf32>
      %select_n3A_501 = arith.select %lt3A_500, %add3A_498, %select_n3A_477 : vector<16xi1>, vector<16xi32>
      %add3A_502 = arith.constant 8 : i32
      %add3A_503 = vector.broadcast %add3A_502 : i32 to vector<16xi32>
      %add3A_504 = arith.addi %select_n3A_483, %add3A_503 : vector<16xi32>
      %gather3A_505 = tpu.vector_load_idx %arg7[%add3A_504] : memref<3840xf32, #tpu.memory_space<vmem>>[vector<16xi32>], vector<16xf32>,
      %lt3A_506 = arith.cmpf olt, %gather3A_505, %get3A_382 : vector<16xf32>
      %select_n3A_507 = arith.select %lt3A_506, %add3A_504, %select_n3A_483 : vector<16xi1>, vector<16xi32>
      %add3A_508 = arith.constant 8 : i32
      %add3A_509 = vector.broadcast %add3A_508 : i32 to vector<16xi32>
      %add3A_510 = arith.addi %select_n3A_489, %add3A_509 : vector<16xi32>
      %gather3A_511 = tpu.vector_load_idx %arg7[%add3A_510] : memref<3840xf32, #tpu.memory_space<vmem>>[vector<16xi32>], vector<16xf32>,
      %lt3A_512 = arith.cmpf olt, %gather3A_511, %get3A_386 : vector<16xf32>
      %select_n3A_513 = arith.select %lt3A_512, %add3A_510, %select_n3A_489 : vector<16xi1>, vector<16xi32>
      %add3A_514 = arith.constant 8 : i32
      %add3A_515 = vector.broadcast %add3A_514 : i32 to vector<16xi32>
      %add3A_516 = arith.addi %select_n3A_495, %add3A_515 : vector<16xi32>
      %gather3A_517 = tpu.vector_load_idx %arg7[%add3A_516] : memref<3840xf32, #tpu.memory_space<vmem>>[vector<16xi32>], vector<16xf32>,
      %lt3A_518 = arith.cmpf olt, %gather3A_517, %get3A_390 : vector<16xf32>
      %select_n3A_519 = arith.select %lt3A_518, %add3A_516, %select_n3A_495 : vector<16xi1>, vector<16xi32>
      %add3A_520 = arith.constant 4 : i32
      %add3A_521 = vector.broadcast %add3A_520 : i32 to vector<16xi32>
      %add3A_522 = arith.addi %select_n3A_501, %add3A_521 : vector<16xi32>
      %gather3A_523 = tpu.vector_load_idx %arg7[%add3A_522] : memref<3840xf32, #tpu.memory_space<vmem>>[vector<16xi32>], vector<16xf32>,
      %lt3A_524 = arith.cmpf olt, %gather3A_523, %get3A_378 : vector<16xf32>
      %select_n3A_525 = arith.select %lt3A_524, %add3A_522, %select_n3A_501 : vector<16xi1>, vector<16xi32>
      %add3A_526 = arith.constant 4 : i32
      %add3A_527 = vector.broadcast %add3A_526 : i32 to vector<16xi32>
      %add3A_528 = arith.addi %select_n3A_507, %add3A_527 : vector<16xi32>
      %gather3A_529 = tpu.vector_load_idx %arg7[%add3A_528] : memref<3840xf32, #tpu.memory_space<vmem>>[vector<16xi32>], vector<16xf32>,
      %lt3A_530 = arith.cmpf olt, %gather3A_529, %get3A_382 : vector<16xf32>
      %select_n3A_531 = arith.select %lt3A_530, %add3A_528, %select_n3A_507 : vector<16xi1>, vector<16xi32>
      %add3A_532 = arith.constant 4 : i32
      %add3A_533 = vector.broadcast %add3A_532 : i32 to vector<16xi32>
      %add3A_534 = arith.addi %select_n3A_513, %add3A_533 : vector<16xi32>
      %gather3A_535 = tpu.vector_load_idx %arg7[%add3A_534] : memref<3840xf32, #tpu.memory_space<vmem>>[vector<16xi32>], vector<16xf32>,
      %lt3A_536 = arith.cmpf olt, %gather3A_535, %get3A_386 : vector<16xf32>
      %select_n3A_537 = arith.select %lt3A_536, %add3A_534, %select_n3A_513 : vector<16xi1>, vector<16xi32>
      %add3A_538 = arith.constant 4 : i32
      %add3A_539 = vector.broadcast %add3A_538 : i32 to vector<16xi32>
      %add3A_540 = arith.addi %select_n3A_519, %add3A_539 : vector<16xi32>
      %gather3A_541 = tpu.vector_load_idx %arg7[%add3A_540] : memref<3840xf32, #tpu.memory_space<vmem>>[vector<16xi32>], vector<16xf32>,
      %lt3A_542 = arith.cmpf olt, %gather3A_541, %get3A_390 : vector<16xf32>
      %select_n3A_543 = arith.select %lt3A_542, %add3A_540, %select_n3A_519 : vector<16xi1>, vector<16xi32>
      %add3A_544 = arith.constant 2 : i32
      %add3A_545 = vector.broadcast %add3A_544 : i32 to vector<16xi32>
      %add3A_546 = arith.addi %select_n3A_525, %add3A_545 : vector<16xi32>
      %gather3A_547 = tpu.vector_load_idx %arg7[%add3A_546] : memref<3840xf32, #tpu.memory_space<vmem>>[vector<16xi32>], vector<16xf32>,
      %lt3A_548 = arith.cmpf olt, %gather3A_547, %get3A_378 : vector<16xf32>
      %select_n3A_549 = arith.select %lt3A_548, %add3A_546, %select_n3A_525 : vector<16xi1>, vector<16xi32>
      %add3A_550 = arith.constant 2 : i32
      %add3A_551 = vector.broadcast %add3A_550 : i32 to vector<16xi32>
      %add3A_552 = arith.addi %select_n3A_531, %add3A_551 : vector<16xi32>
      %gather3A_553 = tpu.vector_load_idx %arg7[%add3A_552] : memref<3840xf32, #tpu.memory_space<vmem>>[vector<16xi32>], vector<16xf32>,
      %lt3A_554 = arith.cmpf olt, %gather3A_553, %get3A_382 : vector<16xf32>
      %select_n3A_555 = arith.select %lt3A_554, %add3A_552, %select_n3A_531 : vector<16xi1>, vector<16xi32>
      %add3A_556 = arith.constant 2 : i32
      %add3A_557 = vector.broadcast %add3A_556 : i32 to vector<16xi32>
      %add3A_558 = arith.addi %select_n3A_537, %add3A_557 : vector<16xi32>
      %gather3A_559 = tpu.vector_load_idx %arg7[%add3A_558] : memref<3840xf32, #tpu.memory_space<vmem>>[vector<16xi32>], vector<16xf32>,
      %lt3A_560 = arith.cmpf olt, %gather3A_559, %get3A_386 : vector<16xf32>
      %select_n3A_561 = arith.select %lt3A_560, %add3A_558, %select_n3A_537 : vector<16xi1>, vector<16xi32>
      %add3A_562 = arith.constant 2 : i32
      %add3A_563 = vector.broadcast %add3A_562 : i32 to vector<16xi32>
      %add3A_564 = arith.addi %select_n3A_543, %add3A_563 : vector<16xi32>
      %gather3A_565 = tpu.vector_load_idx %arg7[%add3A_564] : memref<3840xf32, #tpu.memory_space<vmem>>[vector<16xi32>], vector<16xf32>,
      %lt3A_566 = arith.cmpf olt, %gather3A_565, %get3A_390 : vector<16xf32>
      %select_n3A_567 = arith.select %lt3A_566, %add3A_564, %select_n3A_543 : vector<16xi1>, vector<16xi32>
      %add3A_568 = arith.constant 1 : i32
      %add3A_569 = vector.broadcast %add3A_568 : i32 to vector<16xi32>
      %add3A_570 = arith.addi %select_n3A_549, %add3A_569 : vector<16xi32>
      %gather3A_571 = tpu.vector_load_idx %arg7[%add3A_570] : memref<3840xf32, #tpu.memory_space<vmem>>[vector<16xi32>], vector<16xf32>,
      %lt3A_572 = arith.cmpf olt, %gather3A_571, %get3A_378 : vector<16xf32>
      %select_n3A_573 = arith.select %lt3A_572, %add3A_570, %select_n3A_549 : vector<16xi1>, vector<16xi32>
      %add3A_574 = arith.constant 1 : i32
      %add3A_575 = vector.broadcast %add3A_574 : i32 to vector<16xi32>
      %add3A_576 = arith.addi %select_n3A_555, %add3A_575 : vector<16xi32>
      %gather3A_577 = tpu.vector_load_idx %arg7[%add3A_576] : memref<3840xf32, #tpu.memory_space<vmem>>[vector<16xi32>], vector<16xf32>,
      %lt3A_578 = arith.cmpf olt, %gather3A_577, %get3A_382 : vector<16xf32>
      %select_n3A_579 = arith.select %lt3A_578, %add3A_576, %select_n3A_555 : vector<16xi1>, vector<16xi32>
      %add3A_580 = arith.constant 1 : i32
      %add3A_581 = vector.broadcast %add3A_580 : i32 to vector<16xi32>
      %add3A_582 = arith.addi %select_n3A_561, %add3A_581 : vector<16xi32>
      %gather3A_583 = tpu.vector_load_idx %arg7[%add3A_582] : memref<3840xf32, #tpu.memory_space<vmem>>[vector<16xi32>], vector<16xf32>,
      %lt3A_584 = arith.cmpf olt, %gather3A_583, %get3A_386 : vector<16xf32>
      %select_n3A_585 = arith.select %lt3A_584, %add3A_582, %select_n3A_561 : vector<16xi1>, vector<16xi32>
      %add3A_586 = arith.constant 1 : i32
      %add3A_587 = vector.broadcast %add3A_586 : i32 to vector<16xi32>
      %add3A_588 = arith.addi %select_n3A_567, %add3A_587 : vector<16xi32>
      %gather3A_589 = tpu.vector_load_idx %arg7[%add3A_588] : memref<3840xf32, #tpu.memory_space<vmem>>[vector<16xi32>], vector<16xf32>,
      %lt3A_590 = arith.cmpf olt, %gather3A_589, %get3A_390 : vector<16xf32>
      %select_n3A_591 = arith.select %lt3A_590, %add3A_588, %select_n3A_567 : vector<16xi1>, vector<16xi32>
      %add3A_592 = arith.constant 768 : i32
      %add3A_593 = vector.broadcast %add3A_592 : i32 to vector<16xi32>
      %add3A_594 = arith.addi %select_n3A_573, %add3A_593 : vector<16xi32>
      %gather3A_595 = tpu.vector_load_idx %arg7[%add3A_594] : memref<3840xf32, #tpu.memory_space<vmem>>[vector<16xi32>], vector<16xf32>,
      %add3A_596 = arith.constant 1536 : i32
      %add3A_597 = vector.broadcast %add3A_596 : i32 to vector<16xi32>
      %add3A_598 = arith.addi %select_n3A_573, %add3A_597 : vector<16xi32>
      %gather3A_599 = tpu.vector_load_idx %arg7[%add3A_598] : memref<3840xf32, #tpu.memory_space<vmem>>[vector<16xi32>], vector<16xf32>,
      %add3A_600 = arith.constant 2304 : i32
      %add3A_601 = vector.broadcast %add3A_600 : i32 to vector<16xi32>
      %add3A_602 = arith.addi %select_n3A_573, %add3A_601 : vector<16xi32>
      %gather3A_603 = tpu.vector_load_idx %arg7[%add3A_602] : memref<3840xf32, #tpu.memory_space<vmem>>[vector<16xi32>], vector<16xf32>,
      %add3A_604 = arith.constant 3072 : i32
      %add3A_605 = vector.broadcast %add3A_604 : i32 to vector<16xi32>
      %add3A_606 = arith.addi %select_n3A_573, %add3A_605 : vector<16xi32>
      %gather3A_607 = tpu.vector_load_idx %arg7[%add3A_606] : memref<3840xf32, #tpu.memory_space<vmem>>[vector<16xi32>], vector<16xf32>,
      %mul3A_608 = arith.mulf %gather3A_599, %get3A_378 : vector<16xf32>
      %add3A_609 = arith.addf %gather3A_595, %mul3A_608 : vector<16xf32>
      %ge3A = arith.cmpf oge, %get3A_378, %gather3A_603 : vector<16xf32>
      %select_n3A_610 = arith.select %ge3A, %gather3A_607, %add3A_609 : vector<16xi1>, vector<16xf32>
      %le3A = arith.constant -1.000000e+00 : f32
      %le3A_611 = vector.broadcast %le3A : f32 to vector<16xf32>
      %le3A_612 = arith.cmpf ole, %get3A_378, %le3A_611 : vector<16xf32>
      %jit3A = arith.constant -1.000000e+00 : f32
      %broadcast_in_dim3A = vector.broadcast %jit3A : f32 to vector<16xf32>
      %select_n3A_613 = arith.select %le3A_612, %broadcast_in_dim3A, %select_n3A_610 : vector<16xi1>, vector<16xf32>
      %add3A_614 = arith.constant 768 : i32
      %add3A_615 = vector.broadcast %add3A_614 : i32 to vector<16xi32>
      %add3A_616 = arith.addi %select_n3A_579, %add3A_615 : vector<16xi32>
      %gather3A_617 = tpu.vector_load_idx %arg7[%add3A_616] : memref<3840xf32, #tpu.memory_space<vmem>>[vector<16xi32>], vector<16xf32>,
      %add3A_618 = arith.constant 1536 : i32
      %add3A_619 = vector.broadcast %add3A_618 : i32 to vector<16xi32>
      %add3A_620 = arith.addi %select_n3A_579, %add3A_619 : vector<16xi32>
      %gather3A_621 = tpu.vector_load_idx %arg7[%add3A_620] : memref<3840xf32, #tpu.memory_space<vmem>>[vector<16xi32>], vector<16xf32>,
      %add3A_622 = arith.constant 2304 : i32
      %add3A_623 = vector.broadcast %add3A_622 : i32 to vector<16xi32>
      %add3A_624 = arith.addi %select_n3A_579, %add3A_623 : vector<16xi32>
      %gather3A_625 = tpu.vector_load_idx %arg7[%add3A_624] : memref<3840xf32, #tpu.memory_space<vmem>>[vector<16xi32>], vector<16xf32>,
      %add3A_626 = arith.constant 3072 : i32
      %add3A_627 = vector.broadcast %add3A_626 : i32 to vector<16xi32>
      %add3A_628 = arith.addi %select_n3A_579, %add3A_627 : vector<16xi32>
      %gather3A_629 = tpu.vector_load_idx %arg7[%add3A_628] : memref<3840xf32, #tpu.memory_space<vmem>>[vector<16xi32>], vector<16xf32>,
      %mul3A_630 = arith.mulf %gather3A_621, %get3A_382 : vector<16xf32>
      %add3A_631 = arith.addf %gather3A_617, %mul3A_630 : vector<16xf32>
      %ge3A_632 = arith.cmpf oge, %get3A_382, %gather3A_625 : vector<16xf32>
      %select_n3A_633 = arith.select %ge3A_632, %gather3A_629, %add3A_631 : vector<16xi1>, vector<16xf32>
      %le3A_634 = arith.constant -1.000000e+00 : f32
      %le3A_635 = vector.broadcast %le3A_634 : f32 to vector<16xf32>
      %le3A_636 = arith.cmpf ole, %get3A_382, %le3A_635 : vector<16xf32>
      %jit3A_637 = arith.constant -1.000000e+00 : f32
      %broadcast_in_dim3A_638 = vector.broadcast %jit3A_637 : f32 to vector<16xf32>
      %select_n3A_639 = arith.select %le3A_636, %broadcast_in_dim3A_638, %select_n3A_633 : vector<16xi1>, vector<16xf32>
      %add3A_640 = arith.constant 768 : i32
      %add3A_641 = vector.broadcast %add3A_640 : i32 to vector<16xi32>
      %add3A_642 = arith.addi %select_n3A_585, %add3A_641 : vector<16xi32>
      %gather3A_643 = tpu.vector_load_idx %arg7[%add3A_642] : memref<3840xf32, #tpu.memory_space<vmem>>[vector<16xi32>], vector<16xf32>,
      %add3A_644 = arith.constant 1536 : i32
      %add3A_645 = vector.broadcast %add3A_644 : i32 to vector<16xi32>
      %add3A_646 = arith.addi %select_n3A_585, %add3A_645 : vector<16xi32>
      %gather3A_647 = tpu.vector_load_idx %arg7[%add3A_646] : memref<3840xf32, #tpu.memory_space<vmem>>[vector<16xi32>], vector<16xf32>,
      %add3A_648 = arith.constant 2304 : i32
      %add3A_649 = vector.broadcast %add3A_648 : i32 to vector<16xi32>
      %add3A_650 = arith.addi %select_n3A_585, %add3A_649 : vector<16xi32>
      %gather3A_651 = tpu.vector_load_idx %arg7[%add3A_650] : memref<3840xf32, #tpu.memory_space<vmem>>[vector<16xi32>], vector<16xf32>,
      %add3A_652 = arith.constant 3072 : i32
      %add3A_653 = vector.broadcast %add3A_652 : i32 to vector<16xi32>
      %add3A_654 = arith.addi %select_n3A_585, %add3A_653 : vector<16xi32>
      %gather3A_655 = tpu.vector_load_idx %arg7[%add3A_654] : memref<3840xf32, #tpu.memory_space<vmem>>[vector<16xi32>], vector<16xf32>,
      %mul3A_656 = arith.mulf %gather3A_647, %get3A_386 : vector<16xf32>
      %add3A_657 = arith.addf %gather3A_643, %mul3A_656 : vector<16xf32>
      %ge3A_658 = arith.cmpf oge, %get3A_386, %gather3A_651 : vector<16xf32>
      %select_n3A_659 = arith.select %ge3A_658, %gather3A_655, %add3A_657 : vector<16xi1>, vector<16xf32>
      %le3A_660 = arith.constant -1.000000e+00 : f32
      %le3A_661 = vector.broadcast %le3A_660 : f32 to vector<16xf32>
      %le3A_662 = arith.cmpf ole, %get3A_386, %le3A_661 : vector<16xf32>
      %jit3A_663 = arith.constant -1.000000e+00 : f32
      %broadcast_in_dim3A_664 = vector.broadcast %jit3A_663 : f32 to vector<16xf32>
      %select_n3A_665 = arith.select %le3A_662, %broadcast_in_dim3A_664, %select_n3A_659 : vector<16xi1>, vector<16xf32>
      %add3A_666 = arith.constant 768 : i32
      %add3A_667 = vector.broadcast %add3A_666 : i32 to vector<16xi32>
      %add3A_668 = arith.addi %select_n3A_591, %add3A_667 : vector<16xi32>
      %gather3A_669 = tpu.vector_load_idx %arg7[%add3A_668] : memref<3840xf32, #tpu.memory_space<vmem>>[vector<16xi32>], vector<16xf32>,
      %add3A_670 = arith.constant 1536 : i32
      %add3A_671 = vector.broadcast %add3A_670 : i32 to vector<16xi32>
      %add3A_672 = arith.addi %select_n3A_591, %add3A_671 : vector<16xi32>
      %gather3A_673 = tpu.vector_load_idx %arg7[%add3A_672] : memref<3840xf32, #tpu.memory_space<vmem>>[vector<16xi32>], vector<16xf32>,
      %add3A_674 = arith.constant 2304 : i32
      %add3A_675 = vector.broadcast %add3A_674 : i32 to vector<16xi32>
      %add3A_676 = arith.addi %select_n3A_591, %add3A_675 : vector<16xi32>
      %gather3A_677 = tpu.vector_load_idx %arg7[%add3A_676] : memref<3840xf32, #tpu.memory_space<vmem>>[vector<16xi32>], vector<16xf32>,
      %add3A_678 = arith.constant 3072 : i32
      %add3A_679 = vector.broadcast %add3A_678 : i32 to vector<16xi32>
      %add3A_680 = arith.addi %select_n3A_591, %add3A_679 : vector<16xi32>
      %gather3A_681 = tpu.vector_load_idx %arg7[%add3A_680] : memref<3840xf32, #tpu.memory_space<vmem>>[vector<16xi32>], vector<16xf32>,
      %mul3A_682 = arith.mulf %gather3A_673, %get3A_390 : vector<16xf32>
      %add3A_683 = arith.addf %gather3A_669, %mul3A_682 : vector<16xf32>
      %ge3A_684 = arith.cmpf oge, %get3A_390, %gather3A_677 : vector<16xf32>
      %select_n3A_685 = arith.select %ge3A_684, %gather3A_681, %add3A_683 : vector<16xi1>, vector<16xf32>
      %le3A_686 = arith.constant -1.000000e+00 : f32
      %le3A_687 = vector.broadcast %le3A_686 : f32 to vector<16xf32>
      %le3A_688 = arith.cmpf ole, %get3A_390, %le3A_687 : vector<16xf32>
      %jit3A_689 = arith.constant -1.000000e+00 : f32
      %broadcast_in_dim3A_690 = vector.broadcast %jit3A_689 : f32 to vector<16xf32>
      %select_n3A_691 = arith.select %le3A_688, %broadcast_in_dim3A_690, %select_n3A_685 : vector<16xi1>, vector<16xf32>
      %add3A_692 = arith.constant 0 : i32
      %add3A_693 = arith.addi %add3A_374, %add3A_692 : i32
      %swap3A = arith.index_cast %add3A_693 : i32 to index
      %swap3A_694 = tpu.vector_load %arg5[%swap3A] {strides = array<i32>} : memref<24576xf32, #tpu.memory_space<vmem>>, vector<16xf32>,
      tpu.vector_store %arg5[%swap3A], %select_n3A_613 {strides = array<i32>} : memref<24576xf32, #tpu.memory_space<vmem>>, vector<16xf32>,
      %add3A_695 = arith.constant 16 : i32
      %add3A_696 = arith.addi %add3A_374, %add3A_695 : i32
      %swap3A_697 = arith.index_cast %add3A_696 : i32 to index
      %swap3A_698 = tpu.vector_load %arg5[%swap3A_697] {strides = array<i32>} : memref<24576xf32, #tpu.memory_space<vmem>>, vector<16xf32>,
      tpu.vector_store %arg5[%swap3A_697], %select_n3A_639 {strides = array<i32>} : memref<24576xf32, #tpu.memory_space<vmem>>, vector<16xf32>,
      %add3A_699 = arith.constant 32 : i32
      %add3A_700 = arith.addi %add3A_374, %add3A_699 : i32
      %swap3A_701 = arith.index_cast %add3A_700 : i32 to index
      %swap3A_702 = tpu.vector_load %arg5[%swap3A_701] {strides = array<i32>} : memref<24576xf32, #tpu.memory_space<vmem>>, vector<16xf32>,
      tpu.vector_store %arg5[%swap3A_701], %select_n3A_665 {strides = array<i32>} : memref<24576xf32, #tpu.memory_space<vmem>>, vector<16xf32>,
      %add3A_703 = arith.constant 48 : i32
      %add3A_704 = arith.addi %add3A_374, %add3A_703 : i32
      %swap3A_705 = arith.index_cast %add3A_704 : i32 to index
      %swap3A_706 = tpu.vector_load %arg5[%swap3A_705] {strides = array<i32>} : memref<24576xf32, #tpu.memory_space<vmem>>, vector<16xf32>,
      tpu.vector_store %arg5[%swap3A_705], %select_n3A_691 {strides = array<i32>} : memref<24576xf32, #tpu.memory_space<vmem>>, vector<16xf32>,
    }
    %scan3A_320 = arith.constant 128 : i32
    %mul3A_321 = arith.constant 8192 : i32
    %mul3A_322 = arith.muli %add3A, %mul3A_321 : i32
    %add3A_323 = arith.constant 262144 : i32
    %add3A_324 = arith.addi %add3A_323, %mul3A_322 : i32
    %dma_start3A_325 = arith.constant 8192 : i32
    %dma_start3A_326 = tpu.memref_slice %arg5[%dma_start3A_325] : memref<24576xf32, #tpu.memory_space<vmem>> -> memref<8192xf32, #tpu.memory_space<vmem>>
    %dma_start3A_327 = tpu.memref_slice %arg4[%add3A_324] : memref<786432xf32, #tpu.memory_space<hbm>> -> memref<8192xf32, #tpu.memory_space<hbm>>
    %dma_start3A_328 = tpu.memref_slice %arg4[%add3A_324] : memref<786432xf32, #tpu.memory_space<hbm>> -> memref<8192xf32, #tpu.memory_space<hbm>>
    %dma_start3A_329 = arith.constant 8192 : i32
    %dma_start3A_330 = tpu.memref_slice %arg5[%dma_start3A_329] : memref<24576xf32, #tpu.memory_space<vmem>> -> memref<8192xf32, #tpu.memory_space<vmem>>
    tpu.enqueue_dma source(%dma_start3A_330 : memref<8192xf32, #tpu.memory_space<vmem>>) target(%dma_start3A_328 : memref<8192xf32, #tpu.memory_space<hbm>>) target_semaphore(%arg19 : memref<!tpu.dma_semaphore, #tpu.memory_space<semaphore_mem>>)
    %dma_wait3A_331 = arith.constant 16384 : i32
    %dma_wait3A_332 = tpu.memref_slice %arg5[%dma_wait3A_331] : memref<24576xf32, #tpu.memory_space<vmem>> -> memref<8192xf32, #tpu.memory_space<vmem>>
    %dma_wait3A_333 = tpu.memref_slice %arg2[%add3A_26] : memref<786432xf32, #tpu.memory_space<hbm>> -> memref<8192xf32, #tpu.memory_space<hbm>>
    %dma_wait3A_334 = arith.constant 16384 : i32
    %dma_wait3A_335 = tpu.memref_slice %arg5[%dma_wait3A_334] : memref<24576xf32, #tpu.memory_space<vmem>> -> memref<8192xf32, #tpu.memory_space<vmem>>
    %dma_wait3A_336 = tpu.memref_slice %arg2[%add3A_26] : memref<786432xf32, #tpu.memory_space<hbm>> -> memref<8192xf32, #tpu.memory_space<hbm>>
    tpu.wait_dma2 semaphore(%arg17 : memref<!tpu.dma_semaphore, #tpu.memory_space<semaphore_mem>>) src(%dma_wait3A_336 : memref<8192xf32, #tpu.memory_space<hbm>>) dst(%dma_wait3A_335 : memref<8192xf32, #tpu.memory_space<vmem>>)
    %scan3A_337 = arith.constant 0 : i32
    %scan3A_338 = arith.constant 128 : i32
    %scan3A_339 = arith.addi %scan3A_337, %scan3A_338 : i32
    %scan3A_340 = arith.constant 1 : i32
    scf.for %scan3A_370 = %scan3A_337 to %scan3A_339 step %scan3A_340  : i32 {
      %mul3A_371 = arith.constant 64 : i32
      %mul3A_372 = arith.muli %scan3A_370, %mul3A_371 : i32
      %add3A_373 = arith.constant 16384 : i32
      %add3A_374 = arith.addi %add3A_373, %mul3A_372 : i32
      %add3A_375 = arith.constant 0 : i32
      %add3A_376 = arith.addi %add3A_374, %add3A_375 : i32
      %get3A_377 = arith.index_cast %add3A_376 : i32 to index
      %get3A_378 = tpu.vector_load %arg5[%get3A_377] {strides = array<i32>} : memref<24576xf32, #tpu.memory_space<vmem>>, vector<16xf32>,
      %add3A_379 = arith.constant 16 : i32
      %add3A_380 = arith.addi %add3A_374, %add3A_379 : i32
      %get3A_381 = arith.index_cast %add3A_380 : i32 to index
      %get3A_382 = tpu.vector_load %arg5[%get3A_381] {strides = array<i32>} : memref<24576xf32, #tpu.memory_space<vmem>>, vector<16xf32>,
      %add3A_383 = arith.constant 32 : i32
      %add3A_384 = arith.addi %add3A_374, %add3A_383 : i32
      %get3A_385 = arith.index_cast %add3A_384 : i32 to index
      %get3A_386 = tpu.vector_load %arg5[%get3A_385] {strides = array<i32>} : memref<24576xf32, #tpu.memory_space<vmem>>, vector<16xf32>,
      %add3A_387 = arith.constant 48 : i32
      %add3A_388 = arith.addi %add3A_374, %add3A_387 : i32
      %get3A_389 = arith.index_cast %add3A_388 : i32 to index
      %get3A_390 = tpu.vector_load %arg5[%get3A_389] {strides = array<i32>} : memref<24576xf32, #tpu.memory_space<vmem>>, vector<16xf32>,
      %add3A_391 = arith.constant 512 : i32
      %add3A_392 = vector.broadcast %add3A_391 : i32 to vector<16xi32>
      %add3A_393 = arith.addi %mul3A_3, %add3A_392 : vector<16xi32>
      %add3A_394 = arith.constant 512 : i32
      %add3A_395 = vector.broadcast %add3A_394 : i32 to vector<16xi32>
      %add3A_396 = arith.addi %mul3A_3, %add3A_395 : vector<16xi32>
      %add3A_397 = arith.constant 512 : i32
      %add3A_398 = vector.broadcast %add3A_397 : i32 to vector<16xi32>
      %add3A_399 = arith.addi %mul3A_3, %add3A_398 : vector<16xi32>
      %add3A_400 = arith.constant 512 : i32
      %add3A_401 = vector.broadcast %add3A_400 : i32 to vector<16xi32>
      %add3A_402 = arith.addi %mul3A_3, %add3A_401 : vector<16xi32>
      %add3A_403 = arith.constant 128 : i32
      %add3A_404 = vector.broadcast %add3A_403 : i32 to vector<16xi32>
      %add3A_405 = arith.addi %add3A_393, %add3A_404 : vector<16xi32>
      %gather3A = tpu.vector_load_idx %arg7[%add3A_405] : memref<3840xf32, #tpu.memory_space<vmem>>[vector<16xi32>], vector<16xf32>,
      %lt3A = arith.cmpf olt, %gather3A, %get3A_378 : vector<16xf32>
      %select_n3A = arith.select %lt3A, %add3A_405, %add3A_393 : vector<16xi1>, vector<16xi32>
      %add3A_406 = arith.constant 128 : i32
      %add3A_407 = vector.broadcast %add3A_406 : i32 to vector<16xi32>
      %add3A_408 = arith.addi %add3A_396, %add3A_407 : vector<16xi32>
      %gather3A_409 = tpu.vector_load_idx %arg7[%add3A_408] : memref<3840xf32, #tpu.memory_space<vmem>>[vector<16xi32>], vector<16xf32>,
      %lt3A_410 = arith.cmpf olt, %gather3A_409, %get3A_382 : vector<16xf32>
      %select_n3A_411 = arith.select %lt3A_410, %add3A_408, %add3A_396 : vector<16xi1>, vector<16xi32>
      %add3A_412 = arith.constant 128 : i32
      %add3A_413 = vector.broadcast %add3A_412 : i32 to vector<16xi32>
      %add3A_414 = arith.addi %add3A_399, %add3A_413 : vector<16xi32>
      %gather3A_415 = tpu.vector_load_idx %arg7[%add3A_414] : memref<3840xf32, #tpu.memory_space<vmem>>[vector<16xi32>], vector<16xf32>,
      %lt3A_416 = arith.cmpf olt, %gather3A_415, %get3A_386 : vector<16xf32>
      %select_n3A_417 = arith.select %lt3A_416, %add3A_414, %add3A_399 : vector<16xi1>, vector<16xi32>
      %add3A_418 = arith.constant 128 : i32
      %add3A_419 = vector.broadcast %add3A_418 : i32 to vector<16xi32>
      %add3A_420 = arith.addi %add3A_402, %add3A_419 : vector<16xi32>
      %gather3A_421 = tpu.vector_load_idx %arg7[%add3A_420] : memref<3840xf32, #tpu.memory_space<vmem>>[vector<16xi32>], vector<16xf32>,
      %lt3A_422 = arith.cmpf olt, %gather3A_421, %get3A_390 : vector<16xf32>
      %select_n3A_423 = arith.select %lt3A_422, %add3A_420, %add3A_402 : vector<16xi1>, vector<16xi32>
      %add3A_424 = arith.constant 64 : i32
      %add3A_425 = vector.broadcast %add3A_424 : i32 to vector<16xi32>
      %add3A_426 = arith.addi %select_n3A, %add3A_425 : vector<16xi32>
      %gather3A_427 = tpu.vector_load_idx %arg7[%add3A_426] : memref<3840xf32, #tpu.memory_space<vmem>>[vector<16xi32>], vector<16xf32>,
      %lt3A_428 = arith.cmpf olt, %gather3A_427, %get3A_378 : vector<16xf32>
      %select_n3A_429 = arith.select %lt3A_428, %add3A_426, %select_n3A : vector<16xi1>, vector<16xi32>
      %add3A_430 = arith.constant 64 : i32
      %add3A_431 = vector.broadcast %add3A_430 : i32 to vector<16xi32>
      %add3A_432 = arith.addi %select_n3A_411, %add3A_431 : vector<16xi32>
      %gather3A_433 = tpu.vector_load_idx %arg7[%add3A_432] : memref<3840xf32, #tpu.memory_space<vmem>>[vector<16xi32>], vector<16xf32>,
      %lt3A_434 = arith.cmpf olt, %gather3A_433, %get3A_382 : vector<16xf32>
      %select_n3A_435 = arith.select %lt3A_434, %add3A_432, %select_n3A_411 : vector<16xi1>, vector<16xi32>
      %add3A_436 = arith.constant 64 : i32
      %add3A_437 = vector.broadcast %add3A_436 : i32 to vector<16xi32>
      %add3A_438 = arith.addi %select_n3A_417, %add3A_437 : vector<16xi32>
      %gather3A_439 = tpu.vector_load_idx %arg7[%add3A_438] : memref<3840xf32, #tpu.memory_space<vmem>>[vector<16xi32>], vector<16xf32>,
      %lt3A_440 = arith.cmpf olt, %gather3A_439, %get3A_386 : vector<16xf32>
      %select_n3A_441 = arith.select %lt3A_440, %add3A_438, %select_n3A_417 : vector<16xi1>, vector<16xi32>
      %add3A_442 = arith.constant 64 : i32
      %add3A_443 = vector.broadcast %add3A_442 : i32 to vector<16xi32>
      %add3A_444 = arith.addi %select_n3A_423, %add3A_443 : vector<16xi32>
      %gather3A_445 = tpu.vector_load_idx %arg7[%add3A_444] : memref<3840xf32, #tpu.memory_space<vmem>>[vector<16xi32>], vector<16xf32>,
      %lt3A_446 = arith.cmpf olt, %gather3A_445, %get3A_390 : vector<16xf32>
      %select_n3A_447 = arith.select %lt3A_446, %add3A_444, %select_n3A_423 : vector<16xi1>, vector<16xi32>
      %add3A_448 = arith.constant 32 : i32
      %add3A_449 = vector.broadcast %add3A_448 : i32 to vector<16xi32>
      %add3A_450 = arith.addi %select_n3A_429, %add3A_449 : vector<16xi32>
      %gather3A_451 = tpu.vector_load_idx %arg7[%add3A_450] : memref<3840xf32, #tpu.memory_space<vmem>>[vector<16xi32>], vector<16xf32>,
      %lt3A_452 = arith.cmpf olt, %gather3A_451, %get3A_378 : vector<16xf32>
      %select_n3A_453 = arith.select %lt3A_452, %add3A_450, %select_n3A_429 : vector<16xi1>, vector<16xi32>
      %add3A_454 = arith.constant 32 : i32
      %add3A_455 = vector.broadcast %add3A_454 : i32 to vector<16xi32>
      %add3A_456 = arith.addi %select_n3A_435, %add3A_455 : vector<16xi32>
      %gather3A_457 = tpu.vector_load_idx %arg7[%add3A_456] : memref<3840xf32, #tpu.memory_space<vmem>>[vector<16xi32>], vector<16xf32>,
      %lt3A_458 = arith.cmpf olt, %gather3A_457, %get3A_382 : vector<16xf32>
      %select_n3A_459 = arith.select %lt3A_458, %add3A_456, %select_n3A_435 : vector<16xi1>, vector<16xi32>
      %add3A_460 = arith.constant 32 : i32
      %add3A_461 = vector.broadcast %add3A_460 : i32 to vector<16xi32>
      %add3A_462 = arith.addi %select_n3A_441, %add3A_461 : vector<16xi32>
      %gather3A_463 = tpu.vector_load_idx %arg7[%add3A_462] : memref<3840xf32, #tpu.memory_space<vmem>>[vector<16xi32>], vector<16xf32>,
      %lt3A_464 = arith.cmpf olt, %gather3A_463, %get3A_386 : vector<16xf32>
      %select_n3A_465 = arith.select %lt3A_464, %add3A_462, %select_n3A_441 : vector<16xi1>, vector<16xi32>
      %add3A_466 = arith.constant 32 : i32
      %add3A_467 = vector.broadcast %add3A_466 : i32 to vector<16xi32>
      %add3A_468 = arith.addi %select_n3A_447, %add3A_467 : vector<16xi32>
      %gather3A_469 = tpu.vector_load_idx %arg7[%add3A_468] : memref<3840xf32, #tpu.memory_space<vmem>>[vector<16xi32>], vector<16xf32>,
      %lt3A_470 = arith.cmpf olt, %gather3A_469, %get3A_390 : vector<16xf32>
      %select_n3A_471 = arith.select %lt3A_470, %add3A_468, %select_n3A_447 : vector<16xi1>, vector<16xi32>
      %add3A_472 = arith.constant 16 : i32
      %add3A_473 = vector.broadcast %add3A_472 : i32 to vector<16xi32>
      %add3A_474 = arith.addi %select_n3A_453, %add3A_473 : vector<16xi32>
      %gather3A_475 = tpu.vector_load_idx %arg7[%add3A_474] : memref<3840xf32, #tpu.memory_space<vmem>>[vector<16xi32>], vector<16xf32>,
      %lt3A_476 = arith.cmpf olt, %gather3A_475, %get3A_378 : vector<16xf32>
      %select_n3A_477 = arith.select %lt3A_476, %add3A_474, %select_n3A_453 : vector<16xi1>, vector<16xi32>
      %add3A_478 = arith.constant 16 : i32
      %add3A_479 = vector.broadcast %add3A_478 : i32 to vector<16xi32>
      %add3A_480 = arith.addi %select_n3A_459, %add3A_479 : vector<16xi32>
      %gather3A_481 = tpu.vector_load_idx %arg7[%add3A_480] : memref<3840xf32, #tpu.memory_space<vmem>>[vector<16xi32>], vector<16xf32>,
      %lt3A_482 = arith.cmpf olt, %gather3A_481, %get3A_382 : vector<16xf32>
      %select_n3A_483 = arith.select %lt3A_482, %add3A_480, %select_n3A_459 : vector<16xi1>, vector<16xi32>
      %add3A_484 = arith.constant 16 : i32
      %add3A_485 = vector.broadcast %add3A_484 : i32 to vector<16xi32>
      %add3A_486 = arith.addi %select_n3A_465, %add3A_485 : vector<16xi32>
      %gather3A_487 = tpu.vector_load_idx %arg7[%add3A_486] : memref<3840xf32, #tpu.memory_space<vmem>>[vector<16xi32>], vector<16xf32>,
      %lt3A_488 = arith.cmpf olt, %gather3A_487, %get3A_386 : vector<16xf32>
      %select_n3A_489 = arith.select %lt3A_488, %add3A_486, %select_n3A_465 : vector<16xi1>, vector<16xi32>
      %add3A_490 = arith.constant 16 : i32
      %add3A_491 = vector.broadcast %add3A_490 : i32 to vector<16xi32>
      %add3A_492 = arith.addi %select_n3A_471, %add3A_491 : vector<16xi32>
      %gather3A_493 = tpu.vector_load_idx %arg7[%add3A_492] : memref<3840xf32, #tpu.memory_space<vmem>>[vector<16xi32>], vector<16xf32>,
      %lt3A_494 = arith.cmpf olt, %gather3A_493, %get3A_390 : vector<16xf32>
      %select_n3A_495 = arith.select %lt3A_494, %add3A_492, %select_n3A_471 : vector<16xi1>, vector<16xi32>
      %add3A_496 = arith.constant 8 : i32
      %add3A_497 = vector.broadcast %add3A_496 : i32 to vector<16xi32>
      %add3A_498 = arith.addi %select_n3A_477, %add3A_497 : vector<16xi32>
      %gather3A_499 = tpu.vector_load_idx %arg7[%add3A_498] : memref<3840xf32, #tpu.memory_space<vmem>>[vector<16xi32>], vector<16xf32>,
      %lt3A_500 = arith.cmpf olt, %gather3A_499, %get3A_378 : vector<16xf32>
      %select_n3A_501 = arith.select %lt3A_500, %add3A_498, %select_n3A_477 : vector<16xi1>, vector<16xi32>
      %add3A_502 = arith.constant 8 : i32
      %add3A_503 = vector.broadcast %add3A_502 : i32 to vector<16xi32>
      %add3A_504 = arith.addi %select_n3A_483, %add3A_503 : vector<16xi32>
      %gather3A_505 = tpu.vector_load_idx %arg7[%add3A_504] : memref<3840xf32, #tpu.memory_space<vmem>>[vector<16xi32>], vector<16xf32>,
      %lt3A_506 = arith.cmpf olt, %gather3A_505, %get3A_382 : vector<16xf32>
      %select_n3A_507 = arith.select %lt3A_506, %add3A_504, %select_n3A_483 : vector<16xi1>, vector<16xi32>
      %add3A_508 = arith.constant 8 : i32
      %add3A_509 = vector.broadcast %add3A_508 : i32 to vector<16xi32>
      %add3A_510 = arith.addi %select_n3A_489, %add3A_509 : vector<16xi32>
      %gather3A_511 = tpu.vector_load_idx %arg7[%add3A_510] : memref<3840xf32, #tpu.memory_space<vmem>>[vector<16xi32>], vector<16xf32>,
      %lt3A_512 = arith.cmpf olt, %gather3A_511, %get3A_386 : vector<16xf32>
      %select_n3A_513 = arith.select %lt3A_512, %add3A_510, %select_n3A_489 : vector<16xi1>, vector<16xi32>
      %add3A_514 = arith.constant 8 : i32
      %add3A_515 = vector.broadcast %add3A_514 : i32 to vector<16xi32>
      %add3A_516 = arith.addi %select_n3A_495, %add3A_515 : vector<16xi32>
      %gather3A_517 = tpu.vector_load_idx %arg7[%add3A_516] : memref<3840xf32, #tpu.memory_space<vmem>>[vector<16xi32>], vector<16xf32>,
      %lt3A_518 = arith.cmpf olt, %gather3A_517, %get3A_390 : vector<16xf32>
      %select_n3A_519 = arith.select %lt3A_518, %add3A_516, %select_n3A_495 : vector<16xi1>, vector<16xi32>
      %add3A_520 = arith.constant 4 : i32
      %add3A_521 = vector.broadcast %add3A_520 : i32 to vector<16xi32>
      %add3A_522 = arith.addi %select_n3A_501, %add3A_521 : vector<16xi32>
      %gather3A_523 = tpu.vector_load_idx %arg7[%add3A_522] : memref<3840xf32, #tpu.memory_space<vmem>>[vector<16xi32>], vector<16xf32>,
      %lt3A_524 = arith.cmpf olt, %gather3A_523, %get3A_378 : vector<16xf32>
      %select_n3A_525 = arith.select %lt3A_524, %add3A_522, %select_n3A_501 : vector<16xi1>, vector<16xi32>
      %add3A_526 = arith.constant 4 : i32
      %add3A_527 = vector.broadcast %add3A_526 : i32 to vector<16xi32>
      %add3A_528 = arith.addi %select_n3A_507, %add3A_527 : vector<16xi32>
      %gather3A_529 = tpu.vector_load_idx %arg7[%add3A_528] : memref<3840xf32, #tpu.memory_space<vmem>>[vector<16xi32>], vector<16xf32>,
      %lt3A_530 = arith.cmpf olt, %gather3A_529, %get3A_382 : vector<16xf32>
      %select_n3A_531 = arith.select %lt3A_530, %add3A_528, %select_n3A_507 : vector<16xi1>, vector<16xi32>
      %add3A_532 = arith.constant 4 : i32
      %add3A_533 = vector.broadcast %add3A_532 : i32 to vector<16xi32>
      %add3A_534 = arith.addi %select_n3A_513, %add3A_533 : vector<16xi32>
      %gather3A_535 = tpu.vector_load_idx %arg7[%add3A_534] : memref<3840xf32, #tpu.memory_space<vmem>>[vector<16xi32>], vector<16xf32>,
      %lt3A_536 = arith.cmpf olt, %gather3A_535, %get3A_386 : vector<16xf32>
      %select_n3A_537 = arith.select %lt3A_536, %add3A_534, %select_n3A_513 : vector<16xi1>, vector<16xi32>
      %add3A_538 = arith.constant 4 : i32
      %add3A_539 = vector.broadcast %add3A_538 : i32 to vector<16xi32>
      %add3A_540 = arith.addi %select_n3A_519, %add3A_539 : vector<16xi32>
      %gather3A_541 = tpu.vector_load_idx %arg7[%add3A_540] : memref<3840xf32, #tpu.memory_space<vmem>>[vector<16xi32>], vector<16xf32>,
      %lt3A_542 = arith.cmpf olt, %gather3A_541, %get3A_390 : vector<16xf32>
      %select_n3A_543 = arith.select %lt3A_542, %add3A_540, %select_n3A_519 : vector<16xi1>, vector<16xi32>
      %add3A_544 = arith.constant 2 : i32
      %add3A_545 = vector.broadcast %add3A_544 : i32 to vector<16xi32>
      %add3A_546 = arith.addi %select_n3A_525, %add3A_545 : vector<16xi32>
      %gather3A_547 = tpu.vector_load_idx %arg7[%add3A_546] : memref<3840xf32, #tpu.memory_space<vmem>>[vector<16xi32>], vector<16xf32>,
      %lt3A_548 = arith.cmpf olt, %gather3A_547, %get3A_378 : vector<16xf32>
      %select_n3A_549 = arith.select %lt3A_548, %add3A_546, %select_n3A_525 : vector<16xi1>, vector<16xi32>
      %add3A_550 = arith.constant 2 : i32
      %add3A_551 = vector.broadcast %add3A_550 : i32 to vector<16xi32>
      %add3A_552 = arith.addi %select_n3A_531, %add3A_551 : vector<16xi32>
      %gather3A_553 = tpu.vector_load_idx %arg7[%add3A_552] : memref<3840xf32, #tpu.memory_space<vmem>>[vector<16xi32>], vector<16xf32>,
      %lt3A_554 = arith.cmpf olt, %gather3A_553, %get3A_382 : vector<16xf32>
      %select_n3A_555 = arith.select %lt3A_554, %add3A_552, %select_n3A_531 : vector<16xi1>, vector<16xi32>
      %add3A_556 = arith.constant 2 : i32
      %add3A_557 = vector.broadcast %add3A_556 : i32 to vector<16xi32>
      %add3A_558 = arith.addi %select_n3A_537, %add3A_557 : vector<16xi32>
      %gather3A_559 = tpu.vector_load_idx %arg7[%add3A_558] : memref<3840xf32, #tpu.memory_space<vmem>>[vector<16xi32>], vector<16xf32>,
      %lt3A_560 = arith.cmpf olt, %gather3A_559, %get3A_386 : vector<16xf32>
      %select_n3A_561 = arith.select %lt3A_560, %add3A_558, %select_n3A_537 : vector<16xi1>, vector<16xi32>
      %add3A_562 = arith.constant 2 : i32
      %add3A_563 = vector.broadcast %add3A_562 : i32 to vector<16xi32>
      %add3A_564 = arith.addi %select_n3A_543, %add3A_563 : vector<16xi32>
      %gather3A_565 = tpu.vector_load_idx %arg7[%add3A_564] : memref<3840xf32, #tpu.memory_space<vmem>>[vector<16xi32>], vector<16xf32>,
      %lt3A_566 = arith.cmpf olt, %gather3A_565, %get3A_390 : vector<16xf32>
      %select_n3A_567 = arith.select %lt3A_566, %add3A_564, %select_n3A_543 : vector<16xi1>, vector<16xi32>
      %add3A_568 = arith.constant 1 : i32
      %add3A_569 = vector.broadcast %add3A_568 : i32 to vector<16xi32>
      %add3A_570 = arith.addi %select_n3A_549, %add3A_569 : vector<16xi32>
      %gather3A_571 = tpu.vector_load_idx %arg7[%add3A_570] : memref<3840xf32, #tpu.memory_space<vmem>>[vector<16xi32>], vector<16xf32>,
      %lt3A_572 = arith.cmpf olt, %gather3A_571, %get3A_378 : vector<16xf32>
      %select_n3A_573 = arith.select %lt3A_572, %add3A_570, %select_n3A_549 : vector<16xi1>, vector<16xi32>
      %add3A_574 = arith.constant 1 : i32
      %add3A_575 = vector.broadcast %add3A_574 : i32 to vector<16xi32>
      %add3A_576 = arith.addi %select_n3A_555, %add3A_575 : vector<16xi32>
      %gather3A_577 = tpu.vector_load_idx %arg7[%add3A_576] : memref<3840xf32, #tpu.memory_space<vmem>>[vector<16xi32>], vector<16xf32>,
      %lt3A_578 = arith.cmpf olt, %gather3A_577, %get3A_382 : vector<16xf32>
      %select_n3A_579 = arith.select %lt3A_578, %add3A_576, %select_n3A_555 : vector<16xi1>, vector<16xi32>
      %add3A_580 = arith.constant 1 : i32
      %add3A_581 = vector.broadcast %add3A_580 : i32 to vector<16xi32>
      %add3A_582 = arith.addi %select_n3A_561, %add3A_581 : vector<16xi32>
      %gather3A_583 = tpu.vector_load_idx %arg7[%add3A_582] : memref<3840xf32, #tpu.memory_space<vmem>>[vector<16xi32>], vector<16xf32>,
      %lt3A_584 = arith.cmpf olt, %gather3A_583, %get3A_386 : vector<16xf32>
      %select_n3A_585 = arith.select %lt3A_584, %add3A_582, %select_n3A_561 : vector<16xi1>, vector<16xi32>
      %add3A_586 = arith.constant 1 : i32
      %add3A_587 = vector.broadcast %add3A_586 : i32 to vector<16xi32>
      %add3A_588 = arith.addi %select_n3A_567, %add3A_587 : vector<16xi32>
      %gather3A_589 = tpu.vector_load_idx %arg7[%add3A_588] : memref<3840xf32, #tpu.memory_space<vmem>>[vector<16xi32>], vector<16xf32>,
      %lt3A_590 = arith.cmpf olt, %gather3A_589, %get3A_390 : vector<16xf32>
      %select_n3A_591 = arith.select %lt3A_590, %add3A_588, %select_n3A_567 : vector<16xi1>, vector<16xi32>
      %add3A_592 = arith.constant 768 : i32
      %add3A_593 = vector.broadcast %add3A_592 : i32 to vector<16xi32>
      %add3A_594 = arith.addi %select_n3A_573, %add3A_593 : vector<16xi32>
      %gather3A_595 = tpu.vector_load_idx %arg7[%add3A_594] : memref<3840xf32, #tpu.memory_space<vmem>>[vector<16xi32>], vector<16xf32>,
      %add3A_596 = arith.constant 1536 : i32
      %add3A_597 = vector.broadcast %add3A_596 : i32 to vector<16xi32>
      %add3A_598 = arith.addi %select_n3A_573, %add3A_597 : vector<16xi32>
      %gather3A_599 = tpu.vector_load_idx %arg7[%add3A_598] : memref<3840xf32, #tpu.memory_space<vmem>>[vector<16xi32>], vector<16xf32>,
      %add3A_600 = arith.constant 2304 : i32
      %add3A_601 = vector.broadcast %add3A_600 : i32 to vector<16xi32>
      %add3A_602 = arith.addi %select_n3A_573, %add3A_601 : vector<16xi32>
      %gather3A_603 = tpu.vector_load_idx %arg7[%add3A_602] : memref<3840xf32, #tpu.memory_space<vmem>>[vector<16xi32>], vector<16xf32>,
      %add3A_604 = arith.constant 3072 : i32
      %add3A_605 = vector.broadcast %add3A_604 : i32 to vector<16xi32>
      %add3A_606 = arith.addi %select_n3A_573, %add3A_605 : vector<16xi32>
      %gather3A_607 = tpu.vector_load_idx %arg7[%add3A_606] : memref<3840xf32, #tpu.memory_space<vmem>>[vector<16xi32>], vector<16xf32>,
      %mul3A_608 = arith.mulf %gather3A_599, %get3A_378 : vector<16xf32>
      %add3A_609 = arith.addf %gather3A_595, %mul3A_608 : vector<16xf32>
      %ge3A = arith.cmpf oge, %get3A_378, %gather3A_603 : vector<16xf32>
      %select_n3A_610 = arith.select %ge3A, %gather3A_607, %add3A_609 : vector<16xi1>, vector<16xf32>
      %le3A = arith.constant -1.000000e+00 : f32
      %le3A_611 = vector.broadcast %le3A : f32 to vector<16xf32>
      %le3A_612 = arith.cmpf ole, %get3A_378, %le3A_611 : vector<16xf32>
      %jit3A = arith.constant -1.000000e+00 : f32
      %broadcast_in_dim3A = vector.broadcast %jit3A : f32 to vector<16xf32>
      %select_n3A_613 = arith.select %le3A_612, %broadcast_in_dim3A, %select_n3A_610 : vector<16xi1>, vector<16xf32>
      %add3A_614 = arith.constant 768 : i32
      %add3A_615 = vector.broadcast %add3A_614 : i32 to vector<16xi32>
      %add3A_616 = arith.addi %select_n3A_579, %add3A_615 : vector<16xi32>
      %gather3A_617 = tpu.vector_load_idx %arg7[%add3A_616] : memref<3840xf32, #tpu.memory_space<vmem>>[vector<16xi32>], vector<16xf32>,
      %add3A_618 = arith.constant 1536 : i32
      %add3A_619 = vector.broadcast %add3A_618 : i32 to vector<16xi32>
      %add3A_620 = arith.addi %select_n3A_579, %add3A_619 : vector<16xi32>
      %gather3A_621 = tpu.vector_load_idx %arg7[%add3A_620] : memref<3840xf32, #tpu.memory_space<vmem>>[vector<16xi32>], vector<16xf32>,
      %add3A_622 = arith.constant 2304 : i32
      %add3A_623 = vector.broadcast %add3A_622 : i32 to vector<16xi32>
      %add3A_624 = arith.addi %select_n3A_579, %add3A_623 : vector<16xi32>
      %gather3A_625 = tpu.vector_load_idx %arg7[%add3A_624] : memref<3840xf32, #tpu.memory_space<vmem>>[vector<16xi32>], vector<16xf32>,
      %add3A_626 = arith.constant 3072 : i32
      %add3A_627 = vector.broadcast %add3A_626 : i32 to vector<16xi32>
      %add3A_628 = arith.addi %select_n3A_579, %add3A_627 : vector<16xi32>
      %gather3A_629 = tpu.vector_load_idx %arg7[%add3A_628] : memref<3840xf32, #tpu.memory_space<vmem>>[vector<16xi32>], vector<16xf32>,
      %mul3A_630 = arith.mulf %gather3A_621, %get3A_382 : vector<16xf32>
      %add3A_631 = arith.addf %gather3A_617, %mul3A_630 : vector<16xf32>
      %ge3A_632 = arith.cmpf oge, %get3A_382, %gather3A_625 : vector<16xf32>
      %select_n3A_633 = arith.select %ge3A_632, %gather3A_629, %add3A_631 : vector<16xi1>, vector<16xf32>
      %le3A_634 = arith.constant -1.000000e+00 : f32
      %le3A_635 = vector.broadcast %le3A_634 : f32 to vector<16xf32>
      %le3A_636 = arith.cmpf ole, %get3A_382, %le3A_635 : vector<16xf32>
      %jit3A_637 = arith.constant -1.000000e+00 : f32
      %broadcast_in_dim3A_638 = vector.broadcast %jit3A_637 : f32 to vector<16xf32>
      %select_n3A_639 = arith.select %le3A_636, %broadcast_in_dim3A_638, %select_n3A_633 : vector<16xi1>, vector<16xf32>
      %add3A_640 = arith.constant 768 : i32
      %add3A_641 = vector.broadcast %add3A_640 : i32 to vector<16xi32>
      %add3A_642 = arith.addi %select_n3A_585, %add3A_641 : vector<16xi32>
      %gather3A_643 = tpu.vector_load_idx %arg7[%add3A_642] : memref<3840xf32, #tpu.memory_space<vmem>>[vector<16xi32>], vector<16xf32>,
      %add3A_644 = arith.constant 1536 : i32
      %add3A_645 = vector.broadcast %add3A_644 : i32 to vector<16xi32>
      %add3A_646 = arith.addi %select_n3A_585, %add3A_645 : vector<16xi32>
      %gather3A_647 = tpu.vector_load_idx %arg7[%add3A_646] : memref<3840xf32, #tpu.memory_space<vmem>>[vector<16xi32>], vector<16xf32>,
      %add3A_648 = arith.constant 2304 : i32
      %add3A_649 = vector.broadcast %add3A_648 : i32 to vector<16xi32>
      %add3A_650 = arith.addi %select_n3A_585, %add3A_649 : vector<16xi32>
      %gather3A_651 = tpu.vector_load_idx %arg7[%add3A_650] : memref<3840xf32, #tpu.memory_space<vmem>>[vector<16xi32>], vector<16xf32>,
      %add3A_652 = arith.constant 3072 : i32
      %add3A_653 = vector.broadcast %add3A_652 : i32 to vector<16xi32>
      %add3A_654 = arith.addi %select_n3A_585, %add3A_653 : vector<16xi32>
      %gather3A_655 = tpu.vector_load_idx %arg7[%add3A_654] : memref<3840xf32, #tpu.memory_space<vmem>>[vector<16xi32>], vector<16xf32>,
      %mul3A_656 = arith.mulf %gather3A_647, %get3A_386 : vector<16xf32>
      %add3A_657 = arith.addf %gather3A_643, %mul3A_656 : vector<16xf32>
      %ge3A_658 = arith.cmpf oge, %get3A_386, %gather3A_651 : vector<16xf32>
      %select_n3A_659 = arith.select %ge3A_658, %gather3A_655, %add3A_657 : vector<16xi1>, vector<16xf32>
      %le3A_660 = arith.constant -1.000000e+00 : f32
      %le3A_661 = vector.broadcast %le3A_660 : f32 to vector<16xf32>
      %le3A_662 = arith.cmpf ole, %get3A_386, %le3A_661 : vector<16xf32>
      %jit3A_663 = arith.constant -1.000000e+00 : f32
      %broadcast_in_dim3A_664 = vector.broadcast %jit3A_663 : f32 to vector<16xf32>
      %select_n3A_665 = arith.select %le3A_662, %broadcast_in_dim3A_664, %select_n3A_659 : vector<16xi1>, vector<16xf32>
      %add3A_666 = arith.constant 768 : i32
      %add3A_667 = vector.broadcast %add3A_666 : i32 to vector<16xi32>
      %add3A_668 = arith.addi %select_n3A_591, %add3A_667 : vector<16xi32>
      %gather3A_669 = tpu.vector_load_idx %arg7[%add3A_668] : memref<3840xf32, #tpu.memory_space<vmem>>[vector<16xi32>], vector<16xf32>,
      %add3A_670 = arith.constant 1536 : i32
      %add3A_671 = vector.broadcast %add3A_670 : i32 to vector<16xi32>
      %add3A_672 = arith.addi %select_n3A_591, %add3A_671 : vector<16xi32>
      %gather3A_673 = tpu.vector_load_idx %arg7[%add3A_672] : memref<3840xf32, #tpu.memory_space<vmem>>[vector<16xi32>], vector<16xf32>,
      %add3A_674 = arith.constant 2304 : i32
      %add3A_675 = vector.broadcast %add3A_674 : i32 to vector<16xi32>
      %add3A_676 = arith.addi %select_n3A_591, %add3A_675 : vector<16xi32>
      %gather3A_677 = tpu.vector_load_idx %arg7[%add3A_676] : memref<3840xf32, #tpu.memory_space<vmem>>[vector<16xi32>], vector<16xf32>,
      %add3A_678 = arith.constant 3072 : i32
      %add3A_679 = vector.broadcast %add3A_678 : i32 to vector<16xi32>
      %add3A_680 = arith.addi %select_n3A_591, %add3A_679 : vector<16xi32>
      %gather3A_681 = tpu.vector_load_idx %arg7[%add3A_680] : memref<3840xf32, #tpu.memory_space<vmem>>[vector<16xi32>], vector<16xf32>,
      %mul3A_682 = arith.mulf %gather3A_673, %get3A_390 : vector<16xf32>
      %add3A_683 = arith.addf %gather3A_669, %mul3A_682 : vector<16xf32>
      %ge3A_684 = arith.cmpf oge, %get3A_390, %gather3A_677 : vector<16xf32>
      %select_n3A_685 = arith.select %ge3A_684, %gather3A_681, %add3A_683 : vector<16xi1>, vector<16xf32>
      %le3A_686 = arith.constant -1.000000e+00 : f32
      %le3A_687 = vector.broadcast %le3A_686 : f32 to vector<16xf32>
      %le3A_688 = arith.cmpf ole, %get3A_390, %le3A_687 : vector<16xf32>
      %jit3A_689 = arith.constant -1.000000e+00 : f32
      %broadcast_in_dim3A_690 = vector.broadcast %jit3A_689 : f32 to vector<16xf32>
      %select_n3A_691 = arith.select %le3A_688, %broadcast_in_dim3A_690, %select_n3A_685 : vector<16xi1>, vector<16xf32>
      %add3A_692 = arith.constant 0 : i32
      %add3A_693 = arith.addi %add3A_374, %add3A_692 : i32
      %swap3A = arith.index_cast %add3A_693 : i32 to index
      %swap3A_694 = tpu.vector_load %arg5[%swap3A] {strides = array<i32>} : memref<24576xf32, #tpu.memory_space<vmem>>, vector<16xf32>,
      tpu.vector_store %arg5[%swap3A], %select_n3A_613 {strides = array<i32>} : memref<24576xf32, #tpu.memory_space<vmem>>, vector<16xf32>,
      %add3A_695 = arith.constant 16 : i32
      %add3A_696 = arith.addi %add3A_374, %add3A_695 : i32
      %swap3A_697 = arith.index_cast %add3A_696 : i32 to index
      %swap3A_698 = tpu.vector_load %arg5[%swap3A_697] {strides = array<i32>} : memref<24576xf32, #tpu.memory_space<vmem>>, vector<16xf32>,
      tpu.vector_store %arg5[%swap3A_697], %select_n3A_639 {strides = array<i32>} : memref<24576xf32, #tpu.memory_space<vmem>>, vector<16xf32>,
      %add3A_699 = arith.constant 32 : i32
      %add3A_700 = arith.addi %add3A_374, %add3A_699 : i32
      %swap3A_701 = arith.index_cast %add3A_700 : i32 to index
      %swap3A_702 = tpu.vector_load %arg5[%swap3A_701] {strides = array<i32>} : memref<24576xf32, #tpu.memory_space<vmem>>, vector<16xf32>,
      tpu.vector_store %arg5[%swap3A_701], %select_n3A_665 {strides = array<i32>} : memref<24576xf32, #tpu.memory_space<vmem>>, vector<16xf32>,
      %add3A_703 = arith.constant 48 : i32
      %add3A_704 = arith.addi %add3A_374, %add3A_703 : i32
      %swap3A_705 = arith.index_cast %add3A_704 : i32 to index
      %swap3A_706 = tpu.vector_load %arg5[%swap3A_705] {strides = array<i32>} : memref<24576xf32, #tpu.memory_space<vmem>>, vector<16xf32>,
      tpu.vector_store %arg5[%swap3A_705], %select_n3A_691 {strides = array<i32>} : memref<24576xf32, #tpu.memory_space<vmem>>, vector<16xf32>,
    }
    %scan3A_341 = arith.constant 128 : i32
    %mul3A_342 = arith.constant 8192 : i32
    %mul3A_343 = arith.muli %add3A, %mul3A_342 : i32
    %add3A_344 = arith.constant 524288 : i32
    %add3A_345 = arith.addi %add3A_344, %mul3A_343 : i32
    %dma_start3A_346 = arith.constant 16384 : i32
    %dma_start3A_347 = tpu.memref_slice %arg5[%dma_start3A_346] : memref<24576xf32, #tpu.memory_space<vmem>> -> memref<8192xf32, #tpu.memory_space<vmem>>
    %dma_start3A_348 = tpu.memref_slice %arg4[%add3A_345] : memref<786432xf32, #tpu.memory_space<hbm>> -> memref<8192xf32, #tpu.memory_space<hbm>>
    %dma_start3A_349 = tpu.memref_slice %arg4[%add3A_345] : memref<786432xf32, #tpu.memory_space<hbm>> -> memref<8192xf32, #tpu.memory_space<hbm>>
    %dma_start3A_350 = arith.constant 16384 : i32
    %dma_start3A_351 = tpu.memref_slice %arg5[%dma_start3A_350] : memref<24576xf32, #tpu.memory_space<vmem>> -> memref<8192xf32, #tpu.memory_space<vmem>>
    tpu.enqueue_dma source(%dma_start3A_351 : memref<8192xf32, #tpu.memory_space<vmem>>) target(%dma_start3A_349 : memref<8192xf32, #tpu.memory_space<hbm>>) target_semaphore(%arg20 : memref<!tpu.dma_semaphore, #tpu.memory_space<semaphore_mem>>)
    %dma_wait3A_352 = arith.constant 0 : i32
    %dma_wait3A_353 = tpu.memref_slice %arg5[%dma_wait3A_352] : memref<24576xf32, #tpu.memory_space<vmem>> -> memref<8192xf32, #tpu.memory_space<vmem>>
    %dma_wait3A_354 = tpu.memref_slice %arg4[%add3A_303] : memref<786432xf32, #tpu.memory_space<hbm>> -> memref<8192xf32, #tpu.memory_space<hbm>>
    %dma_wait3A_355 = tpu.memref_slice %arg4[%add3A_303] : memref<786432xf32, #tpu.memory_space<hbm>> -> memref<8192xf32, #tpu.memory_space<hbm>>
    %dma_wait3A_356 = arith.constant 0 : i32
    %dma_wait3A_357 = tpu.memref_slice %arg5[%dma_wait3A_356] : memref<24576xf32, #tpu.memory_space<vmem>> -> memref<8192xf32, #tpu.memory_space<vmem>>
    tpu.wait_dma2 semaphore(%arg18 : memref<!tpu.dma_semaphore, #tpu.memory_space<semaphore_mem>>) src(%dma_wait3A_357 : memref<8192xf32, #tpu.memory_space<vmem>>) dst(%dma_wait3A_355 : memref<8192xf32, #tpu.memory_space<hbm>>)
    %dma_wait3A_358 = arith.constant 8192 : i32
    %dma_wait3A_359 = tpu.memref_slice %arg5[%dma_wait3A_358] : memref<24576xf32, #tpu.memory_space<vmem>> -> memref<8192xf32, #tpu.memory_space<vmem>>
    %dma_wait3A_360 = tpu.memref_slice %arg4[%add3A_324] : memref<786432xf32, #tpu.memory_space<hbm>> -> memref<8192xf32, #tpu.memory_space<hbm>>
    %dma_wait3A_361 = tpu.memref_slice %arg4[%add3A_324] : memref<786432xf32, #tpu.memory_space<hbm>> -> memref<8192xf32, #tpu.memory_space<hbm>>
    %dma_wait3A_362 = arith.constant 8192 : i32
    %dma_wait3A_363 = tpu.memref_slice %arg5[%dma_wait3A_362] : memref<24576xf32, #tpu.memory_space<vmem>> -> memref<8192xf32, #tpu.memory_space<vmem>>
    tpu.wait_dma2 semaphore(%arg19 : memref<!tpu.dma_semaphore, #tpu.memory_space<semaphore_mem>>) src(%dma_wait3A_363 : memref<8192xf32, #tpu.memory_space<vmem>>) dst(%dma_wait3A_361 : memref<8192xf32, #tpu.memory_space<hbm>>)
    %dma_wait3A_364 = arith.constant 16384 : i32
    %dma_wait3A_365 = tpu.memref_slice %arg5[%dma_wait3A_364] : memref<24576xf32, #tpu.memory_space<vmem>> -> memref<8192xf32, #tpu.memory_space<vmem>>
    %dma_wait3A_366 = tpu.memref_slice %arg4[%add3A_345] : memref<786432xf32, #tpu.memory_space<hbm>> -> memref<8192xf32, #tpu.memory_space<hbm>>
    %dma_wait3A_367 = tpu.memref_slice %arg4[%add3A_345] : memref<786432xf32, #tpu.memory_space<hbm>> -> memref<8192xf32, #tpu.memory_space<hbm>>
    %dma_wait3A_368 = arith.constant 16384 : i32
    %dma_wait3A_369 = tpu.memref_slice %arg5[%dma_wait3A_368] : memref<24576xf32, #tpu.memory_space<vmem>> -> memref<8192xf32, #tpu.memory_space<vmem>>
    tpu.wait_dma2 semaphore(%arg20 : memref<!tpu.dma_semaphore, #tpu.memory_space<semaphore_mem>>) src(%dma_wait3A_369 : memref<8192xf32, #tpu.memory_space<vmem>>) dst(%dma_wait3A_367 : memref<8192xf32, #tpu.memory_space<hbm>>)
    return
  }
}

#map = affine_map<(d0, d1) -> (0)>
module attributes {stable_mosaic.version = 14 : i64} {
  func.func @_hist_body(%arg0: i32, %arg1: i32, %arg2: memref<786432xf32, #tpu.memory_space<hbm>>, %arg3: memref<786432xf32, #tpu.memory_space<hbm>>, %arg4: memref<49152xi32, #tpu.memory_space<hbm>>, %arg5: memref<16384xf32, #tpu.memory_space<vmem>>, %arg6: memref<24576xi32, #tpu.memory_space<vmem>>, %arg7: memref<1536xi32, #tpu.memory_space<vmem>>, %arg8: memref<!tpu.dma_semaphore, #tpu.memory_space<semaphore_mem>>, %arg9: memref<!tpu.dma_semaphore, #tpu.memory_space<semaphore_mem>>) attributes {dimension_semantics = [#tpu.dimension_semantics<core_parallel>, #tpu.dimension_semantics<subcore_parallel>], iteration_bounds = array<i64: 2, 16>, scalar_prefetch = 0 : i64, scratch_operands = 5 : i64, tpu.core_type = #tpu.core_type<sc_vector_subcore>, window_params = [{transform_indices = #map}, {transform_indices = #map}, {transform_indices = #map}]} {
    %mul3A = arith.constant 2 : i32
    %mul3A_0 = arith.muli %arg1, %mul3A : i32
    %add3A = arith.addi %mul3A_0, %arg0 : i32
    %iota3A = tpu.iota {dimensions = array<i32: 0>} : vector<16xi32>
    %mul3A_1 = arith.constant 0 : i32
    %mul3A_2 = vector.broadcast %mul3A_1 : i32 to vector<16xi32>
    %mul3A_3 = arith.muli %iota3A, %mul3A_2 : vector<16xi32>
    %add3A_4 = arith.constant 1 : i32
    %add3A_5 = vector.broadcast %add3A_4 : i32 to vector<16xi32>
    %add3A_6 = arith.addi %mul3A_3, %add3A_5 : vector<16xi32>
    %mul3A_7 = arith.constant 8192 : i32
    %mul3A_8 = arith.muli %add3A, %mul3A_7 : i32
    %add3A_9 = arith.constant 0 : i32
    %add3A_10 = arith.addi %add3A_9, %mul3A_8 : i32
    %dma_start3A = arith.constant 0 : i32
    %dma_start3A_11 = tpu.memref_slice %arg5[%dma_start3A] : memref<16384xf32, #tpu.memory_space<vmem>> -> memref<8192xf32, #tpu.memory_space<vmem>>
    %dma_start3A_12 = tpu.memref_slice %arg2[%add3A_10] : memref<786432xf32, #tpu.memory_space<hbm>> -> memref<8192xf32, #tpu.memory_space<hbm>>
    %dma_start3A_13 = arith.constant 0 : i32
    %dma_start3A_14 = tpu.memref_slice %arg5[%dma_start3A_13] : memref<16384xf32, #tpu.memory_space<vmem>> -> memref<8192xf32, #tpu.memory_space<vmem>>
    %dma_start3A_15 = tpu.memref_slice %arg2[%add3A_10] : memref<786432xf32, #tpu.memory_space<hbm>> -> memref<8192xf32, #tpu.memory_space<hbm>>
    tpu.enqueue_dma source(%dma_start3A_15 : memref<8192xf32, #tpu.memory_space<hbm>>) target(%dma_start3A_14 : memref<8192xf32, #tpu.memory_space<vmem>>) target_semaphore(%arg8 : memref<!tpu.dma_semaphore, #tpu.memory_space<semaphore_mem>>)
    %scan3A = arith.constant 0 : i32
    %scan3A_16 = arith.constant 1536 : i32
    %scan3A_17 = arith.addi %scan3A, %scan3A_16 : i32
    %scan3A_18 = arith.constant 1 : i32
    scf.for %scan3A_178 = %scan3A to %scan3A_17 step %scan3A_18  : i32 {
      %mul3A_179 = arith.constant 16 : i32
      %mul3A_180 = arith.muli %scan3A_178, %mul3A_179 : i32
      %swap3A = arith.index_cast %mul3A_180 : i32 to index
      %swap3A_181 = tpu.vector_load %arg6[%swap3A] {strides = array<i32>} : memref<24576xi32, #tpu.memory_space<vmem>>, vector<16xi32>,
      tpu.vector_store %arg6[%swap3A], %mul3A_3 {strides = array<i32>} : memref<24576xi32, #tpu.memory_space<vmem>>, vector<16xi32>,
    }
    %scan3A_19 = arith.constant 1536 : i32
    %mul3A_20 = arith.constant 8192 : i32
    %mul3A_21 = arith.muli %add3A, %mul3A_20 : i32
    %add3A_22 = arith.constant 262144 : i32
    %add3A_23 = arith.addi %add3A_22, %mul3A_21 : i32
    %dma_start3A_24 = arith.constant 8192 : i32
    %dma_start3A_25 = tpu.memref_slice %arg5[%dma_start3A_24] : memref<16384xf32, #tpu.memory_space<vmem>> -> memref<8192xf32, #tpu.memory_space<vmem>>
    %dma_start3A_26 = tpu.memref_slice %arg2[%add3A_23] : memref<786432xf32, #tpu.memory_space<hbm>> -> memref<8192xf32, #tpu.memory_space<hbm>>
    %dma_start3A_27 = arith.constant 8192 : i32
    %dma_start3A_28 = tpu.memref_slice %arg5[%dma_start3A_27] : memref<16384xf32, #tpu.memory_space<vmem>> -> memref<8192xf32, #tpu.memory_space<vmem>>
    %dma_start3A_29 = tpu.memref_slice %arg2[%add3A_23] : memref<786432xf32, #tpu.memory_space<hbm>> -> memref<8192xf32, #tpu.memory_space<hbm>>
    tpu.enqueue_dma source(%dma_start3A_29 : memref<8192xf32, #tpu.memory_space<hbm>>) target(%dma_start3A_28 : memref<8192xf32, #tpu.memory_space<vmem>>) target_semaphore(%arg9 : memref<!tpu.dma_semaphore, #tpu.memory_space<semaphore_mem>>)
    %dma_wait3A = arith.constant 0 : i32
    %dma_wait3A_30 = tpu.memref_slice %arg5[%dma_wait3A] : memref<16384xf32, #tpu.memory_space<vmem>> -> memref<8192xf32, #tpu.memory_space<vmem>>
    %dma_wait3A_31 = tpu.memref_slice %arg2[%add3A_10] : memref<786432xf32, #tpu.memory_space<hbm>> -> memref<8192xf32, #tpu.memory_space<hbm>>
    %dma_wait3A_32 = arith.constant 0 : i32
    %dma_wait3A_33 = tpu.memref_slice %arg5[%dma_wait3A_32] : memref<16384xf32, #tpu.memory_space<vmem>> -> memref<8192xf32, #tpu.memory_space<vmem>>
    %dma_wait3A_34 = tpu.memref_slice %arg2[%add3A_10] : memref<786432xf32, #tpu.memory_space<hbm>> -> memref<8192xf32, #tpu.memory_space<hbm>>
    tpu.wait_dma2 semaphore(%arg8 : memref<!tpu.dma_semaphore, #tpu.memory_space<semaphore_mem>>) src(%dma_wait3A_34 : memref<8192xf32, #tpu.memory_space<hbm>>) dst(%dma_wait3A_33 : memref<8192xf32, #tpu.memory_space<vmem>>)
    %mul3A_35 = arith.constant 1536 : i32
    %mul3A_36 = vector.broadcast %mul3A_35 : i32 to vector<16xi32>
    %mul3A_37 = arith.muli %iota3A, %mul3A_36 : vector<16xi32>
    %add3A_38 = arith.constant 0 : i32
    %add3A_39 = vector.broadcast %add3A_38 : i32 to vector<16xi32>
    %add3A_40 = arith.addi %mul3A_37, %add3A_39 : vector<16xi32>
    %scan3A_41 = arith.constant 0 : i32
    %scan3A_42 = arith.constant 128 : i32
    %scan3A_43 = arith.addi %scan3A_41, %scan3A_42 : i32
    %scan3A_44 = arith.constant 1 : i32
    scf.for %scan3A_178 = %scan3A_41 to %scan3A_43 step %scan3A_44  : i32 {
      %mul3A_179 = arith.constant 4 : i32
      %mul3A_180 = arith.muli %scan3A_178, %mul3A_179 : i32
      %add3A_181 = arith.constant 0 : i32
      %add3A_182 = arith.addi %mul3A_180, %add3A_181 : i32
      %mul3A_183 = arith.constant 16 : i32
      %mul3A_184 = arith.muli %add3A_182, %mul3A_183 : i32
      %add3A_185 = arith.constant 0 : i32
      %add3A_186 = arith.addi %add3A_185, %mul3A_184 : i32
      %get3A = arith.index_cast %add3A_186 : i32 to index
      %get3A_187 = tpu.vector_load %arg5[%get3A] {strides = array<i32>} : memref<16384xf32, #tpu.memory_space<vmem>>, vector<16xf32>,
      %max3A = arith.constant -1.000000e+00 : f32
      %max3A_188 = vector.broadcast %max3A : f32 to vector<16xf32>
      %max3A_189 = arith.maximumf %get3A_187, %max3A_188 : vector<16xf32>
      %min3A = arith.constant 1.000000e+00 : f32
      %min3A_190 = vector.broadcast %min3A : f32 to vector<16xf32>
      %min3A_191 = arith.minimumf %max3A_189, %min3A_190 : vector<16xf32>
      %add3A_192 = arith.constant 1.000000e+00 : f32
      %add3A_193 = vector.broadcast %add3A_192 : f32 to vector<16xf32>
      %add3A_194 = arith.addf %min3A_191, %add3A_193 : vector<16xf32>
      %mul3A_195 = arith.constant 1.280000e+02 : f32
      %mul3A_196 = vector.broadcast %mul3A_195 : f32 to vector<16xf32>
      %mul3A_197 = arith.mulf %add3A_194, %mul3A_196 : vector<16xf32>
      %convert_element_type3A = arith.fptosi %mul3A_197 : vector<16xf32> to vector<16xi32>
      %min3A_198 = arith.constant 255 : i32
      %min3A_199 = vector.broadcast %min3A_198 : i32 to vector<16xi32>
      %min3A_200 = arith.minsi %convert_element_type3A, %min3A_199 : vector<16xi32>
      %add3A_201 = arith.addi %min3A_200, %add3A_40 : vector<16xi32>
      tpu.vector_store_idx %arg6[%add3A_201], %add3A_6 {add = true} : memref<24576xi32, #tpu.memory_space<vmem>>[vector<16xi32>], vector<16xi32>,
      %mul3A_202 = arith.constant 4 : i32
      %mul3A_203 = arith.muli %scan3A_178, %mul3A_202 : i32
      %add3A_204 = arith.constant 1 : i32
      %add3A_205 = arith.addi %mul3A_203, %add3A_204 : i32
      %mul3A_206 = arith.constant 16 : i32
      %mul3A_207 = arith.muli %add3A_205, %mul3A_206 : i32
      %add3A_208 = arith.constant 0 : i32
      %add3A_209 = arith.addi %add3A_208, %mul3A_207 : i32
      %get3A_210 = arith.index_cast %add3A_209 : i32 to index
      %get3A_211 = tpu.vector_load %arg5[%get3A_210] {strides = array<i32>} : memref<16384xf32, #tpu.memory_space<vmem>>, vector<16xf32>,
      %max3A_212 = arith.constant -1.000000e+00 : f32
      %max3A_213 = vector.broadcast %max3A_212 : f32 to vector<16xf32>
      %max3A_214 = arith.maximumf %get3A_211, %max3A_213 : vector<16xf32>
      %min3A_215 = arith.constant 1.000000e+00 : f32
      %min3A_216 = vector.broadcast %min3A_215 : f32 to vector<16xf32>
      %min3A_217 = arith.minimumf %max3A_214, %min3A_216 : vector<16xf32>
      %add3A_218 = arith.constant 1.000000e+00 : f32
      %add3A_219 = vector.broadcast %add3A_218 : f32 to vector<16xf32>
      %add3A_220 = arith.addf %min3A_217, %add3A_219 : vector<16xf32>
      %mul3A_221 = arith.constant 1.280000e+02 : f32
      %mul3A_222 = vector.broadcast %mul3A_221 : f32 to vector<16xf32>
      %mul3A_223 = arith.mulf %add3A_220, %mul3A_222 : vector<16xf32>
      %convert_element_type3A_224 = arith.fptosi %mul3A_223 : vector<16xf32> to vector<16xi32>
      %min3A_225 = arith.constant 255 : i32
      %min3A_226 = vector.broadcast %min3A_225 : i32 to vector<16xi32>
      %min3A_227 = arith.minsi %convert_element_type3A_224, %min3A_226 : vector<16xi32>
      %add3A_228 = arith.addi %min3A_227, %add3A_40 : vector<16xi32>
      tpu.vector_store_idx %arg6[%add3A_228], %add3A_6 {add = true} : memref<24576xi32, #tpu.memory_space<vmem>>[vector<16xi32>], vector<16xi32>,
      %mul3A_229 = arith.constant 4 : i32
      %mul3A_230 = arith.muli %scan3A_178, %mul3A_229 : i32
      %add3A_231 = arith.constant 2 : i32
      %add3A_232 = arith.addi %mul3A_230, %add3A_231 : i32
      %mul3A_233 = arith.constant 16 : i32
      %mul3A_234 = arith.muli %add3A_232, %mul3A_233 : i32
      %add3A_235 = arith.constant 0 : i32
      %add3A_236 = arith.addi %add3A_235, %mul3A_234 : i32
      %get3A_237 = arith.index_cast %add3A_236 : i32 to index
      %get3A_238 = tpu.vector_load %arg5[%get3A_237] {strides = array<i32>} : memref<16384xf32, #tpu.memory_space<vmem>>, vector<16xf32>,
      %max3A_239 = arith.constant -1.000000e+00 : f32
      %max3A_240 = vector.broadcast %max3A_239 : f32 to vector<16xf32>
      %max3A_241 = arith.maximumf %get3A_238, %max3A_240 : vector<16xf32>
      %min3A_242 = arith.constant 1.000000e+00 : f32
      %min3A_243 = vector.broadcast %min3A_242 : f32 to vector<16xf32>
      %min3A_244 = arith.minimumf %max3A_241, %min3A_243 : vector<16xf32>
      %add3A_245 = arith.constant 1.000000e+00 : f32
      %add3A_246 = vector.broadcast %add3A_245 : f32 to vector<16xf32>
      %add3A_247 = arith.addf %min3A_244, %add3A_246 : vector<16xf32>
      %mul3A_248 = arith.constant 1.280000e+02 : f32
      %mul3A_249 = vector.broadcast %mul3A_248 : f32 to vector<16xf32>
      %mul3A_250 = arith.mulf %add3A_247, %mul3A_249 : vector<16xf32>
      %convert_element_type3A_251 = arith.fptosi %mul3A_250 : vector<16xf32> to vector<16xi32>
      %min3A_252 = arith.constant 255 : i32
      %min3A_253 = vector.broadcast %min3A_252 : i32 to vector<16xi32>
      %min3A_254 = arith.minsi %convert_element_type3A_251, %min3A_253 : vector<16xi32>
      %add3A_255 = arith.addi %min3A_254, %add3A_40 : vector<16xi32>
      tpu.vector_store_idx %arg6[%add3A_255], %add3A_6 {add = true} : memref<24576xi32, #tpu.memory_space<vmem>>[vector<16xi32>], vector<16xi32>,
      %mul3A_256 = arith.constant 4 : i32
      %mul3A_257 = arith.muli %scan3A_178, %mul3A_256 : i32
      %add3A_258 = arith.constant 3 : i32
      %add3A_259 = arith.addi %mul3A_257, %add3A_258 : i32
      %mul3A_260 = arith.constant 16 : i32
      %mul3A_261 = arith.muli %add3A_259, %mul3A_260 : i32
      %add3A_262 = arith.constant 0 : i32
      %add3A_263 = arith.addi %add3A_262, %mul3A_261 : i32
      %get3A_264 = arith.index_cast %add3A_263 : i32 to index
      %get3A_265 = tpu.vector_load %arg5[%get3A_264] {strides = array<i32>} : memref<16384xf32, #tpu.memory_space<vmem>>, vector<16xf32>,
      %max3A_266 = arith.constant -1.000000e+00 : f32
      %max3A_267 = vector.broadcast %max3A_266 : f32 to vector<16xf32>
      %max3A_268 = arith.maximumf %get3A_265, %max3A_267 : vector<16xf32>
      %min3A_269 = arith.constant 1.000000e+00 : f32
      %min3A_270 = vector.broadcast %min3A_269 : f32 to vector<16xf32>
      %min3A_271 = arith.minimumf %max3A_268, %min3A_270 : vector<16xf32>
      %add3A_272 = arith.constant 1.000000e+00 : f32
      %add3A_273 = vector.broadcast %add3A_272 : f32 to vector<16xf32>
      %add3A_274 = arith.addf %min3A_271, %add3A_273 : vector<16xf32>
      %mul3A_275 = arith.constant 1.280000e+02 : f32
      %mul3A_276 = vector.broadcast %mul3A_275 : f32 to vector<16xf32>
      %mul3A_277 = arith.mulf %add3A_274, %mul3A_276 : vector<16xf32>
      %convert_element_type3A_278 = arith.fptosi %mul3A_277 : vector<16xf32> to vector<16xi32>
      %min3A_279 = arith.constant 255 : i32
      %min3A_280 = vector.broadcast %min3A_279 : i32 to vector<16xi32>
      %min3A_281 = arith.minsi %convert_element_type3A_278, %min3A_280 : vector<16xi32>
      %add3A_282 = arith.addi %min3A_281, %add3A_40 : vector<16xi32>
      tpu.vector_store_idx %arg6[%add3A_282], %add3A_6 {add = true} : memref<24576xi32, #tpu.memory_space<vmem>>[vector<16xi32>], vector<16xi32>,
    }
    %scan3A_45 = arith.constant 128 : i32
    %mul3A_46 = arith.constant 8192 : i32
    %mul3A_47 = arith.muli %add3A, %mul3A_46 : i32
    %add3A_48 = arith.constant 524288 : i32
    %add3A_49 = arith.addi %add3A_48, %mul3A_47 : i32
    %dma_start3A_50 = arith.constant 0 : i32
    %dma_start3A_51 = tpu.memref_slice %arg5[%dma_start3A_50] : memref<16384xf32, #tpu.memory_space<vmem>> -> memref<8192xf32, #tpu.memory_space<vmem>>
    %dma_start3A_52 = tpu.memref_slice %arg2[%add3A_49] : memref<786432xf32, #tpu.memory_space<hbm>> -> memref<8192xf32, #tpu.memory_space<hbm>>
    %dma_start3A_53 = arith.constant 0 : i32
    %dma_start3A_54 = tpu.memref_slice %arg5[%dma_start3A_53] : memref<16384xf32, #tpu.memory_space<vmem>> -> memref<8192xf32, #tpu.memory_space<vmem>>
    %dma_start3A_55 = tpu.memref_slice %arg2[%add3A_49] : memref<786432xf32, #tpu.memory_space<hbm>> -> memref<8192xf32, #tpu.memory_space<hbm>>
    tpu.enqueue_dma source(%dma_start3A_55 : memref<8192xf32, #tpu.memory_space<hbm>>) target(%dma_start3A_54 : memref<8192xf32, #tpu.memory_space<vmem>>) target_semaphore(%arg8 : memref<!tpu.dma_semaphore, #tpu.memory_space<semaphore_mem>>)
    %dma_wait3A_56 = arith.constant 8192 : i32
    %dma_wait3A_57 = tpu.memref_slice %arg5[%dma_wait3A_56] : memref<16384xf32, #tpu.memory_space<vmem>> -> memref<8192xf32, #tpu.memory_space<vmem>>
    %dma_wait3A_58 = tpu.memref_slice %arg2[%add3A_23] : memref<786432xf32, #tpu.memory_space<hbm>> -> memref<8192xf32, #tpu.memory_space<hbm>>
    %dma_wait3A_59 = arith.constant 8192 : i32
    %dma_wait3A_60 = tpu.memref_slice %arg5[%dma_wait3A_59] : memref<16384xf32, #tpu.memory_space<vmem>> -> memref<8192xf32, #tpu.memory_space<vmem>>
    %dma_wait3A_61 = tpu.memref_slice %arg2[%add3A_23] : memref<786432xf32, #tpu.memory_space<hbm>> -> memref<8192xf32, #tpu.memory_space<hbm>>
    tpu.wait_dma2 semaphore(%arg9 : memref<!tpu.dma_semaphore, #tpu.memory_space<semaphore_mem>>) src(%dma_wait3A_61 : memref<8192xf32, #tpu.memory_space<hbm>>) dst(%dma_wait3A_60 : memref<8192xf32, #tpu.memory_space<vmem>>)
    %mul3A_62 = arith.constant 1536 : i32
    %mul3A_63 = vector.broadcast %mul3A_62 : i32 to vector<16xi32>
    %mul3A_64 = arith.muli %iota3A, %mul3A_63 : vector<16xi32>
    %add3A_65 = arith.constant 256 : i32
    %add3A_66 = vector.broadcast %add3A_65 : i32 to vector<16xi32>
    %add3A_67 = arith.addi %mul3A_64, %add3A_66 : vector<16xi32>
    %scan3A_68 = arith.constant 0 : i32
    %scan3A_69 = arith.constant 128 : i32
    %scan3A_70 = arith.addi %scan3A_68, %scan3A_69 : i32
    %scan3A_71 = arith.constant 1 : i32
    scf.for %scan3A_178 = %scan3A_68 to %scan3A_70 step %scan3A_71  : i32 {
      %mul3A_179 = arith.constant 4 : i32
      %mul3A_180 = arith.muli %scan3A_178, %mul3A_179 : i32
      %add3A_181 = arith.constant 0 : i32
      %add3A_182 = arith.addi %mul3A_180, %add3A_181 : i32
      %mul3A_183 = arith.constant 16 : i32
      %mul3A_184 = arith.muli %add3A_182, %mul3A_183 : i32
      %add3A_185 = arith.constant 8192 : i32
      %add3A_186 = arith.addi %add3A_185, %mul3A_184 : i32
      %get3A = arith.index_cast %add3A_186 : i32 to index
      %get3A_187 = tpu.vector_load %arg5[%get3A] {strides = array<i32>} : memref<16384xf32, #tpu.memory_space<vmem>>, vector<16xf32>,
      %max3A = arith.constant -1.000000e+00 : f32
      %max3A_188 = vector.broadcast %max3A : f32 to vector<16xf32>
      %max3A_189 = arith.maximumf %get3A_187, %max3A_188 : vector<16xf32>
      %min3A = arith.constant 1.000000e+00 : f32
      %min3A_190 = vector.broadcast %min3A : f32 to vector<16xf32>
      %min3A_191 = arith.minimumf %max3A_189, %min3A_190 : vector<16xf32>
      %add3A_192 = arith.constant 1.000000e+00 : f32
      %add3A_193 = vector.broadcast %add3A_192 : f32 to vector<16xf32>
      %add3A_194 = arith.addf %min3A_191, %add3A_193 : vector<16xf32>
      %mul3A_195 = arith.constant 1.280000e+02 : f32
      %mul3A_196 = vector.broadcast %mul3A_195 : f32 to vector<16xf32>
      %mul3A_197 = arith.mulf %add3A_194, %mul3A_196 : vector<16xf32>
      %convert_element_type3A = arith.fptosi %mul3A_197 : vector<16xf32> to vector<16xi32>
      %min3A_198 = arith.constant 255 : i32
      %min3A_199 = vector.broadcast %min3A_198 : i32 to vector<16xi32>
      %min3A_200 = arith.minsi %convert_element_type3A, %min3A_199 : vector<16xi32>
      %add3A_201 = arith.addi %min3A_200, %add3A_67 : vector<16xi32>
      tpu.vector_store_idx %arg6[%add3A_201], %add3A_6 {add = true} : memref<24576xi32, #tpu.memory_space<vmem>>[vector<16xi32>], vector<16xi32>,
      %mul3A_202 = arith.constant 4 : i32
      %mul3A_203 = arith.muli %scan3A_178, %mul3A_202 : i32
      %add3A_204 = arith.constant 1 : i32
      %add3A_205 = arith.addi %mul3A_203, %add3A_204 : i32
      %mul3A_206 = arith.constant 16 : i32
      %mul3A_207 = arith.muli %add3A_205, %mul3A_206 : i32
      %add3A_208 = arith.constant 8192 : i32
      %add3A_209 = arith.addi %add3A_208, %mul3A_207 : i32
      %get3A_210 = arith.index_cast %add3A_209 : i32 to index
      %get3A_211 = tpu.vector_load %arg5[%get3A_210] {strides = array<i32>} : memref<16384xf32, #tpu.memory_space<vmem>>, vector<16xf32>,
      %max3A_212 = arith.constant -1.000000e+00 : f32
      %max3A_213 = vector.broadcast %max3A_212 : f32 to vector<16xf32>
      %max3A_214 = arith.maximumf %get3A_211, %max3A_213 : vector<16xf32>
      %min3A_215 = arith.constant 1.000000e+00 : f32
      %min3A_216 = vector.broadcast %min3A_215 : f32 to vector<16xf32>
      %min3A_217 = arith.minimumf %max3A_214, %min3A_216 : vector<16xf32>
      %add3A_218 = arith.constant 1.000000e+00 : f32
      %add3A_219 = vector.broadcast %add3A_218 : f32 to vector<16xf32>
      %add3A_220 = arith.addf %min3A_217, %add3A_219 : vector<16xf32>
      %mul3A_221 = arith.constant 1.280000e+02 : f32
      %mul3A_222 = vector.broadcast %mul3A_221 : f32 to vector<16xf32>
      %mul3A_223 = arith.mulf %add3A_220, %mul3A_222 : vector<16xf32>
      %convert_element_type3A_224 = arith.fptosi %mul3A_223 : vector<16xf32> to vector<16xi32>
      %min3A_225 = arith.constant 255 : i32
      %min3A_226 = vector.broadcast %min3A_225 : i32 to vector<16xi32>
      %min3A_227 = arith.minsi %convert_element_type3A_224, %min3A_226 : vector<16xi32>
      %add3A_228 = arith.addi %min3A_227, %add3A_67 : vector<16xi32>
      tpu.vector_store_idx %arg6[%add3A_228], %add3A_6 {add = true} : memref<24576xi32, #tpu.memory_space<vmem>>[vector<16xi32>], vector<16xi32>,
      %mul3A_229 = arith.constant 4 : i32
      %mul3A_230 = arith.muli %scan3A_178, %mul3A_229 : i32
      %add3A_231 = arith.constant 2 : i32
      %add3A_232 = arith.addi %mul3A_230, %add3A_231 : i32
      %mul3A_233 = arith.constant 16 : i32
      %mul3A_234 = arith.muli %add3A_232, %mul3A_233 : i32
      %add3A_235 = arith.constant 8192 : i32
      %add3A_236 = arith.addi %add3A_235, %mul3A_234 : i32
      %get3A_237 = arith.index_cast %add3A_236 : i32 to index
      %get3A_238 = tpu.vector_load %arg5[%get3A_237] {strides = array<i32>} : memref<16384xf32, #tpu.memory_space<vmem>>, vector<16xf32>,
      %max3A_239 = arith.constant -1.000000e+00 : f32
      %max3A_240 = vector.broadcast %max3A_239 : f32 to vector<16xf32>
      %max3A_241 = arith.maximumf %get3A_238, %max3A_240 : vector<16xf32>
      %min3A_242 = arith.constant 1.000000e+00 : f32
      %min3A_243 = vector.broadcast %min3A_242 : f32 to vector<16xf32>
      %min3A_244 = arith.minimumf %max3A_241, %min3A_243 : vector<16xf32>
      %add3A_245 = arith.constant 1.000000e+00 : f32
      %add3A_246 = vector.broadcast %add3A_245 : f32 to vector<16xf32>
      %add3A_247 = arith.addf %min3A_244, %add3A_246 : vector<16xf32>
      %mul3A_248 = arith.constant 1.280000e+02 : f32
      %mul3A_249 = vector.broadcast %mul3A_248 : f32 to vector<16xf32>
      %mul3A_250 = arith.mulf %add3A_247, %mul3A_249 : vector<16xf32>
      %convert_element_type3A_251 = arith.fptosi %mul3A_250 : vector<16xf32> to vector<16xi32>
      %min3A_252 = arith.constant 255 : i32
      %min3A_253 = vector.broadcast %min3A_252 : i32 to vector<16xi32>
      %min3A_254 = arith.minsi %convert_element_type3A_251, %min3A_253 : vector<16xi32>
      %add3A_255 = arith.addi %min3A_254, %add3A_67 : vector<16xi32>
      tpu.vector_store_idx %arg6[%add3A_255], %add3A_6 {add = true} : memref<24576xi32, #tpu.memory_space<vmem>>[vector<16xi32>], vector<16xi32>,
      %mul3A_256 = arith.constant 4 : i32
      %mul3A_257 = arith.muli %scan3A_178, %mul3A_256 : i32
      %add3A_258 = arith.constant 3 : i32
      %add3A_259 = arith.addi %mul3A_257, %add3A_258 : i32
      %mul3A_260 = arith.constant 16 : i32
      %mul3A_261 = arith.muli %add3A_259, %mul3A_260 : i32
      %add3A_262 = arith.constant 8192 : i32
      %add3A_263 = arith.addi %add3A_262, %mul3A_261 : i32
      %get3A_264 = arith.index_cast %add3A_263 : i32 to index
      %get3A_265 = tpu.vector_load %arg5[%get3A_264] {strides = array<i32>} : memref<16384xf32, #tpu.memory_space<vmem>>, vector<16xf32>,
      %max3A_266 = arith.constant -1.000000e+00 : f32
      %max3A_267 = vector.broadcast %max3A_266 : f32 to vector<16xf32>
      %max3A_268 = arith.maximumf %get3A_265, %max3A_267 : vector<16xf32>
      %min3A_269 = arith.constant 1.000000e+00 : f32
      %min3A_270 = vector.broadcast %min3A_269 : f32 to vector<16xf32>
      %min3A_271 = arith.minimumf %max3A_268, %min3A_270 : vector<16xf32>
      %add3A_272 = arith.constant 1.000000e+00 : f32
      %add3A_273 = vector.broadcast %add3A_272 : f32 to vector<16xf32>
      %add3A_274 = arith.addf %min3A_271, %add3A_273 : vector<16xf32>
      %mul3A_275 = arith.constant 1.280000e+02 : f32
      %mul3A_276 = vector.broadcast %mul3A_275 : f32 to vector<16xf32>
      %mul3A_277 = arith.mulf %add3A_274, %mul3A_276 : vector<16xf32>
      %convert_element_type3A_278 = arith.fptosi %mul3A_277 : vector<16xf32> to vector<16xi32>
      %min3A_279 = arith.constant 255 : i32
      %min3A_280 = vector.broadcast %min3A_279 : i32 to vector<16xi32>
      %min3A_281 = arith.minsi %convert_element_type3A_278, %min3A_280 : vector<16xi32>
      %add3A_282 = arith.addi %min3A_281, %add3A_67 : vector<16xi32>
      tpu.vector_store_idx %arg6[%add3A_282], %add3A_6 {add = true} : memref<24576xi32, #tpu.memory_space<vmem>>[vector<16xi32>], vector<16xi32>,
    }
    %scan3A_72 = arith.constant 128 : i32
    %mul3A_73 = arith.constant 8192 : i32
    %mul3A_74 = arith.muli %add3A, %mul3A_73 : i32
    %add3A_75 = arith.constant 0 : i32
    %add3A_76 = arith.addi %add3A_75, %mul3A_74 : i32
    %dma_start3A_77 = arith.constant 8192 : i32
    %dma_start3A_78 = tpu.memref_slice %arg5[%dma_start3A_77] : memref<16384xf32, #tpu.memory_space<vmem>> -> memref<8192xf32, #tpu.memory_space<vmem>>
    %dma_start3A_79 = tpu.memref_slice %arg3[%add3A_76] : memref<786432xf32, #tpu.memory_space<hbm>> -> memref<8192xf32, #tpu.memory_space<hbm>>
    %dma_start3A_80 = arith.constant 8192 : i32
    %dma_start3A_81 = tpu.memref_slice %arg5[%dma_start3A_80] : memref<16384xf32, #tpu.memory_space<vmem>> -> memref<8192xf32, #tpu.memory_space<vmem>>
    %dma_start3A_82 = tpu.memref_slice %arg3[%add3A_76] : memref<786432xf32, #tpu.memory_space<hbm>> -> memref<8192xf32, #tpu.memory_space<hbm>>
    tpu.enqueue_dma source(%dma_start3A_82 : memref<8192xf32, #tpu.memory_space<hbm>>) target(%dma_start3A_81 : memref<8192xf32, #tpu.memory_space<vmem>>) target_semaphore(%arg9 : memref<!tpu.dma_semaphore, #tpu.memory_space<semaphore_mem>>)
    %dma_wait3A_83 = arith.constant 0 : i32
    %dma_wait3A_84 = tpu.memref_slice %arg5[%dma_wait3A_83] : memref<16384xf32, #tpu.memory_space<vmem>> -> memref<8192xf32, #tpu.memory_space<vmem>>
    %dma_wait3A_85 = tpu.memref_slice %arg2[%add3A_49] : memref<786432xf32, #tpu.memory_space<hbm>> -> memref<8192xf32, #tpu.memory_space<hbm>>
    %dma_wait3A_86 = arith.constant 0 : i32
    %dma_wait3A_87 = tpu.memref_slice %arg5[%dma_wait3A_86] : memref<16384xf32, #tpu.memory_space<vmem>> -> memref<8192xf32, #tpu.memory_space<vmem>>
    %dma_wait3A_88 = tpu.memref_slice %arg2[%add3A_49] : memref<786432xf32, #tpu.memory_space<hbm>> -> memref<8192xf32, #tpu.memory_space<hbm>>
    tpu.wait_dma2 semaphore(%arg8 : memref<!tpu.dma_semaphore, #tpu.memory_space<semaphore_mem>>) src(%dma_wait3A_88 : memref<8192xf32, #tpu.memory_space<hbm>>) dst(%dma_wait3A_87 : memref<8192xf32, #tpu.memory_space<vmem>>)
    %mul3A_89 = arith.constant 1536 : i32
    %mul3A_90 = vector.broadcast %mul3A_89 : i32 to vector<16xi32>
    %mul3A_91 = arith.muli %iota3A, %mul3A_90 : vector<16xi32>
    %add3A_92 = arith.constant 512 : i32
    %add3A_93 = vector.broadcast %add3A_92 : i32 to vector<16xi32>
    %add3A_94 = arith.addi %mul3A_91, %add3A_93 : vector<16xi32>
    %scan3A_95 = arith.constant 0 : i32
    %scan3A_96 = arith.constant 128 : i32
    %scan3A_97 = arith.addi %scan3A_95, %scan3A_96 : i32
    %scan3A_98 = arith.constant 1 : i32
    scf.for %scan3A_178 = %scan3A_95 to %scan3A_97 step %scan3A_98  : i32 {
      %mul3A_179 = arith.constant 4 : i32
      %mul3A_180 = arith.muli %scan3A_178, %mul3A_179 : i32
      %add3A_181 = arith.constant 0 : i32
      %add3A_182 = arith.addi %mul3A_180, %add3A_181 : i32
      %mul3A_183 = arith.constant 16 : i32
      %mul3A_184 = arith.muli %add3A_182, %mul3A_183 : i32
      %add3A_185 = arith.constant 0 : i32
      %add3A_186 = arith.addi %add3A_185, %mul3A_184 : i32
      %get3A = arith.index_cast %add3A_186 : i32 to index
      %get3A_187 = tpu.vector_load %arg5[%get3A] {strides = array<i32>} : memref<16384xf32, #tpu.memory_space<vmem>>, vector<16xf32>,
      %max3A = arith.constant -1.000000e+00 : f32
      %max3A_188 = vector.broadcast %max3A : f32 to vector<16xf32>
      %max3A_189 = arith.maximumf %get3A_187, %max3A_188 : vector<16xf32>
      %min3A = arith.constant 1.000000e+00 : f32
      %min3A_190 = vector.broadcast %min3A : f32 to vector<16xf32>
      %min3A_191 = arith.minimumf %max3A_189, %min3A_190 : vector<16xf32>
      %add3A_192 = arith.constant 1.000000e+00 : f32
      %add3A_193 = vector.broadcast %add3A_192 : f32 to vector<16xf32>
      %add3A_194 = arith.addf %min3A_191, %add3A_193 : vector<16xf32>
      %mul3A_195 = arith.constant 1.280000e+02 : f32
      %mul3A_196 = vector.broadcast %mul3A_195 : f32 to vector<16xf32>
      %mul3A_197 = arith.mulf %add3A_194, %mul3A_196 : vector<16xf32>
      %convert_element_type3A = arith.fptosi %mul3A_197 : vector<16xf32> to vector<16xi32>
      %min3A_198 = arith.constant 255 : i32
      %min3A_199 = vector.broadcast %min3A_198 : i32 to vector<16xi32>
      %min3A_200 = arith.minsi %convert_element_type3A, %min3A_199 : vector<16xi32>
      %add3A_201 = arith.addi %min3A_200, %add3A_94 : vector<16xi32>
      tpu.vector_store_idx %arg6[%add3A_201], %add3A_6 {add = true} : memref<24576xi32, #tpu.memory_space<vmem>>[vector<16xi32>], vector<16xi32>,
      %mul3A_202 = arith.constant 4 : i32
      %mul3A_203 = arith.muli %scan3A_178, %mul3A_202 : i32
      %add3A_204 = arith.constant 1 : i32
      %add3A_205 = arith.addi %mul3A_203, %add3A_204 : i32
      %mul3A_206 = arith.constant 16 : i32
      %mul3A_207 = arith.muli %add3A_205, %mul3A_206 : i32
      %add3A_208 = arith.constant 0 : i32
      %add3A_209 = arith.addi %add3A_208, %mul3A_207 : i32
      %get3A_210 = arith.index_cast %add3A_209 : i32 to index
      %get3A_211 = tpu.vector_load %arg5[%get3A_210] {strides = array<i32>} : memref<16384xf32, #tpu.memory_space<vmem>>, vector<16xf32>,
      %max3A_212 = arith.constant -1.000000e+00 : f32
      %max3A_213 = vector.broadcast %max3A_212 : f32 to vector<16xf32>
      %max3A_214 = arith.maximumf %get3A_211, %max3A_213 : vector<16xf32>
      %min3A_215 = arith.constant 1.000000e+00 : f32
      %min3A_216 = vector.broadcast %min3A_215 : f32 to vector<16xf32>
      %min3A_217 = arith.minimumf %max3A_214, %min3A_216 : vector<16xf32>
      %add3A_218 = arith.constant 1.000000e+00 : f32
      %add3A_219 = vector.broadcast %add3A_218 : f32 to vector<16xf32>
      %add3A_220 = arith.addf %min3A_217, %add3A_219 : vector<16xf32>
      %mul3A_221 = arith.constant 1.280000e+02 : f32
      %mul3A_222 = vector.broadcast %mul3A_221 : f32 to vector<16xf32>
      %mul3A_223 = arith.mulf %add3A_220, %mul3A_222 : vector<16xf32>
      %convert_element_type3A_224 = arith.fptosi %mul3A_223 : vector<16xf32> to vector<16xi32>
      %min3A_225 = arith.constant 255 : i32
      %min3A_226 = vector.broadcast %min3A_225 : i32 to vector<16xi32>
      %min3A_227 = arith.minsi %convert_element_type3A_224, %min3A_226 : vector<16xi32>
      %add3A_228 = arith.addi %min3A_227, %add3A_94 : vector<16xi32>
      tpu.vector_store_idx %arg6[%add3A_228], %add3A_6 {add = true} : memref<24576xi32, #tpu.memory_space<vmem>>[vector<16xi32>], vector<16xi32>,
      %mul3A_229 = arith.constant 4 : i32
      %mul3A_230 = arith.muli %scan3A_178, %mul3A_229 : i32
      %add3A_231 = arith.constant 2 : i32
      %add3A_232 = arith.addi %mul3A_230, %add3A_231 : i32
      %mul3A_233 = arith.constant 16 : i32
      %mul3A_234 = arith.muli %add3A_232, %mul3A_233 : i32
      %add3A_235 = arith.constant 0 : i32
      %add3A_236 = arith.addi %add3A_235, %mul3A_234 : i32
      %get3A_237 = arith.index_cast %add3A_236 : i32 to index
      %get3A_238 = tpu.vector_load %arg5[%get3A_237] {strides = array<i32>} : memref<16384xf32, #tpu.memory_space<vmem>>, vector<16xf32>,
      %max3A_239 = arith.constant -1.000000e+00 : f32
      %max3A_240 = vector.broadcast %max3A_239 : f32 to vector<16xf32>
      %max3A_241 = arith.maximumf %get3A_238, %max3A_240 : vector<16xf32>
      %min3A_242 = arith.constant 1.000000e+00 : f32
      %min3A_243 = vector.broadcast %min3A_242 : f32 to vector<16xf32>
      %min3A_244 = arith.minimumf %max3A_241, %min3A_243 : vector<16xf32>
      %add3A_245 = arith.constant 1.000000e+00 : f32
      %add3A_246 = vector.broadcast %add3A_245 : f32 to vector<16xf32>
      %add3A_247 = arith.addf %min3A_244, %add3A_246 : vector<16xf32>
      %mul3A_248 = arith.constant 1.280000e+02 : f32
      %mul3A_249 = vector.broadcast %mul3A_248 : f32 to vector<16xf32>
      %mul3A_250 = arith.mulf %add3A_247, %mul3A_249 : vector<16xf32>
      %convert_element_type3A_251 = arith.fptosi %mul3A_250 : vector<16xf32> to vector<16xi32>
      %min3A_252 = arith.constant 255 : i32
      %min3A_253 = vector.broadcast %min3A_252 : i32 to vector<16xi32>
      %min3A_254 = arith.minsi %convert_element_type3A_251, %min3A_253 : vector<16xi32>
      %add3A_255 = arith.addi %min3A_254, %add3A_94 : vector<16xi32>
      tpu.vector_store_idx %arg6[%add3A_255], %add3A_6 {add = true} : memref<24576xi32, #tpu.memory_space<vmem>>[vector<16xi32>], vector<16xi32>,
      %mul3A_256 = arith.constant 4 : i32
      %mul3A_257 = arith.muli %scan3A_178, %mul3A_256 : i32
      %add3A_258 = arith.constant 3 : i32
      %add3A_259 = arith.addi %mul3A_257, %add3A_258 : i32
      %mul3A_260 = arith.constant 16 : i32
      %mul3A_261 = arith.muli %add3A_259, %mul3A_260 : i32
      %add3A_262 = arith.constant 0 : i32
      %add3A_263 = arith.addi %add3A_262, %mul3A_261 : i32
      %get3A_264 = arith.index_cast %add3A_263 : i32 to index
      %get3A_265 = tpu.vector_load %arg5[%get3A_264] {strides = array<i32>} : memref<16384xf32, #tpu.memory_space<vmem>>, vector<16xf32>,
      %max3A_266 = arith.constant -1.000000e+00 : f32
      %max3A_267 = vector.broadcast %max3A_266 : f32 to vector<16xf32>
      %max3A_268 = arith.maximumf %get3A_265, %max3A_267 : vector<16xf32>
      %min3A_269 = arith.constant 1.000000e+00 : f32
      %min3A_270 = vector.broadcast %min3A_269 : f32 to vector<16xf32>
      %min3A_271 = arith.minimumf %max3A_268, %min3A_270 : vector<16xf32>
      %add3A_272 = arith.constant 1.000000e+00 : f32
      %add3A_273 = vector.broadcast %add3A_272 : f32 to vector<16xf32>
      %add3A_274 = arith.addf %min3A_271, %add3A_273 : vector<16xf32>
      %mul3A_275 = arith.constant 1.280000e+02 : f32
      %mul3A_276 = vector.broadcast %mul3A_275 : f32 to vector<16xf32>
      %mul3A_277 = arith.mulf %add3A_274, %mul3A_276 : vector<16xf32>
      %convert_element_type3A_278 = arith.fptosi %mul3A_277 : vector<16xf32> to vector<16xi32>
      %min3A_279 = arith.constant 255 : i32
      %min3A_280 = vector.broadcast %min3A_279 : i32 to vector<16xi32>
      %min3A_281 = arith.minsi %convert_element_type3A_278, %min3A_280 : vector<16xi32>
      %add3A_282 = arith.addi %min3A_281, %add3A_94 : vector<16xi32>
      tpu.vector_store_idx %arg6[%add3A_282], %add3A_6 {add = true} : memref<24576xi32, #tpu.memory_space<vmem>>[vector<16xi32>], vector<16xi32>,
    }
    %scan3A_99 = arith.constant 128 : i32
    %mul3A_100 = arith.constant 8192 : i32
    %mul3A_101 = arith.muli %add3A, %mul3A_100 : i32
    %add3A_102 = arith.constant 262144 : i32
    %add3A_103 = arith.addi %add3A_102, %mul3A_101 : i32
    %dma_start3A_104 = arith.constant 0 : i32
    %dma_start3A_105 = tpu.memref_slice %arg5[%dma_start3A_104] : memref<16384xf32, #tpu.memory_space<vmem>> -> memref<8192xf32, #tpu.memory_space<vmem>>
    %dma_start3A_106 = tpu.memref_slice %arg3[%add3A_103] : memref<786432xf32, #tpu.memory_space<hbm>> -> memref<8192xf32, #tpu.memory_space<hbm>>
    %dma_start3A_107 = arith.constant 0 : i32
    %dma_start3A_108 = tpu.memref_slice %arg5[%dma_start3A_107] : memref<16384xf32, #tpu.memory_space<vmem>> -> memref<8192xf32, #tpu.memory_space<vmem>>
    %dma_start3A_109 = tpu.memref_slice %arg3[%add3A_103] : memref<786432xf32, #tpu.memory_space<hbm>> -> memref<8192xf32, #tpu.memory_space<hbm>>
    tpu.enqueue_dma source(%dma_start3A_109 : memref<8192xf32, #tpu.memory_space<hbm>>) target(%dma_start3A_108 : memref<8192xf32, #tpu.memory_space<vmem>>) target_semaphore(%arg8 : memref<!tpu.dma_semaphore, #tpu.memory_space<semaphore_mem>>)
    %dma_wait3A_110 = arith.constant 8192 : i32
    %dma_wait3A_111 = tpu.memref_slice %arg5[%dma_wait3A_110] : memref<16384xf32, #tpu.memory_space<vmem>> -> memref<8192xf32, #tpu.memory_space<vmem>>
    %dma_wait3A_112 = tpu.memref_slice %arg3[%add3A_76] : memref<786432xf32, #tpu.memory_space<hbm>> -> memref<8192xf32, #tpu.memory_space<hbm>>
    %dma_wait3A_113 = arith.constant 8192 : i32
    %dma_wait3A_114 = tpu.memref_slice %arg5[%dma_wait3A_113] : memref<16384xf32, #tpu.memory_space<vmem>> -> memref<8192xf32, #tpu.memory_space<vmem>>
    %dma_wait3A_115 = tpu.memref_slice %arg3[%add3A_76] : memref<786432xf32, #tpu.memory_space<hbm>> -> memref<8192xf32, #tpu.memory_space<hbm>>
    tpu.wait_dma2 semaphore(%arg9 : memref<!tpu.dma_semaphore, #tpu.memory_space<semaphore_mem>>) src(%dma_wait3A_115 : memref<8192xf32, #tpu.memory_space<hbm>>) dst(%dma_wait3A_114 : memref<8192xf32, #tpu.memory_space<vmem>>)
    %mul3A_116 = arith.constant 1536 : i32
    %mul3A_117 = vector.broadcast %mul3A_116 : i32 to vector<16xi32>
    %mul3A_118 = arith.muli %iota3A, %mul3A_117 : vector<16xi32>
    %add3A_119 = arith.constant 768 : i32
    %add3A_120 = vector.broadcast %add3A_119 : i32 to vector<16xi32>
    %add3A_121 = arith.addi %mul3A_118, %add3A_120 : vector<16xi32>
    %scan3A_122 = arith.constant 0 : i32
    %scan3A_123 = arith.constant 128 : i32
    %scan3A_124 = arith.addi %scan3A_122, %scan3A_123 : i32
    %scan3A_125 = arith.constant 1 : i32
    scf.for %scan3A_178 = %scan3A_122 to %scan3A_124 step %scan3A_125  : i32 {
      %mul3A_179 = arith.constant 4 : i32
      %mul3A_180 = arith.muli %scan3A_178, %mul3A_179 : i32
      %add3A_181 = arith.constant 0 : i32
      %add3A_182 = arith.addi %mul3A_180, %add3A_181 : i32
      %mul3A_183 = arith.constant 16 : i32
      %mul3A_184 = arith.muli %add3A_182, %mul3A_183 : i32
      %add3A_185 = arith.constant 8192 : i32
      %add3A_186 = arith.addi %add3A_185, %mul3A_184 : i32
      %get3A = arith.index_cast %add3A_186 : i32 to index
      %get3A_187 = tpu.vector_load %arg5[%get3A] {strides = array<i32>} : memref<16384xf32, #tpu.memory_space<vmem>>, vector<16xf32>,
      %max3A = arith.constant -1.000000e+00 : f32
      %max3A_188 = vector.broadcast %max3A : f32 to vector<16xf32>
      %max3A_189 = arith.maximumf %get3A_187, %max3A_188 : vector<16xf32>
      %min3A = arith.constant 1.000000e+00 : f32
      %min3A_190 = vector.broadcast %min3A : f32 to vector<16xf32>
      %min3A_191 = arith.minimumf %max3A_189, %min3A_190 : vector<16xf32>
      %add3A_192 = arith.constant 1.000000e+00 : f32
      %add3A_193 = vector.broadcast %add3A_192 : f32 to vector<16xf32>
      %add3A_194 = arith.addf %min3A_191, %add3A_193 : vector<16xf32>
      %mul3A_195 = arith.constant 1.280000e+02 : f32
      %mul3A_196 = vector.broadcast %mul3A_195 : f32 to vector<16xf32>
      %mul3A_197 = arith.mulf %add3A_194, %mul3A_196 : vector<16xf32>
      %convert_element_type3A = arith.fptosi %mul3A_197 : vector<16xf32> to vector<16xi32>
      %min3A_198 = arith.constant 255 : i32
      %min3A_199 = vector.broadcast %min3A_198 : i32 to vector<16xi32>
      %min3A_200 = arith.minsi %convert_element_type3A, %min3A_199 : vector<16xi32>
      %add3A_201 = arith.addi %min3A_200, %add3A_121 : vector<16xi32>
      tpu.vector_store_idx %arg6[%add3A_201], %add3A_6 {add = true} : memref<24576xi32, #tpu.memory_space<vmem>>[vector<16xi32>], vector<16xi32>,
      %mul3A_202 = arith.constant 4 : i32
      %mul3A_203 = arith.muli %scan3A_178, %mul3A_202 : i32
      %add3A_204 = arith.constant 1 : i32
      %add3A_205 = arith.addi %mul3A_203, %add3A_204 : i32
      %mul3A_206 = arith.constant 16 : i32
      %mul3A_207 = arith.muli %add3A_205, %mul3A_206 : i32
      %add3A_208 = arith.constant 8192 : i32
      %add3A_209 = arith.addi %add3A_208, %mul3A_207 : i32
      %get3A_210 = arith.index_cast %add3A_209 : i32 to index
      %get3A_211 = tpu.vector_load %arg5[%get3A_210] {strides = array<i32>} : memref<16384xf32, #tpu.memory_space<vmem>>, vector<16xf32>,
      %max3A_212 = arith.constant -1.000000e+00 : f32
      %max3A_213 = vector.broadcast %max3A_212 : f32 to vector<16xf32>
      %max3A_214 = arith.maximumf %get3A_211, %max3A_213 : vector<16xf32>
      %min3A_215 = arith.constant 1.000000e+00 : f32
      %min3A_216 = vector.broadcast %min3A_215 : f32 to vector<16xf32>
      %min3A_217 = arith.minimumf %max3A_214, %min3A_216 : vector<16xf32>
      %add3A_218 = arith.constant 1.000000e+00 : f32
      %add3A_219 = vector.broadcast %add3A_218 : f32 to vector<16xf32>
      %add3A_220 = arith.addf %min3A_217, %add3A_219 : vector<16xf32>
      %mul3A_221 = arith.constant 1.280000e+02 : f32
      %mul3A_222 = vector.broadcast %mul3A_221 : f32 to vector<16xf32>
      %mul3A_223 = arith.mulf %add3A_220, %mul3A_222 : vector<16xf32>
      %convert_element_type3A_224 = arith.fptosi %mul3A_223 : vector<16xf32> to vector<16xi32>
      %min3A_225 = arith.constant 255 : i32
      %min3A_226 = vector.broadcast %min3A_225 : i32 to vector<16xi32>
      %min3A_227 = arith.minsi %convert_element_type3A_224, %min3A_226 : vector<16xi32>
      %add3A_228 = arith.addi %min3A_227, %add3A_121 : vector<16xi32>
      tpu.vector_store_idx %arg6[%add3A_228], %add3A_6 {add = true} : memref<24576xi32, #tpu.memory_space<vmem>>[vector<16xi32>], vector<16xi32>,
      %mul3A_229 = arith.constant 4 : i32
      %mul3A_230 = arith.muli %scan3A_178, %mul3A_229 : i32
      %add3A_231 = arith.constant 2 : i32
      %add3A_232 = arith.addi %mul3A_230, %add3A_231 : i32
      %mul3A_233 = arith.constant 16 : i32
      %mul3A_234 = arith.muli %add3A_232, %mul3A_233 : i32
      %add3A_235 = arith.constant 8192 : i32
      %add3A_236 = arith.addi %add3A_235, %mul3A_234 : i32
      %get3A_237 = arith.index_cast %add3A_236 : i32 to index
      %get3A_238 = tpu.vector_load %arg5[%get3A_237] {strides = array<i32>} : memref<16384xf32, #tpu.memory_space<vmem>>, vector<16xf32>,
      %max3A_239 = arith.constant -1.000000e+00 : f32
      %max3A_240 = vector.broadcast %max3A_239 : f32 to vector<16xf32>
      %max3A_241 = arith.maximumf %get3A_238, %max3A_240 : vector<16xf32>
      %min3A_242 = arith.constant 1.000000e+00 : f32
      %min3A_243 = vector.broadcast %min3A_242 : f32 to vector<16xf32>
      %min3A_244 = arith.minimumf %max3A_241, %min3A_243 : vector<16xf32>
      %add3A_245 = arith.constant 1.000000e+00 : f32
      %add3A_246 = vector.broadcast %add3A_245 : f32 to vector<16xf32>
      %add3A_247 = arith.addf %min3A_244, %add3A_246 : vector<16xf32>
      %mul3A_248 = arith.constant 1.280000e+02 : f32
      %mul3A_249 = vector.broadcast %mul3A_248 : f32 to vector<16xf32>
      %mul3A_250 = arith.mulf %add3A_247, %mul3A_249 : vector<16xf32>
      %convert_element_type3A_251 = arith.fptosi %mul3A_250 : vector<16xf32> to vector<16xi32>
      %min3A_252 = arith.constant 255 : i32
      %min3A_253 = vector.broadcast %min3A_252 : i32 to vector<16xi32>
      %min3A_254 = arith.minsi %convert_element_type3A_251, %min3A_253 : vector<16xi32>
      %add3A_255 = arith.addi %min3A_254, %add3A_121 : vector<16xi32>
      tpu.vector_store_idx %arg6[%add3A_255], %add3A_6 {add = true} : memref<24576xi32, #tpu.memory_space<vmem>>[vector<16xi32>], vector<16xi32>,
      %mul3A_256 = arith.constant 4 : i32
      %mul3A_257 = arith.muli %scan3A_178, %mul3A_256 : i32
      %add3A_258 = arith.constant 3 : i32
      %add3A_259 = arith.addi %mul3A_257, %add3A_258 : i32
      %mul3A_260 = arith.constant 16 : i32
      %mul3A_261 = arith.muli %add3A_259, %mul3A_260 : i32
      %add3A_262 = arith.constant 8192 : i32
      %add3A_263 = arith.addi %add3A_262, %mul3A_261 : i32
      %get3A_264 = arith.index_cast %add3A_263 : i32 to index
      %get3A_265 = tpu.vector_load %arg5[%get3A_264] {strides = array<i32>} : memref<16384xf32, #tpu.memory_space<vmem>>, vector<16xf32>,
      %max3A_266 = arith.constant -1.000000e+00 : f32
      %max3A_267 = vector.broadcast %max3A_266 : f32 to vector<16xf32>
      %max3A_268 = arith.maximumf %get3A_265, %max3A_267 : vector<16xf32>
      %min3A_269 = arith.constant 1.000000e+00 : f32
      %min3A_270 = vector.broadcast %min3A_269 : f32 to vector<16xf32>
      %min3A_271 = arith.minimumf %max3A_268, %min3A_270 : vector<16xf32>
      %add3A_272 = arith.constant 1.000000e+00 : f32
      %add3A_273 = vector.broadcast %add3A_272 : f32 to vector<16xf32>
      %add3A_274 = arith.addf %min3A_271, %add3A_273 : vector<16xf32>
      %mul3A_275 = arith.constant 1.280000e+02 : f32
      %mul3A_276 = vector.broadcast %mul3A_275 : f32 to vector<16xf32>
      %mul3A_277 = arith.mulf %add3A_274, %mul3A_276 : vector<16xf32>
      %convert_element_type3A_278 = arith.fptosi %mul3A_277 : vector<16xf32> to vector<16xi32>
      %min3A_279 = arith.constant 255 : i32
      %min3A_280 = vector.broadcast %min3A_279 : i32 to vector<16xi32>
      %min3A_281 = arith.minsi %convert_element_type3A_278, %min3A_280 : vector<16xi32>
      %add3A_282 = arith.addi %min3A_281, %add3A_121 : vector<16xi32>
      tpu.vector_store_idx %arg6[%add3A_282], %add3A_6 {add = true} : memref<24576xi32, #tpu.memory_space<vmem>>[vector<16xi32>], vector<16xi32>,
    }
    %scan3A_126 = arith.constant 128 : i32
    %mul3A_127 = arith.constant 8192 : i32
    %mul3A_128 = arith.muli %add3A, %mul3A_127 : i32
    %add3A_129 = arith.constant 524288 : i32
    %add3A_130 = arith.addi %add3A_129, %mul3A_128 : i32
    %dma_start3A_131 = arith.constant 8192 : i32
    %dma_start3A_132 = tpu.memref_slice %arg5[%dma_start3A_131] : memref<16384xf32, #tpu.memory_space<vmem>> -> memref<8192xf32, #tpu.memory_space<vmem>>
    %dma_start3A_133 = tpu.memref_slice %arg3[%add3A_130] : memref<786432xf32, #tpu.memory_space<hbm>> -> memref<8192xf32, #tpu.memory_space<hbm>>
    %dma_start3A_134 = arith.constant 8192 : i32
    %dma_start3A_135 = tpu.memref_slice %arg5[%dma_start3A_134] : memref<16384xf32, #tpu.memory_space<vmem>> -> memref<8192xf32, #tpu.memory_space<vmem>>
    %dma_start3A_136 = tpu.memref_slice %arg3[%add3A_130] : memref<786432xf32, #tpu.memory_space<hbm>> -> memref<8192xf32, #tpu.memory_space<hbm>>
    tpu.enqueue_dma source(%dma_start3A_136 : memref<8192xf32, #tpu.memory_space<hbm>>) target(%dma_start3A_135 : memref<8192xf32, #tpu.memory_space<vmem>>) target_semaphore(%arg9 : memref<!tpu.dma_semaphore, #tpu.memory_space<semaphore_mem>>)
    %dma_wait3A_137 = arith.constant 0 : i32
    %dma_wait3A_138 = tpu.memref_slice %arg5[%dma_wait3A_137] : memref<16384xf32, #tpu.memory_space<vmem>> -> memref<8192xf32, #tpu.memory_space<vmem>>
    %dma_wait3A_139 = tpu.memref_slice %arg3[%add3A_103] : memref<786432xf32, #tpu.memory_space<hbm>> -> memref<8192xf32, #tpu.memory_space<hbm>>
    %dma_wait3A_140 = arith.constant 0 : i32
    %dma_wait3A_141 = tpu.memref_slice %arg5[%dma_wait3A_140] : memref<16384xf32, #tpu.memory_space<vmem>> -> memref<8192xf32, #tpu.memory_space<vmem>>
    %dma_wait3A_142 = tpu.memref_slice %arg3[%add3A_103] : memref<786432xf32, #tpu.memory_space<hbm>> -> memref<8192xf32, #tpu.memory_space<hbm>>
    tpu.wait_dma2 semaphore(%arg8 : memref<!tpu.dma_semaphore, #tpu.memory_space<semaphore_mem>>) src(%dma_wait3A_142 : memref<8192xf32, #tpu.memory_space<hbm>>) dst(%dma_wait3A_141 : memref<8192xf32, #tpu.memory_space<vmem>>)
    %mul3A_143 = arith.constant 1536 : i32
    %mul3A_144 = vector.broadcast %mul3A_143 : i32 to vector<16xi32>
    %mul3A_145 = arith.muli %iota3A, %mul3A_144 : vector<16xi32>
    %add3A_146 = arith.constant 1024 : i32
    %add3A_147 = vector.broadcast %add3A_146 : i32 to vector<16xi32>
    %add3A_148 = arith.addi %mul3A_145, %add3A_147 : vector<16xi32>
    %scan3A_149 = arith.constant 0 : i32
    %scan3A_150 = arith.constant 128 : i32
    %scan3A_151 = arith.addi %scan3A_149, %scan3A_150 : i32
    %scan3A_152 = arith.constant 1 : i32
    scf.for %scan3A_178 = %scan3A_149 to %scan3A_151 step %scan3A_152  : i32 {
      %mul3A_179 = arith.constant 4 : i32
      %mul3A_180 = arith.muli %scan3A_178, %mul3A_179 : i32
      %add3A_181 = arith.constant 0 : i32
      %add3A_182 = arith.addi %mul3A_180, %add3A_181 : i32
      %mul3A_183 = arith.constant 16 : i32
      %mul3A_184 = arith.muli %add3A_182, %mul3A_183 : i32
      %add3A_185 = arith.constant 0 : i32
      %add3A_186 = arith.addi %add3A_185, %mul3A_184 : i32
      %get3A = arith.index_cast %add3A_186 : i32 to index
      %get3A_187 = tpu.vector_load %arg5[%get3A] {strides = array<i32>} : memref<16384xf32, #tpu.memory_space<vmem>>, vector<16xf32>,
      %max3A = arith.constant -1.000000e+00 : f32
      %max3A_188 = vector.broadcast %max3A : f32 to vector<16xf32>
      %max3A_189 = arith.maximumf %get3A_187, %max3A_188 : vector<16xf32>
      %min3A = arith.constant 1.000000e+00 : f32
      %min3A_190 = vector.broadcast %min3A : f32 to vector<16xf32>
      %min3A_191 = arith.minimumf %max3A_189, %min3A_190 : vector<16xf32>
      %add3A_192 = arith.constant 1.000000e+00 : f32
      %add3A_193 = vector.broadcast %add3A_192 : f32 to vector<16xf32>
      %add3A_194 = arith.addf %min3A_191, %add3A_193 : vector<16xf32>
      %mul3A_195 = arith.constant 1.280000e+02 : f32
      %mul3A_196 = vector.broadcast %mul3A_195 : f32 to vector<16xf32>
      %mul3A_197 = arith.mulf %add3A_194, %mul3A_196 : vector<16xf32>
      %convert_element_type3A = arith.fptosi %mul3A_197 : vector<16xf32> to vector<16xi32>
      %min3A_198 = arith.constant 255 : i32
      %min3A_199 = vector.broadcast %min3A_198 : i32 to vector<16xi32>
      %min3A_200 = arith.minsi %convert_element_type3A, %min3A_199 : vector<16xi32>
      %add3A_201 = arith.addi %min3A_200, %add3A_148 : vector<16xi32>
      tpu.vector_store_idx %arg6[%add3A_201], %add3A_6 {add = true} : memref<24576xi32, #tpu.memory_space<vmem>>[vector<16xi32>], vector<16xi32>,
      %mul3A_202 = arith.constant 4 : i32
      %mul3A_203 = arith.muli %scan3A_178, %mul3A_202 : i32
      %add3A_204 = arith.constant 1 : i32
      %add3A_205 = arith.addi %mul3A_203, %add3A_204 : i32
      %mul3A_206 = arith.constant 16 : i32
      %mul3A_207 = arith.muli %add3A_205, %mul3A_206 : i32
      %add3A_208 = arith.constant 0 : i32
      %add3A_209 = arith.addi %add3A_208, %mul3A_207 : i32
      %get3A_210 = arith.index_cast %add3A_209 : i32 to index
      %get3A_211 = tpu.vector_load %arg5[%get3A_210] {strides = array<i32>} : memref<16384xf32, #tpu.memory_space<vmem>>, vector<16xf32>,
      %max3A_212 = arith.constant -1.000000e+00 : f32
      %max3A_213 = vector.broadcast %max3A_212 : f32 to vector<16xf32>
      %max3A_214 = arith.maximumf %get3A_211, %max3A_213 : vector<16xf32>
      %min3A_215 = arith.constant 1.000000e+00 : f32
      %min3A_216 = vector.broadcast %min3A_215 : f32 to vector<16xf32>
      %min3A_217 = arith.minimumf %max3A_214, %min3A_216 : vector<16xf32>
      %add3A_218 = arith.constant 1.000000e+00 : f32
      %add3A_219 = vector.broadcast %add3A_218 : f32 to vector<16xf32>
      %add3A_220 = arith.addf %min3A_217, %add3A_219 : vector<16xf32>
      %mul3A_221 = arith.constant 1.280000e+02 : f32
      %mul3A_222 = vector.broadcast %mul3A_221 : f32 to vector<16xf32>
      %mul3A_223 = arith.mulf %add3A_220, %mul3A_222 : vector<16xf32>
      %convert_element_type3A_224 = arith.fptosi %mul3A_223 : vector<16xf32> to vector<16xi32>
      %min3A_225 = arith.constant 255 : i32
      %min3A_226 = vector.broadcast %min3A_225 : i32 to vector<16xi32>
      %min3A_227 = arith.minsi %convert_element_type3A_224, %min3A_226 : vector<16xi32>
      %add3A_228 = arith.addi %min3A_227, %add3A_148 : vector<16xi32>
      tpu.vector_store_idx %arg6[%add3A_228], %add3A_6 {add = true} : memref<24576xi32, #tpu.memory_space<vmem>>[vector<16xi32>], vector<16xi32>,
      %mul3A_229 = arith.constant 4 : i32
      %mul3A_230 = arith.muli %scan3A_178, %mul3A_229 : i32
      %add3A_231 = arith.constant 2 : i32
      %add3A_232 = arith.addi %mul3A_230, %add3A_231 : i32
      %mul3A_233 = arith.constant 16 : i32
      %mul3A_234 = arith.muli %add3A_232, %mul3A_233 : i32
      %add3A_235 = arith.constant 0 : i32
      %add3A_236 = arith.addi %add3A_235, %mul3A_234 : i32
      %get3A_237 = arith.index_cast %add3A_236 : i32 to index
      %get3A_238 = tpu.vector_load %arg5[%get3A_237] {strides = array<i32>} : memref<16384xf32, #tpu.memory_space<vmem>>, vector<16xf32>,
      %max3A_239 = arith.constant -1.000000e+00 : f32
      %max3A_240 = vector.broadcast %max3A_239 : f32 to vector<16xf32>
      %max3A_241 = arith.maximumf %get3A_238, %max3A_240 : vector<16xf32>
      %min3A_242 = arith.constant 1.000000e+00 : f32
      %min3A_243 = vector.broadcast %min3A_242 : f32 to vector<16xf32>
      %min3A_244 = arith.minimumf %max3A_241, %min3A_243 : vector<16xf32>
      %add3A_245 = arith.constant 1.000000e+00 : f32
      %add3A_246 = vector.broadcast %add3A_245 : f32 to vector<16xf32>
      %add3A_247 = arith.addf %min3A_244, %add3A_246 : vector<16xf32>
      %mul3A_248 = arith.constant 1.280000e+02 : f32
      %mul3A_249 = vector.broadcast %mul3A_248 : f32 to vector<16xf32>
      %mul3A_250 = arith.mulf %add3A_247, %mul3A_249 : vector<16xf32>
      %convert_element_type3A_251 = arith.fptosi %mul3A_250 : vector<16xf32> to vector<16xi32>
      %min3A_252 = arith.constant 255 : i32
      %min3A_253 = vector.broadcast %min3A_252 : i32 to vector<16xi32>
      %min3A_254 = arith.minsi %convert_element_type3A_251, %min3A_253 : vector<16xi32>
      %add3A_255 = arith.addi %min3A_254, %add3A_148 : vector<16xi32>
      tpu.vector_store_idx %arg6[%add3A_255], %add3A_6 {add = true} : memref<24576xi32, #tpu.memory_space<vmem>>[vector<16xi32>], vector<16xi32>,
      %mul3A_256 = arith.constant 4 : i32
      %mul3A_257 = arith.muli %scan3A_178, %mul3A_256 : i32
      %add3A_258 = arith.constant 3 : i32
      %add3A_259 = arith.addi %mul3A_257, %add3A_258 : i32
      %mul3A_260 = arith.constant 16 : i32
      %mul3A_261 = arith.muli %add3A_259, %mul3A_260 : i32
      %add3A_262 = arith.constant 0 : i32
      %add3A_263 = arith.addi %add3A_262, %mul3A_261 : i32
      %get3A_264 = arith.index_cast %add3A_263 : i32 to index
      %get3A_265 = tpu.vector_load %arg5[%get3A_264] {strides = array<i32>} : memref<16384xf32, #tpu.memory_space<vmem>>, vector<16xf32>,
      %max3A_266 = arith.constant -1.000000e+00 : f32
      %max3A_267 = vector.broadcast %max3A_266 : f32 to vector<16xf32>
      %max3A_268 = arith.maximumf %get3A_265, %max3A_267 : vector<16xf32>
      %min3A_269 = arith.constant 1.000000e+00 : f32
      %min3A_270 = vector.broadcast %min3A_269 : f32 to vector<16xf32>
      %min3A_271 = arith.minimumf %max3A_268, %min3A_270 : vector<16xf32>
      %add3A_272 = arith.constant 1.000000e+00 : f32
      %add3A_273 = vector.broadcast %add3A_272 : f32 to vector<16xf32>
      %add3A_274 = arith.addf %min3A_271, %add3A_273 : vector<16xf32>
      %mul3A_275 = arith.constant 1.280000e+02 : f32
      %mul3A_276 = vector.broadcast %mul3A_275 : f32 to vector<16xf32>
      %mul3A_277 = arith.mulf %add3A_274, %mul3A_276 : vector<16xf32>
      %convert_element_type3A_278 = arith.fptosi %mul3A_277 : vector<16xf32> to vector<16xi32>
      %min3A_279 = arith.constant 255 : i32
      %min3A_280 = vector.broadcast %min3A_279 : i32 to vector<16xi32>
      %min3A_281 = arith.minsi %convert_element_type3A_278, %min3A_280 : vector<16xi32>
      %add3A_282 = arith.addi %min3A_281, %add3A_148 : vector<16xi32>
      tpu.vector_store_idx %arg6[%add3A_282], %add3A_6 {add = true} : memref<24576xi32, #tpu.memory_space<vmem>>[vector<16xi32>], vector<16xi32>,
    }
    %scan3A_153 = arith.constant 128 : i32
    %dma_wait3A_154 = arith.constant 8192 : i32
    %dma_wait3A_155 = tpu.memref_slice %arg5[%dma_wait3A_154] : memref<16384xf32, #tpu.memory_space<vmem>> -> memref<8192xf32, #tpu.memory_space<vmem>>
    %dma_wait3A_156 = tpu.memref_slice %arg3[%add3A_130] : memref<786432xf32, #tpu.memory_space<hbm>> -> memref<8192xf32, #tpu.memory_space<hbm>>
    %dma_wait3A_157 = arith.constant 8192 : i32
    %dma_wait3A_158 = tpu.memref_slice %arg5[%dma_wait3A_157] : memref<16384xf32, #tpu.memory_space<vmem>> -> memref<8192xf32, #tpu.memory_space<vmem>>
    %dma_wait3A_159 = tpu.memref_slice %arg3[%add3A_130] : memref<786432xf32, #tpu.memory_space<hbm>> -> memref<8192xf32, #tpu.memory_space<hbm>>
    tpu.wait_dma2 semaphore(%arg9 : memref<!tpu.dma_semaphore, #tpu.memory_space<semaphore_mem>>) src(%dma_wait3A_159 : memref<8192xf32, #tpu.memory_space<hbm>>) dst(%dma_wait3A_158 : memref<8192xf32, #tpu.memory_space<vmem>>)
    %mul3A_160 = arith.constant 1536 : i32
    %mul3A_161 = vector.broadcast %mul3A_160 : i32 to vector<16xi32>
    %mul3A_162 = arith.muli %iota3A, %mul3A_161 : vector<16xi32>
    %add3A_163 = arith.constant 1280 : i32
    %add3A_164 = vector.broadcast %add3A_163 : i32 to vector<16xi32>
    %add3A_165 = arith.addi %mul3A_162, %add3A_164 : vector<16xi32>
    %scan3A_166 = arith.constant 0 : i32
    %scan3A_167 = arith.constant 128 : i32
    %scan3A_168 = arith.addi %scan3A_166, %scan3A_167 : i32
    %scan3A_169 = arith.constant 1 : i32
    scf.for %scan3A_178 = %scan3A_166 to %scan3A_168 step %scan3A_169  : i32 {
      %mul3A_179 = arith.constant 4 : i32
      %mul3A_180 = arith.muli %scan3A_178, %mul3A_179 : i32
      %add3A_181 = arith.constant 0 : i32
      %add3A_182 = arith.addi %mul3A_180, %add3A_181 : i32
      %mul3A_183 = arith.constant 16 : i32
      %mul3A_184 = arith.muli %add3A_182, %mul3A_183 : i32
      %add3A_185 = arith.constant 8192 : i32
      %add3A_186 = arith.addi %add3A_185, %mul3A_184 : i32
      %get3A = arith.index_cast %add3A_186 : i32 to index
      %get3A_187 = tpu.vector_load %arg5[%get3A] {strides = array<i32>} : memref<16384xf32, #tpu.memory_space<vmem>>, vector<16xf32>,
      %max3A = arith.constant -1.000000e+00 : f32
      %max3A_188 = vector.broadcast %max3A : f32 to vector<16xf32>
      %max3A_189 = arith.maximumf %get3A_187, %max3A_188 : vector<16xf32>
      %min3A = arith.constant 1.000000e+00 : f32
      %min3A_190 = vector.broadcast %min3A : f32 to vector<16xf32>
      %min3A_191 = arith.minimumf %max3A_189, %min3A_190 : vector<16xf32>
      %add3A_192 = arith.constant 1.000000e+00 : f32
      %add3A_193 = vector.broadcast %add3A_192 : f32 to vector<16xf32>
      %add3A_194 = arith.addf %min3A_191, %add3A_193 : vector<16xf32>
      %mul3A_195 = arith.constant 1.280000e+02 : f32
      %mul3A_196 = vector.broadcast %mul3A_195 : f32 to vector<16xf32>
      %mul3A_197 = arith.mulf %add3A_194, %mul3A_196 : vector<16xf32>
      %convert_element_type3A = arith.fptosi %mul3A_197 : vector<16xf32> to vector<16xi32>
      %min3A_198 = arith.constant 255 : i32
      %min3A_199 = vector.broadcast %min3A_198 : i32 to vector<16xi32>
      %min3A_200 = arith.minsi %convert_element_type3A, %min3A_199 : vector<16xi32>
      %add3A_201 = arith.addi %min3A_200, %add3A_165 : vector<16xi32>
      tpu.vector_store_idx %arg6[%add3A_201], %add3A_6 {add = true} : memref<24576xi32, #tpu.memory_space<vmem>>[vector<16xi32>], vector<16xi32>,
      %mul3A_202 = arith.constant 4 : i32
      %mul3A_203 = arith.muli %scan3A_178, %mul3A_202 : i32
      %add3A_204 = arith.constant 1 : i32
      %add3A_205 = arith.addi %mul3A_203, %add3A_204 : i32
      %mul3A_206 = arith.constant 16 : i32
      %mul3A_207 = arith.muli %add3A_205, %mul3A_206 : i32
      %add3A_208 = arith.constant 8192 : i32
      %add3A_209 = arith.addi %add3A_208, %mul3A_207 : i32
      %get3A_210 = arith.index_cast %add3A_209 : i32 to index
      %get3A_211 = tpu.vector_load %arg5[%get3A_210] {strides = array<i32>} : memref<16384xf32, #tpu.memory_space<vmem>>, vector<16xf32>,
      %max3A_212 = arith.constant -1.000000e+00 : f32
      %max3A_213 = vector.broadcast %max3A_212 : f32 to vector<16xf32>
      %max3A_214 = arith.maximumf %get3A_211, %max3A_213 : vector<16xf32>
      %min3A_215 = arith.constant 1.000000e+00 : f32
      %min3A_216 = vector.broadcast %min3A_215 : f32 to vector<16xf32>
      %min3A_217 = arith.minimumf %max3A_214, %min3A_216 : vector<16xf32>
      %add3A_218 = arith.constant 1.000000e+00 : f32
      %add3A_219 = vector.broadcast %add3A_218 : f32 to vector<16xf32>
      %add3A_220 = arith.addf %min3A_217, %add3A_219 : vector<16xf32>
      %mul3A_221 = arith.constant 1.280000e+02 : f32
      %mul3A_222 = vector.broadcast %mul3A_221 : f32 to vector<16xf32>
      %mul3A_223 = arith.mulf %add3A_220, %mul3A_222 : vector<16xf32>
      %convert_element_type3A_224 = arith.fptosi %mul3A_223 : vector<16xf32> to vector<16xi32>
      %min3A_225 = arith.constant 255 : i32
      %min3A_226 = vector.broadcast %min3A_225 : i32 to vector<16xi32>
      %min3A_227 = arith.minsi %convert_element_type3A_224, %min3A_226 : vector<16xi32>
      %add3A_228 = arith.addi %min3A_227, %add3A_165 : vector<16xi32>
      tpu.vector_store_idx %arg6[%add3A_228], %add3A_6 {add = true} : memref<24576xi32, #tpu.memory_space<vmem>>[vector<16xi32>], vector<16xi32>,
      %mul3A_229 = arith.constant 4 : i32
      %mul3A_230 = arith.muli %scan3A_178, %mul3A_229 : i32
      %add3A_231 = arith.constant 2 : i32
      %add3A_232 = arith.addi %mul3A_230, %add3A_231 : i32
      %mul3A_233 = arith.constant 16 : i32
      %mul3A_234 = arith.muli %add3A_232, %mul3A_233 : i32
      %add3A_235 = arith.constant 8192 : i32
      %add3A_236 = arith.addi %add3A_235, %mul3A_234 : i32
      %get3A_237 = arith.index_cast %add3A_236 : i32 to index
      %get3A_238 = tpu.vector_load %arg5[%get3A_237] {strides = array<i32>} : memref<16384xf32, #tpu.memory_space<vmem>>, vector<16xf32>,
      %max3A_239 = arith.constant -1.000000e+00 : f32
      %max3A_240 = vector.broadcast %max3A_239 : f32 to vector<16xf32>
      %max3A_241 = arith.maximumf %get3A_238, %max3A_240 : vector<16xf32>
      %min3A_242 = arith.constant 1.000000e+00 : f32
      %min3A_243 = vector.broadcast %min3A_242 : f32 to vector<16xf32>
      %min3A_244 = arith.minimumf %max3A_241, %min3A_243 : vector<16xf32>
      %add3A_245 = arith.constant 1.000000e+00 : f32
      %add3A_246 = vector.broadcast %add3A_245 : f32 to vector<16xf32>
      %add3A_247 = arith.addf %min3A_244, %add3A_246 : vector<16xf32>
      %mul3A_248 = arith.constant 1.280000e+02 : f32
      %mul3A_249 = vector.broadcast %mul3A_248 : f32 to vector<16xf32>
      %mul3A_250 = arith.mulf %add3A_247, %mul3A_249 : vector<16xf32>
      %convert_element_type3A_251 = arith.fptosi %mul3A_250 : vector<16xf32> to vector<16xi32>
      %min3A_252 = arith.constant 255 : i32
      %min3A_253 = vector.broadcast %min3A_252 : i32 to vector<16xi32>
      %min3A_254 = arith.minsi %convert_element_type3A_251, %min3A_253 : vector<16xi32>
      %add3A_255 = arith.addi %min3A_254, %add3A_165 : vector<16xi32>
      tpu.vector_store_idx %arg6[%add3A_255], %add3A_6 {add = true} : memref<24576xi32, #tpu.memory_space<vmem>>[vector<16xi32>], vector<16xi32>,
      %mul3A_256 = arith.constant 4 : i32
      %mul3A_257 = arith.muli %scan3A_178, %mul3A_256 : i32
      %add3A_258 = arith.constant 3 : i32
      %add3A_259 = arith.addi %mul3A_257, %add3A_258 : i32
      %mul3A_260 = arith.constant 16 : i32
      %mul3A_261 = arith.muli %add3A_259, %mul3A_260 : i32
      %add3A_262 = arith.constant 8192 : i32
      %add3A_263 = arith.addi %add3A_262, %mul3A_261 : i32
      %get3A_264 = arith.index_cast %add3A_263 : i32 to index
      %get3A_265 = tpu.vector_load %arg5[%get3A_264] {strides = array<i32>} : memref<16384xf32, #tpu.memory_space<vmem>>, vector<16xf32>,
      %max3A_266 = arith.constant -1.000000e+00 : f32
      %max3A_267 = vector.broadcast %max3A_266 : f32 to vector<16xf32>
      %max3A_268 = arith.maximumf %get3A_265, %max3A_267 : vector<16xf32>
      %min3A_269 = arith.constant 1.000000e+00 : f32
      %min3A_270 = vector.broadcast %min3A_269 : f32 to vector<16xf32>
      %min3A_271 = arith.minimumf %max3A_268, %min3A_270 : vector<16xf32>
      %add3A_272 = arith.constant 1.000000e+00 : f32
      %add3A_273 = vector.broadcast %add3A_272 : f32 to vector<16xf32>
      %add3A_274 = arith.addf %min3A_271, %add3A_273 : vector<16xf32>
      %mul3A_275 = arith.constant 1.280000e+02 : f32
      %mul3A_276 = vector.broadcast %mul3A_275 : f32 to vector<16xf32>
      %mul3A_277 = arith.mulf %add3A_274, %mul3A_276 : vector<16xf32>
      %convert_element_type3A_278 = arith.fptosi %mul3A_277 : vector<16xf32> to vector<16xi32>
      %min3A_279 = arith.constant 255 : i32
      %min3A_280 = vector.broadcast %min3A_279 : i32 to vector<16xi32>
      %min3A_281 = arith.minsi %convert_element_type3A_278, %min3A_280 : vector<16xi32>
      %add3A_282 = arith.addi %min3A_281, %add3A_165 : vector<16xi32>
      tpu.vector_store_idx %arg6[%add3A_282], %add3A_6 {add = true} : memref<24576xi32, #tpu.memory_space<vmem>>[vector<16xi32>], vector<16xi32>,
    }
    %scan3A_170 = arith.constant 128 : i32
    %scan3A_171 = arith.constant 0 : i32
    %scan3A_172 = arith.constant 96 : i32
    %scan3A_173 = arith.addi %scan3A_171, %scan3A_172 : i32
    %scan3A_174 = arith.constant 1 : i32
    scf.for %scan3A_178 = %scan3A_171 to %scan3A_173 step %scan3A_174  : i32 {
      %mul3A_179 = arith.constant 16 : i32
      %mul3A_180 = arith.muli %scan3A_178, %mul3A_179 : i32
      %get3A = arith.index_cast %mul3A_180 : i32 to index
      %get3A_181 = tpu.vector_load %arg6[%get3A] {strides = array<i32>} : memref<24576xi32, #tpu.memory_space<vmem>>, vector<16xi32>,
      %mul3A_182 = arith.constant 16 : i32
      %mul3A_183 = arith.muli %scan3A_178, %mul3A_182 : i32
      %add3A_184 = arith.constant 1536 : i32
      %add3A_185 = arith.addi %add3A_184, %mul3A_183 : i32
      %get3A_186 = arith.index_cast %add3A_185 : i32 to index
      %get3A_187 = tpu.vector_load %arg6[%get3A_186] {strides = array<i32>} : memref<24576xi32, #tpu.memory_space<vmem>>, vector<16xi32>,
      %add3A_188 = arith.addi %get3A_181, %get3A_187 : vector<16xi32>
      %mul3A_189 = arith.constant 16 : i32
      %mul3A_190 = arith.muli %scan3A_178, %mul3A_189 : i32
      %add3A_191 = arith.constant 3072 : i32
      %add3A_192 = arith.addi %add3A_191, %mul3A_190 : i32
      %get3A_193 = arith.index_cast %add3A_192 : i32 to index
      %get3A_194 = tpu.vector_load %arg6[%get3A_193] {strides = array<i32>} : memref<24576xi32, #tpu.memory_space<vmem>>, vector<16xi32>,
      %add3A_195 = arith.addi %add3A_188, %get3A_194 : vector<16xi32>
      %mul3A_196 = arith.constant 16 : i32
      %mul3A_197 = arith.muli %scan3A_178, %mul3A_196 : i32
      %add3A_198 = arith.constant 4608 : i32
      %add3A_199 = arith.addi %add3A_198, %mul3A_197 : i32
      %get3A_200 = arith.index_cast %add3A_199 : i32 to index
      %get3A_201 = tpu.vector_load %arg6[%get3A_200] {strides = array<i32>} : memref<24576xi32, #tpu.memory_space<vmem>>, vector<16xi32>,
      %add3A_202 = arith.addi %add3A_195, %get3A_201 : vector<16xi32>
      %mul3A_203 = arith.constant 16 : i32
      %mul3A_204 = arith.muli %scan3A_178, %mul3A_203 : i32
      %add3A_205 = arith.constant 6144 : i32
      %add3A_206 = arith.addi %add3A_205, %mul3A_204 : i32
      %get3A_207 = arith.index_cast %add3A_206 : i32 to index
      %get3A_208 = tpu.vector_load %arg6[%get3A_207] {strides = array<i32>} : memref<24576xi32, #tpu.memory_space<vmem>>, vector<16xi32>,
      %add3A_209 = arith.addi %add3A_202, %get3A_208 : vector<16xi32>
      %mul3A_210 = arith.constant 16 : i32
      %mul3A_211 = arith.muli %scan3A_178, %mul3A_210 : i32
      %add3A_212 = arith.constant 7680 : i32
      %add3A_213 = arith.addi %add3A_212, %mul3A_211 : i32
      %get3A_214 = arith.index_cast %add3A_213 : i32 to index
      %get3A_215 = tpu.vector_load %arg6[%get3A_214] {strides = array<i32>} : memref<24576xi32, #tpu.memory_space<vmem>>, vector<16xi32>,
      %add3A_216 = arith.addi %add3A_209, %get3A_215 : vector<16xi32>
      %mul3A_217 = arith.constant 16 : i32
      %mul3A_218 = arith.muli %scan3A_178, %mul3A_217 : i32
      %add3A_219 = arith.constant 9216 : i32
      %add3A_220 = arith.addi %add3A_219, %mul3A_218 : i32
      %get3A_221 = arith.index_cast %add3A_220 : i32 to index
      %get3A_222 = tpu.vector_load %arg6[%get3A_221] {strides = array<i32>} : memref<24576xi32, #tpu.memory_space<vmem>>, vector<16xi32>,
      %add3A_223 = arith.addi %add3A_216, %get3A_222 : vector<16xi32>
      %mul3A_224 = arith.constant 16 : i32
      %mul3A_225 = arith.muli %scan3A_178, %mul3A_224 : i32
      %add3A_226 = arith.constant 10752 : i32
      %add3A_227 = arith.addi %add3A_226, %mul3A_225 : i32
      %get3A_228 = arith.index_cast %add3A_227 : i32 to index
      %get3A_229 = tpu.vector_load %arg6[%get3A_228] {strides = array<i32>} : memref<24576xi32, #tpu.memory_space<vmem>>, vector<16xi32>,
      %add3A_230 = arith.addi %add3A_223, %get3A_229 : vector<16xi32>
      %mul3A_231 = arith.constant 16 : i32
      %mul3A_232 = arith.muli %scan3A_178, %mul3A_231 : i32
      %add3A_233 = arith.constant 12288 : i32
      %add3A_234 = arith.addi %add3A_233, %mul3A_232 : i32
      %get3A_235 = arith.index_cast %add3A_234 : i32 to index
      %get3A_236 = tpu.vector_load %arg6[%get3A_235] {strides = array<i32>} : memref<24576xi32, #tpu.memory_space<vmem>>, vector<16xi32>,
      %add3A_237 = arith.addi %add3A_230, %get3A_236 : vector<16xi32>
      %mul3A_238 = arith.constant 16 : i32
      %mul3A_239 = arith.muli %scan3A_178, %mul3A_238 : i32
      %add3A_240 = arith.constant 13824 : i32
      %add3A_241 = arith.addi %add3A_240, %mul3A_239 : i32
      %get3A_242 = arith.index_cast %add3A_241 : i32 to index
      %get3A_243 = tpu.vector_load %arg6[%get3A_242] {strides = array<i32>} : memref<24576xi32, #tpu.memory_space<vmem>>, vector<16xi32>,
      %add3A_244 = arith.addi %add3A_237, %get3A_243 : vector<16xi32>
      %mul3A_245 = arith.constant 16 : i32
      %mul3A_246 = arith.muli %scan3A_178, %mul3A_245 : i32
      %add3A_247 = arith.constant 15360 : i32
      %add3A_248 = arith.addi %add3A_247, %mul3A_246 : i32
      %get3A_249 = arith.index_cast %add3A_248 : i32 to index
      %get3A_250 = tpu.vector_load %arg6[%get3A_249] {strides = array<i32>} : memref<24576xi32, #tpu.memory_space<vmem>>, vector<16xi32>,
      %add3A_251 = arith.addi %add3A_244, %get3A_250 : vector<16xi32>
      %mul3A_252 = arith.constant 16 : i32
      %mul3A_253 = arith.muli %scan3A_178, %mul3A_252 : i32
      %add3A_254 = arith.constant 16896 : i32
      %add3A_255 = arith.addi %add3A_254, %mul3A_253 : i32
      %get3A_256 = arith.index_cast %add3A_255 : i32 to index
      %get3A_257 = tpu.vector_load %arg6[%get3A_256] {strides = array<i32>} : memref<24576xi32, #tpu.memory_space<vmem>>, vector<16xi32>,
      %add3A_258 = arith.addi %add3A_251, %get3A_257 : vector<16xi32>
      %mul3A_259 = arith.constant 16 : i32
      %mul3A_260 = arith.muli %scan3A_178, %mul3A_259 : i32
      %add3A_261 = arith.constant 18432 : i32
      %add3A_262 = arith.addi %add3A_261, %mul3A_260 : i32
      %get3A_263 = arith.index_cast %add3A_262 : i32 to index
      %get3A_264 = tpu.vector_load %arg6[%get3A_263] {strides = array<i32>} : memref<24576xi32, #tpu.memory_space<vmem>>, vector<16xi32>,
      %add3A_265 = arith.addi %add3A_258, %get3A_264 : vector<16xi32>
      %mul3A_266 = arith.constant 16 : i32
      %mul3A_267 = arith.muli %scan3A_178, %mul3A_266 : i32
      %add3A_268 = arith.constant 19968 : i32
      %add3A_269 = arith.addi %add3A_268, %mul3A_267 : i32
      %get3A_270 = arith.index_cast %add3A_269 : i32 to index
      %get3A_271 = tpu.vector_load %arg6[%get3A_270] {strides = array<i32>} : memref<24576xi32, #tpu.memory_space<vmem>>, vector<16xi32>,
      %add3A_272 = arith.addi %add3A_265, %get3A_271 : vector<16xi32>
      %mul3A_273 = arith.constant 16 : i32
      %mul3A_274 = arith.muli %scan3A_178, %mul3A_273 : i32
      %add3A_275 = arith.constant 21504 : i32
      %add3A_276 = arith.addi %add3A_275, %mul3A_274 : i32
      %get3A_277 = arith.index_cast %add3A_276 : i32 to index
      %get3A_278 = tpu.vector_load %arg6[%get3A_277] {strides = array<i32>} : memref<24576xi32, #tpu.memory_space<vmem>>, vector<16xi32>,
      %add3A_279 = arith.addi %add3A_272, %get3A_278 : vector<16xi32>
      %mul3A_280 = arith.constant 16 : i32
      %mul3A_281 = arith.muli %scan3A_178, %mul3A_280 : i32
      %add3A_282 = arith.constant 23040 : i32
      %add3A_283 = arith.addi %add3A_282, %mul3A_281 : i32
      %get3A_284 = arith.index_cast %add3A_283 : i32 to index
      %get3A_285 = tpu.vector_load %arg6[%get3A_284] {strides = array<i32>} : memref<24576xi32, #tpu.memory_space<vmem>>, vector<16xi32>,
      %add3A_286 = arith.addi %add3A_279, %get3A_285 : vector<16xi32>
      %mul3A_287 = arith.constant 16 : i32
      %mul3A_288 = arith.muli %scan3A_178, %mul3A_287 : i32
      %swap3A = arith.index_cast %mul3A_288 : i32 to index
      %swap3A_289 = tpu.vector_load %arg7[%swap3A] {strides = array<i32>} : memref<1536xi32, #tpu.memory_space<vmem>>, vector<16xi32>,
      tpu.vector_store %arg7[%swap3A], %add3A_286 {strides = array<i32>} : memref<1536xi32, #tpu.memory_space<vmem>>, vector<16xi32>,
    }
    %scan3A_175 = arith.constant 96 : i32
    %mul3A_176 = arith.constant 1536 : i32
    %mul3A_177 = arith.muli %add3A, %mul3A_176 : i32
    "tpu.region"() ({
      %run_scoped3A = tpu.sem_alloc : memref<!tpu.dma_semaphore, #tpu.memory_space<semaphore_mem>>
      %dma_start3A_178 = tpu.memref_slice %arg4[%mul3A_177] : memref<49152xi32, #tpu.memory_space<hbm>> -> memref<1536xi32, #tpu.memory_space<hbm>>
      %dma_start3A_179 = tpu.memref_slice %arg4[%mul3A_177] : memref<49152xi32, #tpu.memory_space<hbm>> -> memref<1536xi32, #tpu.memory_space<hbm>>
      tpu.enqueue_dma source(%arg7 : memref<1536xi32, #tpu.memory_space<vmem>>) target(%dma_start3A_179 : memref<1536xi32, #tpu.memory_space<hbm>>) target_semaphore(%run_scoped3A : memref<!tpu.dma_semaphore, #tpu.memory_space<semaphore_mem>>)
      %dma_wait3A_180 = tpu.memref_slice %arg4[%mul3A_177] : memref<49152xi32, #tpu.memory_space<hbm>> -> memref<1536xi32, #tpu.memory_space<hbm>>
      %dma_wait3A_181 = tpu.memref_slice %arg4[%mul3A_177] : memref<49152xi32, #tpu.memory_space<hbm>> -> memref<1536xi32, #tpu.memory_space<hbm>>
      tpu.wait_dma2 semaphore(%run_scoped3A : memref<!tpu.dma_semaphore, #tpu.memory_space<semaphore_mem>>) src(%arg7 : memref<1536xi32, #tpu.memory_space<vmem>>) dst(%dma_wait3A_181 : memref<1536xi32, #tpu.memory_space<hbm>>)
      tpu.yield
    }) : () -> ()
    return
  }
}

</mosaic_0001>

<sc_bundles>
// kernel: kernel.4.cloned.1.call-start
scs
__scs_entry_jumppad:
0x0: {  	(pc) =	sbr.rel $0x88, $3  }
0x1: {  	(tag) =	ssettag $0x0;
	lr =	simm.s32 $0x1  }
0x2: {  	[smem:$0x3F9F] =	sst lr;
	_ =	strace $0xD0000000  }
0x3: {  	_ = 	snop  }
0x4: {  	_ = 	snop  }
0x5: {  	_ = 	snop  }
0x6: {  	_ = 	snop  }
0x7: {  	_ = 	snop  }
__scs_overlays_trampoline_lowered:
0x8: {  	[smem:$0x3FAE] =	sst s0  }
0x9: {  	[smem:$0x3FAF] =	sst s1  }
0xa: {  	[smem:$0x3FB0] =	sst s2  }
0xb: {  	[smem:$0x3FB1] =	sst s3  }
0xc: {  	[smem:$0x3FB2] =	sst s4  }
0xd: {  	[smem:$0x3FB3] =	sst s5  }
0xe: {  	[smem:$0x3FB4] =	sst s6  }
0xf: {  	[smem:$0x3FB5] =	sst s7  }
0x10: {  	[smem:$0x3FB6] =	sst s8  }
0x11: {  	[smem:$0x3FB7] =	sst s9;
	s0 =	simm.s32 @!p0 $0x0  }
0x12: {  	s1 =	sld [smem:$0x3F9D];
	s0 =	simm.s32 @p0 $0x1  }
0x13: {  	[smem:$0x3FB8] =	sst s0;
	s0 =	simm.s32 @!p1 $0x0  }
0x14: {  	s2 =	sld [smem:$0x3F9C];
	s0 =	simm.s32 @p1 $0x1  }
0x15: {  	[smem:$0x3FB9] =	sst s0;
	s0 =	simm.s32 @!p2 $0x0  }
0x16: {  	s3 =	sld [smem:$0x3FDB];
	s0 =	simm.s32 @p2 $0x1  }
0x17: {  	s4 =	simm.s32 $0x1BF5;
	[smem:$0x3FBB] =	sst s0  }
0x18: {  	s0 =	sld [smem:$0x3F9E];
	_ =	swait.ge [sflag:s4], $0x0  }
0x19: {  	s7 =	sld [smem:$0x3F9F]  }
0x1a: {  	s8 =	sadd.s32 $0xFFFFE003, lr  }
0x1b: {  	s9 =	sadd.s32 $0xFFFFFEF7, lr;
	s5 =	simm.s32 $0xFFFFFFFF;
	p2 =	slt.u32 s8, $0xFFFFF086  }
0x1c: {  	p1 =	slt.u32 s9, $0xF7A;
	s5 =	simm.s32 @!p2 $0x0  }
0x1d: {  	s5 =	simm.s32 @p1 $0x1;
	p0 =	seq.s32 s7, s2  }
0x1e: {  	s7 =	smul.u32 @!p0 $0xF7A, s2;
	p2 =	seq.s32 @!p0 s5, $0x0  }
0x1f: {  	s9 =	smul.u32 $0xF7A, s1;
	s8 =	simm.s32 @!p0 $0x1BF5;
	p2 =	por !p2, p0  }
0x20: {  	[sflag:s8] =	ssyncset.s32 @!p0 $0xFFFFF086;
	s6 =	sadd.s32 @!p0 s3, s7;
	s7 =	simm.s32 @!p0 $0x108  }
0x21: {  	s3 =	sadd.s32 s3, s9;
	s6 =	sadd.s32 @!p0 $0x88, s6;
	s7 =	simm.s32 @p2 $0x1082  }
0x22: {  	[simem:s7], [sflag:s8] =	dma.local @!p0 [hbm:s6], $0xF7A  }
0x23: {  	s9 =	sor.u32 $0xD0000000, s2;
	s6 =	simm.s32 $0x108;
	_ =	swait.ge @!p0 [sflag:s8], $0x0  }
0x24: {  	s3 =	sadd.s32 $0x88, s3;
	s6 =	simm.s32 @!p1 $0x1082;
	[sflag:s4] =	ssyncset.s32 $0xFFFFF086  }
0x25: {  	[simem:s6], [sflag:s4] =	dma.local [hbm:s3], $0xF7A  }
0x26: {  	[smem:$0x3F9F] =	sst s1;
	(tag) =	ssettag s2;
	_ =	strace s9  }
0x27: {  	s1 =	sld [smem:$0x3FAF]  }
0x28: {  	s2 =	sld [smem:$0x3FB0]  }
0x29: {  	s4 =	sld [smem:$0x3FB2]  }
0x2a: {  	p0 =	seq.s32 s5, $0x0;
	s5 =	sld [smem:$0x3FB3]  }
0x2b: {  	s6 =	sld [smem:$0x3FB4]  }
0x2c: {  	s7 =	sld [smem:$0x3FB5]  }
0x2d: {  	s3 =	simm.s32 $0x108;
	s8 =	sld [smem:$0x3FB6]  }
0x2e: {  	s3 =	simm.s32 @!p0 $0x1082;
	s9 =	sld [smem:$0x3FB7]  }
0x2f: {  	lr =	sadd.s32 s0, s3;
	s0 =	sld [smem:$0x3FAE]  }
0x30: {  	s3 =	sld [smem:$0x3FB1]  }
0x31: {  	[smem:$0x3FBA] =	sst s10  }
0x32: {  	s10 =	sld [smem:$0x3FB8];
	_ =	sdelay $0x3  }
0x33: {  	p0 =	seq.s32 s10, $0x1;
	s10 =	sld [smem:$0x3FBA];
	_ =	sdelay $0x3  }
0x34: {  	[smem:$0x3FBA] =	sst s10  }
0x35: {  	s10 =	sld [smem:$0x3FB9];
	_ =	sdelay $0x3  }
0x36: {  	p1 =	seq.s32 s10, $0x1;
	s10 =	sld [smem:$0x3FBA];
	_ =	sdelay $0x3  }
0x37: {  	[smem:$0x3FBA] =	sst s10  }
0x38: {  	s10 =	sld [smem:$0x3FBB]  }
0x39: {  	_ = 	snop;
	(pc) =	sbr.ind lr, $3  }
0x3a: {  	_ = 	snop  }
0x3b: {  	_ = 	snop  }
0x3c: {  	p2 =	seq.s32 s10, $0x1;
	s10 =	sld [smem:$0x3FBA]  }
0x3d: {  	_ =	shalt  }
0x3e: {  	_ =	shalt  }
0x3f: {  	_ =	shalt  }
0x40: {  	_ =	shalt  }
0x41: {  	_ =	shalt  }
0x42: {  	_ =	shalt  }
0x43: {  	_ =	shalt  }
0x44: {  	_ =	shalt  }
0x45: {  	_ =	shalt  }
0x46: {  	_ =	shalt  }
0x47: {  	_ =	shalt  }
0x48: {  	_ =	shalt  }
0x49: {  	_ =	shalt  }
0x4a: {  	_ =	shalt  }
0x4b: {  	_ =	shalt  }
0x4c: {  	_ =	shalt  }
0x4d: {  	_ =	shalt  }
0x4e: {  	_ =	shalt  }
0x4f: {  	_ =	shalt  }
0x50: {  	_ =	shalt  }
0x51: {  	_ =	shalt  }
0x52: {  	_ =	shalt  }
0x53: {  	_ =	shalt  }
0x54: {  	_ =	shalt  }
0x55: {  	_ =	shalt  }
0x56: {  	_ =	shalt  }
0x57: {  	_ =	shalt  }
0x58: {  	_ =	shalt  }
0x59: {  	_ =	shalt  }
0x5a: {  	_ =	shalt  }
0x5b: {  	_ =	shalt  }
0x5c: {  	_ =	shalt  }
0x5d: {  	_ =	shalt  }
0x5e: {  	_ =	shalt  }
0x5f: {  	_ =	shalt  }
0x60: {  	_ =	shalt  }
0x61: {  	_ =	shalt  }
0x62: {  	_ =	shalt  }
0x63: {  	_ =	shalt  }
0x64: {  	_ =	shalt  }
0x65: {  	_ =	shalt  }
0x66: {  	_ =	shalt  }
0x67: {  	_ =	shalt  }
0x68: {  	_ =	shalt  }
0x69: {  	_ =	shalt  }
0x6a: {  	_ =	shalt  }
0x6b: {  	_ =	shalt  }
0x6c: {  	_ =	shalt  }
0x6d: {  	_ =	shalt  }
0x6e: {  	_ =	shalt  }
0x6f: {  	_ =	shalt  }
0x70: {  	_ =	shalt  }
0x71: {  	_ =	shalt  }
0x72: {  	_ =	shalt  }
0x73: {  	_ =	shalt  }
0x74: {  	_ =	shalt  }
0x75: {  	_ =	shalt  }
0x76: {  	_ =	shalt  }
0x77: {  	_ =	shalt  }
0x78: {  	_ =	shalt  }
0x79: {  	_ =	shalt  }
0x7a: {  	_ =	shalt  }
0x7b: {  	_ =	shalt  }
0x7c: {  	_ =	shalt  }
0x7d: {  	_ =	shalt  }
0x7e: {  	_ =	shalt  }
0x7f: {  	_ =	shalt  }
0x80: {  	_ =	shalt  }
0x81: {  	_ =	shalt  }
0x82: {  	_ =	shalt  }
0x83: {  	_ =	shalt  }
0x84: {  	_ =	shalt  }
0x85: {  	_ =	shalt  }
0x86: {  	_ =	shalt  }
0x87: {  	_ =	shalt  }
.Lfunc_end0:
.L_simem_size_0:
called_computation_lowered:
.L_overlay_start_0:
0x88: {  	s2 =	sld [smem:$0x3FD9]  }
0x89: {  	s3 =	sld [smem:$0x3FFE];
	_ =	sdelay $0x1  }
0x8a: {  	s1 =	srdreg.scid  }
0x8b: {  	s0 =	sand.u32 $0x1, s1  }
0x8c: {  	s17 =	sshll.u32 s0, $0xA;
	s2 =	sadd.s32 s3, s2  }
0x8d: {  	s2 =	sadd.s32 s2, s17  }
0x8e: {  	[smem:$0x3FC6] =	sst s2  }
0x8f: {  	_ = 	snop  }
0x90: {  	s2 =	sld [smem:$0x3FC9]  }
0x91: {  	s18 =	sld [smem:$0x3FC8];
	(tm) =	ssettm $0x1  }
0x92: {  	s4 =	sld [smem:$0x3FFB];
	_ =	sdelay $0x3  }
0x93: {  	_ =	strace s4  }
0x94: {  	s4 =	sld [smem:$0x3FFC];
	_ =	sdelay $0x3  }
0x95: {  	_ =	strace s4  }
0x96: {  	s4 =	sld [smem:$0x3FFD];
	_ =	sdelay $0x3  }
0x97: {  	_ =	strace s4  }
0x98: {  	_ =	strace $0x8FFFFFFF  }
0x99: {  	s19 =	sld [smem:$0x3FDB];
	_ =	sdelay $0x1  }
0x9a: {  	s5 =	simm.s32 $_scs_section_size  }
0x9b: {  	s6 =	simm.s32 $_size__tile_overlayer_lowered;
	s7 =	simm.s32 $_tile_overlayer_lowered  }
0x9c: {  	s22 =	simm.s32 $0x1BFF;
	s21 =	sshll.u32 s7, $0x1;
	s4 =	sadd.s32 s5, s19  }
0x9d: {  	s8 =	simm.s32 $0x0;
	s20 =	sshll.u32 s6, $0x1;
	s6 =	sadd.s32 s21, s4  }
0x9e: {  	[timem:s8], [sflag:s22] =	dma.local [hbm:s6], s20  }
0x9f: {  	_ =	swait.ge [sflag:s22], s20  }
0xa0: {  	s5 =	ssub.s32 $0x0, s20;
	[sflag:s22] =	ssyncset.done $0x0  }
0xa1: {  	[sflag:s22] =	ssyncadd.s32 s5;
	_ =	sdelay $0x1  }
0xa2: {  	s23 =	simm.s32 $0x1B8B  }
0xa3: {  	_ =	swait.ge [sflag:s23], $0x1  }
0xa4: {  	[sflag:s23] =	ssyncset.done $0x0  }
0xa5: {  	s25 =	simm.s32 $0x1B8E;
	s24 =	sld [smem:$0x3FFE];
	[sflag:s23] =	ssyncadd.s32 $0xFFFFFFFF  }
0xa6: {  	s26 =	simm.s32 $execute0_lowered;
	[smem:$0x3FD2] =	sst s25  }
0xa7: {  	s6 =	sshll.u32 s26, $0x1;
	_ =	strace $0x80000046;
	[dreg:$0x1] =	wrdreg $0xFFFFFFFF  }
0xa8: {  	s28 =	simm.s32 $_size_execute0_lowered;
	s4 =	sadd.s32 s4, s6;
	[dreg:$0x0] =	wrdreg $0x0  }
0xa9: {  	s6 =	sshll.u32 s28, $0x1;
	[dreg:$0x2] =	wrdreg s4  }
0xaa: {  	[dreg:$0x3] =	wrdreg s6  }
0xab: {  	[dreg:$0x4] =	wrdreg $0xC0  }
0xac: {  	_ =	task [dreg:s8], $0x5FFFF  }
0xad: {  	[dreg:$0x1] =	wrdreg $0xFFFFFFFF  }
0xae: {  	[dreg:$0x0] =	wrdreg $0x60  }
0xaf: {  	[dreg:$0x2] =	wrdreg s2  }
0xb0: {  	[dreg:$0x3] =	wrdreg s18  }
0xb1: {  	[dreg:$0x4] =	wrdreg s24  }
0xb2: {  	[dreg:$0x5] =	wrdreg $0x9  }
0xb3: {  	_ =	task.clear_ibuf [dreg:s8], $0x6FFFF;
	_ =	strace $0x90000046  }
0xb4: {  	s29 =	simm.s32 $0x9;
	_ =	strace $0x80000048  }
0xb5: {  	_ =	swait.ge [sflag:s29], $0x1  }
0xb6: {  	[sflag:s29] =	ssyncadd.s32 $0xFFFFFFFF  }
0xb7: {  	_ =	strace $0x90000048  }
0xb8: {  	_ =	sfence  }
0xb9: {  	s30 =	sld [smem:$0x0];
	_ =	sdelay $0x2  }
0xba: {  	s31 =	sshll.u32 s1, $0xD;
	s1 =	sshrl.u32 s1, $0x2  }
0xbb: {  	s3 =	sand.u32 $0x4000, s31;
	s1 =	sadd.s32 s1, s30  }
0xbc: {  	s0 =	sor.u32 s3, s0;
	s1 =	sshll.u32 s1, $0x11  }
0xbd: {  	s0 =	sor.u32 s1, s0  }
0xbe: {  	s0 =	sadd.s32 $0x8F2B, s0  }
0xbf: {  	[sflag:s0] =	ssyncadd.remote.s32 $0x1  }
0xc0: {  	_ =	sfence.sel $0xFFFF  }
0xc1: {  	[dreg:$0x0] =	wrdreg $0xFFFFFFFF;
	(pc) =	sbr.abs _section_cstart, $3  }
0xc2: {  	[dreg:$0x1] =	wrdreg $0xFFFFFFFF  }
0xc3: {  	_ =	task.clear_ibuf [dreg:s8], $0x2FFFF;
	_ =	strace $0x9FFFFFFF  }
0xc4: {  	(tm) =	ssettm $0x7FFFFFFF  }
0xc5: {  	_ =	shalt  }
tec
execute0_lowered:
.L_overlay_start_1:
0x0: {  	(tag) =	ssettag $0x1  }
0x1: {  	s5 =	rddreg [dreg:$0x0]  }
0x2: {  	s8 =	rddreg [dreg:$0x1];
	s1 =	srdreg.scid  }
0x3: {  	s0 =	stileid.u32;
	s3 =	rddreg [dreg:$0x2]  }
0x4: {  	s2 =	simm.s32 $0x0;
	s12 =	simm.s32 $0x1;
	s13 =	simm.s32 $0x4000  }
0x5: {  	s14 =	simm.s32 $0x2;
	s15 =	simm.s32 $0xA000;
	s16 =	simm.s32 $0x3  }
0x6: {  	s17 =	simm.s32 $0x0;
	s4 =	sand.u32 $0x1, s1;
	s6 =	sshll.u32 s0, $0x1  }
0x7: {  	s1 =	rddreg [dreg:$0x3];
	s6 =	sor.u32 s4, s6;
	s4 =	ssub.s32 $0x2, s4  }
0x8: {  	[smem:$0x7FF] =	sst s2;
	s7 =	smul.u32 $0xC0, s6;
	s30 =	sshrl.u32 s4, $0x1  }
0x9: {  	v0 =	vlaneseq.u32;
	_ =	strace $0x80000047;
	s6 =	sshll.u32 s6, $0xA;
	s10 =	ssub.s32 s4, s30  }
0xa: {  	v0 =	vmul.u32 $0x600, v0;
	s31 =	sor.u32 $0x8000, s6;
	s11 =	sor.u32 $0x10000, s6;
	s9 =	sadd.s32 s7, s3  }
0xb: {  	v1 =	vimm.s32 $0x0;
	s3 =	sadd.s32 s5, s6;
	s4 =	sadd.s32 s5, s31;
	s5 =	sadd.s32 s5, s11  }
0xc: {  	v2 =	vimm.s32 $0x1;
	v3 =	vor.u32 $0x100, v0;
	v4 =	vadd.s32 $0x200, v0;
	s6 =	sadd.s32 s8, s6;
	s7 =	sadd.s32 s8, s31;
	s8 =	sadd.s32 s8, s11  }
0xd: {  	v5 =	vadd.s32 $0x300, v0;
	v6 =	vadd.s32 $0x400, v0;
	v7 =	vadd.s32 $0x500, v0;
	s10 =	smax.u32 s10, $0x1;
	s11 =	simm.s32 $0x2000;
	s9 =	sadd.s32 $0x800, s9  }
.LBB2_1:
0xe: {  	[tilespmem:s2], [sflag:$0x1] =	stream.linear.gather [hbm4b:s3+s2], $0x2000, $0x38;
	[tilespmem:$0xA600] =	vst v63  }
0xf: {  	s18 =	simm.s32 $0x40;
	s19 =	simm.s32 $0x0  }
.LBB2_2:
0x10: {  	p0 =	sne.s32 s18, $0x17FC0;
	[tilespmem:s19+$0x4000] =	vst v1;
	s19 =	smov.u32 s18;
	s18 =	sadd.s32 $0x40, s18  }
.Ltmp0:
0x11: {  	(pc) =	sbr.rel @p0 .LBB2_2-.Ltmp0, $2  }
0x12: {  	_ =	sdelay $0x2  }
0x13: {  	s19 =	sshra.s32 s19, $0x2  }
0x14: {  	[tilespmem:s19+$0x4000] =	vst v1;
	s18 =	simm.s32 $0x0  }
0x15: {  	[tilespmem:s11], [sflag:$0x2] =	stream.linear.gather [hbm4b:s4+s18], $0x2000, $0x38;
	[tilespmem:$0xA600] =	vst v63  }
0x16: {  	_ =	swait.ge [sflag:s12], $0x2000  }
0x17: {  	[sflag:s12] =	ssyncset.done $0x0  }
0x18: {  	[sflag:s12] =	ssyncadd.s32 $0xFFFFE000  }
.LBB2_4:
0x19: {  	s19 =	sshra.s32 s18, $0x2  }
0x1a: {  	v8 =	vld [tilespmem:s19+$0x0];
	_ =	sdelay $0x4  }
0x1b: {  	v8 =	vmax.f32 v8, $-1.000000000e+00  }
0x1c: {  	v8 =	vmin.f32 v8, $1.000000000e+00  }
0x1d: {  	v8 =	vadd.f32 $1.000000000e+00, v8;
	_ =	sdelay $0x1  }
0x1e: {  	v8 =	vmul.f32 $1.280000000e+02, v8;
	_ =	sdelay $0x1  }
0x1f: {  	v8 =	vtrunc.f32 v8  }
0x20: {  	v8 =	vcvt.f32.s32 v8;
	_ =	sdelay $0x1  }
0x21: {  	vm0 =	vlt.s32 v8, $0xFF  }
0x22: {  	v8 =	vnsel vm0, $0xFF, v8  }
0x23: {  	v8 =	vadd.s32 v0, v8;
	_ =	sdelay $0x4  }
0x24: {  	[tilespmem:v8+s13+$0x0] =	vst.idx.add.s32.msk $0xffff, v2  }
0x25: {  	v8 =	vld [tilespmem:s19+$0x10];
	_ =	sdelay $0x4  }
0x26: {  	v8 =	vmax.f32 v8, $-1.000000000e+00  }
0x27: {  	v8 =	vmin.f32 v8, $1.000000000e+00  }
0x28: {  	v8 =	vadd.f32 $1.000000000e+00, v8;
	_ =	sdelay $0x1  }
0x29: {  	v8 =	vmul.f32 $1.280000000e+02, v8;
	_ =	sdelay $0x1  }
0x2a: {  	v8 =	vtrunc.f32 v8  }
0x2b: {  	v8 =	vcvt.f32.s32 v8;
	_ =	sdelay $0x1  }
0x2c: {  	vm13 =	vlt.s32 v8, $0xFF  }
0x2d: {  	v8 =	vnsel vm13, $0xFF, v8  }
0x2e: {  	v8 =	vadd.s32 v0, v8;
	_ =	sdelay $0x4  }
0x2f: {  	[tilespmem:v8+s13+$0x0] =	vst.idx.add.s32.msk $0xffff, v2  }
0x30: {  	v8 =	vld [tilespmem:s19+$0x20];
	_ =	sdelay $0x4  }
0x31: {  	v8 =	vmax.f32 v8, $-1.000000000e+00  }
0x32: {  	v8 =	vmin.f32 v8, $1.000000000e+00  }
0x33: {  	v8 =	vadd.f32 $1.000000000e+00, v8;
	_ =	sdelay $0x1  }
0x34: {  	v8 =	vmul.f32 $1.280000000e+02, v8;
	_ =	sdelay $0x1  }
0x35: {  	v8 =	vtrunc.f32 v8  }
0x36: {  	v8 =	vcvt.f32.s32 v8;
	_ =	sdelay $0x1  }
0x37: {  	vm14 =	vlt.s32 v8, $0xFF  }
0x38: {  	v8 =	vnsel vm14, $0xFF, v8  }
0x39: {  	v8 =	vadd.s32 v0, v8;
	_ =	sdelay $0x4  }
0x3a: {  	[tilespmem:v8+s13+$0x0] =	vst.idx.add.s32.msk $0xffff, v2  }
0x3b: {  	v8 =	vld [tilespmem:s19+$0x30];
	_ =	sdelay $0x4  }
0x3c: {  	v8 =	vmax.f32 v8, $-1.000000000e+00  }
0x3d: {  	v8 =	vmin.f32 v8, $1.000000000e+00  }
0x3e: {  	v8 =	vadd.f32 $1.000000000e+00, v8;
	_ =	sdelay $0x1  }
0x3f: {  	v8 =	vmul.f32 $1.280000000e+02, v8;
	_ =	sdelay $0x1  }
0x40: {  	v8 =	vtrunc.f32 v8  }
0x41: {  	v8 =	vcvt.f32.s32 v8;
	_ =	sdelay $0x1  }
0x42: {  	vm15 =	vlt.s32 v8, $0xFF  }
0x43: {  	v8 =	vnsel vm15, $0xFF, v8  }
0x44: {  	p0 =	sne.s32 s18, $0x7F00;
	v8 =	vadd.s32 v0, v8  }
.Ltmp1:
0x45: {  	_ = 	snop;
	(pc) =	sbr.rel @p0 .LBB2_4-.Ltmp1, $2  }
0x46: {  	_ =	sdelay $0x2  }
0x47: {  	s18 =	sadd.s32 $0x100, s18;
	[tilespmem:v8+s13+$0x0] =	vst.idx.add.s32.msk $0xffff, v2  }
0x48: {  	s18 =	simm.s32 $0x0  }
0x49: {  	[tilespmem:s18], [sflag:$0x1] =	stream.linear.gather [hbm4b:s5+s18], $0x2000, $0x38;
	[tilespmem:$0xA600] =	vst v63  }
0x4a: {  	_ =	swait.ge [sflag:s14], $0x2000  }
0x4b: {  	[sflag:s14] =	ssyncset.done $0x0  }
0x4c: {  	s19 =	simm.s32 $0x2030;
	[sflag:s14] =	ssyncadd.s32 $0xFFFFE000  }
.LBB2_6:
0x4d: {  	s20 =	sand.u32 $0x1FC0, s18  }
0x4e: {  	v8 =	vld [tilespmem:s20+$0x2000];
	_ =	sdelay $0x4  }
0x4f: {  	v8 =	vmax.f32 v8, $-1.000000000e+00  }
0x50: {  	v8 =	vmin.f32 v8, $1.000000000e+00  }
0x51: {  	v8 =	vadd.f32 $1.000000000e+00, v8;
	_ =	sdelay $0x1  }
0x52: {  	v8 =	vmul.f32 $1.280000000e+02, v8;
	_ =	sdelay $0x1  }
0x53: {  	v8 =	vtrunc.f32 v8  }
0x54: {  	v8 =	vcvt.f32.s32 v8;
	_ =	sdelay $0x1  }
0x55: {  	vm0 =	vlt.s32 v8, $0xFF  }
0x56: {  	v8 =	vnsel vm0, $0xFF, v8  }
0x57: {  	v8 =	vadd.s32 v3, v8;
	_ =	sdelay $0x4  }
0x58: {  	[tilespmem:v8+s13+$0x0] =	vst.idx.add.s32.msk $0xffff, v2  }
0x59: {  	v8 =	vld [tilespmem:s19+$0xFFFFFFE0];
	_ =	sdelay $0x4  }
0x5a: {  	v8 =	vmax.f32 v8, $-1.000000000e+00  }
0x5b: {  	v8 =	vmin.f32 v8, $1.000000000e+00  }
0x5c: {  	v8 =	vadd.f32 $1.000000000e+00, v8;
	_ =	sdelay $0x1  }
0x5d: {  	v8 =	vmul.f32 $1.280000000e+02, v8;
	_ =	sdelay $0x1  }
0x5e: {  	v8 =	vtrunc.f32 v8  }
0x5f: {  	v8 =	vcvt.f32.s32 v8;
	_ =	sdelay $0x1  }
0x60: {  	vm13 =	vlt.s32 v8, $0xFF  }
0x61: {  	v8 =	vnsel vm13, $0xFF, v8  }
0x62: {  	v8 =	vadd.s32 v3, v8;
	_ =	sdelay $0x4  }
0x63: {  	[tilespmem:v8+s13+$0x0] =	vst.idx.add.s32.msk $0xffff, v2  }
0x64: {  	v8 =	vld [tilespmem:s19+$0xFFFFFFF0];
	_ =	sdelay $0x4  }
0x65: {  	v8 =	vmax.f32 v8, $-1.000000000e+00  }
0x66: {  	v8 =	vmin.f32 v8, $1.000000000e+00  }
0x67: {  	v8 =	vadd.f32 $1.000000000e+00, v8;
	_ =	sdelay $0x1  }
0x68: {  	v8 =	vmul.f32 $1.280000000e+02, v8;
	_ =	sdelay $0x1  }
0x69: {  	v8 =	vtrunc.f32 v8  }
0x6a: {  	v8 =	vcvt.f32.s32 v8;
	_ =	sdelay $0x1  }
0x6b: {  	vm14 =	vlt.s32 v8, $0xFF  }
0x6c: {  	v8 =	vnsel vm14, $0xFF, v8  }
0x6d: {  	v8 =	vadd.s32 v3, v8;
	_ =	sdelay $0x4  }
0x6e: {  	[tilespmem:v8+s13+$0x0] =	vst.idx.add.s32.msk $0xffff, v2  }
0x6f: {  	v8 =	vld [tilespmem:s19+$0x0];
	_ =	sdelay $0x4  }
0x70: {  	v8 =	vmax.f32 v8, $-1.000000000e+00  }
0x71: {  	v8 =	vmin.f32 v8, $1.000000000e+00  }
0x72: {  	v8 =	vadd.f32 $1.000000000e+00, v8;
	_ =	sdelay $0x1  }
0x73: {  	v8 =	vmul.f32 $1.280000000e+02, v8;
	_ =	sdelay $0x1  }
0x74: {  	v8 =	vtrunc.f32 v8  }
0x75: {  	v8 =	vcvt.f32.s32 v8;
	_ =	sdelay $0x1  }
0x76: {  	vm15 =	vlt.s32 v8, $0xFF  }
0x77: {  	v8 =	vnsel vm15, $0xFF, v8  }
0x78: {  	p0 =	sne.s32 s18, $0x1FC0;
	v8 =	vadd.s32 v3, v8  }
.Ltmp2:
0x79: {  	_ = 	snop;
	(pc) =	sbr.rel @p0 .LBB2_6-.Ltmp2, $2  }
0x7a: {  	_ =	sdelay $0x2  }
0x7b: {  	s18 =	sadd.s32 $0x40, s18;
	s19 =	sadd.s32 $0x40, s19;
	[tilespmem:v8+s13+$0x0] =	vst.idx.add.s32.msk $0xffff, v2  }
0x7c: {  	s18 =	simm.s32 $0x0  }
0x7d: {  	[tilespmem:s11], [sflag:$0x2] =	stream.linear.gather [hbm4b:s6+s18], $0x2000, $0x38;
	[tilespmem:$0xA600] =	vst v63  }
0x7e: {  	_ =	swait.ge [sflag:s12], $0x2000  }
0x7f: {  	[sflag:s12] =	ssyncset.done $0x0  }
0x80: {  	[sflag:s12] =	ssyncadd.s32 $0xFFFFE000  }
.LBB2_8:
0x81: {  	s19 =	sshra.s32 s18, $0x2  }
0x82: {  	v8 =	vld [tilespmem:s19+$0x0];
	_ =	sdelay $0x4  }
0x83: {  	v8 =	vmax.f32 v8, $-1.000000000e+00  }
0x84: {  	v8 =	vmin.f32 v8, $1.000000000e+00  }
0x85: {  	v8 =	vadd.f32 $1.000000000e+00, v8;
	_ =	sdelay $0x1  }
0x86: {  	v8 =	vmul.f32 $1.280000000e+02, v8;
	_ =	sdelay $0x1  }
0x87: {  	v8 =	vtrunc.f32 v8  }
0x88: {  	v8 =	vcvt.f32.s32 v8;
	_ =	sdelay $0x1  }
0x89: {  	vm0 =	vlt.s32 v8, $0xFF  }
0x8a: {  	v8 =	vnsel vm0, $0xFF, v8  }
0x8b: {  	v8 =	vadd.s32 v4, v8;
	_ =	sdelay $0x4  }
0x8c: {  	[tilespmem:v8+s13+$0x0] =	vst.idx.add.s32.msk $0xffff, v2  }
0x8d: {  	v8 =	vld [tilespmem:s19+$0x10];
	_ =	sdelay $0x4  }
0x8e: {  	v8 =	vmax.f32 v8, $-1.000000000e+00  }
0x8f: {  	v8 =	vmin.f32 v8, $1.000000000e+00  }
0x90: {  	v8 =	vadd.f32 $1.000000000e+00, v8;
	_ =	sdelay $0x1  }
0x91: {  	v8 =	vmul.f32 $1.280000000e+02, v8;
	_ =	sdelay $0x1  }
0x92: {  	v8 =	vtrunc.f32 v8  }
0x93: {  	v8 =	vcvt.f32.s32 v8;
	_ =	sdelay $0x1  }
0x94: {  	vm13 =	vlt.s32 v8, $0xFF  }
0x95: {  	v8 =	vnsel vm13, $0xFF, v8  }
0x96: {  	v8 =	vadd.s32 v4, v8;
	_ =	sdelay $0x4  }
0x97: {  	[tilespmem:v8+s13+$0x0] =	vst.idx.add.s32.msk $0xffff, v2  }
0x98: {  	v8 =	vld [tilespmem:s19+$0x20];
	_ =	sdelay $0x4  }
0x99: {  	v8 =	vmax.f32 v8, $-1.000000000e+00  }
0x9a: {  	v8 =	vmin.f32 v8, $1.000000000e+00  }
0x9b: {  	v8 =	vadd.f32 $1.000000000e+00, v8;
	_ =	sdelay $0x1  }
0x9c: {  	v8 =	vmul.f32 $1.280000000e+02, v8;
	_ =	sdelay $0x1  }
0x9d: {  	v8 =	vtrunc.f32 v8  }
0x9e: {  	v8 =	vcvt.f32.s32 v8;
	_ =	sdelay $0x1  }
0x9f: {  	vm14 =	vlt.s32 v8, $0xFF  }
0xa0: {  	v8 =	vnsel vm14, $0xFF, v8  }
0xa1: {  	v8 =	vadd.s32 v4, v8;
	_ =	sdelay $0x4  }
0xa2: {  	[tilespmem:v8+s13+$0x0] =	vst.idx.add.s32.msk $0xffff, v2  }
0xa3: {  	v8 =	vld [tilespmem:s19+$0x30];
	_ =	sdelay $0x4  }
0xa4: {  	v8 =	vmax.f32 v8, $-1.000000000e+00  }
0xa5: {  	v8 =	vmin.f32 v8, $1.000000000e+00  }
0xa6: {  	v8 =	vadd.f32 $1.000000000e+00, v8;
	_ =	sdelay $0x1  }
0xa7: {  	v8 =	vmul.f32 $1.280000000e+02, v8;
	_ =	sdelay $0x1  }
0xa8: {  	v8 =	vtrunc.f32 v8  }
0xa9: {  	v8 =	vcvt.f32.s32 v8;
	_ =	sdelay $0x1  }
0xaa: {  	vm15 =	vlt.s32 v8, $0xFF  }
0xab: {  	v8 =	vnsel vm15, $0xFF, v8  }
0xac: {  	p0 =	sne.s32 s18, $0x7F00;
	v8 =	vadd.s32 v4, v8  }
.Ltmp3:
0xad: {  	_ = 	snop;
	(pc) =	sbr.rel @p0 .LBB2_8-.Ltmp3, $2  }
0xae: {  	_ =	sdelay $0x2  }
0xaf: {  	s18 =	sadd.s32 $0x100, s18;
	[tilespmem:v8+s13+$0x0] =	vst.idx.add.s32.msk $0xffff, v2  }
0xb0: {  	s18 =	simm.s32 $0x0  }
0xb1: {  	[tilespmem:s18], [sflag:$0x1] =	stream.linear.gather [hbm4b:s7+s18], $0x2000, $0x38;
	[tilespmem:$0xA600] =	vst v63  }
0xb2: {  	_ =	swait.ge [sflag:s14], $0x2000  }
0xb3: {  	[sflag:s14] =	ssyncset.done $0x0  }
0xb4: {  	s19 =	simm.s32 $0x2030;
	[sflag:s14] =	ssyncadd.s32 $0xFFFFE000  }
.LBB2_10:
0xb5: {  	s20 =	sand.u32 $0x1FC0, s18  }
0xb6: {  	v8 =	vld [tilespmem:s20+$0x2000];
	_ =	sdelay $0x4  }
0xb7: {  	v8 =	vmax.f32 v8, $-1.000000000e+00  }
0xb8: {  	v8 =	vmin.f32 v8, $1.000000000e+00  }
0xb9: {  	v8 =	vadd.f32 $1.000000000e+00, v8;
	_ =	sdelay $0x1  }
0xba: {  	v8 =	vmul.f32 $1.280000000e+02, v8;
	_ =	sdelay $0x1  }
0xbb: {  	v8 =	vtrunc.f32 v8  }
0xbc: {  	v8 =	vcvt.f32.s32 v8;
	_ =	sdelay $0x1  }
0xbd: {  	vm0 =	vlt.s32 v8, $0xFF  }
0xbe: {  	v8 =	vnsel vm0, $0xFF, v8  }
0xbf: {  	v8 =	vadd.s32 v5, v8;
	_ =	sdelay $0x4  }
0xc0: {  	[tilespmem:v8+s13+$0x0] =	vst.idx.add.s32.msk $0xffff, v2  }
0xc1: {  	v8 =	vld [tilespmem:s19+$0xFFFFFFE0];
	_ =	sdelay $0x4  }
0xc2: {  	v8 =	vmax.f32 v8, $-1.000000000e+00  }
0xc3: {  	v8 =	vmin.f32 v8, $1.000000000e+00  }
0xc4: {  	v8 =	vadd.f32 $1.000000000e+00, v8;
	_ =	sdelay $0x1  }
0xc5: {  	v8 =	vmul.f32 $1.280000000e+02, v8;
	_ =	sdelay $0x1  }
0xc6: {  	v8 =	vtrunc.f32 v8  }
0xc7: {  	v8 =	vcvt.f32.s32 v8;
	_ =	sdelay $0x1  }
0xc8: {  	vm13 =	vlt.s32 v8, $0xFF  }
0xc9: {  	v8 =	vnsel vm13, $0xFF, v8  }
0xca: {  	v8 =	vadd.s32 v5, v8;
	_ =	sdelay $0x4  }
0xcb: {  	[tilespmem:v8+s13+$0x0] =	vst.idx.add.s32.msk $0xffff, v2  }
0xcc: {  	v8 =	vld [tilespmem:s19+$0xFFFFFFF0];
	_ =	sdelay $0x4  }
0xcd: {  	v8 =	vmax.f32 v8, $-1.000000000e+00  }
0xce: {  	v8 =	vmin.f32 v8, $1.000000000e+00  }
0xcf: {  	v8 =	vadd.f32 $1.000000000e+00, v8;
	_ =	sdelay $0x1  }
0xd0: {  	v8 =	vmul.f32 $1.280000000e+02, v8;
	_ =	sdelay $0x1  }
0xd1: {  	v8 =	vtrunc.f32 v8  }
0xd2: {  	v8 =	vcvt.f32.s32 v8;
	_ =	sdelay $0x1  }
0xd3: {  	vm14 =	vlt.s32 v8, $0xFF  }
0xd4: {  	v8 =	vnsel vm14, $0xFF, v8  }
0xd5: {  	v8 =	vadd.s32 v5, v8;
	_ =	sdelay $0x4  }
0xd6: {  	[tilespmem:v8+s13+$0x0] =	vst.idx.add.s32.msk $0xffff, v2  }
0xd7: {  	v8 =	vld [tilespmem:s19+$0x0];
	_ =	sdelay $0x4  }
0xd8: {  	v8 =	vmax.f32 v8, $-1.000000000e+00  }
0xd9: {  	v8 =	vmin.f32 v8, $1.000000000e+00  }
0xda: {  	v8 =	vadd.f32 $1.000000000e+00, v8;
	_ =	sdelay $0x1  }
0xdb: {  	v8 =	vmul.f32 $1.280000000e+02, v8;
	_ =	sdelay $0x1  }
0xdc: {  	v8 =	vtrunc.f32 v8  }
0xdd: {  	v8 =	vcvt.f32.s32 v8;
	_ =	sdelay $0x1  }
0xde: {  	vm15 =	vlt.s32 v8, $0xFF  }
0xdf: {  	v8 =	vnsel vm15, $0xFF, v8  }
0xe0: {  	p0 =	sne.s32 s18, $0x1FC0;
	v8 =	vadd.s32 v5, v8  }
.Ltmp4:
0xe1: {  	_ = 	snop;
	(pc) =	sbr.rel @p0 .LBB2_10-.Ltmp4, $2  }
0xe2: {  	_ =	sdelay $0x2  }
0xe3: {  	s18 =	sadd.s32 $0x40, s18;
	s19 =	sadd.s32 $0x40, s19;
	[tilespmem:v8+s13+$0x0] =	vst.idx.add.s32.msk $0xffff, v2  }
0xe4: {  	s18 =	simm.s32 $0x0  }
0xe5: {  	[tilespmem:s11], [sflag:$0x2] =	stream.linear.gather [hbm4b:s8+s18], $0x2000, $0x38;
	[tilespmem:$0xA600] =	vst v63  }
0xe6: {  	_ =	swait.ge [sflag:s12], $0x2000  }
0xe7: {  	[sflag:s12] =	ssyncset.done $0x0  }
0xe8: {  	[sflag:s12] =	ssyncadd.s32 $0xFFFFE000  }
.LBB2_12:
0xe9: {  	s19 =	sshra.s32 s18, $0x2  }
0xea: {  	v8 =	vld [tilespmem:s19+$0x0];
	_ =	sdelay $0x4  }
0xeb: {  	v8 =	vmax.f32 v8, $-1.000000000e+00  }
0xec: {  	v8 =	vmin.f32 v8, $1.000000000e+00  }
0xed: {  	v8 =	vadd.f32 $1.000000000e+00, v8;
	_ =	sdelay $0x1  }
0xee: {  	v8 =	vmul.f32 $1.280000000e+02, v8;
	_ =	sdelay $0x1  }
0xef: {  	v8 =	vtrunc.f32 v8  }
0xf0: {  	v8 =	vcvt.f32.s32 v8;
	_ =	sdelay $0x1  }
0xf1: {  	vm0 =	vlt.s32 v8, $0xFF  }
0xf2: {  	v8 =	vnsel vm0, $0xFF, v8  }
0xf3: {  	v8 =	vadd.s32 v6, v8;
	_ =	sdelay $0x4  }
0xf4: {  	[tilespmem:v8+s13+$0x0] =	vst.idx.add.s32.msk $0xffff, v2  }
0xf5: {  	v8 =	vld [tilespmem:s19+$0x10];
	_ =	sdelay $0x4  }
0xf6: {  	v8 =	vmax.f32 v8, $-1.000000000e+00  }
0xf7: {  	v8 =	vmin.f32 v8, $1.000000000e+00  }
0xf8: {  	v8 =	vadd.f32 $1.000000000e+00, v8;
	_ =	sdelay $0x1  }
0xf9: {  	v8 =	vmul.f32 $1.280000000e+02, v8;
	_ =	sdelay $0x1  }
0xfa: {  	v8 =	vtrunc.f32 v8  }
0xfb: {  	v8 =	vcvt.f32.s32 v8;
	_ =	sdelay $0x1  }
0xfc: {  	vm13 =	vlt.s32 v8, $0xFF  }
0xfd: {  	v8 =	vnsel vm13, $0xFF, v8  }
0xfe: {  	v8 =	vadd.s32 v6, v8;
	_ =	sdelay $0x4  }
0xff: {  	[tilespmem:v8+s13+$0x0] =	vst.idx.add.s32.msk $0xffff, v2  }
0x100: {  	v8 =	vld [tilespmem:s19+$0x20];
	_ =	sdelay $0x4  }
0x101: {  	v8 =	vmax.f32 v8, $-1.000000000e+00  }
0x102: {  	v8 =	vmin.f32 v8, $1.000000000e+00  }
0x103: {  	v8 =	vadd.f32 $1.000000000e+00, v8;
	_ =	sdelay $0x1  }
0x104: {  	v8 =	vmul.f32 $1.280000000e+02, v8;
	_ =	sdelay $0x1  }
0x105: {  	v8 =	vtrunc.f32 v8  }
0x106: {  	v8 =	vcvt.f32.s32 v8;
	_ =	sdelay $0x1  }
0x107: {  	vm14 =	vlt.s32 v8, $0xFF  }
0x108: {  	v8 =	vnsel vm14, $0xFF, v8  }
0x109: {  	v8 =	vadd.s32 v6, v8;
	_ =	sdelay $0x4  }
0x10a: {  	[tilespmem:v8+s13+$0x0] =	vst.idx.add.s32.msk $0xffff, v2  }
0x10b: {  	v8 =	vld [tilespmem:s19+$0x30];
	_ =	sdelay $0x4  }
0x10c: {  	v8 =	vmax.f32 v8, $-1.000000000e+00  }
0x10d: {  	v8 =	vmin.f32 v8, $1.000000000e+00  }
0x10e: {  	v8 =	vadd.f32 $1.000000000e+00, v8;
	_ =	sdelay $0x1  }
0x10f: {  	v8 =	vmul.f32 $1.280000000e+02, v8;
	_ =	sdelay $0x1  }
0x110: {  	v8 =	vtrunc.f32 v8  }
0x111: {  	v8 =	vcvt.f32.s32 v8;
	_ =	sdelay $0x1  }
0x112: {  	vm15 =	vlt.s32 v8, $0xFF  }
0x113: {  	v8 =	vnsel vm15, $0xFF, v8  }
0x114: {  	p0 =	sne.s32 s18, $0x7F00;
	v8 =	vadd.s32 v6, v8  }
.Ltmp5:
0x115: {  	_ = 	snop;
	(pc) =	sbr.rel @p0 .LBB2_12-.Ltmp5, $2  }
0x116: {  	_ =	sdelay $0x2  }
0x117: {  	s18 =	sadd.s32 $0x100, s18;
	[tilespmem:v8+s13+$0x0] =	vst.idx.add.s32.msk $0xffff, v2  }
0x118: {  	_ =	swait.ge [sflag:s14], $0x2000  }
0x119: {  	s18 =	simm.s32 $0x0;
	[sflag:s14] =	ssyncset.done $0x0  }
0x11a: {  	s19 =	simm.s32 $0x2030;
	s20 =	simm.s32 $0x0;
	[sflag:s14] =	ssyncadd.s32 $0xFFFFE000  }
.LBB2_14:
0x11b: {  	s21 =	sand.u32 $0x1FC0, s20  }
0x11c: {  	v8 =	vld [tilespmem:s21+$0x2000];
	_ =	sdelay $0x4  }
0x11d: {  	v8 =	vmax.f32 v8, $-1.000000000e+00  }
0x11e: {  	v8 =	vmin.f32 v8, $1.000000000e+00  }
0x11f: {  	v8 =	vadd.f32 $1.000000000e+00, v8;
	_ =	sdelay $0x1  }
0x120: {  	v8 =	vmul.f32 $1.280000000e+02, v8;
	_ =	sdelay $0x1  }
0x121: {  	v8 =	vtrunc.f32 v8  }
0x122: {  	v8 =	vcvt.f32.s32 v8;
	_ =	sdelay $0x1  }
0x123: {  	vm0 =	vlt.s32 v8, $0xFF  }
0x124: {  	v8 =	vnsel vm0, $0xFF, v8  }
0x125: {  	v8 =	vadd.s32 v7, v8;
	_ =	sdelay $0x3  }
0x126: {  	s21 =	simm.s32 $0x4000  }
0x127: {  	[tilespmem:v8+s21+$0x0] =	vst.idx.add.s32.msk $0xffff, v2  }
0x128: {  	v8 =	vld [tilespmem:s19+$0xFFFFFFE0];
	_ =	sdelay $0x4  }
0x129: {  	v8 =	vmax.f32 v8, $-1.000000000e+00  }
0x12a: {  	v8 =	vmin.f32 v8, $1.000000000e+00  }
0x12b: {  	v8 =	vadd.f32 $1.000000000e+00, v8;
	_ =	sdelay $0x1  }
0x12c: {  	v8 =	vmul.f32 $1.280000000e+02, v8;
	_ =	sdelay $0x1  }
0x12d: {  	v8 =	vtrunc.f32 v8  }
0x12e: {  	v8 =	vcvt.f32.s32 v8;
	_ =	sdelay $0x1  }
0x12f: {  	vm13 =	vlt.s32 v8, $0xFF  }
0x130: {  	v8 =	vnsel vm13, $0xFF, v8  }
0x131: {  	v8 =	vadd.s32 v7, v8;
	_ =	sdelay $0x4  }
0x132: {  	[tilespmem:v8+s21+$0x0] =	vst.idx.add.s32.msk $0xffff, v2  }
0x133: {  	v8 =	vld [tilespmem:s19+$0xFFFFFFF0];
	_ =	sdelay $0x4  }
0x134: {  	v8 =	vmax.f32 v8, $-1.000000000e+00  }
0x135: {  	v8 =	vmin.f32 v8, $1.000000000e+00  }
0x136: {  	v8 =	vadd.f32 $1.000000000e+00, v8;
	_ =	sdelay $0x1  }
0x137: {  	v8 =	vmul.f32 $1.280000000e+02, v8;
	_ =	sdelay $0x1  }
0x138: {  	v8 =	vtrunc.f32 v8  }
0x139: {  	v8 =	vcvt.f32.s32 v8;
	_ =	sdelay $0x1  }
0x13a: {  	vm14 =	vlt.s32 v8, $0xFF  }
0x13b: {  	v8 =	vnsel vm14, $0xFF, v8  }
0x13c: {  	v8 =	vadd.s32 v7, v8;
	_ =	sdelay $0x4  }
0x13d: {  	[tilespmem:v8+s21+$0x0] =	vst.idx.add.s32.msk $0xffff, v2  }
0x13e: {  	v8 =	vld [tilespmem:s19+$0x0];
	_ =	sdelay $0x4  }
0x13f: {  	v8 =	vmax.f32 v8, $-1.000000000e+00  }
0x140: {  	v8 =	vmin.f32 v8, $1.000000000e+00  }
0x141: {  	v8 =	vadd.f32 $1.000000000e+00, v8;
	_ =	sdelay $0x1  }
0x142: {  	v8 =	vmul.f32 $1.280000000e+02, v8;
	_ =	sdelay $0x1  }
0x143: {  	v8 =	vtrunc.f32 v8  }
0x144: {  	v8 =	vcvt.f32.s32 v8;
	_ =	sdelay $0x1  }
0x145: {  	vm15 =	vlt.s32 v8, $0xFF  }
0x146: {  	v8 =	vnsel vm15, $0xFF, v8  }
0x147: {  	p0 =	sne.s32 s20, $0x1FC0;
	v8 =	vadd.s32 v7, v8  }
.Ltmp6:
0x148: {  	_ = 	snop;
	(pc) =	sbr.rel @p0 .LBB2_14-.Ltmp6, $2  }
0x149: {  	_ =	sdelay $0x2  }
0x14a: {  	s20 =	sadd.s32 $0x40, s20;
	s19 =	sadd.s32 $0x40, s19;
	[tilespmem:v8+s21+$0x0] =	vst.idx.add.s32.msk $0xffff, v2  }
0x14b: {  	s18 =	sand.u32 $0x7F0, s18;
	v9 =	vld [tilespmem:s21+$0x0]  }
0x14c: {  	v8 =	vld [tilespmem:s18+$0x4600]  }
0x14d: {  	v10 =	vld [tilespmem:s18+$0x4C00]  }
0x14e: {  	v11 =	vld [tilespmem:s18+$0x5200]  }
0x14f: {  	v12 =	vld [tilespmem:s18+$0x5800]  }
0x150: {  	v13 =	vld [tilespmem:s18+$0x5E00]  }
0x151: {  	v8 =	vadd.s32 v9, v8;
	v9 =	vld [tilespmem:s18+$0x6400]  }
0x152: {  	v8 =	vadd.s32 v10, v8;
	v10 =	vld [tilespmem:s18+$0x6A00]  }
0x153: {  	v8 =	vadd.s32 v11, v8;
	v11 =	vld [tilespmem:s18+$0x7000]  }
0x154: {  	v60 =	vld [tilespmem:s18+$0x7600];
	v8 =	vadd.s32 v12, v8  }
0x155: {  	v61 =	vld [tilespmem:s18+$0x7C00];
	v8 =	vadd.s32 v13, v8  }
0x156: {  	v8 =	vadd.s32 v9, v8;
	v9 =	vld [tilespmem:s18+$0x8200]  }
0x157: {  	v8 =	vadd.s32 v10, v8;
	v10 =	vld [tilespmem:s18+$0x8800]  }
0x158: {  	v8 =	vadd.s32 v11, v8;
	v11 =	vld [tilespmem:s18+$0x8E00]  }
0x159: {  	v62 =	vld [tilespmem:s18+$0x9400];
	v8 =	vadd.s32 v60, v8  }
0x15a: {  	v63 =	vld [tilespmem:s18+$0x9A00];
	v8 =	vadd.s32 v61, v8  }
0x15b: {  	v8 =	vadd.s32 v9, v8  }
0x15c: {  	v8 =	vadd.s32 v10, v8  }
0x15d: {  	v8 =	vadd.s32 v11, v8  }
0x15e: {  	v8 =	vadd.s32 v62, v8  }
0x15f: {  	s19 =	simm.s32 $0x10;
	s18 =	simm.s32 $0xA000;
	v8 =	vadd.s32 v63, v8  }
0x160: {  	s19 =	sand.u32 $0x7F0, s19;
	[tilespmem:s18+$0x0] =	vst v8  }
0x161: {  	s21 =	simm.s32 $0x20;
	s20 =	simm.s32 $0x4010;
	v8 =	vld [tilespmem:s19+$0x4600]  }
.LBB2_16:
0x162: {  	p0 =	sne.s32 s21, $0x5F0;
	v9 =	vld [tilespmem:s20+$0x0]  }
0x163: {  	v10 =	vld [tilespmem:s19+$0x4C00]  }
0x164: {  	v11 =	vld [tilespmem:s19+$0x5200]  }
0x165: {  	v12 =	vld [tilespmem:s19+$0x5800]  }
0x166: {  	v13 =	vld [tilespmem:s19+$0x5E00]  }
0x167: {  	v8 =	vadd.s32 v9, v8;
	v9 =	vld [tilespmem:s19+$0x6400]  }
0x168: {  	v8 =	vadd.s32 v10, v8;
	v10 =	vld [tilespmem:s19+$0x6A00]  }
0x169: {  	v8 =	vadd.s32 v11, v8;
	v11 =	vld [tilespmem:s19+$0x7000]  }
0x16a: {  	v8 =	vadd.s32 v12, v8;
	v12 =	vld [tilespmem:s19+$0x7600]  }
0x16b: {  	v8 =	vadd.s32 v13, v8;
	v13 =	vld [tilespmem:s19+$0x7C00]  }
0x16c: {  	v8 =	vadd.s32 v9, v8;
	v9 =	vld [tilespmem:s19+$0x8200]  }
0x16d: {  	v8 =	vadd.s32 v10, v8;
	v10 =	vld [tilespmem:s19+$0x8800]  }
0x16e: {  	v8 =	vadd.s32 v11, v8;
	v11 =	vld [tilespmem:s19+$0x8E00]  }
0x16f: {  	v8 =	vadd.s32 v12, v8;
	v12 =	vld [tilespmem:s19+$0x9400]  }
0x170: {  	v8 =	vadd.s32 v13, v8;
	v13 =	vld [tilespmem:s19+$0x9A00]  }
0x171: {  	v8 =	vadd.s32 v9, v8  }
0x172: {  	v8 =	vadd.s32 v10, v8  }
.Ltmp7:
0x173: {  	v8 =	vadd.s32 v11, v8;
	(pc) =	sbr.rel @p0 .LBB2_16-.Ltmp7, $4  }
0x174: {  	v8 =	vadd.s32 v12, v8  }
0x175: {  	s18 =	sadd.s32 $0x10, s18;
	v8 =	vadd.s32 v13, v8  }
0x176: {  	s19 =	sand.u32 $0x7F0, s21;
	[tilespmem:s18+$0x0] =	vst v8  }
0x177: {  	s20 =	sadd.s32 $0x10, s20;
	s21 =	sadd.s32 $0x10, s21;
	v8 =	vld [tilespmem:s19+$0x4600]  }
0x178: {  	v9 =	vld [tilespmem:s20+$0x0]  }
0x179: {  	v10 =	vld [tilespmem:s19+$0x4C00]  }
0x17a: {  	v11 =	vld [tilespmem:s19+$0x5200]  }
0x17b: {  	v12 =	vld [tilespmem:s19+$0x5800]  }
0x17c: {  	v13 =	vld [tilespmem:s19+$0x5E00]  }
0x17d: {  	v54 =	vld [tilespmem:s19+$0x6400];
	v8 =	vadd.s32 v9, v8  }
0x17e: {  	v55 =	vld [tilespmem:s19+$0x6A00];
	v8 =	vadd.s32 v10, v8  }
0x17f: {  	v56 =	vld [tilespmem:s19+$0x7000];
	v8 =	vadd.s32 v11, v8  }
0x180: {  	v57 =	vld [tilespmem:s19+$0x7600];
	v8 =	vadd.s32 v12, v8  }
0x181: {  	v58 =	vld [tilespmem:s19+$0x7C00];
	v8 =	vadd.s32 v13, v8  }
0x182: {  	v59 =	vld [tilespmem:s19+$0x8200];
	v8 =	vadd.s32 v54, v8  }
0x183: {  	v60 =	vld [tilespmem:s19+$0x8800];
	v8 =	vadd.s32 v55, v8  }
0x184: {  	v61 =	vld [tilespmem:s19+$0x8E00];
	v8 =	vadd.s32 v56, v8  }
0x185: {  	v62 =	vld [tilespmem:s19+$0x9400];
	v8 =	vadd.s32 v57, v8  }
0x186: {  	v63 =	vld [tilespmem:s19+$0x9A00];
	v8 =	vadd.s32 v58, v8  }
0x187: {  	v8 =	vadd.s32 v59, v8  }
0x188: {  	v8 =	vadd.s32 v60, v8  }
0x189: {  	v8 =	vadd.s32 v61, v8  }
0x18a: {  	s17 =	sadd.s32 $0x1, s17;
	v8 =	vadd.s32 v62, v8  }
0x18b: {  	s18 =	sadd.s32 $0x10, s18;
	p0 =	sne.s32 s17, s10;
	v8 =	vadd.s32 v63, v8  }
.Ltmp8:
0x18c: {  	[tilespmem:s18+$0x0] =	vst v8;
	(pc) =	sbr.rel @p0 .LBB2_1-.Ltmp8, $4  }
0x18d: {  	[hbm4b:s9+s2] =	stream.linear.scatter [tilespmem:s15], [sflag:$0x3], $0x600, $0x38;
	[tilespmem:$0xA600] =	vst v63  }
0x18e: {  	_ =	swait.ge [sflag:s16], $0x600  }
0x18f: {  	[sflag:s16] =	ssyncset.done $0x0  }
0x190: {  	[sflag:s16] =	ssyncadd.s32 $0xFFFFFA00  }
0x191: {  	_ =	sfence.sel $0x180000  }
0x192: {  	[bflag:$0x0] =	sbarrier.arrive $0xFFFF  }
0x193: {  	p0 =	sne.s32 s0, $0x0;
	_ =	strace $0x90000047  }
0x194: {  	s0 =	sadd.s32 @!p0 $0x100000, s1;
	[bflag:$0x2] =	sbarrier.arrive $0xFFFF  }
0x195: {  	[sflag:s0] =	ssyncadd.tile.s32 @!p0 $0x1;
	_ =	shalt  }
.Lfunc_end2:
_tile_overlayer_lowered:
.L_overlay_start_2:
0x196: {  	(tag) =	ssettag $0x2  }
0x197: {  	s0 =	rddreg [dreg:$0x0];
	s2 =	stileid.u32  }
0x198: {  	s1 =	rddreg [dreg:$0x1];
	p0 =	sne.s32 s2, $0x0  }
0x199: {  	s3 =	rddreg [dreg:$0x2];
	[bflag:$0x3] =	sbarrier.arrive $0xFFFF;
	s2 =	simm.s32 @!p0 $0x1C03  }
0x19a: {  	[timem:s3], [sflag:s2] =	dma.local @!p0 [hbm:s0], s1  }
0x19b: {  	s0 =	simm.s32 @!p0 $0x3  }
0x19c: {  	_ =	swait.ge @!p0 [sflag:s0], s1  }
0x19d: {  	s1 =	ssub.s32 @!p0 $0x0, s1;
	[sflag:s0] =	ssyncset.done @!p0 $0x0  }
0x19e: {  	[sflag:s0] =	ssyncadd.s32 @!p0 s1  }
0x19f: {  	[bflag:$0x3] =	sbarrier.arrive $0xFFFF  }
0x1a0: {  	_ =	shalt  }

// kernel: kernel.7.cloned.1.call-start
scs
__scs_entry_jumppad:
0x0: {  	(pc) =	sbr.rel $0x88, $3  }
0x1: {  	(tag) =	ssettag $0x0;
	lr =	simm.s32 $0x1  }
0x2: {  	[smem:$0x3F9F] =	sst lr;
	_ =	strace $0xD0000000  }
0x3: {  	_ = 	snop  }
0x4: {  	_ = 	snop  }
0x5: {  	_ = 	snop  }
0x6: {  	_ = 	snop  }
0x7: {  	_ = 	snop  }
__scs_overlays_trampoline_lowered:
0x8: {  	[smem:$0x3FAE] =	sst s0  }
0x9: {  	[smem:$0x3FAF] =	sst s1  }
0xa: {  	[smem:$0x3FB0] =	sst s2  }
0xb: {  	[smem:$0x3FB1] =	sst s3  }
0xc: {  	[smem:$0x3FB2] =	sst s4  }
0xd: {  	[smem:$0x3FB3] =	sst s5  }
0xe: {  	[smem:$0x3FB4] =	sst s6  }
0xf: {  	[smem:$0x3FB5] =	sst s7  }
0x10: {  	[smem:$0x3FB6] =	sst s8  }
0x11: {  	[smem:$0x3FB7] =	sst s9;
	s0 =	simm.s32 @!p0 $0x0  }
0x12: {  	s1 =	sld [smem:$0x3F9D];
	s0 =	simm.s32 @p0 $0x1  }
0x13: {  	[smem:$0x3FB8] =	sst s0;
	s0 =	simm.s32 @!p1 $0x0  }
0x14: {  	s2 =	sld [smem:$0x3F9C];
	s0 =	simm.s32 @p1 $0x1  }
0x15: {  	[smem:$0x3FB9] =	sst s0;
	s0 =	simm.s32 @!p2 $0x0  }
0x16: {  	s3 =	sld [smem:$0x3FDB];
	s0 =	simm.s32 @p2 $0x1  }
0x17: {  	s4 =	simm.s32 $0x1BF5;
	[smem:$0x3FBB] =	sst s0  }
0x18: {  	s0 =	sld [smem:$0x3F9E];
	_ =	swait.ge [sflag:s4], $0x0  }
0x19: {  	s7 =	sld [smem:$0x3F9F]  }
0x1a: {  	s8 =	sadd.s32 $0xFFFFE003, lr  }
0x1b: {  	s9 =	sadd.s32 $0xFFFFFEF7, lr;
	s5 =	simm.s32 $0xFFFFFFFF;
	p2 =	slt.u32 s8, $0xFFFFF086  }
0x1c: {  	p1 =	slt.u32 s9, $0xF7A;
	s5 =	simm.s32 @!p2 $0x0  }
0x1d: {  	s5 =	simm.s32 @p1 $0x1;
	p0 =	seq.s32 s7, s2  }
0x1e: {  	s7 =	smul.u32 @!p0 $0xF7A, s2;
	p2 =	seq.s32 @!p0 s5, $0x0  }
0x1f: {  	s9 =	smul.u32 $0xF7A, s1;
	s8 =	simm.s32 @!p0 $0x1BF5;
	p2 =	por !p2, p0  }
0x20: {  	[sflag:s8] =	ssyncset.s32 @!p0 $0xFFFFF086;
	s6 =	sadd.s32 @!p0 s3, s7;
	s7 =	simm.s32 @!p0 $0x108  }
0x21: {  	s3 =	sadd.s32 s3, s9;
	s6 =	sadd.s32 @!p0 $0x88, s6;
	s7 =	simm.s32 @p2 $0x1082  }
0x22: {  	[simem:s7], [sflag:s8] =	dma.local @!p0 [hbm:s6], $0xF7A  }
0x23: {  	s9 =	sor.u32 $0xD0000000, s2;
	s6 =	simm.s32 $0x108;
	_ =	swait.ge @!p0 [sflag:s8], $0x0  }
0x24: {  	s3 =	sadd.s32 $0x88, s3;
	s6 =	simm.s32 @!p1 $0x1082;
	[sflag:s4] =	ssyncset.s32 $0xFFFFF086  }
0x25: {  	[simem:s6], [sflag:s4] =	dma.local [hbm:s3], $0xF7A  }
0x26: {  	[smem:$0x3F9F] =	sst s1;
	(tag) =	ssettag s2;
	_ =	strace s9  }
0x27: {  	s1 =	sld [smem:$0x3FAF]  }
0x28: {  	s2 =	sld [smem:$0x3FB0]  }
0x29: {  	s4 =	sld [smem:$0x3FB2]  }
0x2a: {  	p0 =	seq.s32 s5, $0x0;
	s5 =	sld [smem:$0x3FB3]  }
0x2b: {  	s6 =	sld [smem:$0x3FB4]  }
0x2c: {  	s7 =	sld [smem:$0x3FB5]  }
0x2d: {  	s3 =	simm.s32 $0x108;
	s8 =	sld [smem:$0x3FB6]  }
0x2e: {  	s3 =	simm.s32 @!p0 $0x1082;
	s9 =	sld [smem:$0x3FB7]  }
0x2f: {  	lr =	sadd.s32 s0, s3;
	s0 =	sld [smem:$0x3FAE]  }
0x30: {  	s3 =	sld [smem:$0x3FB1]  }
0x31: {  	[smem:$0x3FBA] =	sst s10  }
0x32: {  	s10 =	sld [smem:$0x3FB8];
	_ =	sdelay $0x3  }
0x33: {  	p0 =	seq.s32 s10, $0x1;
	s10 =	sld [smem:$0x3FBA];
	_ =	sdelay $0x3  }
0x34: {  	[smem:$0x3FBA] =	sst s10  }
0x35: {  	s10 =	sld [smem:$0x3FB9];
	_ =	sdelay $0x3  }
0x36: {  	p1 =	seq.s32 s10, $0x1;
	s10 =	sld [smem:$0x3FBA];
	_ =	sdelay $0x3  }
0x37: {  	[smem:$0x3FBA] =	sst s10  }
0x38: {  	s10 =	sld [smem:$0x3FBB]  }
0x39: {  	_ = 	snop;
	(pc) =	sbr.ind lr, $3  }
0x3a: {  	_ = 	snop  }
0x3b: {  	_ = 	snop  }
0x3c: {  	p2 =	seq.s32 s10, $0x1;
	s10 =	sld [smem:$0x3FBA]  }
0x3d: {  	_ =	shalt  }
0x3e: {  	_ =	shalt  }
0x3f: {  	_ =	shalt  }
0x40: {  	_ =	shalt  }
0x41: {  	_ =	shalt  }
0x42: {  	_ =	shalt  }
0x43: {  	_ =	shalt  }
0x44: {  	_ =	shalt  }
0x45: {  	_ =	shalt  }
0x46: {  	_ =	shalt  }
0x47: {  	_ =	shalt  }
0x48: {  	_ =	shalt  }
0x49: {  	_ =	shalt  }
0x4a: {  	_ =	shalt  }
0x4b: {  	_ =	shalt  }
0x4c: {  	_ =	shalt  }
0x4d: {  	_ =	shalt  }
0x4e: {  	_ =	shalt  }
0x4f: {  	_ =	shalt  }
0x50: {  	_ =	shalt  }
0x51: {  	_ =	shalt  }
0x52: {  	_ =	shalt  }
0x53: {  	_ =	shalt  }
0x54: {  	_ =	shalt  }
0x55: {  	_ =	shalt  }
0x56: {  	_ =	shalt  }
0x57: {  	_ =	shalt  }
0x58: {  	_ =	shalt  }
0x59: {  	_ =	shalt  }
0x5a: {  	_ =	shalt  }
0x5b: {  	_ =	shalt  }
0x5c: {  	_ =	shalt  }
0x5d: {  	_ =	shalt  }
0x5e: {  	_ =	shalt  }
0x5f: {  	_ =	shalt  }
0x60: {  	_ =	shalt  }
0x61: {  	_ =	shalt  }
0x62: {  	_ =	shalt  }
0x63: {  	_ =	shalt  }
0x64: {  	_ =	shalt  }
0x65: {  	_ =	shalt  }
0x66: {  	_ =	shalt  }
0x67: {  	_ =	shalt  }
0x68: {  	_ =	shalt  }
0x69: {  	_ =	shalt  }
0x6a: {  	_ =	shalt  }
0x6b: {  	_ =	shalt  }
0x6c: {  	_ =	shalt  }
0x6d: {  	_ =	shalt  }
0x6e: {  	_ =	shalt  }
0x6f: {  	_ =	shalt  }
0x70: {  	_ =	shalt  }
0x71: {  	_ =	shalt  }
0x72: {  	_ =	shalt  }
0x73: {  	_ =	shalt  }
0x74: {  	_ =	shalt  }
0x75: {  	_ =	shalt  }
0x76: {  	_ =	shalt  }
0x77: {  	_ =	shalt  }
0x78: {  	_ =	shalt  }
0x79: {  	_ =	shalt  }
0x7a: {  	_ =	shalt  }
0x7b: {  	_ =	shalt  }
0x7c: {  	_ =	shalt  }
0x7d: {  	_ =	shalt  }
0x7e: {  	_ =	shalt  }
0x7f: {  	_ =	shalt  }
0x80: {  	_ =	shalt  }
0x81: {  	_ =	shalt  }
0x82: {  	_ =	shalt  }
0x83: {  	_ =	shalt  }
0x84: {  	_ =	shalt  }
0x85: {  	_ =	shalt  }
0x86: {  	_ =	shalt  }
0x87: {  	_ =	shalt  }
.Lfunc_end0:
.L_simem_size_0:
called_computation.1_lowered:
.L_overlay_start_0:
0x88: {  	s2 =	sld [smem:$0x3FD9]  }
0x89: {  	s3 =	sld [smem:$0x3FFE];
	_ =	sdelay $0x1  }
0x8a: {  	s1 =	srdreg.scid  }
0x8b: {  	s0 =	sand.u32 $0x1, s1  }
0x8c: {  	s17 =	sshll.u32 s0, $0xA;
	s2 =	sadd.s32 s3, s2  }
0x8d: {  	s2 =	sadd.s32 s2, s17  }
0x8e: {  	[smem:$0x3FC6] =	sst s2  }
0x8f: {  	_ = 	snop  }
0x90: {  	s2 =	sld [smem:$0x3FC9]  }
0x91: {  	s18 =	sld [smem:$0x3FD0];
	(tm) =	ssettm $0x1  }
0x92: {  	s4 =	sld [smem:$0x3FFB];
	_ =	sdelay $0x3  }
0x93: {  	_ =	strace s4  }
0x94: {  	s4 =	sld [smem:$0x3FFC];
	_ =	sdelay $0x3  }
0x95: {  	_ =	strace s4  }
0x96: {  	s4 =	sld [smem:$0x3FFD];
	_ =	sdelay $0x3  }
0x97: {  	_ =	strace s4  }
0x98: {  	_ =	strace $0x8FFFFFFF  }
0x99: {  	s19 =	sld [smem:$0x3FDB];
	_ =	sdelay $0x1  }
0x9a: {  	s5 =	simm.s32 $_scs_section_size  }
0x9b: {  	s6 =	simm.s32 $_size__tile_overlayer_lowered;
	s7 =	simm.s32 $_tile_overlayer_lowered  }
0x9c: {  	s22 =	simm.s32 $0x1BFF;
	s21 =	sshll.u32 s7, $0x1;
	s4 =	sadd.s32 s5, s19  }
0x9d: {  	s8 =	simm.s32 $0x0;
	s20 =	sshll.u32 s6, $0x1;
	s6 =	sadd.s32 s21, s4  }
0x9e: {  	[timem:s8], [sflag:s22] =	dma.local [hbm:s6], s20  }
0x9f: {  	_ =	swait.ge [sflag:s22], s20  }
0xa0: {  	s5 =	ssub.s32 $0x0, s20;
	[sflag:s22] =	ssyncset.done $0x0  }
0xa1: {  	[sflag:s22] =	ssyncadd.s32 s5;
	_ =	sdelay $0x1  }
0xa2: {  	s23 =	simm.s32 $0x1B8B  }
0xa3: {  	_ =	swait.ge [sflag:s23], $0x1  }
0xa4: {  	[sflag:s23] =	ssyncset.done $0x0  }
0xa5: {  	s25 =	simm.s32 $0x1B8E;
	s24 =	sld [smem:$0x3FFE];
	[sflag:s23] =	ssyncadd.s32 $0xFFFFFFFF  }
0xa6: {  	s26 =	simm.s32 $execute0_lowered;
	[smem:$0x3FD2] =	sst s25  }
0xa7: {  	s6 =	sshll.u32 s26, $0x1;
	_ =	strace $0x80000049;
	[dreg:$0x1] =	wrdreg $0xFFFFFFFF  }
0xa8: {  	s28 =	simm.s32 $_size_execute0_lowered;
	s4 =	sadd.s32 s4, s6;
	[dreg:$0x0] =	wrdreg $0x0  }
0xa9: {  	s6 =	sshll.u32 s28, $0x1;
	[dreg:$0x2] =	wrdreg s4  }
0xaa: {  	[dreg:$0x3] =	wrdreg s6  }
0xab: {  	[dreg:$0x4] =	wrdreg $0xC0  }
0xac: {  	_ =	task [dreg:s8], $0x5FFFF  }
0xad: {  	[dreg:$0x1] =	wrdreg $0xFFFFFFFF  }
0xae: {  	[dreg:$0x0] =	wrdreg $0x60  }
0xaf: {  	[dreg:$0x2] =	wrdreg s2  }
0xb0: {  	[dreg:$0x3] =	wrdreg s24  }
0xb1: {  	[dreg:$0x4] =	wrdreg s18  }
0xb2: {  	[dreg:$0x5] =	wrdreg $0x9  }
0xb3: {  	_ =	task.clear_ibuf [dreg:s8], $0x6FFFF;
	_ =	strace $0x90000049  }
0xb4: {  	s29 =	simm.s32 $0x9;
	_ =	strace $0x8000004B  }
0xb5: {  	_ =	swait.ge [sflag:s29], $0x1  }
0xb6: {  	[sflag:s29] =	ssyncadd.s32 $0xFFFFFFFF  }
0xb7: {  	_ =	strace $0x9000004B  }
0xb8: {  	_ =	sfence  }
0xb9: {  	s30 =	sld [smem:$0x0];
	_ =	sdelay $0x2  }
0xba: {  	s31 =	sshll.u32 s1, $0xD;
	s1 =	sshrl.u32 s1, $0x2  }
0xbb: {  	s3 =	sand.u32 $0x4000, s31;
	s1 =	sadd.s32 s1, s30  }
0xbc: {  	s0 =	sor.u32 s3, s0;
	s1 =	sshll.u32 s1, $0x11  }
0xbd: {  	s0 =	sor.u32 s1, s0  }
0xbe: {  	s0 =	sadd.s32 $0x8F2B, s0  }
0xbf: {  	[sflag:s0] =	ssyncadd.remote.s32 $0x1  }
0xc0: {  	_ =	sfence.sel $0xFFFF  }
0xc1: {  	[dreg:$0x0] =	wrdreg $0xFFFFFFFF;
	(pc) =	sbr.abs _section_cstart, $3  }
0xc2: {  	[dreg:$0x1] =	wrdreg $0xFFFFFFFF  }
0xc3: {  	_ =	task.clear_ibuf [dreg:s8], $0x2FFFF;
	_ =	strace $0x9FFFFFFF  }
0xc4: {  	(tm) =	ssettm $0x7FFFFFFF  }
0xc5: {  	_ =	shalt  }
tec
execute0_lowered:
.L_overlay_start_1:
0x0: {  	(tag) =	ssettag $0x1  }
0x1: {  	s0 =	rddreg [dreg:$0x0]  }
0x2: {  	s3 =	rddreg [dreg:$0x1]  }
0x3: {  	s9 =	rddreg [dreg:$0x2];
	s2 =	simm.s32 $0x0;
	s4 =	srdreg.scid  }
0x4: {  	s1 =	stileid.u32;
	s13 =	simm.s32 $0x1;
	[smem:$0x7FF] =	sst s2  }
0x5: {  	v0 =	vimm.f32 $2.621430000e+05;
	s14 =	simm.s32 $0x13100;
	s15 =	simm.s32 $0x13200;
	_ =	strace $0x8000004A  }
0x6: {  	s16 =	simm.s32 $0x13000;
	s17 =	simm.s32 $0x13400;
	s18 =	simm.s32 $0x13300;
	(erf) = vrcp.f32 v0  }
0x7: {  	s19 =	simm.s32 $0x2;
	s20 =	simm.s32 $0x12000;
	s21 =	simm.s32 $0x3  }
0x8: {  	s22 =	simm.s32 $0x4;
	s23 =	simm.s32 $0x5;
	s24 =	simm.s32 $0x6  }
0x9: {  	s25 =	simm.s32 $0x7;
	s26 =	simm.s32 $0x0;
	s4 =	sand.u32 $0x1, s4  }
0xa: {  	s6 =	sshll.u32 s1, $0xB;
	s5 =	ssub.s32 $0x2, s4;
	s4 =	sshll.u32 s4, $0xA  }
0xb: {  	v4 =	vimm.s32 $0x80;
	v6 =	vimm.s32 $0x180;
	v9 =	vimm.s32 $0x280;
	s3 =	sadd.s32 $0x800, s3;
	s7 =	sshrl.u32 s5, $0x1;
	s8 =	sor.u32 s4, s6  }
0xc: {  	v3 =	vimm.s32 $0xFF;
	s10 =	ssub.s32 s5, s7;
	s11 =	sor.u32 $0x8000, s8;
	s4 =	sadd.s32 s0, s8  }
0xd: {  	s12 =	sor.u32 $0x10000, s8;
	s7 =	sadd.s32 s9, s8;
	s5 =	sadd.s32 s0, s11  }
0xe: {  	v5 =	vimm.s32 $0x0;
	v8 =	vimm.s32 $0x100;
	v0 =	vlaneseq.u32;
	s6 =	sadd.s32 s0, s12;
	s8 =	sadd.s32 s9, s11;
	s9 =	sadd.s32 s9, s12  }
0xf: {  	v10 =	vimm.s32 $0x200;
	v1 =	vadd.s32 $0xFFFFFFFF, v0;
	v2 =	vor.u32 $0x80000000, v0;
	s10 =	smax.u32 s10, $0x1;
	s0 =	simm.s32 $0x2000;
	s12 =	simm.s32 $0x4000;
	v7 =	vpop (erf)  }
.LBB2_1:
0x10: {  	[tilespmem:s2], [sflag:$0x2] =	stream.linear.gather [hbm4b:s4+s2], $0x2000, $0x38;
	[tilespmem:$0x13500] =	vst v63  }
0x11: {  	_ = 	snop  }
0x12: {  	[tilespmem:s0], [sflag:$0x3] =	stream.linear.gather [hbm4b:s5+s2], $0x2000, $0x38;
	[tilespmem:$0x13500] =	vst v63  }
0x13: {  	_ = 	snop  }
0x14: {  	[tilespmem:s12], [sflag:$0x4] =	stream.linear.gather [hbm4b:s6+s2], $0x2000, $0x38;
	[tilespmem:$0x13500] =	vst v63  }
0x15: {  	s28 =	simm.s32 $0x6000  }
0x16: {  	[tilespmem:s28], [sflag:$0x1] =	stream.linear.gather [hbm4b:s3+s2], $0xC000, $0x38;
	[tilespmem:$0x13500] =	vst v63  }
0x17: {  	_ =	swait.ge [sflag:s13], $0xC000  }
0x18: {  	[sflag:s13] =	ssyncset.done $0x0  }
0x19: {  	s29 =	sand.u32 $0x7F0, s2;
	[sflag:s13] =	ssyncadd.s32 $0xFFFF4000  }
0x1a: {  	s30 =	simm.s32 $0x10;
	v11 =	vld [tilespmem:s29+$0x6600]  }
.LBB2_2:
0x1b: {  	p0 =	sne.s32 s30, $0x5F0;
	v12 =	vld [tilespmem:s28+$0x0]  }
0x1c: {  	v13 =	vld [tilespmem:s29+$0x6C00]  }
0x1d: {  	v14 =	vld [tilespmem:s29+$0x7200]  }
0x1e: {  	v15 =	vld [tilespmem:s29+$0x7800]  }
0x1f: {  	v16 =	vld [tilespmem:s29+$0x7E00]  }
0x20: {  	v11 =	vadd.s32 v12, v11;
	v12 =	vld [tilespmem:s29+$0x8400]  }
0x21: {  	v11 =	vadd.s32 v13, v11;
	v13 =	vld [tilespmem:s29+$0x8A00]  }
0x22: {  	v11 =	vadd.s32 v14, v11;
	v14 =	vld [tilespmem:s29+$0x9000]  }
0x23: {  	v11 =	vadd.s32 v15, v11;
	v15 =	vld [tilespmem:s29+$0x9600]  }
0x24: {  	v11 =	vadd.s32 v16, v11;
	v16 =	vld [tilespmem:s29+$0x9C00]  }
0x25: {  	v11 =	vadd.s32 v12, v11;
	v12 =	vld [tilespmem:s29+$0xA200]  }
0x26: {  	v11 =	vadd.s32 v13, v11;
	v13 =	vld [tilespmem:s29+$0xA800]  }
0x27: {  	v11 =	vadd.s32 v14, v11;
	v14 =	vld [tilespmem:s29+$0xAE00]  }
0x28: {  	v11 =	vadd.s32 v15, v11;
	v15 =	vld [tilespmem:s29+$0xB400]  }
0x29: {  	v11 =	vadd.s32 v16, v11;
	v16 =	vld [tilespmem:s29+$0xBA00]  }
0x2a: {  	v11 =	vadd.s32 v12, v11;
	v12 =	vld [tilespmem:s29+$0xC000]  }
0x2b: {  	v11 =	vadd.s32 v13, v11;
	v13 =	vld [tilespmem:s29+$0xC600]  }
0x2c: {  	v11 =	vadd.s32 v14, v11;
	v14 =	vld [tilespmem:s29+$0xCC00]  }
0x2d: {  	v11 =	vadd.s32 v15, v11;
	v15 =	vld [tilespmem:s29+$0xD200]  }
0x2e: {  	v11 =	vadd.s32 v16, v11;
	v16 =	vld [tilespmem:s29+$0xD800]  }
0x2f: {  	v11 =	vadd.s32 v12, v11;
	v12 =	vld [tilespmem:s29+$0xDE00]  }
0x30: {  	v11 =	vadd.s32 v13, v11;
	v13 =	vld [tilespmem:s29+$0xE400]  }
0x31: {  	v11 =	vadd.s32 v14, v11;
	v14 =	vld [tilespmem:s29+$0xEA00]  }
0x32: {  	v11 =	vadd.s32 v15, v11;
	v15 =	vld [tilespmem:s29+$0xF000]  }
0x33: {  	v11 =	vadd.s32 v16, v11;
	v16 =	vld [tilespmem:s29+$0xF600]  }
0x34: {  	v11 =	vadd.s32 v12, v11;
	v12 =	vld [tilespmem:s29+$0xFC00]  }
0x35: {  	v11 =	vadd.s32 v13, v11;
	v13 =	vld [tilespmem:s29+$0x10200]  }
0x36: {  	v11 =	vadd.s32 v14, v11;
	v14 =	vld [tilespmem:s29+$0x10800]  }
0x37: {  	v11 =	vadd.s32 v15, v11;
	v15 =	vld [tilespmem:s29+$0x10E00]  }
0x38: {  	v11 =	vadd.s32 v16, v11;
	v16 =	vld [tilespmem:s29+$0x11400]  }
0x39: {  	v11 =	vadd.s32 v12, v11;
	v12 =	vld [tilespmem:s29+$0x11A00]  }
0x3a: {  	v11 =	vadd.s32 v13, v11  }
0x3b: {  	v11 =	vadd.s32 v14, v11  }
.Ltmp0:
0x3c: {  	v11 =	vadd.s32 v15, v11;
	(pc) =	sbr.rel @p0 .LBB2_2-.Ltmp0, $4  }
0x3d: {  	v11 =	vadd.s32 v16, v11  }
0x3e: {  	v11 =	vadd.s32 v12, v11  }
0x3f: {  	s29 =	sand.u32 $0x7F0, s30;
	[tilespmem:s28+$0x0] =	vst v11  }
0x40: {  	s30 =	sadd.s32 $0x10, s30;
	s28 =	sadd.s32 $0x10, s28;
	v11 =	vld [tilespmem:s29+$0x6600]  }
0x41: {  	v12 =	vld [tilespmem:s28+$0x0]  }
0x42: {  	v13 =	vld [tilespmem:s29+$0x6C00]  }
0x43: {  	v14 =	vld [tilespmem:s29+$0x7200]  }
0x44: {  	v15 =	vld [tilespmem:s29+$0x7800]  }
0x45: {  	v16 =	vld [tilespmem:s29+$0x7E00]  }
0x46: {  	v37 =	vld [tilespmem:s29+$0x8400];
	v11 =	vadd.s32 v12, v11  }
0x47: {  	v38 =	vld [tilespmem:s29+$0x8A00];
	v11 =	vadd.s32 v13, v11  }
0x48: {  	v39 =	vld [tilespmem:s29+$0x9000];
	v11 =	vadd.s32 v14, v11  }
0x49: {  	v40 =	vld [tilespmem:s29+$0x9600];
	v11 =	vadd.s32 v15, v11  }
0x4a: {  	v41 =	vld [tilespmem:s29+$0x9C00];
	v11 =	vadd.s32 v16, v11  }
0x4b: {  	v42 =	vld [tilespmem:s29+$0xA200];
	v11 =	vadd.s32 v37, v11  }
0x4c: {  	v43 =	vld [tilespmem:s29+$0xA800];
	v11 =	vadd.s32 v38, v11  }
0x4d: {  	v44 =	vld [tilespmem:s29+$0xAE00];
	v11 =	vadd.s32 v39, v11  }
0x4e: {  	v45 =	vld [tilespmem:s29+$0xB400];
	v11 =	vadd.s32 v40, v11  }
0x4f: {  	v46 =	vld [tilespmem:s29+$0xBA00];
	v11 =	vadd.s32 v41, v11  }
0x50: {  	v47 =	vld [tilespmem:s29+$0xC000];
	v11 =	vadd.s32 v42, v11  }
0x51: {  	v48 =	vld [tilespmem:s29+$0xC600];
	v11 =	vadd.s32 v43, v11  }
0x52: {  	v49 =	vld [tilespmem:s29+$0xCC00];
	v11 =	vadd.s32 v44, v11  }
0x53: {  	v50 =	vld [tilespmem:s29+$0xD200];
	v11 =	vadd.s32 v45, v11  }
0x54: {  	v51 =	vld [tilespmem:s29+$0xD800];
	v11 =	vadd.s32 v46, v11  }
0x55: {  	v52 =	vld [tilespmem:s29+$0xDE00];
	v11 =	vadd.s32 v47, v11  }
0x56: {  	v53 =	vld [tilespmem:s29+$0xE400];
	v11 =	vadd.s32 v48, v11  }
0x57: {  	v54 =	vld [tilespmem:s29+$0xEA00];
	v11 =	vadd.s32 v49, v11  }
0x58: {  	v55 =	vld [tilespmem:s29+$0xF000];
	v11 =	vadd.s32 v50, v11  }
0x59: {  	v56 =	vld [tilespmem:s29+$0xF600];
	v11 =	vadd.s32 v51, v11  }
0x5a: {  	v57 =	vld [tilespmem:s29+$0xFC00];
	v11 =	vadd.s32 v52, v11  }
0x5b: {  	v58 =	vld [tilespmem:s29+$0x10200];
	v11 =	vadd.s32 v53, v11  }
0x5c: {  	v59 =	vld [tilespmem:s29+$0x10800];
	v11 =	vadd.s32 v54, v11  }
0x5d: {  	v60 =	vld [tilespmem:s29+$0x10E00];
	v11 =	vadd.s32 v55, v11  }
0x5e: {  	v61 =	vld [tilespmem:s29+$0x11400];
	v11 =	vadd.s32 v56, v11  }
0x5f: {  	v62 =	vld [tilespmem:s29+$0x11A00];
	v11 =	vadd.s32 v57, v11  }
0x60: {  	v11 =	vadd.s32 v58, v11  }
0x61: {  	v11 =	vadd.s32 v59, v11  }
0x62: {  	v11 =	vadd.s32 v60, v11  }
0x63: {  	v11 =	vadd.s32 v61, v11  }
0x64: {  	v11 =	vadd.s32 v62, v11  }
0x65: {  	s0 =	simm.s32 $0x0;
	[tilespmem:s28+$0x0] =	vst v11  }
0x66: {  	v11 =	vld [tilespmem:s0+$0x6000];
	_ =	sdelay $0x4  }
0x67: {  	(xrf0) =	vadd.scan.msk.s32 $0xffff, v11;
	_ =	sdelay $0x5  }
0x68: {  	v11 =	vimm.s32 $0x0;
	v63, _, _ =	vpop (xrf0)  }
0x69: {  	v11 =	vadd.s32 v11, v63  }
0x6a: {  	v12 =	vxor.u32 $0x80000000, v11  }
0x6b: {  	(xrf0) =	vmax.scan.msk.u32 $0xffff, v12;
	_ =	sdelay $0x5  }
0x6c: {  	v12, _, _ =	vpop (xrf0)  }
0x6d: {  	(v2sf) =	vpush v12, $0xF;
	_ =	sdelay $0x4  }
0x6e: {  	s29 =	simm.s32 $0x10;
	s28 =	simm.s32 $0x80;
	[tilespmem:s0+$0x12F00] =	vst v11  }
.LBB2_4:
0x6f: {  	p0 =	sne.s32 s28, $0x3C0;
	v11 =	vld [tilespmem:s29+$0x6000];
	_ =	sdelay $0x4  }
0x70: {  	(xrf0) =	vadd.scan.msk.s32 $0xffff, v11;
	_ =	sdelay $0x3  }
0x71: {  	s0 =	spop (v2sf)  }
0x72: {  	s0 =	sxor.u32 $0x80000000, s0  }
0x73: {  	v11, _, _ =	vpop (xrf0);
	v12 =	vmov s0  }
0x74: {  	v11 =	vadd.s32 v12, v11  }
0x75: {  	[tilespmem:s29+$0x12F00] =	vst v11;
	v11 =	vxor.u32 $0x80000000, v11  }
0x76: {  	(xrf0) =	vmax.scan.msk.u32 $0xffff, v11;
	_ =	sdelay $0x5  }
0x77: {  	v11, _, _ =	vpop (xrf0)  }
0x78: {  	(v2sf) =	vpush v11, $0xF  }
.Ltmp1:
0x79: {  	(pc) =	sbr.rel @p0 .LBB2_4-.Ltmp1, $2  }
0x7a: {  	_ =	sdelay $0x2  }
0x7b: {  	s29 =	sshra.s32 s28, $0x2;
	s28 =	sadd.s32 $0x40, s28  }
0x7c: {  	v11 =	vld [tilespmem:s29+$0x6000];
	_ =	sdelay $0x4  }
0x7d: {  	(xrf0) =	vadd.scan.msk.s32 $0xffff, v11;
	_ =	sdelay $0x3  }
0x7e: {  	s0 =	spop (v2sf)  }
0x7f: {  	s0 =	sxor.u32 $0x80000000, s0  }
0x80: {  	v11, _, _ =	vpop (xrf0);
	v12 =	vmov s0  }
0x81: {  	v11 =	vadd.s32 v12, v11  }
0x82: {  	[tilespmem:s29+$0x12F00] =	vst v11  }
0x83: {  	v12 =	vld [tilespmem:$0x12F00];
	_ =	sdelay $0x3  }
0x84: {  	v11 =	vxor.u32 $0x80000000, v11  }
0x85: {  	(xrf0) =	vmax.scan.msk.u32 $0xffff, v11;
	v11 =	vxor.u32 $0x80000000, v12  }
0x86: {  	(xrf0) =	vmin.scan.msk.u32 $0xffff, v11;
	_ =	sdelay $0x4  }
0x87: {  	v11, _, _ =	vpop (xrf0)  }
0x88: {  	(v2sf) =	vpush v11, $0xF;
	v11, _, _ =	vpop (xrf0)  }
0x89: {  	(v2sf) =	vpush v11, $0xF;
	_ =	sdelay $0xb  }
0x8a: {  	s28 =	simm.s32 $0x0  }
0x8b: {  	v12 =	vld [tilespmem:s28+$0x12F00]  }
0x8c: {  	s31 =	spop (v2sf)  }
0x8d: {  	s0 =	spop (v2sf)  }
0x8e: {  	s0 =	sxor.u32 $0x80000000, s0  }
0x8f: {  	v11 =	vmov s0  }
0x90: {  	v12 =	vsub.s32 v12, v11  }
0x91: {  	v12 =	vcvt.s32.f32 v12  }
0x92: {  	s30 =	simm.s32 $0x10  }
0x93: {  	v13 =	vadd.f32 v12, v12;
	v12 =	vld [tilespmem:s30+$0x12F00];
	_ =	sdelay $0x3  }
0x94: {  	s29 =	simm.s32 $0x0;
	s0 =	simm.s32 $0x80;
	v13 =	vmul.f32 v13, v7  }
.LBB2_6:
0x95: {  	s31 =	sshra.s32 s0, $0x2;
	p0 =	sne.s32 s0, $0x3C0;
	s0 =	sadd.s32 $0x40, s0;
	v14 =	vsub.s32 v12, v11  }
.Ltmp2:
0x96: {  	v12 =	vld [tilespmem:s31+$0x12F00];
	v14 =	vcvt.s32.f32 v14;
	v13 =	vadd.f32 $-1.000000000e+00, v13;
	(pc) =	sbr.rel @p0 .LBB2_6-.Ltmp2, $3  }
0x97: {  	_ = 	snop  }
0x98: {  	v14 =	vadd.f32 v14, v14;
	[tilespmem:s28+$0x13000] =	vst v13;
	s28 =	smov.u32 s30;
	s30 =	smov.u32 s31;
	_ =	sdelay $0x1  }
0x99: {  	v13 =	vmul.f32 v14, v7  }
0x9a: {  	v11 =	vsub.s32 v12, v11  }
0x9b: {  	v11 =	vcvt.s32.f32 v11;
	_ =	sdelay $0x1  }
0x9c: {  	v11 =	vadd.f32 v11, v11;
	_ =	sdelay $0x1  }
0x9d: {  	v11 =	vmul.f32 v11, v7  }
0x9e: {  	v62 =	vadd.f32 $-1.000000000e+00, v13  }
0x9f: {  	v11 =	vadd.f32 $-1.000000000e+00, v11  }
0xa0: {  	[tilespmem:s28+$0x13000] =	vst v62  }
0xa1: {  	s0 =	sand.u32 $0xF0, s29;
	[tilespmem:s30+$0x13000] =	vst v11  }
0xa2: {  	v11 =	vld [tilespmem:s0+$0x6300];
	_ =	sdelay $0x4  }
0xa3: {  	(xrf0) =	vadd.scan.msk.s32 $0xffff, v11;
	_ =	sdelay $0x5  }
0xa4: {  	v11 =	vimm.s32 $0x0;
	v63, _, _ =	vpop (xrf0)  }
0xa5: {  	v11 =	vadd.s32 v11, v63  }
0xa6: {  	v12 =	vxor.u32 $0x80000000, v11  }
0xa7: {  	(xrf0) =	vmax.scan.msk.u32 $0xffff, v12;
	_ =	sdelay $0x5  }
0xa8: {  	v12, _, _ =	vpop (xrf0)  }
0xa9: {  	(v2sf) =	vpush v12, $0xF;
	_ =	sdelay $0x3  }
0xaa: {  	s31 =	simm.s32 $0x10;
	s28 =	simm.s32 $0x12F00  }
0xab: {  	s29 =	simm.s32 $0x20;
	s0 =	sand.u32 $0xF0, s31;
	[tilespmem:s28+$0x0] =	vst v11  }
.LBB2_8:
0xac: {  	p0 =	sne.s32 s29, $0xF0;
	v11 =	vld [tilespmem:s0+$0x6300];
	_ =	sdelay $0x4  }
0xad: {  	(xrf0) =	vadd.scan.msk.s32 $0xffff, v11;
	_ =	sdelay $0x3  }
0xae: {  	s0 =	spop (v2sf)  }
0xaf: {  	s0 =	sxor.u32 $0x80000000, s0  }
0xb0: {  	v11, _, _ =	vpop (xrf0);
	v12 =	vmov s0  }
0xb1: {  	s28 =	sadd.s32 $0x10, s28;
	v11 =	vadd.s32 v12, v11  }
0xb2: {  	[tilespmem:s28+$0x0] =	vst v11;
	v11 =	vxor.u32 $0x80000000, v11  }
0xb3: {  	(xrf0) =	vmax.scan.msk.u32 $0xffff, v11;
	_ =	sdelay $0x5  }
0xb4: {  	v11, _, _ =	vpop (xrf0)  }
0xb5: {  	(v2sf) =	vpush v11, $0xF  }
.Ltmp3:
0xb6: {  	(pc) =	sbr.rel @p0 .LBB2_8-.Ltmp3, $2  }
0xb7: {  	_ =	sdelay $0x2  }
0xb8: {  	s0 =	sand.u32 $0xF0, s29;
	s29 =	sadd.s32 $0x10, s29  }
0xb9: {  	v11 =	vld [tilespmem:s0+$0x6300];
	_ =	sdelay $0x4  }
0xba: {  	(xrf0) =	vadd.scan.msk.s32 $0xffff, v11;
	_ =	sdelay $0x3  }
0xbb: {  	s1 =	spop (v2sf)  }
0xbc: {  	s0 =	sxor.u32 $0x80000000, s1  }
0xbd: {  	v11, _, _ =	vpop (xrf0);
	v12 =	vmov s0  }
0xbe: {  	s11 =	sadd.s32 $0x10, s28;
	v11 =	vadd.s32 v12, v11  }
0xbf: {  	[tilespmem:s11+$0x0] =	vst v11  }
0xc0: {  	v12 =	vld [tilespmem:$0x12F00];
	_ =	sdelay $0x3  }
0xc1: {  	v11 =	vxor.u32 $0x80000000, v11  }
0xc2: {  	(xrf0) =	vmax.scan.msk.u32 $0xffff, v11;
	v11 =	vxor.u32 $0x80000000, v12  }
0xc3: {  	(xrf0) =	vmin.scan.msk.u32 $0xffff, v11;
	_ =	sdelay $0x4  }
0xc4: {  	v11, _, _ =	vpop (xrf0)  }
0xc5: {  	(v2sf) =	vpush v11, $0xF;
	v11, _, _ =	vpop (xrf0)  }
0xc6: {  	(v2sf) =	vpush v11, $0xF;
	_ =	sdelay $0xb  }
0xc7: {  	s29 =	simm.s32 $0x0  }
0xc8: {  	v12 =	vld [tilespmem:s29+$0x12F00]  }
0xc9: {  	s31 =	spop (v2sf)  }
0xca: {  	s0 =	spop (v2sf)  }
0xcb: {  	s0 =	sxor.u32 $0x80000000, s0  }
0xcc: {  	v11 =	vmov s0  }
0xcd: {  	v12 =	vsub.s32 v12, v11  }
0xce: {  	v12 =	vcvt.s32.f32 v12  }
0xcf: {  	s30 =	simm.s32 $0x10  }
0xd0: {  	v13 =	vadd.f32 v12, v12;
	v12 =	vld [tilespmem:s30+$0x12F00];
	_ =	sdelay $0x3  }
0xd1: {  	s28 =	simm.s32 $0x0;
	s0 =	simm.s32 $0x80;
	v13 =	vmul.f32 v13, v7  }
.LBB2_10:
0xd2: {  	s31 =	sshra.s32 s0, $0x2;
	p0 =	sne.s32 s0, $0x3C0;
	s0 =	sadd.s32 $0x40, s0;
	v14 =	vsub.s32 v12, v11  }
.Ltmp4:
0xd3: {  	v12 =	vld [tilespmem:s31+$0x12F00];
	v14 =	vcvt.s32.f32 v14;
	v13 =	vadd.f32 $-1.000000000e+00, v13;
	(pc) =	sbr.rel @p0 .LBB2_10-.Ltmp4, $3  }
0xd4: {  	_ = 	snop  }
0xd5: {  	v14 =	vadd.f32 v14, v14;
	[tilespmem:s29+$0x13100] =	vst v13;
	s29 =	smov.u32 s30;
	s30 =	smov.u32 s31;
	_ =	sdelay $0x1  }
0xd6: {  	v13 =	vmul.f32 v14, v7  }
0xd7: {  	v11 =	vsub.s32 v12, v11  }
0xd8: {  	v11 =	vcvt.s32.f32 v11;
	_ =	sdelay $0x1  }
0xd9: {  	v53 =	vadd.s32 s28, v1;
	v11 =	vadd.f32 v11, v11  }
0xda: {  	vm0 =	vgt.s32 v53, $0x0  }
0xdb: {  	v12 =	vnsel vm0, $0x0, v53;
	v11 =	vmul.f32 v11, v7  }
0xdc: {  	v14 =	vor.u32 s28, v0;
	v13 =	vadd.f32 $-1.000000000e+00, v13  }
0xdd: {  	v11 =	vadd.f32 $-1.000000000e+00, v11  }
0xde: {  	[tilespmem:s29+$0x13100] =	vst v13  }
0xdf: {  	[tilespmem:s30+$0x13100] =	vst v11  }
0xe0: {  	v11 =	vld.idx.msk [tilespmem:v12+s14+$0x0], $0xffff  }
0xe1: {  	v54 =	vld.idx.msk [tilespmem:v14+s14+$0x0], $0xffff;
	_ =	sdelay $0x4  }
0xe2: {  	vm9 =	vlt.f32 v54, v11;
	vm1 =	vgt.f32 v54, v11  }
0xe3: {  	v55 =	vor.u32 s28, v2;
	vm0 =	vmor vm1, vm9  }
0xe4: {  	v13 =	vnsel vm0, $0x80000000, v55  }
0xe5: {  	(xrf0) =	vmax.scan.msk.u32 $0xffff, v13;
	_ =	sdelay $0x5  }
0xe6: {  	v13, _, _ =	vpop (xrf0)  }
0xe7: {  	v56 =	vimm.s32 $0x0;
	v13 =	vxor.u32 $0x80000000, v13  }
0xe8: {  	vm10 =	vgt.s32 v13, v56  }
0xe9: {  	v13 =	vsel vm10, v13, v56  }
0xea: {  	v14 =	vxor.u32 $0x80000000, v13  }
0xeb: {  	(xrf0) =	vmax.scan.msk.u32 $0xffff, v14  }
0xec: {  	s0 =	simm.s32 $0x10  }
0xed: {  	v57 =	vadd.s32 s0, v1;
	v11 =	vadd.f32 v11, v54  }
0xee: {  	vm11 =	vgt.s32 v57, $0x0  }
0xef: {  	v58 =	vmov s28;
	v12 =	vnsel vm11, $0x0, v57;
	v11 =	vmul.f32 $5.000000000e-01, v11  }
0xf0: {  	vm12 =	veq.s32 v58, v0;
	v59 =	vor.u32 s0, v0  }
0xf1: {  	s29 =	simm.s32 $0x13200;
	v11 =	vsel vm12, $0xFF61B1E6, v11;
	v15, _, _ =	vpop (xrf0)  }
0xf2: {  	s28 =	simm.s32 $0x13400;
	[tilespmem:s29+$0x0] =	vst v11;
	(v2sf) =	vpush v15, $0xF  }
0xf3: {  	[tilespmem:s28+$0x0] =	vst v13  }
0xf4: {  	v11 =	vld.idx.msk [tilespmem:v12+s14+$0x0], $0xffff  }
0xf5: {  	v60 =	vld.idx.msk [tilespmem:v59+s14+$0x0], $0xffff;
	_ =	sdelay $0x4  }
0xf6: {  	v63 =	vor.u32 s0, v2;
	vm13 =	vlt.f32 v60, v11;
	vm14 =	vgt.f32 v60, v11  }
0xf7: {  	v61 =	vadd.f32 v11, v60;
	v11 =	vmov s0;
	vm0 =	vmor vm14, vm13  }
0xf8: {  	vm15 =	veq.s32 v11, v0;
	v11 =	vnsel vm0, $0x80000000, v63  }
0xf9: {  	(xrf0) =	vmax.scan.msk.u32 $0xffff, v11  }
0xfa: {  	v62 =	vmul.f32 $5.000000000e-01, v61;
	_ =	sdelay $0x1  }
0xfb: {  	s29 =	simm.s32 $0x13210;
	v12 =	vsel vm15, $0xFF61B1E6, v62  }
0xfc: {  	s0 =	simm.s32 $0x20;
	[tilespmem:s29+$0x0] =	vst v12;
	s30 =	spop (v2sf)  }
.LBB2_12:
0xfd: {  	s30 =	sxor.u32 $0x80000000, s30  }
0xfe: {  	v11, _, _ =	vpop (xrf0);
	s28 =	sadd.s32 $0x10, s28;
	s31 =	smov.u32 s0;
	s1 =	sadd.s32 $0x10, s0  }
0xff: {  	p0 =	sne.s32 s0, $0xF0;
	v11 =	vxor.u32 $0x80000000, v11;
	v12 =	vmov s30  }
0x100: {  	vm0 =	vgt.s32 v11, v12  }
0x101: {  	v11 =	vsel vm0, v11, v12  }
0x102: {  	[tilespmem:s28+$0x0] =	vst v11;
	v11 =	vxor.u32 $0x80000000, v11  }
0x103: {  	v12 =	vadd.s32 s31, v1;
	(xrf0) =	vmax.scan.msk.u32 $0xffff, v11  }
0x104: {  	vm0 =	vgt.s32 v12, $0x0  }
0x105: {  	v11 =	vor.u32 s31, v0;
	v12 =	vnsel vm0, $0x0, v12;
	_ =	sdelay $0x3  }
0x106: {  	v13, _, _ =	vpop (xrf0)  }
0x107: {  	v12 =	vld.idx.msk [tilespmem:v12+s14+$0x0], $0xffff;
	(v2sf) =	vpush v13, $0xF  }
0x108: {  	v11 =	vld.idx.msk [tilespmem:v11+s14+$0x0], $0xffff;
	_ =	sdelay $0x4  }
0x109: {  	v13 =	vor.u32 s31, v2  }
0x10a: {  	v14 =	vadd.f32 v12, v11;
	vm0 =	vlt.f32 v11, v12;
	vm1 =	vgt.f32 v11, v12  }
0x10b: {  	vm0 =	vmor vm1, vm0  }
0x10c: {  	v11 =	vmov s31;
	v12 =	vmul.f32 $5.000000000e-01, v14;
	v13 =	vnsel vm0, $0x80000000, v13  }
0x10d: {  	vm0 =	veq.s32 v11, v0;
	(xrf0) =	vmax.scan.msk.u32 $0xffff, v13  }
.Ltmp5:
0x10e: {  	s29 =	sadd.s32 $0x10, s29;
	v11 =	vsel vm0, $0xFF61B1E6, v12;
	(pc) =	sbr.rel @p0 .LBB2_12-.Ltmp5, $2  }
0x10f: {  	[tilespmem:s29+$0x0] =	vst v11;
	_ =	sdelay $0x2  }
0x110: {  	s0 =	smov.u32 s1;
	s30 =	spop (v2sf)  }
0x111: {  	v11, _, _ =	vpop (xrf0);
	s0 =	sxor.u32 $0x80000000, s30  }
0x112: {  	v11 =	vxor.u32 $0x80000000, v11;
	v12 =	vmov s0  }
0x113: {  	vm0 =	vgt.s32 v11, v12  }
0x114: {  	v11 =	vsel vm0, v11, v12  }
0x115: {  	v12 =	vxor.u32 $0x80000000, v11  }
0x116: {  	(xrf0) =	vmax.scan.msk.u32 $0xffff, v12;
	_ =	sdelay $0x5  }
0x117: {  	v12, _, _ =	vpop (xrf0)  }
0x118: {  	(v2sf) =	vpush v12, $0xF;
	_ =	sdelay $0xd  }
0x119: {  	s28 =	sadd.s32 $0x10, s28  }
0x11a: {  	s29 =	simm.s32 $0x0;
	s30 =	simm.s32 $0x0;
	[tilespmem:s28+$0x0] =	vst v11;
	s31 =	spop (v2sf)  }
.LBB2_14:
0x11b: {  	s31 =	sshra.s32 s30, $0x2;
	v11 =	vld.idx.msk [tilespmem:v4+s15+$0x0], $0xffff  }
0x11c: {  	v12 =	vld [tilespmem:s31+$0x13000];
	_ =	sdelay $0x4  }
0x11d: {  	vm0 =	vlt.f32 v11, v12;
	v11 =	vimm.s32 $0x0  }
0x11e: {  	v13 =	vsel vm0, $0x80, v11  }
0x11f: {  	v14 =	vor.u32 $0x40, v13;
	_ =	sdelay $0x4  }
0x120: {  	v15 =	vld.idx.msk [tilespmem:v14+s15+$0x0], $0xffff;
	_ =	sdelay $0x4  }
0x121: {  	vm7 =	vlt.f32 v15, v12  }
0x122: {  	v14 =	vsel vm7, v14, v13  }
0x123: {  	v52 =	vor.u32 $0x20, v14  }
0x124: {  	v16 =	vand.u32 $0x60, v52  }
0x125: {  	v13 =	vor.u32 v13, v16;
	_ =	sdelay $0x4  }
0x126: {  	v13 =	vld.idx.msk [tilespmem:v13+s15+$0x0], $0xffff;
	_ =	sdelay $0x4  }
0x127: {  	vm8 =	vlt.f32 v13, v12  }
0x128: {  	v13 =	vsel vm8, v52, v14  }
0x129: {  	v14 =	vor.u32 $0x10, v13;
	_ =	sdelay $0x4  }
0x12a: {  	v53 =	vld.idx.msk [tilespmem:v14+s15+$0x0], $0xffff;
	_ =	sdelay $0x4  }
0x12b: {  	vm9 =	vlt.f32 v53, v12  }
0x12c: {  	v13 =	vsel vm9, v14, v13  }
0x12d: {  	v14 =	vadd.s32 $0x8, v13;
	_ =	sdelay $0x4  }
0x12e: {  	v54 =	vld.idx.msk [tilespmem:v14+s15+$0x0], $0xffff;
	_ =	sdelay $0x4  }
0x12f: {  	vm10 =	vlt.f32 v54, v12  }
0x130: {  	v13 =	vsel vm10, v14, v13  }
0x131: {  	v14 =	vadd.s32 $0x4, v13;
	_ =	sdelay $0x4  }
0x132: {  	v55 =	vld.idx.msk [tilespmem:v14+s15+$0x0], $0xffff;
	_ =	sdelay $0x4  }
0x133: {  	vm11 =	vlt.f32 v55, v12  }
0x134: {  	v13 =	vsel vm11, v14, v13  }
0x135: {  	v14 =	vadd.s32 $0x2, v13;
	_ =	sdelay $0x4  }
0x136: {  	v56 =	vld.idx.msk [tilespmem:v14+s15+$0x0], $0xffff;
	_ =	sdelay $0x4  }
0x137: {  	vm12 =	vlt.f32 v56, v12  }
0x138: {  	v13 =	vsel vm12, v14, v13  }
0x139: {  	v14 =	vadd.s32 $0x1, v13;
	_ =	sdelay $0x4  }
0x13a: {  	v57 =	vld.idx.msk [tilespmem:v14+s15+$0x0], $0xffff;
	_ =	sdelay $0x4  }
0x13b: {  	vm13 =	vlt.f32 v57, v12  }
0x13c: {  	v13 =	vsel vm13, v14, v13;
	_ =	sdelay $0x3  }
0x13d: {  	s28 =	simm.s32 $0x13400  }
0x13e: {  	v13 =	vld.idx.msk [tilespmem:v13+s28+$0x0], $0xffff;
	_ =	sdelay $0x4  }
0x13f: {  	v58 =	vadd.s32 $0xFFFFFFFF, v13  }
0x140: {  	v59 =	vadd.s32 $0xFF, v13;
	vm14 =	vlt.s32 v58, $0x0  }
0x141: {  	v15 =	vsel vm14, v59, v58;
	_ =	sdelay $0x3  }
0x142: {  	v60 =	vld.idx.msk [tilespmem:v13+s14+$0x0], $0xffff  }
0x143: {  	v15 =	vld.idx.msk [tilespmem:v15+s14+$0x0], $0xffff;
	_ =	sdelay $0x3  }
0x144: {  	v17 =	vadd.s32 $0x1FF, v13  }
0x145: {  	v14 =	vsel vm14, v17, v58;
	v16 =	vsub.f32 v60, v15  }
0x146: {  	v14 =	vcvt.s32.f32 v14  }
0x147: {  	v13 =	vcvt.s32.f32 v13;
	(erf) = vrcp.f32 v16;
	_ =	sdelay $0x1  }
0x148: {  	v14 =	vmul.f32 $3.906250000e-03, v14;
	v13 =	vmul.f32 $3.906250000e-03, v13;
	_ =	sdelay $0x1  }
0x149: {  	v14 =	vadd.f32 $-1.000000000e+00, v14;
	v13 =	vadd.f32 $-1.000000000e+00, v13;
	_ =	sdelay $0x1  }
0x14a: {  	v13 =	vsub.f32 v13, v14;
	v15 =	vsub.f32 v12, v15;
	_ =	sdelay $0x1  }
0x14b: {  	v61 =	vld.idx.msk [tilespmem:v3+s14+$0x0], $0xffff;
	v13 =	vmul.f32 v13, v15  }
0x14c: {  	v62 =	vpop (erf)  }
0x14d: {  	v13 =	vmul.f32 v13, v62  }
0x14e: {  	p0 =	sne.s32 s30, $0x3C0  }
.Ltmp6:
0x14f: {  	v13 =	vadd.f32 v13, v14;
	(pc) =	sbr.rel @p0 .LBB2_14-.Ltmp6, $4  }
0x150: {  	vm15 =	vge.f32 v12, v61  }
0x151: {  	vm1 =	vle.f32 v12, $-1.000000000e+00;
	v63 =	vsel vm15, $0x3F7F0000, v13  }
0x152: {  	v12 =	vsel vm1, $0xBF800000, v63  }
0x153: {  	s30 =	sadd.s32 $0x40, s30;
	[tilespmem:s31+$0x13300] =	vst v12  }
0x154: {  	v12 =	vadd.s32 s29, v1  }
0x155: {  	v13 =	vor.u32 s29, v0;
	vm0 =	vgt.s32 v12, $0x0  }
0x156: {  	v12 =	vnsel vm0, $0x0, v12;
	_ =	sdelay $0x3  }
0x157: {  	v13 =	vld.idx.msk [tilespmem:v13+s16+$0x0], $0xffff  }
0x158: {  	v12 =	vld.idx.msk [tilespmem:v12+s16+$0x0], $0xffff;
	_ =	sdelay $0x4  }
0x159: {  	p1 =	por $0x1, $0x1;
	v14 =	vadd.f32 v12, v13  }
.Ltmp7:
0x15a: {  	v60 =	vmov s29;
	(pc) =	sbr.rel @!p1 .LBB2_16-.Ltmp7, $4  }
0x15b: {  	vm14 =	vlt.f32 v13, v12;
	vm1 =	vgt.f32 v13, v12;
	v61 =	vmul.f32 $5.000000000e-01, v14  }
0x15c: {  	v62 =	vor.u32 s29, v2;
	vm15 =	veq.s32 v60, v0;
	vm0 =	vmor vm1, vm14  }
0x15d: {  	s1 =	simm.s32 $0x12000;
	v63 =	vnsel vm0, $0x80000000, v62;
	v13 =	vsel vm15, $0xFF61B1E6, v61  }
0x15e: {  	s0 =	simm.s32 $0x10;
	p0 =	por $0x0, $0x0;
	(xrf0) =	vmax.scan.msk.u32 $0xffff, v63;
	[tilespmem:s1+$0x0] =	vst v13  }
0x15f: {  	_ =	sdelay $0x4  }
0x160: {  	v12, _, _ =	vpop (xrf0)  }
0x161: {  	v12 =	vxor.u32 $0x80000000, v12  }
0x162: {  	vm0 =	vgt.s32 v12, v11  }
0x163: {  	v12 =	vsel vm0, v12, v11  }
0x164: {  	v13 =	vxor.u32 $0x80000000, v12  }
0x165: {  	(xrf0) =	vmax.scan.msk.u32 $0xffff, v13;
	_ =	sdelay $0x2  }
0x166: {  	v57 =	vadd.s32 s0, v1  }
0x167: {  	v15 =	vor.u32 s0, v0;
	vm13 =	vgt.s32 v57, $0x0  }
0x168: {  	v13 =	vnsel vm13, $0x0, v57  }
0x169: {  	v14, _, _ =	vpop (xrf0)  }
0x16a: {  	(v2sf) =	vpush v14, $0xF  }
0x16b: {  	[tilespmem:s28+$0x0] =	vst v12  }
0x16c: {  	v58 =	vld.idx.msk [tilespmem:v15+s16+$0x0], $0xffff  }
0x16d: {  	v12 =	vld.idx.msk [tilespmem:v13+s16+$0x0], $0xffff;
	_ =	sdelay $0x4  }
0x16e: {  	vm14 =	vlt.f32 v58, v12;
	vm1 =	vgt.f32 v58, v12  }
0x16f: {  	v62 =	vor.u32 s0, v2;
	vm0 =	vmor vm1, vm14  }
0x170: {  	p2 =	por $0x1, $0x1;
	v59 =	vadd.f32 v12, v58;
	v63 =	vnsel vm0, $0x80000000, v62  }
.Ltmp8:
0x171: {  	(xrf0) =	vmax.scan.msk.u32 $0xffff, v63;
	(pc) =	sbr.rel @!p2 .LBB2_18-.Ltmp8, $4  }
0x172: {  	v60 =	vmov s0;
	v61 =	vmul.f32 $5.000000000e-01, v59  }
0x173: {  	vm15 =	veq.s32 v60, v0  }
0x174: {  	s0 =	simm.s32 $0x20;
	s30 =	simm.s32 $0x12010;
	v13 =	vsel vm15, $0xFF61B1E6, v61  }
0x175: {  	p1 =	por $0x1, $0x1;
	s29 =	simm.s32 $0x13400;
	[tilespmem:s30+$0x0] =	vst v13;
	s31 =	spop (v2sf)  }
.LBB2_19:
0x176: {  	s1 =	sxor.u32 $0x80000000, s31  }
0x177: {  	v12, _, _ =	vpop (xrf0);
	s29 =	sadd.s32 $0x10, s29;
	s31 =	smov.u32 s0;
	s11 =	sadd.s32 $0x10, s0  }
0x178: {  	p2 =	sne.s32 s0, $0xF0;
	v12 =	vxor.u32 $0x80000000, v12;
	v13 =	vmov s1  }
0x179: {  	vm0 =	vgt.s32 v12, v13  }
0x17a: {  	v12 =	vsel vm0, v12, v13  }
0x17b: {  	[tilespmem:s29+$0x0] =	vst v12;
	v12 =	vxor.u32 $0x80000000, v12  }
0x17c: {  	v13 =	vadd.s32 s31, v1;
	(xrf0) =	vmax.scan.msk.u32 $0xffff, v12  }
0x17d: {  	vm0 =	vgt.s32 v13, $0x0  }
0x17e: {  	v12 =	vor.u32 s31, v0;
	v13 =	vnsel vm0, $0x0, v13;
	_ =	sdelay $0x3  }
0x17f: {  	v14, _, _ =	vpop (xrf0)  }
0x180: {  	v13 =	vld.idx.msk [tilespmem:v13+s16+$0x0], $0xffff;
	(v2sf) =	vpush v14, $0xF  }
0x181: {  	v12 =	vld.idx.msk [tilespmem:v12+s16+$0x0], $0xffff;
	_ =	sdelay $0x4  }
0x182: {  	v14 =	vor.u32 s31, v2  }
0x183: {  	v15 =	vadd.f32 v13, v12;
	vm0 =	vlt.f32 v12, v13;
	vm1 =	vgt.f32 v12, v13  }
0x184: {  	vm0 =	vmor vm1, vm0  }
0x185: {  	v12 =	vmov s31;
	v13 =	vmul.f32 $5.000000000e-01, v15;
	v14 =	vnsel vm0, $0x80000000, v14  }
0x186: {  	vm0 =	veq.s32 v12, v0;
	(xrf0) =	vmax.scan.msk.u32 $0xffff, v14  }
.Ltmp9:
0x187: {  	s30 =	sadd.s32 $0x10, s30;
	v12 =	vsel vm0, $0xFF61B1E6, v13;
	(pc) =	sbr.rel @p2 .LBB2_19-.Ltmp9, $2  }
0x188: {  	[tilespmem:s30+$0x0] =	vst v12;
	_ =	sdelay $0x2  }
0x189: {  	s0 =	smov.u32 s11;
	s31 =	spop (v2sf)  }
.LBB2_20:
0x18a: {  	s0 =	sxor.u32 @p1 $0x80000000, s31  }
0x18b: {  	v12, _, _ =	vpop (xrf0);
	v13 =	vmov @p1 s0  }
0x18c: {  	v12 =	vxor.u32 $0x80000000, v12;
	v11 =	vpsel p1, v13, v11  }
0x18d: {  	vm0 =	vgt.s32 v12, v11  }
0x18e: {  	v11 =	vsel vm0, v12, v11  }
0x18f: {  	v12 =	vxor.u32 $0x80000000, v11  }
0x190: {  	(xrf0) =	vmax.scan.msk.u32 $0xffff, v12;
	_ =	sdelay $0x5  }
0x191: {  	v12, _, _ =	vpop (xrf0)  }
0x192: {  	(v2sf) =	vpush v12, $0xF;
	_ =	sdelay $0x8  }
0x193: {  	s0 =	sadd.s32 @p1 $0x10, s29  }
0x194: {  	s28 =	smov.u32 @p1 s0;
	p1 =	por $0x1, $0x1  }
.Ltmp10:
0x195: {  	_ = 	snop;
	(pc) =	sbr.rel @!p1 .LBB2_21-.Ltmp10, $3  }
0x196: {  	_ =	sdelay $0x1  }
0x197: {  	s29 =	simm.s32 $0x0  }
0x198: {  	[tilespmem:s28+$0x0] =	vst v11;
	s28 =	simm.s32 $0x10;
	v12 =	vor.u32 s29, v0;
	s31 =	spop (v2sf)  }
0x199: {  	_ =	sdelay $0x3  }
0x19a: {  	v11 =	vld.idx.msk [tilespmem:v12+s17+$0x0], $0xffff;
	_ =	sdelay $0x4  }
0x19b: {  	v12 =	vadd.s32 $0xFFFFFFFF, v11  }
0x19c: {  	v13 =	vadd.s32 $0xFF, v11;
	vm0 =	vlt.s32 v12, $0x0  }
0x19d: {  	v12 =	vsel vm0, v13, v12;
	_ =	sdelay $0x3  }
0x19e: {  	v13 =	vld.idx.msk [tilespmem:v11+s16+$0x0], $0xffff  }
0x19f: {  	v14 =	vld.idx.msk [tilespmem:v12+s16+$0x0], $0xffff;
	_ =	sdelay $0x4  }
0x1a0: {  	v13 =	vsub.f32 v13, v14;
	_ =	sdelay $0x1  }
0x1a1: {  	(erf) = vrcp.f32 v13;
	_ =	sdelay $0x1  }
0x1a2: {  	v13 =	vld.idx.msk [tilespmem:v11+s18+$0x0], $0xffff  }
0x1a3: {  	v11 =	vld.idx.msk [tilespmem:v12+s18+$0x0], $0xffff;
	_ =	sdelay $0x3  }
0x1a4: {  	p2 =	por $0x1, $0x1  }
.Ltmp11:
0x1a5: {  	v12 =	vsub.f32 v13, v11;
	(pc) =	sbr.rel @!p2 .LBB2_23-.Ltmp11, $4  }
0x1a6: {  	v13 =	vpop (erf)  }
0x1a7: {  	v15 =	vmul.f32 v12, v13  }
0x1a8: {  	s0 =	sand.u32 $0xF0, s29  }
0x1a9: {  	s31 =	simm.s32 $0x20;
	p0 =	por $0x1, $0x1;
	s30 =	simm.s32 $0x10;
	v12 =	vor.u32 s28, v0;
	v13 =	vmul.f32 v15, v14;
	[tilespmem:s0+$0x12600] =	vst v15  }
.LBB2_24:
0x1aa: {  	p2 =	sne.s32 s31, $0xF0  }
0x1ab: {  	v11 =	vsub.f32 v11, v13;
	_ =	sdelay $0x1  }
0x1ac: {  	[tilespmem:s0+$0x12300] =	vst v11  }
0x1ad: {  	v11 =	vld.idx.msk [tilespmem:v12+s17+$0x0], $0xffff;
	_ =	sdelay $0x5  }
0x1ae: {  	v12 =	vadd.s32 $0xFFFFFFFF, v11  }
0x1af: {  	v13 =	vadd.s32 $0xFF, v11;
	vm0 =	vlt.s32 v12, $0x0  }
0x1b0: {  	v12 =	vsel vm0, v13, v12;
	_ =	sdelay $0x3  }
0x1b1: {  	v13 =	vld.idx.msk [tilespmem:v11+s16+$0x0], $0xffff  }
0x1b2: {  	v14 =	vld.idx.msk [tilespmem:v12+s16+$0x0], $0xffff;
	_ =	sdelay $0x5  }
0x1b3: {  	v13 =	vsub.f32 v13, v14;
	_ =	sdelay $0x1  }
0x1b4: {  	(erf) = vrcp.f32 v13  }
0x1b5: {  	v13 =	vld.idx.msk [tilespmem:v11+s18+$0x0], $0xffff  }
0x1b6: {  	v11 =	vld.idx.msk [tilespmem:v12+s18+$0x0], $0xffff;
	_ =	sdelay $0x5  }
.Ltmp12:
0x1b7: {  	v12 =	vsub.f32 v13, v11;
	(pc) =	sbr.rel @p2 .LBB2_24-.Ltmp12, $4  }
0x1b8: {  	v13 =	vpop (erf)  }
0x1b9: {  	v15 =	vmul.f32 v12, v13  }
0x1ba: {  	s0 =	sand.u32 $0xF0, s30;
	s30 =	smov.u32 s31  }
0x1bb: {  	s31 =	sadd.s32 $0x10, s31;
	v12 =	vor.u32 s30, v0;
	v13 =	vmul.f32 v15, v14;
	[tilespmem:s0+$0x12600] =	vst v15  }
.LBB2_25:
0x1bc: {  	_ = 	snop  }
0x1bd: {  	v11 =	vsub.f32 @p0 v11, v13;
	_ =	sdelay $0x1  }
0x1be: {  	[tilespmem:s0+$0x12300] =	vst @p0 v11  }
0x1bf: {  	v11 =	vld.idx.msk [tilespmem:v12+s17+$0x0], $0xffff;
	_ =	sdelay $0x4  }
0x1c0: {  	v12 =	vadd.s32 $0xFFFFFFFF, v11  }
0x1c1: {  	v62 =	vadd.s32 $0xFF, v11;
	vm0 =	vlt.s32 v12, $0x0  }
0x1c2: {  	v12 =	vsel vm0, v62, v12;
	_ =	sdelay $0x3  }
0x1c3: {  	v63 =	vld.idx.msk [tilespmem:v11+s16+$0x0], $0xffff  }
0x1c4: {  	v14 =	vld.idx.msk [tilespmem:v12+s16+$0x0], $0xffff;
	_ =	sdelay $0x4  }
0x1c5: {  	v13 =	vsub.f32 v63, v14;
	_ =	sdelay $0x1  }
0x1c6: {  	(erf) = vrcp.f32 v13;
	_ =	sdelay $0x1  }
0x1c7: {  	v11 =	vld.idx.msk [tilespmem:v11+s18+$0x0], $0xffff  }
0x1c8: {  	v12 =	vld.idx.msk [tilespmem:v12+s18+$0x0], $0xffff;
	_ =	sdelay $0x4  }
0x1c9: {  	v11 =	vsub.f32 v11, v12  }
0x1ca: {  	v13 =	vpop (erf)  }
0x1cb: {  	v11 =	vmul.f32 v11, v13;
	_ =	sdelay $0x1  }
0x1cc: {  	v13 =	vmul.f32 v11, v14;
	_ =	sdelay $0x1  }
0x1cd: {  	s31 =	sand.u32 $0xF0, s30;
	v12 =	vsub.f32 v12, v13  }
0x1ce: {  	[tilespmem:s31+$0x12600] =	vst v11  }
0x1cf: {  	[tilespmem:s31+$0x12300] =	vst v12  }
0x1d0: {  	v12 =	vld.idx.msk [tilespmem:v3+s16+$0x0], $0xffff  }
.Ltmp13:
0x1d1: {  	v11 =	vld.idx.msk [tilespmem:v3+s18+$0x0], $0xffff;
	(pc) =	sbr.rel @!p1 .LBB2_27-.Ltmp13, $3  }
0x1d2: {  	_ =	sdelay $0x1  }
0x1d3: {  	s0 =	sand.u32 $0xF0, s29  }
0x1d4: {  	[tilespmem:s0+$0x12900] =	vst v12  }
.LBB2_26:
0x1d5: {  	p0 =	sne.s32 s28, $0xF0;
	[tilespmem:s0+$0x12C00] =	vst v11;
	s0 =	smov.u32 s28;
	s28 =	sadd.s32 $0x10, s28  }
0x1d6: {  	v12 =	vld.idx.msk [tilespmem:v3+s16+$0x0], $0xffff  }
0x1d7: {  	v11 =	vld.idx.msk [tilespmem:v3+s18+$0x0], $0xffff  }
.Ltmp14:
0x1d8: {  	(pc) =	sbr.rel @p0 .LBB2_26-.Ltmp14, $3  }
0x1d9: {  	_ =	sdelay $0x1  }
0x1da: {  	s0 =	sand.u32 $0xF0, s0  }
0x1db: {  	[tilespmem:s0+$0x12900] =	vst v12  }
.LBB2_27:
0x1dc: {  	s1 =	simm.s32 $0x0  }
0x1dd: {  	[tilespmem:s0+$0x12C00] =	vst v11;
	s30 =	sand.u32 $0xF0, s1  }
0x1de: {  	v11 =	vld [tilespmem:s30+$0x6100];
	_ =	sdelay $0x4  }
0x1df: {  	(xrf0) =	vadd.scan.msk.s32 $0xffff, v11;
	_ =	sdelay $0x5  }
0x1e0: {  	v11 =	vimm.s32 $0x0;
	v12, _, _ =	vpop (xrf0)  }
0x1e1: {  	v11 =	vadd.s32 v11, v12  }
0x1e2: {  	v12 =	vxor.u32 $0x80000000, v11  }
0x1e3: {  	(xrf0) =	vmax.scan.msk.u32 $0xffff, v12;
	_ =	sdelay $0x5  }
0x1e4: {  	v12, _, _ =	vpop (xrf0)  }
0x1e5: {  	(v2sf) =	vpush v12, $0xF;
	_ =	sdelay $0x3  }
0x1e6: {  	s28 =	simm.s32 $0x12F00;
	s31 =	simm.s32 $0x10  }
0x1e7: {  	s29 =	simm.s32 $0x20;
	s0 =	sand.u32 $0xF0, s31;
	[tilespmem:s28+$0x0] =	vst v11  }
.LBB2_28:
0x1e8: {  	p0 =	sne.s32 s29, $0xF0;
	v11 =	vld [tilespmem:s0+$0x6100];
	_ =	sdelay $0x4  }
0x1e9: {  	(xrf0) =	vadd.scan.msk.s32 $0xffff, v11;
	_ =	sdelay $0x3  }
0x1ea: {  	s0 =	spop (v2sf)  }
0x1eb: {  	s0 =	sxor.u32 $0x80000000, s0  }
0x1ec: {  	v11, _, _ =	vpop (xrf0);
	v12 =	vmov s0  }
0x1ed: {  	s28 =	sadd.s32 $0x10, s28;
	v11 =	vadd.s32 v12, v11  }
0x1ee: {  	[tilespmem:s28+$0x0] =	vst v11;
	v11 =	vxor.u32 $0x80000000, v11  }
0x1ef: {  	(xrf0) =	vmax.scan.msk.u32 $0xffff, v11;
	_ =	sdelay $0x5  }
0x1f0: {  	v11, _, _ =	vpop (xrf0)  }
0x1f1: {  	(v2sf) =	vpush v11, $0xF  }
.Ltmp15:
0x1f2: {  	(pc) =	sbr.rel @p0 .LBB2_28-.Ltmp15, $2  }
0x1f3: {  	_ =	sdelay $0x2  }
0x1f4: {  	s0 =	sand.u32 $0xF0, s29;
	s29 =	sadd.s32 $0x10, s29  }
0x1f5: {  	v11 =	vld [tilespmem:s0+$0x6100];
	_ =	sdelay $0x4  }
0x1f6: {  	(xrf0) =	vadd.scan.msk.s32 $0xffff, v11;
	_ =	sdelay $0x3  }
0x1f7: {  	s1 =	spop (v2sf)  }
0x1f8: {  	s0 =	sxor.u32 $0x80000000, s1  }
0x1f9: {  	v11, _, _ =	vpop (xrf0);
	v12 =	vmov s0  }
0x1fa: {  	s11 =	sadd.s32 $0x10, s28;
	v11 =	vadd.s32 v12, v11  }
0x1fb: {  	[tilespmem:s11+$0x0] =	vst v11  }
0x1fc: {  	v12 =	vld [tilespmem:$0x12F00];
	_ =	sdelay $0x3  }
0x1fd: {  	v11 =	vxor.u32 $0x80000000, v11  }
0x1fe: {  	(xrf0) =	vmax.scan.msk.u32 $0xffff, v11;
	v11 =	vxor.u32 $0x80000000, v12  }
0x1ff: {  	(xrf0) =	vmin.scan.msk.u32 $0xffff, v11;
	_ =	sdelay $0x4  }
0x200: {  	v11, _, _ =	vpop (xrf0)  }
0x201: {  	(v2sf) =	vpush v11, $0xF;
	v11, _, _ =	vpop (xrf0)  }
0x202: {  	(v2sf) =	vpush v11, $0xF;
	_ =	sdelay $0xb  }
0x203: {  	s28 =	simm.s32 $0x0  }
0x204: {  	v12 =	vld [tilespmem:s28+$0x12F00]  }
0x205: {  	s31 =	spop (v2sf)  }
0x206: {  	s0 =	spop (v2sf)  }
0x207: {  	s0 =	sxor.u32 $0x80000000, s0  }
0x208: {  	v11 =	vmov s0  }
0x209: {  	v12 =	vsub.s32 v12, v11  }
0x20a: {  	v12 =	vcvt.s32.f32 v12  }
0x20b: {  	s30 =	simm.s32 $0x10  }
0x20c: {  	v13 =	vadd.f32 v12, v12;
	v12 =	vld [tilespmem:s30+$0x12F00];
	_ =	sdelay $0x3  }
0x20d: {  	s29 =	simm.s32 $0x0;
	s0 =	simm.s32 $0x80;
	v13 =	vmul.f32 v13, v7  }
.LBB2_30:
0x20e: {  	s1 =	sshra.s32 s0, $0x2;
	p0 =	sne.s32 s0, $0x3C0;
	s0 =	sadd.s32 $0x40, s0;
	v14 =	vsub.s32 v12, v11  }
.Ltmp16:
0x20f: {  	v12 =	vld [tilespmem:s1+$0x12F00];
	v14 =	vcvt.s32.f32 v14;
	v13 =	vadd.f32 $-1.000000000e+00, v13;
	(pc) =	sbr.rel @p0 .LBB2_30-.Ltmp16, $3  }
0x210: {  	_ = 	snop  }
0x211: {  	v14 =	vadd.f32 v14, v14;
	[tilespmem:s28+$0x13000] =	vst v13;
	s28 =	smov.u32 s30;
	s30 =	smov.u32 s1;
	_ =	sdelay $0x1  }
0x212: {  	v13 =	vmul.f32 v14, v7  }
0x213: {  	v11 =	vsub.s32 v12, v11  }
0x214: {  	v11 =	vcvt.s32.f32 v11;
	_ =	sdelay $0x1  }
0x215: {  	v11 =	vadd.f32 v11, v11;
	_ =	sdelay $0x1  }
0x216: {  	v11 =	vmul.f32 v11, v7  }
0x217: {  	v62 =	vadd.f32 $-1.000000000e+00, v13  }
0x218: {  	v11 =	vadd.f32 $-1.000000000e+00, v11  }
0x219: {  	[tilespmem:s28+$0x13000] =	vst v62  }
0x21a: {  	s0 =	sand.u32 $0xF0, s29;
	[tilespmem:s30+$0x13000] =	vst v11  }
0x21b: {  	v11 =	vld [tilespmem:s0+$0x6400];
	_ =	sdelay $0x4  }
0x21c: {  	(xrf0) =	vadd.scan.msk.s32 $0xffff, v11;
	_ =	sdelay $0x5  }
0x21d: {  	v11 =	vimm.s32 $0x0;
	v63, _, _ =	vpop (xrf0)  }
0x21e: {  	v11 =	vadd.s32 v11, v63  }
0x21f: {  	v12 =	vxor.u32 $0x80000000, v11  }
0x220: {  	(xrf0) =	vmax.scan.msk.u32 $0xffff, v12;
	_ =	sdelay $0x5  }
0x221: {  	v12, _, _ =	vpop (xrf0)  }
0x222: {  	(v2sf) =	vpush v12, $0xF;
	_ =	sdelay $0x3  }
0x223: {  	s31 =	simm.s32 $0x10;
	s28 =	simm.s32 $0x12F00  }
0x224: {  	s29 =	simm.s32 $0x20;
	s0 =	sand.u32 $0xF0, s31;
	[tilespmem:s28+$0x0] =	vst v11  }
.LBB2_32:
0x225: {  	p0 =	sne.s32 s29, $0xF0;
	v11 =	vld [tilespmem:s0+$0x6400];
	_ =	sdelay $0x4  }
0x226: {  	(xrf0) =	vadd.scan.msk.s32 $0xffff, v11;
	_ =	sdelay $0x3  }
0x227: {  	s0 =	spop (v2sf)  }
0x228: {  	s0 =	sxor.u32 $0x80000000, s0  }
0x229: {  	v11, _, _ =	vpop (xrf0);
	v12 =	vmov s0  }
0x22a: {  	s28 =	sadd.s32 $0x10, s28;
	v11 =	vadd.s32 v12, v11  }
0x22b: {  	[tilespmem:s28+$0x0] =	vst v11;
	v11 =	vxor.u32 $0x80000000, v11  }
0x22c: {  	(xrf0) =	vmax.scan.msk.u32 $0xffff, v11;
	_ =	sdelay $0x5  }
0x22d: {  	v11, _, _ =	vpop (xrf0)  }
0x22e: {  	(v2sf) =	vpush v11, $0xF  }
.Ltmp17:
0x22f: {  	(pc) =	sbr.rel @p0 .LBB2_32-.Ltmp17, $2  }
0x230: {  	_ =	sdelay $0x2  }
0x231: {  	s0 =	sand.u32 $0xF0, s29;
	s29 =	sadd.s32 $0x10, s29  }
0x232: {  	v11 =	vld [tilespmem:s0+$0x6400];
	_ =	sdelay $0x4  }
0x233: {  	(xrf0) =	vadd.scan.msk.s32 $0xffff, v11;
	_ =	sdelay $0x3  }
0x234: {  	s1 =	spop (v2sf)  }
0x235: {  	s0 =	sxor.u32 $0x80000000, s1  }
0x236: {  	v11, _, _ =	vpop (xrf0);
	v12 =	vmov s0  }
0x237: {  	s11 =	sadd.s32 $0x10, s28;
	v11 =	vadd.s32 v12, v11  }
0x238: {  	[tilespmem:s11+$0x0] =	vst v11  }
0x239: {  	v12 =	vld [tilespmem:$0x12F00];
	_ =	sdelay $0x3  }
0x23a: {  	v11 =	vxor.u32 $0x80000000, v11  }
0x23b: {  	(xrf0) =	vmax.scan.msk.u32 $0xffff, v11;
	v11 =	vxor.u32 $0x80000000, v12  }
0x23c: {  	(xrf0) =	vmin.scan.msk.u32 $0xffff, v11;
	_ =	sdelay $0x4  }
0x23d: {  	v11, _, _ =	vpop (xrf0)  }
0x23e: {  	(v2sf) =	vpush v11, $0xF;
	v11, _, _ =	vpop (xrf0)  }
0x23f: {  	(v2sf) =	vpush v11, $0xF;
	_ =	sdelay $0xb  }
0x240: {  	s29 =	simm.s32 $0x0  }
0x241: {  	v12 =	vld [tilespmem:s29+$0x12F00]  }
0x242: {  	s31 =	spop (v2sf)  }
0x243: {  	s0 =	spop (v2sf)  }
0x244: {  	s0 =	sxor.u32 $0x80000000, s0  }
0x245: {  	v11 =	vmov s0  }
0x246: {  	v12 =	vsub.s32 v12, v11  }
0x247: {  	v12 =	vcvt.s32.f32 v12  }
0x248: {  	s30 =	simm.s32 $0x10  }
0x249: {  	v13 =	vadd.f32 v12, v12;
	v12 =	vld [tilespmem:s30+$0x12F00];
	_ =	sdelay $0x3  }
0x24a: {  	s28 =	simm.s32 $0x0;
	s0 =	simm.s32 $0x80;
	v13 =	vmul.f32 v13, v7  }
.LBB2_34:
0x24b: {  	s1 =	sshra.s32 s0, $0x2;
	p0 =	sne.s32 s0, $0x3C0;
	s0 =	sadd.s32 $0x40, s0;
	v14 =	vsub.s32 v12, v11  }
.Ltmp18:
0x24c: {  	v12 =	vld [tilespmem:s1+$0x12F00];
	v14 =	vcvt.s32.f32 v14;
	v13 =	vadd.f32 $-1.000000000e+00, v13;
	(pc) =	sbr.rel @p0 .LBB2_34-.Ltmp18, $3  }
0x24d: {  	_ = 	snop  }
0x24e: {  	v14 =	vadd.f32 v14, v14;
	[tilespmem:s29+$0x13100] =	vst v13;
	s29 =	smov.u32 s30;
	s30 =	smov.u32 s1;
	_ =	sdelay $0x1  }
0x24f: {  	v13 =	vmul.f32 v14, v7  }
0x250: {  	v11 =	vsub.s32 v12, v11  }
0x251: {  	v11 =	vcvt.s32.f32 v11;
	_ =	sdelay $0x1  }
0x252: {  	v53 =	vadd.s32 s28, v1;
	v11 =	vadd.f32 v11, v11  }
0x253: {  	vm0 =	vgt.s32 v53, $0x0  }
0x254: {  	v12 =	vnsel vm0, $0x0, v53;
	v11 =	vmul.f32 v11, v7  }
0x255: {  	v14 =	vor.u32 s28, v0;
	v13 =	vadd.f32 $-1.000000000e+00, v13  }
0x256: {  	v11 =	vadd.f32 $-1.000000000e+00, v11  }
0x257: {  	[tilespmem:s29+$0x13100] =	vst v13  }
0x258: {  	[tilespmem:s30+$0x13100] =	vst v11  }
0x259: {  	v11 =	vld.idx.msk [tilespmem:v12+s14+$0x0], $0xffff  }
0x25a: {  	v54 =	vld.idx.msk [tilespmem:v14+s14+$0x0], $0xffff;
	_ =	sdelay $0x4  }
0x25b: {  	vm9 =	vlt.f32 v54, v11;
	vm1 =	vgt.f32 v54, v11  }
0x25c: {  	v55 =	vor.u32 s28, v2;
	vm0 =	vmor vm1, vm9  }
0x25d: {  	v13 =	vnsel vm0, $0x80000000, v55  }
0x25e: {  	(xrf0) =	vmax.scan.msk.u32 $0xffff, v13;
	_ =	sdelay $0x5  }
0x25f: {  	v13, _, _ =	vpop (xrf0)  }
0x260: {  	v56 =	vimm.s32 $0x0;
	v13 =	vxor.u32 $0x80000000, v13  }
0x261: {  	vm10 =	vgt.s32 v13, v56  }
0x262: {  	v13 =	vsel vm10, v13, v56  }
0x263: {  	v14 =	vxor.u32 $0x80000000, v13  }
0x264: {  	(xrf0) =	vmax.scan.msk.u32 $0xffff, v14  }
0x265: {  	s0 =	simm.s32 $0x10  }
0x266: {  	v57 =	vadd.s32 s0, v1;
	v11 =	vadd.f32 v11, v54  }
0x267: {  	vm11 =	vgt.s32 v57, $0x0  }
0x268: {  	v58 =	vmov s28;
	v12 =	vnsel vm11, $0x0, v57;
	v11 =	vmul.f32 $5.000000000e-01, v11  }
0x269: {  	vm12 =	veq.s32 v58, v0;
	v59 =	vor.u32 s0, v0  }
0x26a: {  	s1 =	simm.s32 $0x13200;
	v11 =	vsel vm12, $0xFF61B1E6, v11;
	v15, _, _ =	vpop (xrf0)  }
0x26b: {  	s28 =	simm.s32 $0x13400;
	[tilespmem:s1+$0x0] =	vst v11;
	(v2sf) =	vpush v15, $0xF  }
0x26c: {  	[tilespmem:s28+$0x0] =	vst v13  }
0x26d: {  	v11 =	vld.idx.msk [tilespmem:v12+s14+$0x0], $0xffff  }
0x26e: {  	v60 =	vld.idx.msk [tilespmem:v59+s14+$0x0], $0xffff;
	_ =	sdelay $0x4  }
0x26f: {  	v63 =	vor.u32 s0, v2;
	vm13 =	vlt.f32 v60, v11;
	vm14 =	vgt.f32 v60, v11  }
0x270: {  	v61 =	vadd.f32 v11, v60;
	v11 =	vmov s0;
	vm0 =	vmor vm14, vm13  }
0x271: {  	vm15 =	veq.s32 v11, v0;
	v11 =	vnsel vm0, $0x80000000, v63  }
0x272: {  	(xrf0) =	vmax.scan.msk.u32 $0xffff, v11  }
0x273: {  	v62 =	vmul.f32 $5.000000000e-01, v61;
	_ =	sdelay $0x1  }
0x274: {  	s29 =	simm.s32 $0x13210;
	v12 =	vsel vm15, $0xFF61B1E6, v62  }
0x275: {  	s0 =	simm.s32 $0x20;
	[tilespmem:s29+$0x0] =	vst v12;
	s30 =	spop (v2sf)  }
.LBB2_36:
0x276: {  	s1 =	sxor.u32 $0x80000000, s30  }
0x277: {  	v11, _, _ =	vpop (xrf0);
	s28 =	sadd.s32 $0x10, s28;
	s11 =	smov.u32 s0;
	s31 =	sadd.s32 $0x10, s0  }
0x278: {  	p0 =	sne.s32 s0, $0xF0;
	v11 =	vxor.u32 $0x80000000, v11;
	v12 =	vmov s1  }
0x279: {  	vm0 =	vgt.s32 v11, v12  }
0x27a: {  	v11 =	vsel vm0, v11, v12  }
0x27b: {  	[tilespmem:s28+$0x0] =	vst v11;
	v11 =	vxor.u32 $0x80000000, v11  }
0x27c: {  	v12 =	vadd.s32 s11, v1;
	(xrf0) =	vmax.scan.msk.u32 $0xffff, v11  }
0x27d: {  	vm0 =	vgt.s32 v12, $0x0  }
0x27e: {  	v11 =	vor.u32 s11, v0;
	v12 =	vnsel vm0, $0x0, v12;
	_ =	sdelay $0x3  }
0x27f: {  	v13, _, _ =	vpop (xrf0)  }
0x280: {  	v12 =	vld.idx.msk [tilespmem:v12+s14+$0x0], $0xffff;
	(v2sf) =	vpush v13, $0xF  }
0x281: {  	v11 =	vld.idx.msk [tilespmem:v11+s14+$0x0], $0xffff;
	_ =	sdelay $0x4  }
0x282: {  	v13 =	vor.u32 s11, v2  }
0x283: {  	v14 =	vadd.f32 v12, v11;
	vm0 =	vlt.f32 v11, v12;
	vm1 =	vgt.f32 v11, v12  }
0x284: {  	vm0 =	vmor vm1, vm0  }
0x285: {  	v11 =	vmov s11;
	v12 =	vmul.f32 $5.000000000e-01, v14;
	v13 =	vnsel vm0, $0x80000000, v13  }
0x286: {  	vm0 =	veq.s32 v11, v0;
	(xrf0) =	vmax.scan.msk.u32 $0xffff, v13  }
.Ltmp19:
0x287: {  	s29 =	sadd.s32 $0x10, s29;
	v11 =	vsel vm0, $0xFF61B1E6, v12;
	(pc) =	sbr.rel @p0 .LBB2_36-.Ltmp19, $2  }
0x288: {  	[tilespmem:s29+$0x0] =	vst v11;
	_ =	sdelay $0x2  }
0x289: {  	s0 =	smov.u32 s31;
	s30 =	spop (v2sf)  }
0x28a: {  	v11, _, _ =	vpop (xrf0);
	s0 =	sxor.u32 $0x80000000, s30  }
0x28b: {  	v11 =	vxor.u32 $0x80000000, v11;
	v12 =	vmov s0  }
0x28c: {  	vm0 =	vgt.s32 v11, v12  }
0x28d: {  	v11 =	vsel vm0, v11, v12  }
0x28e: {  	v12 =	vxor.u32 $0x80000000, v11  }
0x28f: {  	(xrf0) =	vmax.scan.msk.u32 $0xffff, v12;
	_ =	sdelay $0x5  }
0x290: {  	v12, _, _ =	vpop (xrf0)  }
0x291: {  	(v2sf) =	vpush v12, $0xF;
	_ =	sdelay $0xd  }
0x292: {  	s28 =	sadd.s32 $0x10, s28  }
0x293: {  	s29 =	simm.s32 $0x0;
	s30 =	simm.s32 $0x0;
	[tilespmem:s28+$0x0] =	vst v11;
	s31 =	spop (v2sf)  }
.LBB2_38:
0x294: {  	s31 =	sshra.s32 s30, $0x2;
	v11 =	vld.idx.msk [tilespmem:v4+s15+$0x0], $0xffff  }
0x295: {  	v12 =	vld [tilespmem:s31+$0x13000];
	_ =	sdelay $0x4  }
0x296: {  	vm0 =	vlt.f32 v11, v12;
	v11 =	vimm.s32 $0x0  }
0x297: {  	v13 =	vsel vm0, $0x80, v11  }
0x298: {  	v14 =	vor.u32 $0x40, v13;
	_ =	sdelay $0x4  }
0x299: {  	v15 =	vld.idx.msk [tilespmem:v14+s15+$0x0], $0xffff;
	_ =	sdelay $0x4  }
0x29a: {  	vm7 =	vlt.f32 v15, v12  }
0x29b: {  	v14 =	vsel vm7, v14, v13  }
0x29c: {  	v52 =	vor.u32 $0x20, v14  }
0x29d: {  	v16 =	vand.u32 $0x60, v52  }
0x29e: {  	v13 =	vor.u32 v13, v16;
	_ =	sdelay $0x4  }
0x29f: {  	v13 =	vld.idx.msk [tilespmem:v13+s15+$0x0], $0xffff;
	_ =	sdelay $0x4  }
0x2a0: {  	vm8 =	vlt.f32 v13, v12  }
0x2a1: {  	v13 =	vsel vm8, v52, v14  }
0x2a2: {  	v14 =	vor.u32 $0x10, v13;
	_ =	sdelay $0x4  }
0x2a3: {  	v53 =	vld.idx.msk [tilespmem:v14+s15+$0x0], $0xffff;
	_ =	sdelay $0x4  }
0x2a4: {  	vm9 =	vlt.f32 v53, v12  }
0x2a5: {  	v13 =	vsel vm9, v14, v13  }
0x2a6: {  	v14 =	vadd.s32 $0x8, v13;
	_ =	sdelay $0x4  }
0x2a7: {  	v54 =	vld.idx.msk [tilespmem:v14+s15+$0x0], $0xffff;
	_ =	sdelay $0x4  }
0x2a8: {  	vm10 =	vlt.f32 v54, v12  }
0x2a9: {  	v13 =	vsel vm10, v14, v13  }
0x2aa: {  	v14 =	vadd.s32 $0x4, v13;
	_ =	sdelay $0x4  }
0x2ab: {  	v55 =	vld.idx.msk [tilespmem:v14+s15+$0x0], $0xffff;
	_ =	sdelay $0x4  }
0x2ac: {  	vm11 =	vlt.f32 v55, v12  }
0x2ad: {  	v13 =	vsel vm11, v14, v13  }
0x2ae: {  	v14 =	vadd.s32 $0x2, v13;
	_ =	sdelay $0x4  }
0x2af: {  	v56 =	vld.idx.msk [tilespmem:v14+s15+$0x0], $0xffff;
	_ =	sdelay $0x4  }
0x2b0: {  	vm12 =	vlt.f32 v56, v12  }
0x2b1: {  	v13 =	vsel vm12, v14, v13  }
0x2b2: {  	v14 =	vadd.s32 $0x1, v13;
	_ =	sdelay $0x4  }
0x2b3: {  	v57 =	vld.idx.msk [tilespmem:v14+s15+$0x0], $0xffff;
	_ =	sdelay $0x4  }
0x2b4: {  	vm13 =	vlt.f32 v57, v12  }
0x2b5: {  	v13 =	vsel vm13, v14, v13;
	_ =	sdelay $0x3  }
0x2b6: {  	s28 =	simm.s32 $0x13400  }
0x2b7: {  	v13 =	vld.idx.msk [tilespmem:v13+s28+$0x0], $0xffff;
	_ =	sdelay $0x4  }
0x2b8: {  	v58 =	vadd.s32 $0xFFFFFFFF, v13  }
0x2b9: {  	v59 =	vadd.s32 $0xFF, v13;
	vm14 =	vlt.s32 v58, $0x0  }
0x2ba: {  	v15 =	vsel vm14, v59, v58;
	_ =	sdelay $0x3  }
0x2bb: {  	v60 =	vld.idx.msk [tilespmem:v13+s14+$0x0], $0xffff  }
0x2bc: {  	v15 =	vld.idx.msk [tilespmem:v15+s14+$0x0], $0xffff;
	_ =	sdelay $0x3  }
0x2bd: {  	v17 =	vadd.s32 $0x1FF, v13  }
0x2be: {  	v14 =	vsel vm14, v17, v58;
	v16 =	vsub.f32 v60, v15  }
0x2bf: {  	v14 =	vcvt.s32.f32 v14  }
0x2c0: {  	v13 =	vcvt.s32.f32 v13;
	(erf) = vrcp.f32 v16;
	_ =	sdelay $0x1  }
0x2c1: {  	v14 =	vmul.f32 $3.906250000e-03, v14;
	v13 =	vmul.f32 $3.906250000e-03, v13;
	_ =	sdelay $0x1  }
0x2c2: {  	v14 =	vadd.f32 $-1.000000000e+00, v14;
	v13 =	vadd.f32 $-1.000000000e+00, v13;
	_ =	sdelay $0x1  }
0x2c3: {  	v13 =	vsub.f32 v13, v14;
	v15 =	vsub.f32 v12, v15;
	_ =	sdelay $0x1  }
0x2c4: {  	v61 =	vld.idx.msk [tilespmem:v3+s14+$0x0], $0xffff;
	v13 =	vmul.f32 v13, v15  }
0x2c5: {  	v62 =	vpop (erf)  }
0x2c6: {  	v13 =	vmul.f32 v13, v62  }
0x2c7: {  	p0 =	sne.s32 s30, $0x3C0  }
.Ltmp20:
0x2c8: {  	v13 =	vadd.f32 v13, v14;
	(pc) =	sbr.rel @p0 .LBB2_38-.Ltmp20, $4  }
0x2c9: {  	vm15 =	vge.f32 v12, v61  }
0x2ca: {  	vm1 =	vle.f32 v12, $-1.000000000e+00;
	v63 =	vsel vm15, $0x3F7F0000, v13  }
0x2cb: {  	v12 =	vsel vm1, $0xBF800000, v63  }
0x2cc: {  	s30 =	sadd.s32 $0x40, s30;
	[tilespmem:s31+$0x13300] =	vst v12  }
0x2cd: {  	v12 =	vadd.s32 s29, v1  }
0x2ce: {  	v13 =	vor.u32 s29, v0;
	vm0 =	vgt.s32 v12, $0x0  }
0x2cf: {  	v12 =	vnsel vm0, $0x0, v12;
	_ =	sdelay $0x3  }
0x2d0: {  	v13 =	vld.idx.msk [tilespmem:v13+s16+$0x0], $0xffff  }
0x2d1: {  	v12 =	vld.idx.msk [tilespmem:v12+s16+$0x0], $0xffff;
	_ =	sdelay $0x4  }
0x2d2: {  	p1 =	por $0x1, $0x1;
	v14 =	vadd.f32 v12, v13  }
.Ltmp21:
0x2d3: {  	v60 =	vmov s29;
	(pc) =	sbr.rel @!p1 .LBB2_40-.Ltmp21, $4  }
0x2d4: {  	vm14 =	vlt.f32 v13, v12;
	vm1 =	vgt.f32 v13, v12;
	v61 =	vmul.f32 $5.000000000e-01, v14  }
0x2d5: {  	v62 =	vor.u32 s29, v2;
	vm15 =	veq.s32 v60, v0;
	vm0 =	vmor vm1, vm14  }
0x2d6: {  	s0 =	sand.u32 $0xF0, s29;
	v63 =	vnsel vm0, $0x80000000, v62;
	v13 =	vsel vm15, $0xFF61B1E6, v61  }
0x2d7: {  	s29 =	simm.s32 $0x10;
	p0 =	por $0x0, $0x0;
	(xrf0) =	vmax.scan.msk.u32 $0xffff, v63;
	[tilespmem:s0+$0x12100] =	vst v13  }
0x2d8: {  	_ =	sdelay $0x4  }
0x2d9: {  	v12, _, _ =	vpop (xrf0)  }
0x2da: {  	v12 =	vxor.u32 $0x80000000, v12  }
0x2db: {  	vm0 =	vgt.s32 v12, v11  }
0x2dc: {  	v12 =	vsel vm0, v12, v11  }
0x2dd: {  	v13 =	vxor.u32 $0x80000000, v12  }
0x2de: {  	(xrf0) =	vmax.scan.msk.u32 $0xffff, v13;
	_ =	sdelay $0x2  }
0x2df: {  	v57 =	vadd.s32 s29, v1  }
0x2e0: {  	v15 =	vor.u32 s29, v0;
	vm13 =	vgt.s32 v57, $0x0  }
0x2e1: {  	v13 =	vnsel vm13, $0x0, v57  }
0x2e2: {  	v14, _, _ =	vpop (xrf0)  }
0x2e3: {  	(v2sf) =	vpush v14, $0xF  }
0x2e4: {  	[tilespmem:s28+$0x0] =	vst v12  }
0x2e5: {  	v58 =	vld.idx.msk [tilespmem:v15+s16+$0x0], $0xffff  }
0x2e6: {  	v12 =	vld.idx.msk [tilespmem:v13+s16+$0x0], $0xffff;
	_ =	sdelay $0x4  }
0x2e7: {  	vm14 =	vlt.f32 v58, v12;
	vm1 =	vgt.f32 v58, v12  }
0x2e8: {  	v62 =	vor.u32 s29, v2;
	vm0 =	vmor vm1, vm14  }
0x2e9: {  	p2 =	por $0x1, $0x1;
	v59 =	vadd.f32 v12, v58;
	v63 =	vnsel vm0, $0x80000000, v62  }
.Ltmp22:
0x2ea: {  	(xrf0) =	vmax.scan.msk.u32 $0xffff, v63;
	(pc) =	sbr.rel @!p2 .LBB2_42-.Ltmp22, $4  }
0x2eb: {  	v60 =	vmov s29;
	v61 =	vmul.f32 $5.000000000e-01, v59  }
0x2ec: {  	vm15 =	veq.s32 v60, v0  }
0x2ed: {  	s0 =	simm.s32 $0x20;
	s1 =	sand.u32 $0xF0, s29;
	v13 =	vsel vm15, $0xFF61B1E6, v61  }
0x2ee: {  	p1 =	por $0x1, $0x1;
	s29 =	simm.s32 $0x13400;
	[tilespmem:s1+$0x12100] =	vst v13;
	s30 =	spop (v2sf)  }
.LBB2_43:
0x2ef: {  	s1 =	sxor.u32 $0x80000000, s30  }
0x2f0: {  	v12, _, _ =	vpop (xrf0);
	s29 =	sadd.s32 $0x10, s29;
	s11 =	smov.u32 s0;
	s31 =	sadd.s32 $0x10, s0  }
0x2f1: {  	p2 =	sne.s32 s0, $0xF0;
	v12 =	vxor.u32 $0x80000000, v12;
	v13 =	vmov s1  }
0x2f2: {  	vm0 =	vgt.s32 v12, v13  }
0x2f3: {  	v12 =	vsel vm0, v12, v13  }
0x2f4: {  	[tilespmem:s29+$0x0] =	vst v12;
	v12 =	vxor.u32 $0x80000000, v12  }
0x2f5: {  	v13 =	vadd.s32 s11, v1;
	(xrf0) =	vmax.scan.msk.u32 $0xffff, v12  }
0x2f6: {  	vm0 =	vgt.s32 v13, $0x0  }
0x2f7: {  	v12 =	vor.u32 s11, v0;
	v13 =	vnsel vm0, $0x0, v13;
	_ =	sdelay $0x3  }
0x2f8: {  	v14, _, _ =	vpop (xrf0)  }
0x2f9: {  	v13 =	vld.idx.msk [tilespmem:v13+s16+$0x0], $0xffff;
	(v2sf) =	vpush v14, $0xF  }
0x2fa: {  	v12 =	vld.idx.msk [tilespmem:v12+s16+$0x0], $0xffff;
	_ =	sdelay $0x4  }
0x2fb: {  	v14 =	vor.u32 s11, v2  }
0x2fc: {  	v15 =	vadd.f32 v13, v12;
	vm0 =	vlt.f32 v12, v13;
	vm1 =	vgt.f32 v12, v13  }
0x2fd: {  	vm0 =	vmor vm1, vm0  }
0x2fe: {  	v12 =	vmov s11;
	v13 =	vmul.f32 $5.000000000e-01, v15;
	v14 =	vnsel vm0, $0x80000000, v14  }
0x2ff: {  	vm0 =	veq.s32 v12, v0;
	(xrf0) =	vmax.scan.msk.u32 $0xffff, v14  }
.Ltmp23:
0x300: {  	s0 =	sand.u32 $0xF0, s11;
	v12 =	vsel vm0, $0xFF61B1E6, v13;
	(pc) =	sbr.rel @p2 .LBB2_43-.Ltmp23, $2  }
0x301: {  	[tilespmem:s0+$0x12100] =	vst v12;
	_ =	sdelay $0x2  }
0x302: {  	s0 =	smov.u32 s31;
	s30 =	spop (v2sf)  }
.LBB2_44:
0x303: {  	s0 =	sxor.u32 @p1 $0x80000000, s30  }
0x304: {  	v12, _, _ =	vpop (xrf0);
	v13 =	vmov @p1 s0  }
0x305: {  	v12 =	vxor.u32 $0x80000000, v12;
	v11 =	vpsel p1, v13, v11  }
0x306: {  	vm0 =	vgt.s32 v12, v11  }
0x307: {  	v11 =	vsel vm0, v12, v11  }
0x308: {  	v12 =	vxor.u32 $0x80000000, v11  }
0x309: {  	(xrf0) =	vmax.scan.msk.u32 $0xffff, v12;
	_ =	sdelay $0x5  }
0x30a: {  	v12, _, _ =	vpop (xrf0)  }
0x30b: {  	(v2sf) =	vpush v12, $0xF;
	_ =	sdelay $0x8  }
0x30c: {  	s0 =	sadd.s32 @p1 $0x10, s29  }
0x30d: {  	s28 =	smov.u32 @p1 s0;
	p1 =	por $0x1, $0x1  }
.Ltmp24:
0x30e: {  	_ = 	snop;
	(pc) =	sbr.rel @!p1 .LBB2_45-.Ltmp24, $3  }
0x30f: {  	_ =	sdelay $0x1  }
0x310: {  	s29 =	simm.s32 $0x0  }
0x311: {  	[tilespmem:s28+$0x0] =	vst v11;
	s28 =	simm.s32 $0x10;
	v12 =	vor.u32 s29, v0;
	s31 =	spop (v2sf)  }
0x312: {  	_ =	sdelay $0x3  }
0x313: {  	v11 =	vld.idx.msk [tilespmem:v12+s17+$0x0], $0xffff;
	_ =	sdelay $0x4  }
0x314: {  	v12 =	vadd.s32 $0xFFFFFFFF, v11  }
0x315: {  	v13 =	vadd.s32 $0xFF, v11;
	vm0 =	vlt.s32 v12, $0x0  }
0x316: {  	v12 =	vsel vm0, v13, v12;
	_ =	sdelay $0x3  }
0x317: {  	v13 =	vld.idx.msk [tilespmem:v11+s16+$0x0], $0xffff  }
0x318: {  	v14 =	vld.idx.msk [tilespmem:v12+s16+$0x0], $0xffff;
	_ =	sdelay $0x4  }
0x319: {  	v13 =	vsub.f32 v13, v14;
	_ =	sdelay $0x1  }
0x31a: {  	(erf) = vrcp.f32 v13;
	_ =	sdelay $0x1  }
0x31b: {  	v13 =	vld.idx.msk [tilespmem:v11+s18+$0x0], $0xffff  }
0x31c: {  	v11 =	vld.idx.msk [tilespmem:v12+s18+$0x0], $0xffff;
	_ =	sdelay $0x3  }
0x31d: {  	p2 =	por $0x1, $0x1  }
.Ltmp25:
0x31e: {  	v12 =	vsub.f32 v13, v11;
	(pc) =	sbr.rel @!p2 .LBB2_47-.Ltmp25, $4  }
0x31f: {  	v13 =	vpop (erf)  }
0x320: {  	v15 =	vmul.f32 v12, v13  }
0x321: {  	s0 =	sand.u32 $0xF0, s29  }
0x322: {  	s31 =	simm.s32 $0x20;
	p0 =	por $0x1, $0x1;
	s30 =	simm.s32 $0x10;
	v12 =	vor.u32 s28, v0;
	v13 =	vmul.f32 v15, v14;
	[tilespmem:s0+$0x12700] =	vst v15  }
.LBB2_48:
0x323: {  	p2 =	sne.s32 s31, $0xF0  }
0x324: {  	v11 =	vsub.f32 v11, v13;
	_ =	sdelay $0x1  }
0x325: {  	[tilespmem:s0+$0x12400] =	vst v11  }
0x326: {  	v11 =	vld.idx.msk [tilespmem:v12+s17+$0x0], $0xffff;
	_ =	sdelay $0x5  }
0x327: {  	v12 =	vadd.s32 $0xFFFFFFFF, v11  }
0x328: {  	v13 =	vadd.s32 $0xFF, v11;
	vm0 =	vlt.s32 v12, $0x0  }
0x329: {  	v12 =	vsel vm0, v13, v12;
	_ =	sdelay $0x3  }
0x32a: {  	v13 =	vld.idx.msk [tilespmem:v11+s16+$0x0], $0xffff  }
0x32b: {  	v14 =	vld.idx.msk [tilespmem:v12+s16+$0x0], $0xffff;
	_ =	sdelay $0x5  }
0x32c: {  	v13 =	vsub.f32 v13, v14;
	_ =	sdelay $0x1  }
0x32d: {  	(erf) = vrcp.f32 v13  }
0x32e: {  	v13 =	vld.idx.msk [tilespmem:v11+s18+$0x0], $0xffff  }
0x32f: {  	v11 =	vld.idx.msk [tilespmem:v12+s18+$0x0], $0xffff;
	_ =	sdelay $0x5  }
.Ltmp26:
0x330: {  	v12 =	vsub.f32 v13, v11;
	(pc) =	sbr.rel @p2 .LBB2_48-.Ltmp26, $4  }
0x331: {  	v13 =	vpop (erf)  }
0x332: {  	v15 =	vmul.f32 v12, v13  }
0x333: {  	s0 =	sand.u32 $0xF0, s30;
	s30 =	smov.u32 s31  }
0x334: {  	s31 =	sadd.s32 $0x10, s31;
	v12 =	vor.u32 s30, v0;
	v13 =	vmul.f32 v15, v14;
	[tilespmem:s0+$0x12700] =	vst v15  }
.LBB2_49:
0x335: {  	_ = 	snop  }
0x336: {  	v11 =	vsub.f32 @p0 v11, v13;
	_ =	sdelay $0x1  }
0x337: {  	[tilespmem:s0+$0x12400] =	vst @p0 v11  }
0x338: {  	v11 =	vld.idx.msk [tilespmem:v12+s17+$0x0], $0xffff;
	_ =	sdelay $0x4  }
0x339: {  	v12 =	vadd.s32 $0xFFFFFFFF, v11  }
0x33a: {  	v62 =	vadd.s32 $0xFF, v11;
	vm0 =	vlt.s32 v12, $0x0  }
0x33b: {  	v12 =	vsel vm0, v62, v12;
	_ =	sdelay $0x3  }
0x33c: {  	v63 =	vld.idx.msk [tilespmem:v11+s16+$0x0], $0xffff  }
0x33d: {  	v14 =	vld.idx.msk [tilespmem:v12+s16+$0x0], $0xffff;
	_ =	sdelay $0x4  }
0x33e: {  	v13 =	vsub.f32 v63, v14;
	_ =	sdelay $0x1  }
0x33f: {  	(erf) = vrcp.f32 v13;
	_ =	sdelay $0x1  }
0x340: {  	v11 =	vld.idx.msk [tilespmem:v11+s18+$0x0], $0xffff  }
0x341: {  	v12 =	vld.idx.msk [tilespmem:v12+s18+$0x0], $0xffff;
	_ =	sdelay $0x4  }
0x342: {  	v11 =	vsub.f32 v11, v12  }
0x343: {  	v13 =	vpop (erf)  }
0x344: {  	v11 =	vmul.f32 v11, v13;
	_ =	sdelay $0x1  }
0x345: {  	v13 =	vmul.f32 v11, v14;
	_ =	sdelay $0x1  }
0x346: {  	s31 =	sand.u32 $0xF0, s30;
	v12 =	vsub.f32 v12, v13  }
0x347: {  	[tilespmem:s31+$0x12700] =	vst v11  }
0x348: {  	[tilespmem:s31+$0x12400] =	vst v12  }
0x349: {  	v12 =	vld.idx.msk [tilespmem:v3+s16+$0x0], $0xffff  }
.Ltmp27:
0x34a: {  	v11 =	vld.idx.msk [tilespmem:v3+s18+$0x0], $0xffff;
	(pc) =	sbr.rel @!p1 .LBB2_51-.Ltmp27, $3  }
0x34b: {  	_ =	sdelay $0x1  }
0x34c: {  	s0 =	sand.u32 $0xF0, s29  }
0x34d: {  	[tilespmem:s0+$0x12A00] =	vst v12  }
.LBB2_50:
0x34e: {  	p0 =	sne.s32 s28, $0xF0;
	[tilespmem:s0+$0x12D00] =	vst v11;
	s0 =	smov.u32 s28;
	s28 =	sadd.s32 $0x10, s28  }
0x34f: {  	v12 =	vld.idx.msk [tilespmem:v3+s16+$0x0], $0xffff  }
0x350: {  	v11 =	vld.idx.msk [tilespmem:v3+s18+$0x0], $0xffff  }
.Ltmp28:
0x351: {  	(pc) =	sbr.rel @p0 .LBB2_50-.Ltmp28, $3  }
0x352: {  	_ =	sdelay $0x1  }
0x353: {  	s0 =	sand.u32 $0xF0, s0  }
0x354: {  	[tilespmem:s0+$0x12A00] =	vst v12  }
.LBB2_51:
0x355: {  	s1 =	simm.s32 $0x0  }
0x356: {  	[tilespmem:s0+$0x12D00] =	vst v11;
	s30 =	sand.u32 $0xF0, s1  }
0x357: {  	v11 =	vld [tilespmem:s30+$0x6200];
	_ =	sdelay $0x4  }
0x358: {  	(xrf0) =	vadd.scan.msk.s32 $0xffff, v11;
	_ =	sdelay $0x5  }
0x359: {  	v11 =	vimm.s32 $0x0;
	v12, _, _ =	vpop (xrf0)  }
0x35a: {  	v11 =	vadd.s32 v11, v12  }
0x35b: {  	v12 =	vxor.u32 $0x80000000, v11  }
0x35c: {  	(xrf0) =	vmax.scan.msk.u32 $0xffff, v12;
	_ =	sdelay $0x5  }
0x35d: {  	v12, _, _ =	vpop (xrf0)  }
0x35e: {  	(v2sf) =	vpush v12, $0xF;
	_ =	sdelay $0x3  }
0x35f: {  	s28 =	simm.s32 $0x12F00;
	s31 =	simm.s32 $0x10  }
0x360: {  	s29 =	simm.s32 $0x20;
	s0 =	sand.u32 $0xF0, s31;
	[tilespmem:s28+$0x0] =	vst v11  }
.LBB2_52:
0x361: {  	p0 =	sne.s32 s29, $0xF0;
	v11 =	vld [tilespmem:s0+$0x6200];
	_ =	sdelay $0x4  }
0x362: {  	(xrf0) =	vadd.scan.msk.s32 $0xffff, v11;
	_ =	sdelay $0x3  }
0x363: {  	s0 =	spop (v2sf)  }
0x364: {  	s0 =	sxor.u32 $0x80000000, s0  }
0x365: {  	v11, _, _ =	vpop (xrf0);
	v12 =	vmov s0  }
0x366: {  	s28 =	sadd.s32 $0x10, s28;
	v11 =	vadd.s32 v12, v11  }
0x367: {  	[tilespmem:s28+$0x0] =	vst v11;
	v11 =	vxor.u32 $0x80000000, v11  }
0x368: {  	(xrf0) =	vmax.scan.msk.u32 $0xffff, v11;
	_ =	sdelay $0x5  }
0x369: {  	v11, _, _ =	vpop (xrf0)  }
0x36a: {  	(v2sf) =	vpush v11, $0xF  }
.Ltmp29:
0x36b: {  	(pc) =	sbr.rel @p0 .LBB2_52-.Ltmp29, $2  }
0x36c: {  	_ =	sdelay $0x2  }
0x36d: {  	s0 =	sand.u32 $0xF0, s29;
	s29 =	sadd.s32 $0x10, s29  }
0x36e: {  	v11 =	vld [tilespmem:s0+$0x6200];
	_ =	sdelay $0x4  }
0x36f: {  	(xrf0) =	vadd.scan.msk.s32 $0xffff, v11;
	_ =	sdelay $0x3  }
0x370: {  	s1 =	spop (v2sf)  }
0x371: {  	s0 =	sxor.u32 $0x80000000, s1  }
0x372: {  	v11, _, _ =	vpop (xrf0);
	v12 =	vmov s0  }
0x373: {  	s11 =	sadd.s32 $0x10, s28;
	v11 =	vadd.s32 v12, v11  }
0x374: {  	[tilespmem:s11+$0x0] =	vst v11  }
0x375: {  	v12 =	vld [tilespmem:$0x12F00];
	_ =	sdelay $0x3  }
0x376: {  	v11 =	vxor.u32 $0x80000000, v11  }
0x377: {  	(xrf0) =	vmax.scan.msk.u32 $0xffff, v11;
	v11 =	vxor.u32 $0x80000000, v12  }
0x378: {  	(xrf0) =	vmin.scan.msk.u32 $0xffff, v11;
	_ =	sdelay $0x4  }
0x379: {  	v11, _, _ =	vpop (xrf0)  }
0x37a: {  	(v2sf) =	vpush v11, $0xF;
	v11, _, _ =	vpop (xrf0)  }
0x37b: {  	(v2sf) =	vpush v11, $0xF;
	_ =	sdelay $0xb  }
0x37c: {  	s28 =	simm.s32 $0x0  }
0x37d: {  	v12 =	vld [tilespmem:s28+$0x12F00]  }
0x37e: {  	s31 =	spop (v2sf)  }
0x37f: {  	s0 =	spop (v2sf)  }
0x380: {  	s0 =	sxor.u32 $0x80000000, s0  }
0x381: {  	v11 =	vmov s0  }
0x382: {  	v12 =	vsub.s32 v12, v11  }
0x383: {  	v12 =	vcvt.s32.f32 v12  }
0x384: {  	s30 =	simm.s32 $0x10  }
0x385: {  	v13 =	vadd.f32 v12, v12;
	v12 =	vld [tilespmem:s30+$0x12F00];
	_ =	sdelay $0x3  }
0x386: {  	s29 =	simm.s32 $0x0;
	s0 =	simm.s32 $0x80;
	v13 =	vmul.f32 v13, v7  }
.LBB2_54:
0x387: {  	s1 =	sshra.s32 s0, $0x2;
	p0 =	sne.s32 s0, $0x3C0;
	s0 =	sadd.s32 $0x40, s0;
	v14 =	vsub.s32 v12, v11  }
.Ltmp30:
0x388: {  	v12 =	vld [tilespmem:s1+$0x12F00];
	v14 =	vcvt.s32.f32 v14;
	v13 =	vadd.f32 $-1.000000000e+00, v13;
	(pc) =	sbr.rel @p0 .LBB2_54-.Ltmp30, $3  }
0x389: {  	_ = 	snop  }
0x38a: {  	v14 =	vadd.f32 v14, v14;
	[tilespmem:s28+$0x13000] =	vst v13;
	s28 =	smov.u32 s30;
	s30 =	smov.u32 s1;
	_ =	sdelay $0x1  }
0x38b: {  	v13 =	vmul.f32 v14, v7  }
0x38c: {  	v11 =	vsub.s32 v12, v11  }
0x38d: {  	v11 =	vcvt.s32.f32 v11;
	_ =	sdelay $0x1  }
0x38e: {  	v11 =	vadd.f32 v11, v11;
	_ =	sdelay $0x1  }
0x38f: {  	v11 =	vmul.f32 v11, v7  }
0x390: {  	v62 =	vadd.f32 $-1.000000000e+00, v13  }
0x391: {  	v11 =	vadd.f32 $-1.000000000e+00, v11  }
0x392: {  	[tilespmem:s28+$0x13000] =	vst v62  }
0x393: {  	s0 =	sand.u32 $0xF0, s29;
	[tilespmem:s30+$0x13000] =	vst v11  }
0x394: {  	v11 =	vld [tilespmem:s0+$0x6500];
	_ =	sdelay $0x4  }
0x395: {  	(xrf0) =	vadd.scan.msk.s32 $0xffff, v11;
	_ =	sdelay $0x5  }
0x396: {  	v11 =	vimm.s32 $0x0;
	v63, _, _ =	vpop (xrf0)  }
0x397: {  	v11 =	vadd.s32 v11, v63  }
0x398: {  	v12 =	vxor.u32 $0x80000000, v11  }
0x399: {  	(xrf0) =	vmax.scan.msk.u32 $0xffff, v12;
	_ =	sdelay $0x5  }
0x39a: {  	v12, _, _ =	vpop (xrf0)  }
0x39b: {  	(v2sf) =	vpush v12, $0xF;
	_ =	sdelay $0x3  }
0x39c: {  	s31 =	simm.s32 $0x10;
	s28 =	simm.s32 $0x12F00  }
0x39d: {  	s29 =	simm.s32 $0x20;
	s0 =	sand.u32 $0xF0, s31;
	[tilespmem:s28+$0x0] =	vst v11  }
.LBB2_56:
0x39e: {  	p0 =	sne.s32 s29, $0xF0;
	v11 =	vld [tilespmem:s0+$0x6500];
	_ =	sdelay $0x4  }
0x39f: {  	(xrf0) =	vadd.scan.msk.s32 $0xffff, v11;
	_ =	sdelay $0x3  }
0x3a0: {  	s0 =	spop (v2sf)  }
0x3a1: {  	s0 =	sxor.u32 $0x80000000, s0  }
0x3a2: {  	v11, _, _ =	vpop (xrf0);
	v12 =	vmov s0  }
0x3a3: {  	s28 =	sadd.s32 $0x10, s28;
	v11 =	vadd.s32 v12, v11  }
0x3a4: {  	[tilespmem:s28+$0x0] =	vst v11;
	v11 =	vxor.u32 $0x80000000, v11  }
0x3a5: {  	(xrf0) =	vmax.scan.msk.u32 $0xffff, v11;
	_ =	sdelay $0x5  }
0x3a6: {  	v11, _, _ =	vpop (xrf0)  }
0x3a7: {  	(v2sf) =	vpush v11, $0xF  }
.Ltmp31:
0x3a8: {  	(pc) =	sbr.rel @p0 .LBB2_56-.Ltmp31, $2  }
0x3a9: {  	_ =	sdelay $0x2  }
0x3aa: {  	s0 =	sand.u32 $0xF0, s29;
	s29 =	sadd.s32 $0x10, s29  }
0x3ab: {  	v11 =	vld [tilespmem:s0+$0x6500];
	_ =	sdelay $0x4  }
0x3ac: {  	(xrf0) =	vadd.scan.msk.s32 $0xffff, v11;
	_ =	sdelay $0x3  }
0x3ad: {  	s1 =	spop (v2sf)  }
0x3ae: {  	s0 =	sxor.u32 $0x80000000, s1  }
0x3af: {  	v11, _, _ =	vpop (xrf0);
	v12 =	vmov s0  }
0x3b0: {  	s11 =	sadd.s32 $0x10, s28;
	v11 =	vadd.s32 v12, v11  }
0x3b1: {  	[tilespmem:s11+$0x0] =	vst v11  }
0x3b2: {  	v12 =	vld [tilespmem:$0x12F00];
	_ =	sdelay $0x3  }
0x3b3: {  	v11 =	vxor.u32 $0x80000000, v11  }
0x3b4: {  	(xrf0) =	vmax.scan.msk.u32 $0xffff, v11;
	v11 =	vxor.u32 $0x80000000, v12  }
0x3b5: {  	(xrf0) =	vmin.scan.msk.u32 $0xffff, v11;
	_ =	sdelay $0x4  }
0x3b6: {  	v11, _, _ =	vpop (xrf0)  }
0x3b7: {  	(v2sf) =	vpush v11, $0xF;
	v11, _, _ =	vpop (xrf0)  }
0x3b8: {  	(v2sf) =	vpush v11, $0xF;
	_ =	sdelay $0xb  }
0x3b9: {  	s29 =	simm.s32 $0x0  }
0x3ba: {  	v12 =	vld [tilespmem:s29+$0x12F00]  }
0x3bb: {  	s31 =	spop (v2sf)  }
0x3bc: {  	s0 =	spop (v2sf)  }
0x3bd: {  	s0 =	sxor.u32 $0x80000000, s0  }
0x3be: {  	v11 =	vmov s0  }
0x3bf: {  	v12 =	vsub.s32 v12, v11  }
0x3c0: {  	v12 =	vcvt.s32.f32 v12  }
0x3c1: {  	s30 =	simm.s32 $0x10  }
0x3c2: {  	v13 =	vadd.f32 v12, v12;
	v12 =	vld [tilespmem:s30+$0x12F00];
	_ =	sdelay $0x3  }
0x3c3: {  	s28 =	simm.s32 $0x0;
	s0 =	simm.s32 $0x80;
	v13 =	vmul.f32 v13, v7  }
.LBB2_58:
0x3c4: {  	s1 =	sshra.s32 s0, $0x2;
	p0 =	sne.s32 s0, $0x3C0;
	s0 =	sadd.s32 $0x40, s0;
	v14 =	vsub.s32 v12, v11  }
.Ltmp32:
0x3c5: {  	v12 =	vld [tilespmem:s1+$0x12F00];
	v14 =	vcvt.s32.f32 v14;
	v13 =	vadd.f32 $-1.000000000e+00, v13;
	(pc) =	sbr.rel @p0 .LBB2_58-.Ltmp32, $3  }
0x3c6: {  	_ = 	snop  }
0x3c7: {  	v14 =	vadd.f32 v14, v14;
	[tilespmem:s29+$0x13100] =	vst v13;
	s29 =	smov.u32 s30;
	s30 =	smov.u32 s1;
	_ =	sdelay $0x1  }
0x3c8: {  	v13 =	vmul.f32 v14, v7  }
0x3c9: {  	v11 =	vsub.s32 v12, v11  }
0x3ca: {  	v11 =	vcvt.s32.f32 v11;
	_ =	sdelay $0x1  }
0x3cb: {  	v53 =	vadd.s32 s28, v1;
	v11 =	vadd.f32 v11, v11  }
0x3cc: {  	vm0 =	vgt.s32 v53, $0x0  }
0x3cd: {  	v12 =	vnsel vm0, $0x0, v53;
	v11 =	vmul.f32 v11, v7  }
0x3ce: {  	v14 =	vor.u32 s28, v0;
	v13 =	vadd.f32 $-1.000000000e+00, v13  }
0x3cf: {  	v11 =	vadd.f32 $-1.000000000e+00, v11  }
0x3d0: {  	[tilespmem:s29+$0x13100] =	vst v13  }
0x3d1: {  	[tilespmem:s30+$0x13100] =	vst v11  }
0x3d2: {  	v11 =	vld.idx.msk [tilespmem:v12+s14+$0x0], $0xffff  }
0x3d3: {  	v54 =	vld.idx.msk [tilespmem:v14+s14+$0x0], $0xffff;
	_ =	sdelay $0x4  }
0x3d4: {  	vm9 =	vlt.f32 v54, v11;
	vm1 =	vgt.f32 v54, v11  }
0x3d5: {  	v55 =	vor.u32 s28, v2;
	vm0 =	vmor vm1, vm9  }
0x3d6: {  	v13 =	vnsel vm0, $0x80000000, v55  }
0x3d7: {  	(xrf0) =	vmax.scan.msk.u32 $0xffff, v13;
	_ =	sdelay $0x5  }
0x3d8: {  	v13, _, _ =	vpop (xrf0)  }
0x3d9: {  	v56 =	vimm.s32 $0x0;
	v13 =	vxor.u32 $0x80000000, v13  }
0x3da: {  	vm10 =	vgt.s32 v13, v56  }
0x3db: {  	v13 =	vsel vm10, v13, v56  }
0x3dc: {  	v14 =	vxor.u32 $0x80000000, v13  }
0x3dd: {  	(xrf0) =	vmax.scan.msk.u32 $0xffff, v14  }
0x3de: {  	s0 =	simm.s32 $0x10  }
0x3df: {  	v57 =	vadd.s32 s0, v1;
	v11 =	vadd.f32 v11, v54  }
0x3e0: {  	vm11 =	vgt.s32 v57, $0x0  }
0x3e1: {  	v58 =	vmov s28;
	v12 =	vnsel vm11, $0x0, v57;
	v11 =	vmul.f32 $5.000000000e-01, v11  }
0x3e2: {  	vm12 =	veq.s32 v58, v0;
	v59 =	vor.u32 s0, v0  }
0x3e3: {  	s1 =	simm.s32 $0x13200;
	v11 =	vsel vm12, $0xFF61B1E6, v11;
	v15, _, _ =	vpop (xrf0)  }
0x3e4: {  	s28 =	simm.s32 $0x13400;
	[tilespmem:s1+$0x0] =	vst v11;
	(v2sf) =	vpush v15, $0xF  }
0x3e5: {  	[tilespmem:s28+$0x0] =	vst v13  }
0x3e6: {  	v11 =	vld.idx.msk [tilespmem:v12+s14+$0x0], $0xffff  }
0x3e7: {  	v60 =	vld.idx.msk [tilespmem:v59+s14+$0x0], $0xffff;
	_ =	sdelay $0x4  }
0x3e8: {  	v63 =	vor.u32 s0, v2;
	vm13 =	vlt.f32 v60, v11;
	vm14 =	vgt.f32 v60, v11  }
0x3e9: {  	v61 =	vadd.f32 v11, v60;
	v11 =	vmov s0;
	vm0 =	vmor vm14, vm13  }
0x3ea: {  	vm15 =	veq.s32 v11, v0;
	v11 =	vnsel vm0, $0x80000000, v63  }
0x3eb: {  	(xrf0) =	vmax.scan.msk.u32 $0xffff, v11  }
0x3ec: {  	v62 =	vmul.f32 $5.000000000e-01, v61;
	_ =	sdelay $0x1  }
0x3ed: {  	s29 =	simm.s32 $0x13210;
	v12 =	vsel vm15, $0xFF61B1E6, v62  }
0x3ee: {  	s0 =	simm.s32 $0x20;
	[tilespmem:s29+$0x0] =	vst v12;
	s30 =	spop (v2sf)  }
.LBB2_60:
0x3ef: {  	s1 =	sxor.u32 $0x80000000, s30  }
0x3f0: {  	v11, _, _ =	vpop (xrf0);
	s28 =	sadd.s32 $0x10, s28;
	s11 =	smov.u32 s0;
	s31 =	sadd.s32 $0x10, s0  }
0x3f1: {  	p0 =	sne.s32 s0, $0xF0;
	v11 =	vxor.u32 $0x80000000, v11;
	v12 =	vmov s1  }
0x3f2: {  	vm0 =	vgt.s32 v11, v12  }
0x3f3: {  	v11 =	vsel vm0, v11, v12  }
0x3f4: {  	[tilespmem:s28+$0x0] =	vst v11;
	v11 =	vxor.u32 $0x80000000, v11  }
0x3f5: {  	v12 =	vadd.s32 s11, v1;
	(xrf0) =	vmax.scan.msk.u32 $0xffff, v11  }
0x3f6: {  	vm0 =	vgt.s32 v12, $0x0  }
0x3f7: {  	v11 =	vor.u32 s11, v0;
	v12 =	vnsel vm0, $0x0, v12;
	_ =	sdelay $0x3  }
0x3f8: {  	v13, _, _ =	vpop (xrf0)  }
0x3f9: {  	v12 =	vld.idx.msk [tilespmem:v12+s14+$0x0], $0xffff;
	(v2sf) =	vpush v13, $0xF  }
0x3fa: {  	v11 =	vld.idx.msk [tilespmem:v11+s14+$0x0], $0xffff;
	_ =	sdelay $0x4  }
0x3fb: {  	v13 =	vor.u32 s11, v2  }
0x3fc: {  	v14 =	vadd.f32 v12, v11;
	vm0 =	vlt.f32 v11, v12;
	vm1 =	vgt.f32 v11, v12  }
0x3fd: {  	vm0 =	vmor vm1, vm0  }
0x3fe: {  	v11 =	vmov s11;
	v12 =	vmul.f32 $5.000000000e-01, v14;
	v13 =	vnsel vm0, $0x80000000, v13  }
0x3ff: {  	vm0 =	veq.s32 v11, v0;
	(xrf0) =	vmax.scan.msk.u32 $0xffff, v13  }
.Ltmp33:
0x400: {  	s29 =	sadd.s32 $0x10, s29;
	v11 =	vsel vm0, $0xFF61B1E6, v12;
	(pc) =	sbr.rel @p0 .LBB2_60-.Ltmp33, $2  }
0x401: {  	[tilespmem:s29+$0x0] =	vst v11;
	_ =	sdelay $0x2  }
0x402: {  	s0 =	smov.u32 s31;
	s30 =	spop (v2sf)  }
0x403: {  	v11, _, _ =	vpop (xrf0);
	s0 =	sxor.u32 $0x80000000, s30  }
0x404: {  	v11 =	vxor.u32 $0x80000000, v11;
	v12 =	vmov s0  }
0x405: {  	vm0 =	vgt.s32 v11, v12  }
0x406: {  	v11 =	vsel vm0, v11, v12  }
0x407: {  	v12 =	vxor.u32 $0x80000000, v11  }
0x408: {  	(xrf0) =	vmax.scan.msk.u32 $0xffff, v12;
	_ =	sdelay $0x5  }
0x409: {  	v12, _, _ =	vpop (xrf0)  }
0x40a: {  	(v2sf) =	vpush v12, $0xF;
	_ =	sdelay $0xd  }
0x40b: {  	s28 =	sadd.s32 $0x10, s28  }
0x40c: {  	s29 =	simm.s32 $0x0;
	s30 =	simm.s32 $0x0;
	[tilespmem:s28+$0x0] =	vst v11;
	s31 =	spop (v2sf)  }
.LBB2_62:
0x40d: {  	s31 =	sshra.s32 s30, $0x2;
	v11 =	vld.idx.msk [tilespmem:v4+s15+$0x0], $0xffff  }
0x40e: {  	v12 =	vld [tilespmem:s31+$0x13000];
	_ =	sdelay $0x4  }
0x40f: {  	vm0 =	vlt.f32 v11, v12;
	v11 =	vimm.s32 $0x0  }
0x410: {  	v13 =	vsel vm0, $0x80, v11  }
0x411: {  	v14 =	vor.u32 $0x40, v13;
	_ =	sdelay $0x4  }
0x412: {  	v15 =	vld.idx.msk [tilespmem:v14+s15+$0x0], $0xffff;
	_ =	sdelay $0x4  }
0x413: {  	vm7 =	vlt.f32 v15, v12  }
0x414: {  	v14 =	vsel vm7, v14, v13  }
0x415: {  	v52 =	vor.u32 $0x20, v14  }
0x416: {  	v16 =	vand.u32 $0x60, v52  }
0x417: {  	v13 =	vor.u32 v13, v16;
	_ =	sdelay $0x4  }
0x418: {  	v13 =	vld.idx.msk [tilespmem:v13+s15+$0x0], $0xffff;
	_ =	sdelay $0x4  }
0x419: {  	vm8 =	vlt.f32 v13, v12  }
0x41a: {  	v13 =	vsel vm8, v52, v14  }
0x41b: {  	v14 =	vor.u32 $0x10, v13;
	_ =	sdelay $0x4  }
0x41c: {  	v53 =	vld.idx.msk [tilespmem:v14+s15+$0x0], $0xffff;
	_ =	sdelay $0x4  }
0x41d: {  	vm9 =	vlt.f32 v53, v12  }
0x41e: {  	v13 =	vsel vm9, v14, v13  }
0x41f: {  	v14 =	vadd.s32 $0x8, v13;
	_ =	sdelay $0x4  }
0x420: {  	v54 =	vld.idx.msk [tilespmem:v14+s15+$0x0], $0xffff;
	_ =	sdelay $0x4  }
0x421: {  	vm10 =	vlt.f32 v54, v12  }
0x422: {  	v13 =	vsel vm10, v14, v13  }
0x423: {  	v14 =	vadd.s32 $0x4, v13;
	_ =	sdelay $0x4  }
0x424: {  	v55 =	vld.idx.msk [tilespmem:v14+s15+$0x0], $0xffff;
	_ =	sdelay $0x4  }
0x425: {  	vm11 =	vlt.f32 v55, v12  }
0x426: {  	v13 =	vsel vm11, v14, v13  }
0x427: {  	v14 =	vadd.s32 $0x2, v13;
	_ =	sdelay $0x4  }
0x428: {  	v56 =	vld.idx.msk [tilespmem:v14+s15+$0x0], $0xffff;
	_ =	sdelay $0x4  }
0x429: {  	vm12 =	vlt.f32 v56, v12  }
0x42a: {  	v13 =	vsel vm12, v14, v13  }
0x42b: {  	v14 =	vadd.s32 $0x1, v13;
	_ =	sdelay $0x4  }
0x42c: {  	v57 =	vld.idx.msk [tilespmem:v14+s15+$0x0], $0xffff;
	_ =	sdelay $0x4  }
0x42d: {  	vm13 =	vlt.f32 v57, v12  }
0x42e: {  	v13 =	vsel vm13, v14, v13;
	_ =	sdelay $0x3  }
0x42f: {  	s28 =	simm.s32 $0x13400  }
0x430: {  	v13 =	vld.idx.msk [tilespmem:v13+s28+$0x0], $0xffff;
	_ =	sdelay $0x4  }
0x431: {  	v58 =	vadd.s32 $0xFFFFFFFF, v13  }
0x432: {  	v59 =	vadd.s32 $0xFF, v13;
	vm14 =	vlt.s32 v58, $0x0  }
0x433: {  	v15 =	vsel vm14, v59, v58;
	_ =	sdelay $0x3  }
0x434: {  	v60 =	vld.idx.msk [tilespmem:v13+s14+$0x0], $0xffff  }
0x435: {  	v15 =	vld.idx.msk [tilespmem:v15+s14+$0x0], $0xffff;
	_ =	sdelay $0x3  }
0x436: {  	v17 =	vadd.s32 $0x1FF, v13  }
0x437: {  	v14 =	vsel vm14, v17, v58;
	v16 =	vsub.f32 v60, v15  }
0x438: {  	v14 =	vcvt.s32.f32 v14  }
0x439: {  	v13 =	vcvt.s32.f32 v13;
	(erf) = vrcp.f32 v16;
	_ =	sdelay $0x1  }
0x43a: {  	v14 =	vmul.f32 $3.906250000e-03, v14;
	v13 =	vmul.f32 $3.906250000e-03, v13;
	_ =	sdelay $0x1  }
0x43b: {  	v14 =	vadd.f32 $-1.000000000e+00, v14;
	v13 =	vadd.f32 $-1.000000000e+00, v13;
	_ =	sdelay $0x1  }
0x43c: {  	v13 =	vsub.f32 v13, v14;
	v15 =	vsub.f32 v12, v15;
	_ =	sdelay $0x1  }
0x43d: {  	v61 =	vld.idx.msk [tilespmem:v3+s14+$0x0], $0xffff;
	v13 =	vmul.f32 v13, v15  }
0x43e: {  	v62 =	vpop (erf)  }
0x43f: {  	v13 =	vmul.f32 v13, v62  }
0x440: {  	p0 =	sne.s32 s30, $0x3C0  }
.Ltmp34:
0x441: {  	v13 =	vadd.f32 v13, v14;
	(pc) =	sbr.rel @p0 .LBB2_62-.Ltmp34, $4  }
0x442: {  	vm15 =	vge.f32 v12, v61  }
0x443: {  	vm1 =	vle.f32 v12, $-1.000000000e+00;
	v63 =	vsel vm15, $0x3F7F0000, v13  }
0x444: {  	v12 =	vsel vm1, $0xBF800000, v63  }
0x445: {  	s30 =	sadd.s32 $0x40, s30;
	[tilespmem:s31+$0x13300] =	vst v12  }
0x446: {  	v12 =	vadd.s32 s29, v1  }
0x447: {  	v13 =	vor.u32 s29, v0;
	vm0 =	vgt.s32 v12, $0x0  }
0x448: {  	v12 =	vnsel vm0, $0x0, v12;
	_ =	sdelay $0x3  }
0x449: {  	v13 =	vld.idx.msk [tilespmem:v13+s16+$0x0], $0xffff  }
0x44a: {  	v12 =	vld.idx.msk [tilespmem:v12+s16+$0x0], $0xffff;
	_ =	sdelay $0x4  }
0x44b: {  	p1 =	por $0x1, $0x1;
	v14 =	vadd.f32 v12, v13  }
.Ltmp35:
0x44c: {  	v60 =	vmov s29;
	(pc) =	sbr.rel @!p1 .LBB2_64-.Ltmp35, $4  }
0x44d: {  	vm14 =	vlt.f32 v13, v12;
	vm1 =	vgt.f32 v13, v12;
	v61 =	vmul.f32 $5.000000000e-01, v14  }
0x44e: {  	v62 =	vor.u32 s29, v2;
	vm15 =	veq.s32 v60, v0;
	vm0 =	vmor vm1, vm14  }
0x44f: {  	s0 =	sand.u32 $0xF0, s29;
	v63 =	vnsel vm0, $0x80000000, v62;
	v13 =	vsel vm15, $0xFF61B1E6, v61  }
0x450: {  	s29 =	simm.s32 $0x10;
	p0 =	por $0x0, $0x0;
	(xrf0) =	vmax.scan.msk.u32 $0xffff, v63;
	[tilespmem:s0+$0x12200] =	vst v13  }
0x451: {  	_ =	sdelay $0x4  }
0x452: {  	v12, _, _ =	vpop (xrf0)  }
0x453: {  	v12 =	vxor.u32 $0x80000000, v12  }
0x454: {  	vm0 =	vgt.s32 v12, v11  }
0x455: {  	v12 =	vsel vm0, v12, v11  }
0x456: {  	v13 =	vxor.u32 $0x80000000, v12  }
0x457: {  	(xrf0) =	vmax.scan.msk.u32 $0xffff, v13;
	_ =	sdelay $0x2  }
0x458: {  	v57 =	vadd.s32 s29, v1  }
0x459: {  	v15 =	vor.u32 s29, v0;
	vm13 =	vgt.s32 v57, $0x0  }
0x45a: {  	v13 =	vnsel vm13, $0x0, v57  }
0x45b: {  	v14, _, _ =	vpop (xrf0)  }
0x45c: {  	(v2sf) =	vpush v14, $0xF  }
0x45d: {  	[tilespmem:s28+$0x0] =	vst v12  }
0x45e: {  	v58 =	vld.idx.msk [tilespmem:v15+s16+$0x0], $0xffff  }
0x45f: {  	v12 =	vld.idx.msk [tilespmem:v13+s16+$0x0], $0xffff;
	_ =	sdelay $0x4  }
0x460: {  	vm14 =	vlt.f32 v58, v12;
	vm1 =	vgt.f32 v58, v12  }
0x461: {  	v62 =	vor.u32 s29, v2;
	vm0 =	vmor vm1, vm14  }
0x462: {  	p2 =	por $0x1, $0x1;
	v59 =	vadd.f32 v12, v58;
	v63 =	vnsel vm0, $0x80000000, v62  }
.Ltmp36:
0x463: {  	(xrf0) =	vmax.scan.msk.u32 $0xffff, v63;
	(pc) =	sbr.rel @!p2 .LBB2_66-.Ltmp36, $4  }
0x464: {  	v60 =	vmov s29;
	v61 =	vmul.f32 $5.000000000e-01, v59  }
0x465: {  	vm15 =	veq.s32 v60, v0  }
0x466: {  	s0 =	simm.s32 $0x20;
	s1 =	sand.u32 $0xF0, s29;
	v13 =	vsel vm15, $0xFF61B1E6, v61  }
0x467: {  	p1 =	por $0x1, $0x1;
	s29 =	simm.s32 $0x13400;
	[tilespmem:s1+$0x12200] =	vst v13;
	s30 =	spop (v2sf)  }
.LBB2_67:
0x468: {  	s1 =	sxor.u32 $0x80000000, s30  }
0x469: {  	v12, _, _ =	vpop (xrf0);
	s29 =	sadd.s32 $0x10, s29;
	s11 =	smov.u32 s0;
	s31 =	sadd.s32 $0x10, s0  }
0x46a: {  	p2 =	sne.s32 s0, $0xF0;
	v12 =	vxor.u32 $0x80000000, v12;
	v13 =	vmov s1  }
0x46b: {  	vm0 =	vgt.s32 v12, v13  }
0x46c: {  	v12 =	vsel vm0, v12, v13  }
0x46d: {  	[tilespmem:s29+$0x0] =	vst v12;
	v12 =	vxor.u32 $0x80000000, v12  }
0x46e: {  	v13 =	vadd.s32 s11, v1;
	(xrf0) =	vmax.scan.msk.u32 $0xffff, v12  }
0x46f: {  	vm0 =	vgt.s32 v13, $0x0  }
0x470: {  	v12 =	vor.u32 s11, v0;
	v13 =	vnsel vm0, $0x0, v13;
	_ =	sdelay $0x3  }
0x471: {  	v14, _, _ =	vpop (xrf0)  }
0x472: {  	v13 =	vld.idx.msk [tilespmem:v13+s16+$0x0], $0xffff;
	(v2sf) =	vpush v14, $0xF  }
0x473: {  	v12 =	vld.idx.msk [tilespmem:v12+s16+$0x0], $0xffff;
	_ =	sdelay $0x4  }
0x474: {  	v14 =	vor.u32 s11, v2  }
0x475: {  	v15 =	vadd.f32 v13, v12;
	vm0 =	vlt.f32 v12, v13;
	vm1 =	vgt.f32 v12, v13  }
0x476: {  	vm0 =	vmor vm1, vm0  }
0x477: {  	v12 =	vmov s11;
	v13 =	vmul.f32 $5.000000000e-01, v15;
	v14 =	vnsel vm0, $0x80000000, v14  }
0x478: {  	vm0 =	veq.s32 v12, v0;
	(xrf0) =	vmax.scan.msk.u32 $0xffff, v14  }
.Ltmp37:
0x479: {  	s0 =	sand.u32 $0xF0, s11;
	v12 =	vsel vm0, $0xFF61B1E6, v13;
	(pc) =	sbr.rel @p2 .LBB2_67-.Ltmp37, $2  }
0x47a: {  	[tilespmem:s0+$0x12200] =	vst v12;
	_ =	sdelay $0x2  }
0x47b: {  	s0 =	smov.u32 s31;
	s30 =	spop (v2sf)  }
.LBB2_68:
0x47c: {  	s0 =	sxor.u32 @p1 $0x80000000, s30  }
0x47d: {  	v12, _, _ =	vpop (xrf0);
	v13 =	vmov @p1 s0  }
0x47e: {  	v12 =	vxor.u32 $0x80000000, v12;
	v11 =	vpsel p1, v13, v11  }
0x47f: {  	vm0 =	vgt.s32 v12, v11  }
0x480: {  	v11 =	vsel vm0, v12, v11  }
0x481: {  	v12 =	vxor.u32 $0x80000000, v11  }
0x482: {  	(xrf0) =	vmax.scan.msk.u32 $0xffff, v12;
	_ =	sdelay $0x5  }
0x483: {  	v12, _, _ =	vpop (xrf0)  }
0x484: {  	(v2sf) =	vpush v12, $0xF;
	_ =	sdelay $0x8  }
0x485: {  	s0 =	sadd.s32 @p1 $0x10, s29  }
0x486: {  	s28 =	smov.u32 @p1 s0;
	p1 =	por $0x1, $0x1  }
.Ltmp38:
0x487: {  	_ = 	snop;
	(pc) =	sbr.rel @!p1 .LBB2_69-.Ltmp38, $3  }
0x488: {  	_ =	sdelay $0x1  }
0x489: {  	s29 =	simm.s32 $0x0  }
0x48a: {  	[tilespmem:s28+$0x0] =	vst v11;
	s28 =	simm.s32 $0x10;
	v12 =	vor.u32 s29, v0;
	s31 =	spop (v2sf)  }
0x48b: {  	_ =	sdelay $0x3  }
0x48c: {  	v11 =	vld.idx.msk [tilespmem:v12+s17+$0x0], $0xffff;
	_ =	sdelay $0x4  }
0x48d: {  	v12 =	vadd.s32 $0xFFFFFFFF, v11  }
0x48e: {  	v13 =	vadd.s32 $0xFF, v11;
	vm0 =	vlt.s32 v12, $0x0  }
0x48f: {  	v12 =	vsel vm0, v13, v12;
	_ =	sdelay $0x3  }
0x490: {  	v13 =	vld.idx.msk [tilespmem:v11+s16+$0x0], $0xffff  }
0x491: {  	v14 =	vld.idx.msk [tilespmem:v12+s16+$0x0], $0xffff;
	_ =	sdelay $0x4  }
0x492: {  	v13 =	vsub.f32 v13, v14;
	_ =	sdelay $0x1  }
0x493: {  	(erf) = vrcp.f32 v13;
	_ =	sdelay $0x1  }
0x494: {  	v13 =	vld.idx.msk [tilespmem:v11+s18+$0x0], $0xffff  }
0x495: {  	v11 =	vld.idx.msk [tilespmem:v12+s18+$0x0], $0xffff;
	_ =	sdelay $0x3  }
0x496: {  	p2 =	por $0x1, $0x1  }
.Ltmp39:
0x497: {  	v12 =	vsub.f32 v13, v11;
	(pc) =	sbr.rel @!p2 .LBB2_71-.Ltmp39, $4  }
0x498: {  	v13 =	vpop (erf)  }
0x499: {  	v15 =	vmul.f32 v12, v13  }
0x49a: {  	s0 =	sand.u32 $0xF0, s29  }
0x49b: {  	s31 =	simm.s32 $0x20;
	p0 =	por $0x1, $0x1;
	s30 =	simm.s32 $0x10;
	v12 =	vor.u32 s28, v0;
	v13 =	vmul.f32 v15, v14;
	[tilespmem:s0+$0x12800] =	vst v15  }
.LBB2_72:
0x49c: {  	p2 =	sne.s32 s31, $0xF0  }
0x49d: {  	v11 =	vsub.f32 v11, v13;
	_ =	sdelay $0x1  }
0x49e: {  	[tilespmem:s0+$0x12500] =	vst v11  }
0x49f: {  	v11 =	vld.idx.msk [tilespmem:v12+s17+$0x0], $0xffff;
	_ =	sdelay $0x5  }
0x4a0: {  	v12 =	vadd.s32 $0xFFFFFFFF, v11  }
0x4a1: {  	v13 =	vadd.s32 $0xFF, v11;
	vm0 =	vlt.s32 v12, $0x0  }
0x4a2: {  	v12 =	vsel vm0, v13, v12;
	_ =	sdelay $0x3  }
0x4a3: {  	v13 =	vld.idx.msk [tilespmem:v11+s16+$0x0], $0xffff  }
0x4a4: {  	v14 =	vld.idx.msk [tilespmem:v12+s16+$0x0], $0xffff;
	_ =	sdelay $0x5  }
0x4a5: {  	v13 =	vsub.f32 v13, v14;
	_ =	sdelay $0x1  }
0x4a6: {  	(erf) = vrcp.f32 v13  }
0x4a7: {  	v13 =	vld.idx.msk [tilespmem:v11+s18+$0x0], $0xffff  }
0x4a8: {  	v11 =	vld.idx.msk [tilespmem:v12+s18+$0x0], $0xffff;
	_ =	sdelay $0x5  }
.Ltmp40:
0x4a9: {  	v12 =	vsub.f32 v13, v11;
	(pc) =	sbr.rel @p2 .LBB2_72-.Ltmp40, $4  }
0x4aa: {  	v13 =	vpop (erf)  }
0x4ab: {  	v15 =	vmul.f32 v12, v13  }
0x4ac: {  	s0 =	sand.u32 $0xF0, s30;
	s30 =	smov.u32 s31  }
0x4ad: {  	s31 =	sadd.s32 $0x10, s31;
	v12 =	vor.u32 s30, v0;
	v13 =	vmul.f32 v15, v14;
	[tilespmem:s0+$0x12800] =	vst v15  }
.LBB2_73:
0x4ae: {  	_ = 	snop  }
0x4af: {  	v11 =	vsub.f32 @p0 v11, v13;
	_ =	sdelay $0x1  }
0x4b0: {  	[tilespmem:s0+$0x12500] =	vst @p0 v11  }
0x4b1: {  	v11 =	vld.idx.msk [tilespmem:v12+s17+$0x0], $0xffff;
	_ =	sdelay $0x4  }
0x4b2: {  	v12 =	vadd.s32 $0xFFFFFFFF, v11  }
0x4b3: {  	v62 =	vadd.s32 $0xFF, v11;
	vm0 =	vlt.s32 v12, $0x0  }
0x4b4: {  	v12 =	vsel vm0, v62, v12;
	_ =	sdelay $0x3  }
0x4b5: {  	v63 =	vld.idx.msk [tilespmem:v11+s16+$0x0], $0xffff  }
0x4b6: {  	v14 =	vld.idx.msk [tilespmem:v12+s16+$0x0], $0xffff;
	_ =	sdelay $0x4  }
0x4b7: {  	v13 =	vsub.f32 v63, v14;
	_ =	sdelay $0x1  }
0x4b8: {  	(erf) = vrcp.f32 v13;
	_ =	sdelay $0x1  }
0x4b9: {  	v11 =	vld.idx.msk [tilespmem:v11+s18+$0x0], $0xffff  }
0x4ba: {  	v12 =	vld.idx.msk [tilespmem:v12+s18+$0x0], $0xffff;
	_ =	sdelay $0x4  }
0x4bb: {  	v11 =	vsub.f32 v11, v12  }
0x4bc: {  	v13 =	vpop (erf)  }
0x4bd: {  	v11 =	vmul.f32 v11, v13;
	_ =	sdelay $0x1  }
0x4be: {  	v13 =	vmul.f32 v11, v14;
	_ =	sdelay $0x1  }
0x4bf: {  	s31 =	sand.u32 $0xF0, s30;
	v12 =	vsub.f32 v12, v13  }
0x4c0: {  	[tilespmem:s31+$0x12800] =	vst v11  }
0x4c1: {  	[tilespmem:s31+$0x12500] =	vst v12  }
0x4c2: {  	v12 =	vld.idx.msk [tilespmem:v3+s16+$0x0], $0xffff  }
.Ltmp41:
0x4c3: {  	v11 =	vld.idx.msk [tilespmem:v3+s18+$0x0], $0xffff;
	(pc) =	sbr.rel @!p1 .LBB2_75-.Ltmp41, $3  }
0x4c4: {  	_ =	sdelay $0x1  }
0x4c5: {  	s0 =	sand.u32 $0xF0, s29  }
0x4c6: {  	[tilespmem:s0+$0x12B00] =	vst v12  }
.LBB2_74:
0x4c7: {  	p0 =	sne.s32 s28, $0xF0;
	[tilespmem:s0+$0x12E00] =	vst v11;
	s0 =	smov.u32 s28;
	s28 =	sadd.s32 $0x10, s28  }
0x4c8: {  	v12 =	vld.idx.msk [tilespmem:v3+s16+$0x0], $0xffff  }
0x4c9: {  	v11 =	vld.idx.msk [tilespmem:v3+s18+$0x0], $0xffff  }
.Ltmp42:
0x4ca: {  	(pc) =	sbr.rel @p0 .LBB2_74-.Ltmp42, $3  }
0x4cb: {  	_ =	sdelay $0x1  }
0x4cc: {  	s0 =	sand.u32 $0xF0, s0  }
0x4cd: {  	[tilespmem:s0+$0x12B00] =	vst v12  }
.LBB2_75:
0x4ce: {  	[tilespmem:s0+$0x12E00] =	vst v11  }
0x4cf: {  	_ =	swait.ge [sflag:s19], $0x2000  }
0x4d0: {  	[sflag:s19] =	ssyncset.done $0x0  }
0x4d1: {  	s28 =	simm.s32 $0x0;
	[sflag:s19] =	ssyncadd.s32 $0xFFFFE000  }
.LBB2_76:
0x4d2: {  	s29 =	sshra.s32 s28, $0x2;
	v15 =	vld.idx.msk [tilespmem:v4+s20+$0x0], $0xffff  }
0x4d3: {  	v14 =	vld [tilespmem:s29+$0x0];
	_ =	sdelay $0x3  }
0x4d4: {  	v13 =	vld [tilespmem:s29+$0x10]  }
0x4d5: {  	vm0 =	vlt.f32 v15, v14  }
0x4d6: {  	v16 =	vsel vm0, $0x80, v5  }
0x4d7: {  	v17 =	vor.u32 $0x40, v16  }
0x4d8: {  	v12 =	vld [tilespmem:s29+$0x20]  }
0x4d9: {  	vm14 =	vlt.f32 v15, v13  }
0x4da: {  	v18 =	vsel vm14, $0x80, v5  }
0x4db: {  	v11 =	vld [tilespmem:s29+$0x30];
	v19 =	vor.u32 $0x40, v18  }
0x4dc: {  	v20 =	vld.idx.msk [tilespmem:v17+s20+$0x0], $0xffff  }
0x4dd: {  	vm15 =	vlt.f32 v15, v12  }
0x4de: {  	v21 =	vsel vm15, $0x80, v5  }
0x4df: {  	v22 =	vor.u32 $0x40, v21  }
0x4e0: {  	vm4 =	vlt.f32 v15, v11;
	v50 =	vld.idx.msk [tilespmem:v19+s20+$0x0], $0xffff  }
0x4e1: {  	v23 =	vsel vm4, $0x80, v5;
	vm5 =	vlt.f32 v20, v14  }
0x4e2: {  	v51 =	vor.u32 $0x40, v23;
	v17 =	vsel vm5, v17, v16  }
0x4e3: {  	v24 =	vor.u32 $0x20, v17  }
0x4e4: {  	v25 =	vld.idx.msk [tilespmem:v22+s20+$0x0], $0xffff;
	v26 =	vand.u32 $0x60, v24  }
0x4e5: {  	vm6 =	vlt.f32 v50, v13;
	v52 =	vor.u32 v16, v26  }
0x4e6: {  	v53 =	vsel vm6, v19, v18  }
0x4e7: {  	v54 =	vld.idx.msk [tilespmem:v51+s20+$0x0], $0xffff;
	v55 =	vor.u32 $0x20, v53  }
0x4e8: {  	v27 =	vand.u32 $0x60, v55  }
0x4e9: {  	vm7 =	vlt.f32 v25, v12;
	v18 =	vor.u32 v18, v27  }
0x4ea: {  	v22 =	vsel vm7, v22, v21;
	v15 =	vld.idx.msk [tilespmem:v52+s20+$0x0], $0xffff  }
0x4eb: {  	v56 =	vor.u32 $0x20, v22  }
0x4ec: {  	vm8 =	vlt.f32 v54, v11;
	v57 =	vand.u32 $0x60, v56  }
0x4ed: {  	v20 =	vsel vm8, v51, v23;
	v19 =	vor.u32 v21, v57  }
0x4ee: {  	v58 =	vor.u32 $0x20, v20;
	v18 =	vld.idx.msk [tilespmem:v18+s20+$0x0], $0xffff  }
0x4ef: {  	v59 =	vand.u32 $0x60, v58;
	vm9 =	vlt.f32 v15, v14  }
0x4f0: {  	v15 =	vor.u32 v23, v59;
	v17 =	vsel vm9, v24, v17  }
0x4f1: {  	v60 =	vor.u32 $0x10, v17  }
0x4f2: {  	v19 =	vld.idx.msk [tilespmem:v19+s20+$0x0], $0xffff  }
0x4f3: {  	vm10 =	vlt.f32 v18, v13  }
0x4f4: {  	v16 =	vsel vm10, v55, v53  }
0x4f5: {  	v61 =	vor.u32 $0x10, v16;
	v15 =	vld.idx.msk [tilespmem:v15+s20+$0x0], $0xffff  }
0x4f6: {  	v62 =	vld.idx.msk [tilespmem:v60+s20+$0x0], $0xffff  }
0x4f7: {  	vm11 =	vlt.f32 v19, v12  }
0x4f8: {  	v19 =	vsel vm11, v56, v22  }
0x4f9: {  	v22 =	vor.u32 $0x10, v19  }
0x4fa: {  	v63 =	vld.idx.msk [tilespmem:v61+s20+$0x0], $0xffff;
	vm12 =	vlt.f32 v15, v11  }
0x4fb: {  	v20 =	vsel vm12, v58, v20;
	vm13 =	vlt.f32 v62, v14  }
0x4fc: {  	v21 =	vor.u32 $0x10, v20;
	v17 =	vsel vm13, v60, v17  }
0x4fd: {  	v23 =	vadd.s32 $0x8, v17  }
0x4fe: {  	v28 =	vld.idx.msk [tilespmem:v22+s20+$0x0], $0xffff  }
0x4ff: {  	vm14 =	vlt.f32 v63, v13  }
0x500: {  	v15 =	vsel vm14, v61, v16  }
0x501: {  	v18 =	vadd.s32 $0x8, v15;
	v29 =	vld.idx.msk [tilespmem:v21+s20+$0x0], $0xffff  }
0x502: {  	v30 =	vld.idx.msk [tilespmem:v23+s20+$0x0], $0xffff  }
0x503: {  	vm15 =	vlt.f32 v28, v12  }
0x504: {  	v19 =	vsel vm15, v22, v19  }
0x505: {  	v22 =	vadd.s32 $0x8, v19  }
0x506: {  	v31 =	vld.idx.msk [tilespmem:v18+s20+$0x0], $0xffff;
	vm4 =	vlt.f32 v29, v11  }
0x507: {  	v20 =	vsel vm4, v21, v20;
	vm5 =	vlt.f32 v30, v14  }
0x508: {  	v21 =	vadd.s32 $0x8, v20;
	v17 =	vsel vm5, v23, v17  }
0x509: {  	v23 =	vadd.s32 $0x4, v17  }
0x50a: {  	v32 =	vld.idx.msk [tilespmem:v22+s20+$0x0], $0xffff  }
0x50b: {  	vm6 =	vlt.f32 v31, v13  }
0x50c: {  	v15 =	vsel vm6, v18, v15  }
0x50d: {  	v18 =	vadd.s32 $0x4, v15;
	v33 =	vld.idx.msk [tilespmem:v21+s20+$0x0], $0xffff  }
0x50e: {  	v34 =	vld.idx.msk [tilespmem:v23+s20+$0x0], $0xffff  }
0x50f: {  	vm7 =	vlt.f32 v32, v12  }
0x510: {  	v19 =	vsel vm7, v22, v19  }
0x511: {  	v22 =	vadd.s32 $0x4, v19  }
0x512: {  	v35 =	vld.idx.msk [tilespmem:v18+s20+$0x0], $0xffff;
	vm8 =	vlt.f32 v33, v11  }
0x513: {  	v20 =	vsel vm8, v21, v20;
	vm9 =	vlt.f32 v34, v14  }
0x514: {  	v21 =	vadd.s32 $0x4, v20;
	v17 =	vsel vm9, v23, v17  }
0x515: {  	v23 =	vadd.s32 $0x2, v17  }
0x516: {  	v36 =	vld.idx.msk [tilespmem:v22+s20+$0x0], $0xffff  }
0x517: {  	vm10 =	vlt.f32 v35, v13  }
0x518: {  	v15 =	vsel vm10, v18, v15  }
0x519: {  	v18 =	vadd.s32 $0x2, v15;
	v37 =	vld.idx.msk [tilespmem:v21+s20+$0x0], $0xffff  }
0x51a: {  	v38 =	vld.idx.msk [tilespmem:v23+s20+$0x0], $0xffff  }
0x51b: {  	vm11 =	vlt.f32 v36, v12  }
0x51c: {  	v19 =	vsel vm11, v22, v19  }
0x51d: {  	v22 =	vadd.s32 $0x2, v19  }
0x51e: {  	v39 =	vld.idx.msk [tilespmem:v18+s20+$0x0], $0xffff;
	vm12 =	vlt.f32 v37, v11  }
0x51f: {  	v20 =	vsel vm12, v21, v20;
	vm13 =	vlt.f32 v38, v14  }
0x520: {  	v21 =	vadd.s32 $0x2, v20;
	v17 =	vsel vm13, v23, v17  }
0x521: {  	v23 =	vadd.s32 $0x1, v17  }
0x522: {  	v40 =	vld.idx.msk [tilespmem:v22+s20+$0x0], $0xffff  }
0x523: {  	vm14 =	vlt.f32 v39, v13  }
0x524: {  	v15 =	vsel vm14, v18, v15  }
0x525: {  	v18 =	vadd.s32 $0x1, v15;
	v41 =	vld.idx.msk [tilespmem:v21+s20+$0x0], $0xffff  }
0x526: {  	v42 =	vld.idx.msk [tilespmem:v23+s20+$0x0], $0xffff  }
0x527: {  	vm15 =	vlt.f32 v40, v12  }
0x528: {  	v19 =	vsel vm15, v22, v19  }
0x529: {  	v22 =	vadd.s32 $0x1, v19  }
0x52a: {  	v43 =	vld.idx.msk [tilespmem:v18+s20+$0x0], $0xffff;
	vm4 =	vlt.f32 v41, v11  }
0x52b: {  	v20 =	vsel vm4, v21, v20;
	vm5 =	vlt.f32 v42, v14  }
0x52c: {  	v21 =	vadd.s32 $0x1, v20;
	v17 =	vsel vm5, v23, v17  }
0x52d: {  	v23 =	vadd.s32 $0x300, v17  }
0x52e: {  	v44 =	vld.idx.msk [tilespmem:v22+s20+$0x0], $0xffff;
	v45 =	vadd.s32 $0x600, v17  }
0x52f: {  	vm6 =	vlt.f32 v43, v13;
	v46 =	vadd.s32 $0x900, v17  }
0x530: {  	v15 =	vsel vm6, v18, v15;
	v17 =	vadd.s32 $0xC00, v17  }
0x531: {  	v48 =	vadd.s32 $0x300, v15;
	v47 =	vld.idx.msk [tilespmem:v21+s20+$0x0], $0xffff  }
0x532: {  	v49 =	vadd.s32 $0x600, v15;
	v23 =	vld.idx.msk [tilespmem:v23+s20+$0x0], $0xffff  }
0x533: {  	vm7 =	vlt.f32 v44, v12;
	v51 =	vadd.s32 $0x900, v15;
	v50 =	vld.idx.msk [tilespmem:v45+s20+$0x0], $0xffff  }
0x534: {  	v19 =	vsel vm7, v22, v19;
	v15 =	vadd.s32 $0xC00, v15;
	v16 =	vld.idx.msk [tilespmem:v46+s20+$0x0], $0xffff  }
0x535: {  	v22 =	vadd.s32 $0x300, v19;
	v17 =	vld.idx.msk [tilespmem:v17+s20+$0x0], $0xffff  }
0x536: {  	v53 =	vadd.s32 $0x600, v19;
	v52 =	vld.idx.msk [tilespmem:v48+s20+$0x0], $0xffff;
	vm8 =	vlt.f32 v47, v11  }
0x537: {  	v55 =	vadd.s32 $0x900, v19;
	v54 =	vld.idx.msk [tilespmem:v49+s20+$0x0], $0xffff;
	v20 =	vsel vm8, v21, v20  }
0x538: {  	v25 =	vld.idx.msk [tilespmem:v51+s20+$0x0], $0xffff;
	v28 =	vadd.s32 $0x600, v20  }
0x539: {  	v19 =	vadd.s32 $0xC00, v19;
	v15 =	vld.idx.msk [tilespmem:v15+s20+$0x0], $0xffff  }
0x53a: {  	v22 =	vld.idx.msk [tilespmem:v22+s20+$0x0], $0xffff;
	v29 =	vadd.s32 $0x300, v20  }
0x53b: {  	v26 =	vld.idx.msk [tilespmem:v53+s20+$0x0], $0xffff;
	v30 =	vadd.s32 $0x900, v20  }
0x53c: {  	v27 =	vld.idx.msk [tilespmem:v55+s20+$0x0], $0xffff;
	v20 =	vadd.s32 $0xC00, v20  }
0x53d: {  	v28 =	vld.idx.msk [tilespmem:v28+s20+$0x0], $0xffff  }
0x53e: {  	v19 =	vld.idx.msk [tilespmem:v19+s20+$0x0], $0xffff  }
0x53f: {  	vm11 =	vle.f32 v14, $-1.000000000e+00;
	v24 =	vmul.f32 v50, v14;
	v56 =	vld.idx.msk [tilespmem:v29+s20+$0x0], $0xffff  }
0x540: {  	vm12 =	vle.f32 v13, $-1.000000000e+00;
	vm14 =	vle.f32 v12, $-1.000000000e+00;
	v21 =	vmul.f32 v54, v13;
	v58 =	vld.idx.msk [tilespmem:v30+s20+$0x0], $0xffff  }
0x541: {  	vm9 =	vge.f32 v14, v16;
	v59 =	vmul.f32 v26, v12;
	v23 =	vadd.f32 v24, v23;
	v20 =	vld.idx.msk [tilespmem:v20+s20+$0x0], $0xffff  }
0x542: {  	vm10 =	vge.f32 v13, v25;
	v57 =	vadd.f32 v21, v52;
	v60 =	vmul.f32 v28, v11  }
0x543: {  	p0 =	sne.s32 s28, $0x7F00;
	vm13 =	vge.f32 v12, v27;
	v62 =	vadd.f32 v59, v22;
	v17 =	vsel vm9, v17, v23  }
.Ltmp43:
0x544: {  	v15 =	vsel vm10, v15, v57;
	v61 =	vsel vm11, $0xBF800000, v17;
	v14 =	vadd.f32 v60, v56;
	(pc) =	sbr.rel @p0 .LBB2_76-.Ltmp43, $4  }
0x545: {  	v13 =	vsel vm13, v19, v62;
	v15 =	vsel vm12, $0xBF800000, v15;
	[tilespmem:s29+$0x0] =	vst v61;
	vm1 =	vge.f32 v11, v58  }
0x546: {  	vm15 =	vle.f32 v11, $-1.000000000e+00;
	v12 =	vsel vm14, $0xBF800000, v13;
	[tilespmem:s29+$0x10] =	vst v15;
	v63 =	vsel vm1, v20, v14  }
0x547: {  	[tilespmem:s29+$0x20] =	vst v12;
	v11 =	vsel vm15, $0xBF800000, v63  }
0x548: {  	s28 =	sadd.s32 $0x100, s28;
	[tilespmem:s29+$0x30] =	vst v11  }
0x549: {  	s28 =	simm.s32 $0x0  }
0x54a: {  	[hbm4b:s7+s28] =	stream.linear.scatter [tilespmem:s28], [sflag:$0x5], $0x2000, $0x38;
	[tilespmem:$0x13500] =	vst v63  }
0x54b: {  	_ =	swait.ge [sflag:s21], $0x2000  }
0x54c: {  	[sflag:s21] =	ssyncset.done $0x0  }
0x54d: {  	s29 =	simm.s32 $0x2030;
	s0 =	simm.s32 $0x2000;
	[sflag:s21] =	ssyncadd.s32 $0xFFFFE000  }
.LBB2_78:
0x54e: {  	v15 =	vld.idx.msk [tilespmem:v6+s20+$0x0], $0xffff  }
0x54f: {  	s30 =	sand.u32 $0x1FC0, s28;
	v13 =	vld [tilespmem:s29+$0xFFFFFFE0]  }
0x550: {  	v14 =	vld [tilespmem:s30+$0x2000];
	_ =	sdelay $0x2  }
0x551: {  	v12 =	vld [tilespmem:s29+$0xFFFFFFF0]  }
0x552: {  	vm14 =	vlt.f32 v15, v13  }
0x553: {  	vm0 =	vlt.f32 v15, v14;
	v18 =	vsel vm14, $0x180, v8  }
0x554: {  	v16 =	vsel vm0, $0x180, v8;
	v19 =	vor.u32 $0x40, v18  }
0x555: {  	v17 =	vor.u32 $0x40, v16  }
0x556: {  	vm15 =	vlt.f32 v15, v12  }
0x557: {  	v21 =	vsel vm15, $0x180, v8  }
0x558: {  	v11 =	vld [tilespmem:s29+$0x0];
	v22 =	vor.u32 $0x40, v21  }
0x559: {  	v50 =	vld.idx.msk [tilespmem:v19+s20+$0x0], $0xffff  }
0x55a: {  	v20 =	vld.idx.msk [tilespmem:v17+s20+$0x0], $0xffff;
	_ =	sdelay $0x2  }
0x55b: {  	vm4 =	vlt.f32 v15, v11;
	v25 =	vld.idx.msk [tilespmem:v22+s20+$0x0], $0xffff  }
0x55c: {  	v23 =	vsel vm4, $0x180, v8;
	vm6 =	vlt.f32 v50, v13  }
0x55d: {  	v51 =	vor.u32 $0x40, v23;
	vm5 =	vlt.f32 v20, v14;
	v53 =	vsel vm6, v19, v18  }
0x55e: {  	v17 =	vsel vm5, v17, v16;
	v55 =	vor.u32 $0x20, v53  }
0x55f: {  	v24 =	vor.u32 $0x20, v17;
	v27 =	vand.u32 $0x60, v55  }
0x560: {  	vm7 =	vlt.f32 v25, v12;
	v26 =	vand.u32 $0x60, v24;
	v18 =	vor.u32 v18, v27  }
0x561: {  	v22 =	vsel vm7, v22, v21;
	v52 =	vor.u32 v16, v26  }
0x562: {  	v54 =	vld.idx.msk [tilespmem:v51+s20+$0x0], $0xffff;
	v56 =	vor.u32 $0x20, v22  }
0x563: {  	v57 =	vand.u32 $0x60, v56  }
0x564: {  	v19 =	vor.u32 v21, v57  }
0x565: {  	v18 =	vld.idx.msk [tilespmem:v18+s20+$0x0], $0xffff  }
0x566: {  	v15 =	vld.idx.msk [tilespmem:v52+s20+$0x0], $0xffff  }
0x567: {  	vm8 =	vlt.f32 v54, v11  }
0x568: {  	v20 =	vsel vm8, v51, v23  }
0x569: {  	v58 =	vor.u32 $0x20, v20;
	v19 =	vld.idx.msk [tilespmem:v19+s20+$0x0], $0xffff  }
0x56a: {  	v59 =	vand.u32 $0x60, v58;
	vm10 =	vlt.f32 v18, v13  }
0x56b: {  	vm9 =	vlt.f32 v15, v14;
	v15 =	vor.u32 v23, v59;
	v16 =	vsel vm10, v55, v53  }
0x56c: {  	v61 =	vor.u32 $0x10, v16;
	_ =	sdelay $0x1  }
0x56d: {  	vm11 =	vlt.f32 v19, v12  }
0x56e: {  	v19 =	vsel vm11, v56, v22  }
0x56f: {  	v22 =	vor.u32 $0x10, v19;
	v15 =	vld.idx.msk [tilespmem:v15+s20+$0x0], $0xffff  }
0x570: {  	v63 =	vld.idx.msk [tilespmem:v61+s20+$0x0], $0xffff;
	_ =	sdelay $0x1  }
0x571: {  	v17 =	vsel vm9, v24, v17  }
0x572: {  	v60 =	vor.u32 $0x10, v17  }
0x573: {  	v28 =	vld.idx.msk [tilespmem:v22+s20+$0x0], $0xffff;
	vm12 =	vlt.f32 v15, v11  }
0x574: {  	v20 =	vsel vm12, v58, v20;
	vm14 =	vlt.f32 v63, v13  }
0x575: {  	v21 =	vor.u32 $0x10, v20;
	v15 =	vsel vm14, v61, v16  }
0x576: {  	v18 =	vadd.s32 $0x8, v15  }
0x577: {  	v62 =	vld.idx.msk [tilespmem:v60+s20+$0x0], $0xffff  }
0x578: {  	vm15 =	vlt.f32 v28, v12  }
0x579: {  	v19 =	vsel vm15, v22, v19  }
0x57a: {  	v22 =	vadd.s32 $0x8, v19;
	v29 =	vld.idx.msk [tilespmem:v21+s20+$0x0], $0xffff  }
0x57b: {  	v31 =	vld.idx.msk [tilespmem:v18+s20+$0x0], $0xffff  }
0x57c: {  	vm13 =	vlt.f32 v62, v14  }
0x57d: {  	v17 =	vsel vm13, v60, v17  }
0x57e: {  	v23 =	vadd.s32 $0x8, v17  }
0x57f: {  	v32 =	vld.idx.msk [tilespmem:v22+s20+$0x0], $0xffff;
	vm4 =	vlt.f32 v29, v11  }
0x580: {  	v20 =	vsel vm4, v21, v20;
	vm6 =	vlt.f32 v31, v13  }
0x581: {  	v21 =	vadd.s32 $0x8, v20;
	v15 =	vsel vm6, v18, v15  }
0x582: {  	v18 =	vadd.s32 $0x4, v15  }
0x583: {  	v30 =	vld.idx.msk [tilespmem:v23+s20+$0x0], $0xffff  }
0x584: {  	vm7 =	vlt.f32 v32, v12  }
0x585: {  	v19 =	vsel vm7, v22, v19  }
0x586: {  	v22 =	vadd.s32 $0x4, v19;
	v33 =	vld.idx.msk [tilespmem:v21+s20+$0x0], $0xffff  }
0x587: {  	v35 =	vld.idx.msk [tilespmem:v18+s20+$0x0], $0xffff  }
0x588: {  	vm5 =	vlt.f32 v30, v14  }
0x589: {  	v17 =	vsel vm5, v23, v17  }
0x58a: {  	v23 =	vadd.s32 $0x4, v17  }
0x58b: {  	v36 =	vld.idx.msk [tilespmem:v22+s20+$0x0], $0xffff;
	vm8 =	vlt.f32 v33, v11  }
0x58c: {  	v20 =	vsel vm8, v21, v20;
	vm10 =	vlt.f32 v35, v13  }
0x58d: {  	v21 =	vadd.s32 $0x4, v20;
	v15 =	vsel vm10, v18, v15  }
0x58e: {  	v18 =	vadd.s32 $0x2, v15  }
0x58f: {  	v34 =	vld.idx.msk [tilespmem:v23+s20+$0x0], $0xffff  }
0x590: {  	vm11 =	vlt.f32 v36, v12  }
0x591: {  	v19 =	vsel vm11, v22, v19  }
0x592: {  	v22 =	vadd.s32 $0x2, v19;
	v37 =	vld.idx.msk [tilespmem:v21+s20+$0x0], $0xffff  }
0x593: {  	v39 =	vld.idx.msk [tilespmem:v18+s20+$0x0], $0xffff  }
0x594: {  	vm9 =	vlt.f32 v34, v14  }
0x595: {  	v17 =	vsel vm9, v23, v17  }
0x596: {  	v23 =	vadd.s32 $0x2, v17  }
0x597: {  	v40 =	vld.idx.msk [tilespmem:v22+s20+$0x0], $0xffff;
	vm12 =	vlt.f32 v37, v11  }
0x598: {  	v20 =	vsel vm12, v21, v20;
	vm14 =	vlt.f32 v39, v13  }
0x599: {  	v21 =	vadd.s32 $0x2, v20;
	v15 =	vsel vm14, v18, v15  }
0x59a: {  	v18 =	vadd.s32 $0x1, v15  }
0x59b: {  	v38 =	vld.idx.msk [tilespmem:v23+s20+$0x0], $0xffff  }
0x59c: {  	vm15 =	vlt.f32 v40, v12  }
0x59d: {  	v19 =	vsel vm15, v22, v19  }
0x59e: {  	v22 =	vadd.s32 $0x1, v19;
	v41 =	vld.idx.msk [tilespmem:v21+s20+$0x0], $0xffff  }
0x59f: {  	v43 =	vld.idx.msk [tilespmem:v18+s20+$0x0], $0xffff  }
0x5a0: {  	vm13 =	vlt.f32 v38, v14  }
0x5a1: {  	v17 =	vsel vm13, v23, v17  }
0x5a2: {  	v23 =	vadd.s32 $0x1, v17  }
0x5a3: {  	v44 =	vld.idx.msk [tilespmem:v22+s20+$0x0], $0xffff;
	vm4 =	vlt.f32 v41, v11  }
0x5a4: {  	v20 =	vsel vm4, v21, v20;
	vm6 =	vlt.f32 v43, v13  }
0x5a5: {  	v21 =	vadd.s32 $0x1, v20;
	v15 =	vsel vm6, v18, v15  }
0x5a6: {  	v48 =	vadd.s32 $0x300, v15  }
0x5a7: {  	v42 =	vld.idx.msk [tilespmem:v23+s20+$0x0], $0xffff;
	v49 =	vadd.s32 $0x600, v15  }
0x5a8: {  	vm7 =	vlt.f32 v44, v12;
	v51 =	vadd.s32 $0x900, v15  }
0x5a9: {  	v19 =	vsel vm7, v22, v19;
	v15 =	vadd.s32 $0xC00, v15  }
0x5aa: {  	v22 =	vadd.s32 $0x300, v19;
	v47 =	vld.idx.msk [tilespmem:v21+s20+$0x0], $0xffff  }
0x5ab: {  	v53 =	vadd.s32 $0x600, v19;
	v52 =	vld.idx.msk [tilespmem:v48+s20+$0x0], $0xffff  }
0x5ac: {  	vm5 =	vlt.f32 v42, v14;
	v55 =	vadd.s32 $0x900, v19;
	v54 =	vld.idx.msk [tilespmem:v49+s20+$0x0], $0xffff  }
0x5ad: {  	v17 =	vsel vm5, v23, v17;
	v19 =	vadd.s32 $0xC00, v19;
	v25 =	vld.idx.msk [tilespmem:v51+s20+$0x0], $0xffff  }
0x5ae: {  	v45 =	vadd.s32 $0x600, v17;
	v15 =	vld.idx.msk [tilespmem:v15+s20+$0x0], $0xffff  }
0x5af: {  	v23 =	vadd.s32 $0x300, v17;
	v22 =	vld.idx.msk [tilespmem:v22+s20+$0x0], $0xffff;
	vm8 =	vlt.f32 v47, v11  }
0x5b0: {  	v46 =	vadd.s32 $0x900, v17;
	v26 =	vld.idx.msk [tilespmem:v53+s20+$0x0], $0xffff;
	v20 =	vsel vm8, v21, v20  }
0x5b1: {  	v27 =	vld.idx.msk [tilespmem:v55+s20+$0x0], $0xffff;
	v28 =	vadd.s32 $0x600, v20  }
0x5b2: {  	v17 =	vadd.s32 $0xC00, v17;
	v19 =	vld.idx.msk [tilespmem:v19+s20+$0x0], $0xffff  }
0x5b3: {  	v50 =	vld.idx.msk [tilespmem:v45+s20+$0x0], $0xffff;
	v29 =	vadd.s32 $0x300, v20  }
0x5b4: {  	v23 =	vld.idx.msk [tilespmem:v23+s20+$0x0], $0xffff;
	v30 =	vadd.s32 $0x900, v20  }
0x5b5: {  	v16 =	vld.idx.msk [tilespmem:v46+s20+$0x0], $0xffff;
	v20 =	vadd.s32 $0xC00, v20  }
0x5b6: {  	v28 =	vld.idx.msk [tilespmem:v28+s20+$0x0], $0xffff  }
0x5b7: {  	v17 =	vld.idx.msk [tilespmem:v17+s20+$0x0], $0xffff  }
0x5b8: {  	vm11 =	vle.f32 v14, $-1.000000000e+00;
	v24 =	vmul.f32 v50, v14;
	v56 =	vld.idx.msk [tilespmem:v29+s20+$0x0], $0xffff  }
0x5b9: {  	vm12 =	vle.f32 v13, $-1.000000000e+00;
	vm14 =	vle.f32 v12, $-1.000000000e+00;
	v21 =	vmul.f32 v54, v13;
	v58 =	vld.idx.msk [tilespmem:v30+s20+$0x0], $0xffff  }
0x5ba: {  	vm10 =	vge.f32 v13, v25;
	v59 =	vmul.f32 v26, v12;
	v23 =	vadd.f32 v24, v23;
	v20 =	vld.idx.msk [tilespmem:v20+s20+$0x0], $0xffff  }
0x5bb: {  	vm9 =	vge.f32 v14, v16;
	v57 =	vadd.f32 v21, v52;
	v60 =	vmul.f32 v28, v11  }
0x5bc: {  	p0 =	sne.s32 s28, $0x1FC0;
	vm13 =	vge.f32 v12, v27;
	v62 =	vadd.f32 v59, v22;
	v17 =	vsel vm9, v17, v23  }
.Ltmp44:
0x5bd: {  	v15 =	vsel vm10, v15, v57;
	v61 =	vsel vm11, $0xBF800000, v17;
	v14 =	vadd.f32 v60, v56;
	(pc) =	sbr.rel @p0 .LBB2_78-.Ltmp44, $4  }
0x5be: {  	v13 =	vsel vm13, v19, v62;
	v15 =	vsel vm12, $0xBF800000, v15;
	[tilespmem:s30+$0x2000] =	vst v61;
	vm1 =	vge.f32 v11, v58  }
0x5bf: {  	vm15 =	vle.f32 v11, $-1.000000000e+00;
	v12 =	vsel vm14, $0xBF800000, v13;
	[tilespmem:s29+$0xFFFFFFE0] =	vst v15;
	v63 =	vsel vm1, v20, v14  }
0x5c0: {  	[tilespmem:s29+$0xFFFFFFF0] =	vst v12;
	v11 =	vsel vm15, $0xBF800000, v63  }
0x5c1: {  	s28 =	sadd.s32 $0x40, s28;
	[tilespmem:s29+$0x0] =	vst v11;
	s29 =	sadd.s32 $0x40, s29  }
0x5c2: {  	s28 =	simm.s32 $0x0  }
0x5c3: {  	[hbm4b:s8+s28] =	stream.linear.scatter [tilespmem:s0], [sflag:$0x6], $0x2000, $0x38;
	[tilespmem:$0x13500] =	vst v63  }
0x5c4: {  	_ =	swait.ge [sflag:s22], $0x2000  }
0x5c5: {  	[sflag:s22] =	ssyncset.done $0x0  }
0x5c6: {  	s29 =	simm.s32 $0x4030;
	[sflag:s22] =	ssyncadd.s32 $0xFFFFE000  }
.LBB2_80:
0x5c7: {  	v15 =	vld.idx.msk [tilespmem:v9+s20+$0x0], $0xffff  }
0x5c8: {  	s30 =	sand.u32 $0x1FC0, s28;
	v13 =	vld [tilespmem:s29+$0xFFFFFFE0]  }
0x5c9: {  	v14 =	vld [tilespmem:s30+$0x4000];
	_ =	sdelay $0x3  }
0x5ca: {  	vm14 =	vlt.f32 v15, v13  }
0x5cb: {  	vm0 =	vlt.f32 v15, v14;
	v18 =	vsel vm14, $0x280, v10  }
0x5cc: {  	v16 =	vsel vm0, $0x280, v10;
	v19 =	vor.u32 $0x40, v18  }
0x5cd: {  	v12 =	vld [tilespmem:s29+$0xFFFFFFF0];
	v17 =	vor.u32 $0x40, v16;
	_ =	sdelay $0x2  }
0x5ce: {  	v11 =	vld [tilespmem:s29+$0x0]  }
0x5cf: {  	v43 =	vld.idx.msk [tilespmem:v19+s20+$0x0], $0xffff  }
0x5d0: {  	vm15 =	vlt.f32 v15, v12;
	v20 =	vld.idx.msk [tilespmem:v17+s20+$0x0], $0xffff  }
0x5d1: {  	v21 =	vsel vm15, $0x280, v10  }
0x5d2: {  	v22 =	vor.u32 $0x40, v21  }
0x5d3: {  	vm4 =	vlt.f32 v15, v11  }
0x5d4: {  	v23 =	vsel vm4, $0x280, v10;
	vm6 =	vlt.f32 v43, v13  }
0x5d5: {  	v44 =	vor.u32 $0x40, v23;
	vm5 =	vlt.f32 v20, v14;
	v46 =	vsel vm6, v19, v18  }
0x5d6: {  	v17 =	vsel vm5, v17, v16;
	v48 =	vor.u32 $0x20, v46  }
0x5d7: {  	v25 =	vld.idx.msk [tilespmem:v22+s20+$0x0], $0xffff;
	v24 =	vor.u32 $0x20, v17;
	v27 =	vand.u32 $0x60, v48  }
0x5d8: {  	v26 =	vand.u32 $0x60, v24;
	v18 =	vor.u32 v18, v27  }
0x5d9: {  	v45 =	vor.u32 v16, v26  }
0x5da: {  	v47 =	vld.idx.msk [tilespmem:v44+s20+$0x0], $0xffff;
	_ =	sdelay $0x1  }
0x5db: {  	vm7 =	vlt.f32 v25, v12  }
0x5dc: {  	v22 =	vsel vm7, v22, v21;
	v18 =	vld.idx.msk [tilespmem:v18+s20+$0x0], $0xffff  }
0x5dd: {  	v49 =	vor.u32 $0x20, v22;
	v15 =	vld.idx.msk [tilespmem:v45+s20+$0x0], $0xffff  }
0x5de: {  	vm8 =	vlt.f32 v47, v11;
	v50 =	vand.u32 $0x60, v49  }
0x5df: {  	v20 =	vsel vm8, v44, v23;
	v19 =	vor.u32 v21, v50  }
0x5e0: {  	v51 =	vor.u32 $0x20, v20  }
0x5e1: {  	v52 =	vand.u32 $0x60, v51;
	vm10 =	vlt.f32 v18, v13  }
0x5e2: {  	vm9 =	vlt.f32 v15, v14;
	v15 =	vor.u32 v23, v52;
	v16 =	vsel vm10, v48, v46  }
0x5e3: {  	v55 =	vor.u32 $0x10, v16  }
0x5e4: {  	v19 =	vld.idx.msk [tilespmem:v19+s20+$0x0], $0xffff;
	v56 =	vand.u32 $0x2FF, v55;
	_ =	sdelay $0x1  }
0x5e5: {  	v17 =	vsel vm9, v24, v17  }
0x5e6: {  	v53 =	vor.u32 $0x10, v17;
	v15 =	vld.idx.msk [tilespmem:v15+s20+$0x0], $0xffff  }
0x5e7: {  	v54 =	vand.u32 $0x2FF, v53  }
0x5e8: {  	vm11 =	vlt.f32 v19, v12;
	v60 =	vld.idx.msk [tilespmem:v56+s20+$0x0], $0xffff  }
0x5e9: {  	v22 =	vsel vm11, v49, v22  }
0x5ea: {  	v58 =	vor.u32 $0x10, v22  }
0x5eb: {  	v59 =	vand.u32 $0x2FF, v58;
	vm12 =	vlt.f32 v15, v11  }
0x5ec: {  	v57 =	vld.idx.msk [tilespmem:v54+s20+$0x0], $0xffff;
	v20 =	vsel vm12, v51, v20  }
0x5ed: {  	v61 =	vor.u32 $0x10, v20;
	vm14 =	vlt.f32 v60, v13  }
0x5ee: {  	v62 =	vand.u32 $0x2FF, v61;
	v16 =	vsel vm14, v55, v16  }
0x5ef: {  	v29 =	vadd.s32 $0x8, v16  }
0x5f0: {  	v15 =	vld.idx.msk [tilespmem:v59+s20+$0x0], $0xffff  }
0x5f1: {  	vm13 =	vlt.f32 v57, v14  }
0x5f2: {  	v17 =	vsel vm13, v53, v17  }
0x5f3: {  	v63 =	vadd.s32 $0x8, v17;
	v28 =	vld.idx.msk [tilespmem:v62+s20+$0x0], $0xffff  }
0x5f4: {  	v31 =	vld.idx.msk [tilespmem:v29+s20+$0x0], $0xffff  }
0x5f5: {  	vm15 =	vlt.f32 v15, v12  }
0x5f6: {  	v15 =	vsel vm15, v58, v22  }
0x5f7: {  	v22 =	vadd.s32 $0x8, v15  }
0x5f8: {  	v30 =	vld.idx.msk [tilespmem:v63+s20+$0x0], $0xffff;
	vm4 =	vlt.f32 v28, v11  }
0x5f9: {  	v19 =	vsel vm4, v61, v20;
	vm6 =	vlt.f32 v31, v13  }
0x5fa: {  	v20 =	vadd.s32 $0x8, v19;
	v16 =	vsel vm6, v29, v16  }
0x5fb: {  	v21 =	vadd.s32 $0x4, v16  }
0x5fc: {  	v33 =	vld.idx.msk [tilespmem:v22+s20+$0x0], $0xffff  }
0x5fd: {  	vm5 =	vlt.f32 v30, v14  }
0x5fe: {  	v17 =	vsel vm5, v63, v17  }
0x5ff: {  	v32 =	vadd.s32 $0x4, v17;
	v34 =	vld.idx.msk [tilespmem:v20+s20+$0x0], $0xffff  }
0x600: {  	v36 =	vld.idx.msk [tilespmem:v21+s20+$0x0], $0xffff  }
0x601: {  	vm7 =	vlt.f32 v33, v12  }
0x602: {  	v15 =	vsel vm7, v22, v15  }
0x603: {  	v22 =	vadd.s32 $0x4, v15  }
0x604: {  	v35 =	vld.idx.msk [tilespmem:v32+s20+$0x0], $0xffff;
	vm8 =	vlt.f32 v34, v11  }
0x605: {  	v19 =	vsel vm8, v20, v19;
	vm10 =	vlt.f32 v36, v13  }
0x606: {  	v20 =	vadd.s32 $0x4, v19;
	v16 =	vsel vm10, v21, v16  }
0x607: {  	v21 =	vadd.s32 $0x2, v16  }
0x608: {  	v37 =	vld.idx.msk [tilespmem:v22+s20+$0x0], $0xffff  }
0x609: {  	vm9 =	vlt.f32 v35, v14  }
0x60a: {  	v17 =	vsel vm9, v32, v17  }
0x60b: {  	v23 =	vadd.s32 $0x2, v17;
	v38 =	vld.idx.msk [tilespmem:v20+s20+$0x0], $0xffff  }
0x60c: {  	v40 =	vld.idx.msk [tilespmem:v21+s20+$0x0], $0xffff  }
0x60d: {  	vm11 =	vlt.f32 v37, v12  }
0x60e: {  	v15 =	vsel vm11, v22, v15  }
0x60f: {  	v22 =	vadd.s32 $0x2, v15  }
0x610: {  	v39 =	vld.idx.msk [tilespmem:v23+s20+$0x0], $0xffff;
	vm12 =	vlt.f32 v38, v11  }
0x611: {  	v19 =	vsel vm12, v20, v19;
	vm14 =	vlt.f32 v40, v13  }
0x612: {  	v20 =	vadd.s32 $0x2, v19;
	v16 =	vsel vm14, v21, v16  }
0x613: {  	v21 =	vadd.s32 $0x1, v16  }
0x614: {  	v41 =	vld.idx.msk [tilespmem:v22+s20+$0x0], $0xffff  }
0x615: {  	vm13 =	vlt.f32 v39, v14  }
0x616: {  	v17 =	vsel vm13, v23, v17  }
0x617: {  	v23 =	vadd.s32 $0x1, v17;
	v42 =	vld.idx.msk [tilespmem:v20+s20+$0x0], $0xffff  }
0x618: {  	v44 =	vld.idx.msk [tilespmem:v21+s20+$0x0], $0xffff  }
0x619: {  	vm15 =	vlt.f32 v41, v12  }
0x61a: {  	v15 =	vsel vm15, v22, v15  }
0x61b: {  	v22 =	vadd.s32 $0x1, v15  }
0x61c: {  	v43 =	vld.idx.msk [tilespmem:v23+s20+$0x0], $0xffff;
	vm4 =	vlt.f32 v42, v11  }
0x61d: {  	v19 =	vsel vm4, v20, v19;
	vm6 =	vlt.f32 v44, v13  }
0x61e: {  	v20 =	vadd.s32 $0x1, v19;
	v16 =	vsel vm6, v21, v16  }
0x61f: {  	v49 =	vadd.s32 $0x300, v16  }
0x620: {  	v45 =	vld.idx.msk [tilespmem:v22+s20+$0x0], $0xffff;
	v50 =	vadd.s32 $0x600, v16  }
0x621: {  	vm5 =	vlt.f32 v43, v14;
	v52 =	vadd.s32 $0x900, v16  }
0x622: {  	v17 =	vsel vm5, v23, v17;
	v16 =	vadd.s32 $0xC00, v16  }
0x623: {  	v23 =	vadd.s32 $0x300, v17;
	v48 =	vld.idx.msk [tilespmem:v20+s20+$0x0], $0xffff  }
0x624: {  	v46 =	vadd.s32 $0x600, v17;
	v53 =	vld.idx.msk [tilespmem:v49+s20+$0x0], $0xffff  }
0x625: {  	v47 =	vadd.s32 $0x900, v17;
	vm7 =	vlt.f32 v45, v12;
	v55 =	vld.idx.msk [tilespmem:v50+s20+$0x0], $0xffff  }
0x626: {  	v17 =	vadd.s32 $0xC00, v17;
	v15 =	vsel vm7, v22, v15;
	v25 =	vld.idx.msk [tilespmem:v52+s20+$0x0], $0xffff  }
0x627: {  	v22 =	vadd.s32 $0x300, v15;
	v16 =	vld.idx.msk [tilespmem:v16+s20+$0x0], $0xffff  }
0x628: {  	v54 =	vadd.s32 $0x600, v15;
	v23 =	vld.idx.msk [tilespmem:v23+s20+$0x0], $0xffff;
	vm8 =	vlt.f32 v48, v11  }
0x629: {  	v56 =	vadd.s32 $0x900, v15;
	v51 =	vld.idx.msk [tilespmem:v46+s20+$0x0], $0xffff;
	v19 =	vsel vm8, v20, v19  }
0x62a: {  	v18 =	vld.idx.msk [tilespmem:v47+s20+$0x0], $0xffff;
	v28 =	vadd.s32 $0x600, v19  }
0x62b: {  	v15 =	vadd.s32 $0xC00, v15;
	v17 =	vld.idx.msk [tilespmem:v17+s20+$0x0], $0xffff  }
0x62c: {  	v22 =	vld.idx.msk [tilespmem:v22+s20+$0x0], $0xffff;
	v29 =	vadd.s32 $0x300, v19  }
0x62d: {  	v26 =	vld.idx.msk [tilespmem:v54+s20+$0x0], $0xffff;
	v30 =	vadd.s32 $0x900, v19  }
0x62e: {  	v27 =	vld.idx.msk [tilespmem:v56+s20+$0x0], $0xffff;
	v19 =	vadd.s32 $0xC00, v19  }
0x62f: {  	v28 =	vld.idx.msk [tilespmem:v28+s20+$0x0], $0xffff  }
0x630: {  	v15 =	vld.idx.msk [tilespmem:v15+s20+$0x0], $0xffff  }
0x631: {  	vm11 =	vle.f32 v14, $-1.000000000e+00;
	v24 =	vmul.f32 v51, v14;
	v57 =	vld.idx.msk [tilespmem:v29+s20+$0x0], $0xffff  }
0x632: {  	vm12 =	vle.f32 v13, $-1.000000000e+00;
	vm14 =	vle.f32 v12, $-1.000000000e+00;
	v20 =	vmul.f32 v55, v13;
	v59 =	vld.idx.msk [tilespmem:v30+s20+$0x0], $0xffff  }
0x633: {  	vm10 =	vge.f32 v13, v25;
	v23 =	vadd.f32 v24, v23;
	v60 =	vmul.f32 v26, v12;
	v19 =	vld.idx.msk [tilespmem:v19+s20+$0x0], $0xffff  }
0x634: {  	vm9 =	vge.f32 v14, v18;
	v58 =	vadd.f32 v20, v53;
	v61 =	vmul.f32 v28, v11  }
0x635: {  	p0 =	sne.s32 s28, $0x1FC0;
	vm13 =	vge.f32 v12, v27;
	v17 =	vsel vm9, v17, v23;
	v62 =	vadd.f32 v60, v22  }
.Ltmp45:
0x636: {  	v16 =	vsel vm10, v16, v58;
	v17 =	vsel vm11, $0xBF800000, v17;
	v14 =	vadd.f32 v61, v57;
	(pc) =	sbr.rel @p0 .LBB2_80-.Ltmp45, $4  }
0x637: {  	v16 =	vsel vm12, $0xBF800000, v16;
	v13 =	vsel vm13, v15, v62;
	[tilespmem:s30+$0x4000] =	vst v17;
	vm1 =	vge.f32 v11, v59  }
0x638: {  	vm15 =	vle.f32 v11, $-1.000000000e+00;
	v12 =	vsel vm14, $0xBF800000, v13;
	[tilespmem:s29+$0xFFFFFFE0] =	vst v16;
	v63 =	vsel vm1, v19, v14  }
0x639: {  	[tilespmem:s29+$0xFFFFFFF0] =	vst v12;
	v11 =	vsel vm15, $0xBF800000, v63  }
0x63a: {  	s28 =	sadd.s32 $0x40, s28;
	[tilespmem:s29+$0x0] =	vst v11;
	s29 =	sadd.s32 $0x40, s29  }
0x63b: {  	[hbm4b:s9+s2] =	stream.linear.scatter [tilespmem:s12], [sflag:$0x7], $0x2000, $0x38;
	[tilespmem:$0x13500] =	vst v63  }
0x63c: {  	_ =	swait.ge [sflag:s23], $0x2000  }
0x63d: {  	[sflag:s23] =	ssyncset.done $0x0  }
0x63e: {  	s26 =	sadd.s32 $0x1, s26;
	[sflag:s23] =	ssyncadd.s32 $0xFFFFE000  }
0x63f: {  	p0 =	sne.s32 s26, s10;
	_ =	swait.ge [sflag:s24], $0x2000  }
.Ltmp46:
0x640: {  	[sflag:s24] =	ssyncset.done $0x0;
	(pc) =	sbr.rel @p0 .LBB2_1-.Ltmp46, $4  }
.Ltmp47:
0x641: {  	[sflag:s24] =	ssyncadd.s32 $0xFFFFE000;
	(pc) =	sbr.rel @!p0 .LBB2_82-.Ltmp47, $4  }
0x642: {  	_ =	swait.ge [sflag:s25], $0x2000  }
0x643: {  	[sflag:s25] =	ssyncset.done $0x0  }
0x644: {  	[sflag:s25] =	ssyncadd.s32 $0xFFFFE000  }
0x645: {  	_ = 	snop  }
.LBB2_16:
.Ltmp48:
0x646: {  	(pc) =	sbr.rel .LBB2_20-.Ltmp48, $2  }
0x647: {  	_ =	sdelay $0x2  }
0x648: {  	s29 =	simm.s32 $0x13400;
	p1 =	por $0x0, $0x0  }
.LBB2_21:
.Ltmp49:
0x649: {  	(pc) =	sbr.rel .LBB2_25-.Ltmp49, $2  }
0x64a: {  	_ =	sdelay $0x2  }
0x64b: {  	s30 =	simm.s32 $0x0  }
.LBB2_40:
.Ltmp50:
0x64c: {  	(pc) =	sbr.rel .LBB2_44-.Ltmp50, $2  }
0x64d: {  	_ =	sdelay $0x2  }
0x64e: {  	s29 =	simm.s32 $0x13400;
	p1 =	por $0x0, $0x0  }
.LBB2_45:
.Ltmp51:
0x64f: {  	(pc) =	sbr.rel .LBB2_49-.Ltmp51, $2  }
0x650: {  	_ =	sdelay $0x2  }
0x651: {  	s30 =	simm.s32 $0x0  }
.LBB2_64:
.Ltmp52:
0x652: {  	(pc) =	sbr.rel .LBB2_68-.Ltmp52, $2  }
0x653: {  	_ =	sdelay $0x2  }
0x654: {  	s29 =	simm.s32 $0x13400;
	p1 =	por $0x0, $0x0  }
.LBB2_69:
.Ltmp53:
0x655: {  	(pc) =	sbr.rel .LBB2_73-.Ltmp53, $2  }
0x656: {  	_ =	sdelay $0x2  }
0x657: {  	s30 =	simm.s32 $0x0  }
.LBB2_18:
.Ltmp54:
0x658: {  	(pc) =	sbr.rel .LBB2_20-.Ltmp54, $2  }
0x659: {  	_ =	sdelay $0x2  }
0x65a: {  	s29 =	simm.s32 $0x13400  }
.LBB2_23:
.Ltmp55:
0x65b: {  	(pc) =	sbr.rel .LBB2_25-.Ltmp55, $2  }
0x65c: {  	_ =	sdelay $0x2  }
0x65d: {  	s30 =	simm.s32 $0x10  }
.LBB2_42:
.Ltmp56:
0x65e: {  	(pc) =	sbr.rel .LBB2_44-.Ltmp56, $2  }
0x65f: {  	_ =	sdelay $0x2  }
0x660: {  	s29 =	simm.s32 $0x13400  }
.LBB2_47:
.Ltmp57:
0x661: {  	(pc) =	sbr.rel .LBB2_49-.Ltmp57, $2  }
0x662: {  	_ =	sdelay $0x2  }
0x663: {  	s30 =	simm.s32 $0x10  }
.LBB2_66:
.Ltmp58:
0x664: {  	(pc) =	sbr.rel .LBB2_68-.Ltmp58, $2  }
0x665: {  	_ =	sdelay $0x2  }
0x666: {  	s29 =	simm.s32 $0x13400  }
.LBB2_71:
.Ltmp59:
0x667: {  	(pc) =	sbr.rel .LBB2_73-.Ltmp59, $2  }
0x668: {  	_ =	sdelay $0x2  }
0x669: {  	s30 =	simm.s32 $0x10  }
.LBB2_82:
0x66a: {  	_ =	sfence.sel $0x180000  }
0x66b: {  	[bflag:$0x0] =	sbarrier.arrive $0xFFFF  }
0x66c: {  	_ =	strace $0x9000004A  }
0x66d: {  	s0 =	stileid.u32;
	[bflag:$0x2] =	sbarrier.arrive $0xFFFF  }
0x66e: {  	p0 =	sne.s32 s0, $0x0;
	s0 =	rddreg [dreg:$0x3]  }
0x66f: {  	s0 =	sadd.s32 @!p0 $0x100000, s0  }
0x670: {  	[sflag:s0] =	ssyncadd.tile.s32 @!p0 $0x1;
	_ =	shalt  }
.Lfunc_end2:
_tile_overlayer_lowered:
.L_overlay_start_2:
0x671: {  	(tag) =	ssettag $0x2  }
0x672: {  	s0 =	rddreg [dreg:$0x0];
	s2 =	stileid.u32  }
0x673: {  	s1 =	rddreg [dreg:$0x1];
	p0 =	sne.s32 s2, $0x0  }
0x674: {  	s3 =	rddreg [dreg:$0x2];
	[bflag:$0x3] =	sbarrier.arrive $0xFFFF;
	s2 =	simm.s32 @!p0 $0x1C08  }
0x675: {  	[timem:s3], [sflag:s2] =	dma.local @!p0 [hbm:s0], s1  }
0x676: {  	s0 =	simm.s32 @!p0 $0x8  }
0x677: {  	_ =	swait.ge @!p0 [sflag:s0], s1  }
0x678: {  	s1 =	ssub.s32 @!p0 $0x0, s1;
	[sflag:s0] =	ssyncset.done @!p0 $0x0  }
0x679: {  	[sflag:s0] =	ssyncadd.s32 @!p0 s1  }
0x67a: {  	[bflag:$0x3] =	sbarrier.arrive $0xFFFF  }
0x67b: {  	_ =	shalt  }

</sc_bundles>
